<compile_context>
chip_gen: v7x
topology: tpu7x:2x2x1
jax: 0.10.2.dev20260603
libtpu: 0.0.44.dev20260713+nightly
codegen_flags: <defaults>
</compile_context>

<pallas_src>
import functools

import jax
import jax.numpy as jnp
from jax import lax
from jax.experimental import pallas as pl
from jax.experimental.pallas import tpu as pltpu
from jax.experimental.pallas import tpu_sc as plsc

LATENT = 32
BATCH = 16384
NW = 32
B_PER_W = BATCH // NW
CHUNK = 128
NCHUNK = B_PER_W // CHUNK
RING = 8


def _slab_start(i):
    return pl.multiple_of((i >> 7) << 7, 128)


def _gather_kernel(inv_hbm, wti_hbm, rows_hbm, idx_v, slabs, ovec, idx_s,
                   sems):
    wid = lax.axis_index("s") * 2 + lax.axis_index("c")
    base = wid * B_PER_W

    pltpu.sync_copy(inv_hbm.at[pl.ds(base, B_PER_W)], idx_v)

    def spill(t, _):
        v = idx_v[pl.ds(t * 16, 16)]
        for l in range(16):
            idx_s[t * 16 + l] = v[l]
        return 0
    lax.fori_loop(0, B_PER_W // 16, spill, 0)

    def fire(e, slot):
        c = _slab_start(idx_s[e])
        return pltpu.async_copy(wti_hbm.at[:, pl.ds(c, 128)],
                                slabs.at[slot], sems.at[slot])

    for k in range(RING):
        fire(k, k)

    dlo = jnp.arange(16, dtype=jnp.int32)
    dhi = dlo + 16

    def body(e, _):
        slot = lax.rem(e, RING)
        pltpu.make_async_copy(wti_hbm.at[:, pl.ds(0, 128)],
                              slabs.at[slot], sems.at[slot]).wait()
        i = idx_s[e]
        col = jnp.broadcast_to(i - _slab_start(i), (16,))
        slotv = jnp.broadcast_to(slot, (16,))
        a_lo = plsc.load_gather(slabs, [slotv, dlo, col])
        a_hi = plsc.load_gather(slabs, [slotv, dhi, col])
        ovec[pl.ds(e * LATENT, 16)] = a_lo
        ovec[pl.ds(e * LATENT + 16, 16)] = a_hi

        @pl.when(e < B_PER_W - RING)
        def _():
            fire(e + RING, slot)
        return 0

    lax.fori_loop(0, B_PER_W, body, 0)
    pltpu.sync_copy(ovec, rows_hbm.at[pl.ds(base * LATENT, B_PER_W * LATENT)])


def _dot_kernel(stk_hbm, ws_hbm, rowsflat_hbm, out_hbm,
                stk_idx, inv_lin, stk_rows, out_v, sems):
    wid = lax.axis_index("s") * 2 + lax.axis_index("c")
    base = wid * NCHUNK

    pltpu.sync_copy(stk_hbm.at[pl.ds(base, NCHUNK)], stk_idx)
    pltpu.sync_copy(
        rowsflat_hbm.at[pl.ds(wid * B_PER_W * LATENT, B_PER_W * LATENT)],
        inv_lin)

    def fire(j, slot):
        return pltpu.async_copy(ws_hbm.at[stk_idx.at[j]],
                                stk_rows.at[slot], sems.at[slot])

    pending = fire(0, 0)
    lanes = jnp.arange(16, dtype=jnp.int32)
    for j in range(NCHUNK):
        slot = j % 2
        nxt = fire(j + 1, (j + 1) % 2) if j + 1 < NCHUNK else None
        pending.wait()
        pending = nxt

        def strip(t, _):
            rows = j * CHUNK + t * 16 + lanes
            acc = jnp.zeros((16,), jnp.float32)
            for d in range(LATENT):
                a = plsc.load_gather(inv_lin, [rows * LATENT + d])
                b = plsc.load_gather(stk_rows.at[slot],
                                     [rows - j * CHUNK,
                                      jnp.full((16,), d, jnp.int32)])
                acc = acc + a * b
            out_v[j, pl.ds(t * 16, 16)] = acc
            return 0
        lax.fori_loop(0, CHUNK // 16, strip, 0)

    pltpu.sync_copy(out_v, out_hbm.at[pl.ds(base, NCHUNK)])


@jax.jit
def kernel(investors, stocks, W_investor, W_stock):
    mesh = plsc.VectorSubcoreMesh(core_axis_name="c", subcore_axis_name="s")
    gather_k = functools.partial(
        pl.kernel,
        mesh=mesh,
        compiler_params=pltpu.CompilerParams(needs_layout_passes=False,
                                             disable_bounds_checks=True),
        out_type=jax.ShapeDtypeStruct((BATCH * LATENT,), jnp.float32),
        scratch_types=[
            pltpu.VMEM((B_PER_W,), jnp.int32),
            pltpu.VMEM((RING, LATENT, CHUNK), jnp.float32),
            pltpu.VMEM((B_PER_W * LATENT,), jnp.float32),
            pltpu.SMEM((B_PER_W,), jnp.int32),
            pltpu.SemaphoreType.DMA((RING,)),
        ],
    )(_gather_kernel)
    inv_rows_flat = gather_k(investors, W_investor.T)

    dot_k = functools.partial(
        pl.kernel,
        mesh=mesh,
        compiler_params=pltpu.CompilerParams(needs_layout_passes=False,
                                             use_tc_tiling_on_sc=False),
        out_type=jax.ShapeDtypeStruct((BATCH // CHUNK, CHUNK), jnp.float32),
        scratch_types=[
            pltpu.VMEM((NCHUNK, CHUNK), jnp.int32),
            pltpu.VMEM((B_PER_W * LATENT,), jnp.float32),
            pltpu.VMEM((2, CHUNK, LATENT), jnp.float32),
            pltpu.VMEM((NCHUNK, CHUNK), jnp.float32),
            pltpu.SemaphoreType.DMA((2,)),
        ],
    )(_dot_kernel)
    out = dot_k(stocks.reshape(BATCH // CHUNK, CHUNK), W_stock,
                inv_rows_flat)
    return out.reshape(BATCH)

# --- scband reference (transcript-rebuilt; emitter-appended) ---
"""Pipeline reference for scband-mf-bpr-3582002724927 (READ-ONLY COPY).

The authoritative reference and input builder live on the scoring server;
editing this copy changes nothing except your own understanding.
"""

import jax, jax.numpy as jnp
import numpy as np

INVESTOR_NUM = 1000000
STOCK_NUM = 100000
LATENT = 32
BATCH = 16384

def setup_inputs(seed: int = 0) -> dict:
    key = jax.random.key(seed)
    k1, k2, k3, k4 = jax.random.split(key, 4)
    investors = jax.random.randint(k1, (BATCH,), 0, INVESTOR_NUM, dtype=jnp.int64 if jax.config.jax_enable_x64 else jnp.int32)
    stocks = jax.random.randint(k2, (BATCH,), 0, STOCK_NUM, dtype=jnp.int64 if jax.config.jax_enable_x64 else jnp.int32)
    W_investor = jax.random.normal(k3, (INVESTOR_NUM, LATENT), dtype=jnp.float32) * 0.01
    W_stock = jax.random.normal(k4, (STOCK_NUM, LATENT), dtype=jnp.float32) * 0.01
    return {"investors": investors, "stocks": stocks, "W_investor": W_investor, "W_stock": W_stock}

def reference(investors, stocks, W_investor, W_stock):
    investor = jnp.take(W_investor, investors, axis=0)
    stock_positive = jnp.take(W_stock, stocks, axis=0)
    scores = (investor * stock_positive).sum(axis=-1)
    return scores

if __name__ == "__main__":
    import jax
    _d = setup_inputs()
    print(jax.jit(kernel)(*tuple(_d.values())))

</pallas_src>

<mosaic_0001>
#map = affine_map<(d0, d1) -> (0)>
#map1 = affine_map<(d0, d1) -> (0, 0)>
module attributes {stable_mosaic.version = 14 : i64} {
  func.func @_gather_kernel(%arg0: i32, %arg1: i32, %arg2: memref<16384xi32, #tpu.memory_space<hbm>>, %arg3: memref<32x1000000xf32, #tpu.memory_space<hbm>>, %arg4: memref<524288xf32, #tpu.memory_space<hbm>>, %arg5: memref<512xi32, #tpu.memory_space<vmem>>, %arg6: memref<8x32x128xf32, #tpu.memory_space<vmem>>, %arg7: memref<16384xf32, #tpu.memory_space<vmem>>, %arg8: memref<512xi32, #tpu.memory_space<smem>>, %arg9: memref<8x!tpu.dma_semaphore, #tpu.memory_space<semaphore_mem>>) attributes {dimension_semantics = [#tpu.dimension_semantics<core_parallel>, #tpu.dimension_semantics<subcore_parallel>], iteration_bounds = array<i64: 2, 16>, scalar_prefetch = 0 : i64, scratch_operands = 5 : i64, tpu.core_type = #tpu.core_type<sc_vector_subcore>, window_params = [{transform_indices = #map}, {transform_indices = #map1}, {transform_indices = #map}]} {
    %mul3A = arith.constant 2 : i32
    %mul3A_0 = arith.muli %arg1, %mul3A : i32
    %add3A = arith.addi %mul3A_0, %arg0 : i32
    %mul3A_1 = arith.constant 512 : i32
    %mul3A_2 = arith.muli %add3A, %mul3A_1 : i32
    "tpu.region"() ({
      %run_scoped3A = tpu.sem_alloc : memref<!tpu.dma_semaphore, #tpu.memory_space<semaphore_mem>>
      %dma_start3A_208 = tpu.memref_slice %arg2[%mul3A_2] : memref<16384xi32, #tpu.memory_space<hbm>> -> memref<512xi32, #tpu.memory_space<hbm>>
      %dma_start3A_209 = tpu.memref_slice %arg2[%mul3A_2] : memref<16384xi32, #tpu.memory_space<hbm>> -> memref<512xi32, #tpu.memory_space<hbm>>
      tpu.enqueue_dma source(%dma_start3A_209 : memref<512xi32, #tpu.memory_space<hbm>>) target(%arg5 : memref<512xi32, #tpu.memory_space<vmem>>) target_semaphore(%run_scoped3A : memref<!tpu.dma_semaphore, #tpu.memory_space<semaphore_mem>>)
      %dma_wait3A = tpu.memref_slice %arg2[%mul3A_2] : memref<16384xi32, #tpu.memory_space<hbm>> -> memref<512xi32, #tpu.memory_space<hbm>>
      %dma_wait3A_210 = tpu.memref_slice %arg2[%mul3A_2] : memref<16384xi32, #tpu.memory_space<hbm>> -> memref<512xi32, #tpu.memory_space<hbm>>
      tpu.wait_dma2 semaphore(%run_scoped3A : memref<!tpu.dma_semaphore, #tpu.memory_space<semaphore_mem>>) src(%dma_wait3A_210 : memref<512xi32, #tpu.memory_space<hbm>>) dst(%arg5 : memref<512xi32, #tpu.memory_space<vmem>>)
      tpu.yield
    }) : () -> ()
    %scan3A = arith.constant 0 : i32
    %scan3A_3 = arith.constant 0 : i32
    %scan3A_4 = arith.constant 32 : i32
    %scan3A_5 = arith.addi %scan3A_3, %scan3A_4 : i32
    %scan3A_6 = arith.constant 1 : i32
    %scan3A_7 = scf.for %scan3A_208 = %scan3A_3 to %scan3A_5 step %scan3A_6 iter_args(%scan3A_209 = %scan3A) -> (i32)  : i32 {
      %mul3A_210 = arith.constant 16 : i32
      %mul3A_211 = arith.muli %scan3A_208, %mul3A_210 : i32
      %get3A_212 = arith.index_cast %mul3A_211 : i32 to index
      %get3A_213 = tpu.vector_load %arg5[%get3A_212] {strides = array<i32>} : memref<512xi32, #tpu.memory_space<vmem>>, vector<16xi32>,
      %slice3A = vector.extract_strided_slice %get3A_213 {offsets = [0], sizes = [1], strides = [1]} : vector<16xi32> to vector<1xi32>
      %squeeze3A = vector.extract %slice3A[0] : i32 from vector<1xi32>
      %mul3A_214 = arith.constant 16 : i32
      %mul3A_215 = arith.muli %scan3A_208, %mul3A_214 : i32
      %add3A_216 = arith.constant 0 : i32
      %add3A_217 = arith.addi %mul3A_215, %add3A_216 : i32
      %swap3A = arith.index_cast %add3A_217 : i32 to index
      %swap3A_218 = memref.load %arg8[%swap3A] : memref<512xi32, #tpu.memory_space<smem>>
      memref.store %squeeze3A, %arg8[%swap3A] : memref<512xi32, #tpu.memory_space<smem>>
      %slice3A_219 = vector.extract_strided_slice %get3A_213 {offsets = [1], sizes = [1], strides = [1]} : vector<16xi32> to vector<1xi32>
      %squeeze3A_220 = vector.extract %slice3A_219[0] : i32 from vector<1xi32>
      %mul3A_221 = arith.constant 16 : i32
      %mul3A_222 = arith.muli %scan3A_208, %mul3A_221 : i32
      %add3A_223 = arith.constant 1 : i32
      %add3A_224 = arith.addi %mul3A_222, %add3A_223 : i32
      %swap3A_225 = arith.index_cast %add3A_224 : i32 to index
      %swap3A_226 = memref.load %arg8[%swap3A_225] : memref<512xi32, #tpu.memory_space<smem>>
      memref.store %squeeze3A_220, %arg8[%swap3A_225] : memref<512xi32, #tpu.memory_space<smem>>
      %slice3A_227 = vector.extract_strided_slice %get3A_213 {offsets = [2], sizes = [1], strides = [1]} : vector<16xi32> to vector<1xi32>
      %squeeze3A_228 = vector.extract %slice3A_227[0] : i32 from vector<1xi32>
      %mul3A_229 = arith.constant 16 : i32
      %mul3A_230 = arith.muli %scan3A_208, %mul3A_229 : i32
      %add3A_231 = arith.constant 2 : i32
      %add3A_232 = arith.addi %mul3A_230, %add3A_231 : i32
      %swap3A_233 = arith.index_cast %add3A_232 : i32 to index
      %swap3A_234 = memref.load %arg8[%swap3A_233] : memref<512xi32, #tpu.memory_space<smem>>
      memref.store %squeeze3A_228, %arg8[%swap3A_233] : memref<512xi32, #tpu.memory_space<smem>>
      %slice3A_235 = vector.extract_strided_slice %get3A_213 {offsets = [3], sizes = [1], strides = [1]} : vector<16xi32> to vector<1xi32>
      %squeeze3A_236 = vector.extract %slice3A_235[0] : i32 from vector<1xi32>
      %mul3A_237 = arith.constant 16 : i32
      %mul3A_238 = arith.muli %scan3A_208, %mul3A_237 : i32
      %add3A_239 = arith.constant 3 : i32
      %add3A_240 = arith.addi %mul3A_238, %add3A_239 : i32
      %swap3A_241 = arith.index_cast %add3A_240 : i32 to index
      %swap3A_242 = memref.load %arg8[%swap3A_241] : memref<512xi32, #tpu.memory_space<smem>>
      memref.store %squeeze3A_236, %arg8[%swap3A_241] : memref<512xi32, #tpu.memory_space<smem>>
      %slice3A_243 = vector.extract_strided_slice %get3A_213 {offsets = [4], sizes = [1], strides = [1]} : vector<16xi32> to vector<1xi32>
      %squeeze3A_244 = vector.extract %slice3A_243[0] : i32 from vector<1xi32>
      %mul3A_245 = arith.constant 16 : i32
      %mul3A_246 = arith.muli %scan3A_208, %mul3A_245 : i32
      %add3A_247 = arith.constant 4 : i32
      %add3A_248 = arith.addi %mul3A_246, %add3A_247 : i32
      %swap3A_249 = arith.index_cast %add3A_248 : i32 to index
      %swap3A_250 = memref.load %arg8[%swap3A_249] : memref<512xi32, #tpu.memory_space<smem>>
      memref.store %squeeze3A_244, %arg8[%swap3A_249] : memref<512xi32, #tpu.memory_space<smem>>
      %slice3A_251 = vector.extract_strided_slice %get3A_213 {offsets = [5], sizes = [1], strides = [1]} : vector<16xi32> to vector<1xi32>
      %squeeze3A_252 = vector.extract %slice3A_251[0] : i32 from vector<1xi32>
      %mul3A_253 = arith.constant 16 : i32
      %mul3A_254 = arith.muli %scan3A_208, %mul3A_253 : i32
      %add3A_255 = arith.constant 5 : i32
      %add3A_256 = arith.addi %mul3A_254, %add3A_255 : i32
      %swap3A_257 = arith.index_cast %add3A_256 : i32 to index
      %swap3A_258 = memref.load %arg8[%swap3A_257] : memref<512xi32, #tpu.memory_space<smem>>
      memref.store %squeeze3A_252, %arg8[%swap3A_257] : memref<512xi32, #tpu.memory_space<smem>>
      %slice3A_259 = vector.extract_strided_slice %get3A_213 {offsets = [6], sizes = [1], strides = [1]} : vector<16xi32> to vector<1xi32>
      %squeeze3A_260 = vector.extract %slice3A_259[0] : i32 from vector<1xi32>
      %mul3A_261 = arith.constant 16 : i32
      %mul3A_262 = arith.muli %scan3A_208, %mul3A_261 : i32
      %add3A_263 = arith.constant 6 : i32
      %add3A_264 = arith.addi %mul3A_262, %add3A_263 : i32
      %swap3A_265 = arith.index_cast %add3A_264 : i32 to index
      %swap3A_266 = memref.load %arg8[%swap3A_265] : memref<512xi32, #tpu.memory_space<smem>>
      memref.store %squeeze3A_260, %arg8[%swap3A_265] : memref<512xi32, #tpu.memory_space<smem>>
      %slice3A_267 = vector.extract_strided_slice %get3A_213 {offsets = [7], sizes = [1], strides = [1]} : vector<16xi32> to vector<1xi32>
      %squeeze3A_268 = vector.extract %slice3A_267[0] : i32 from vector<1xi32>
      %mul3A_269 = arith.constant 16 : i32
      %mul3A_270 = arith.muli %scan3A_208, %mul3A_269 : i32
      %add3A_271 = arith.constant 7 : i32
      %add3A_272 = arith.addi %mul3A_270, %add3A_271 : i32
      %swap3A_273 = arith.index_cast %add3A_272 : i32 to index
      %swap3A_274 = memref.load %arg8[%swap3A_273] : memref<512xi32, #tpu.memory_space<smem>>
      memref.store %squeeze3A_268, %arg8[%swap3A_273] : memref<512xi32, #tpu.memory_space<smem>>
      %slice3A_275 = vector.extract_strided_slice %get3A_213 {offsets = [8], sizes = [1], strides = [1]} : vector<16xi32> to vector<1xi32>
      %squeeze3A_276 = vector.extract %slice3A_275[0] : i32 from vector<1xi32>
      %mul3A_277 = arith.constant 16 : i32
      %mul3A_278 = arith.muli %scan3A_208, %mul3A_277 : i32
      %add3A_279 = arith.constant 8 : i32
      %add3A_280 = arith.addi %mul3A_278, %add3A_279 : i32
      %swap3A_281 = arith.index_cast %add3A_280 : i32 to index
      %swap3A_282 = memref.load %arg8[%swap3A_281] : memref<512xi32, #tpu.memory_space<smem>>
      memref.store %squeeze3A_276, %arg8[%swap3A_281] : memref<512xi32, #tpu.memory_space<smem>>
      %slice3A_283 = vector.extract_strided_slice %get3A_213 {offsets = [9], sizes = [1], strides = [1]} : vector<16xi32> to vector<1xi32>
      %squeeze3A_284 = vector.extract %slice3A_283[0] : i32 from vector<1xi32>
      %mul3A_285 = arith.constant 16 : i32
      %mul3A_286 = arith.muli %scan3A_208, %mul3A_285 : i32
      %add3A_287 = arith.constant 9 : i32
      %add3A_288 = arith.addi %mul3A_286, %add3A_287 : i32
      %swap3A_289 = arith.index_cast %add3A_288 : i32 to index
      %swap3A_290 = memref.load %arg8[%swap3A_289] : memref<512xi32, #tpu.memory_space<smem>>
      memref.store %squeeze3A_284, %arg8[%swap3A_289] : memref<512xi32, #tpu.memory_space<smem>>
      %slice3A_291 = vector.extract_strided_slice %get3A_213 {offsets = [10], sizes = [1], strides = [1]} : vector<16xi32> to vector<1xi32>
      %squeeze3A_292 = vector.extract %slice3A_291[0] : i32 from vector<1xi32>
      %mul3A_293 = arith.constant 16 : i32
      %mul3A_294 = arith.muli %scan3A_208, %mul3A_293 : i32
      %add3A_295 = arith.constant 10 : i32
      %add3A_296 = arith.addi %mul3A_294, %add3A_295 : i32
      %swap3A_297 = arith.index_cast %add3A_296 : i32 to index
      %swap3A_298 = memref.load %arg8[%swap3A_297] : memref<512xi32, #tpu.memory_space<smem>>
      memref.store %squeeze3A_292, %arg8[%swap3A_297] : memref<512xi32, #tpu.memory_space<smem>>
      %slice3A_299 = vector.extract_strided_slice %get3A_213 {offsets = [11], sizes = [1], strides = [1]} : vector<16xi32> to vector<1xi32>
      %squeeze3A_300 = vector.extract %slice3A_299[0] : i32 from vector<1xi32>
      %mul3A_301 = arith.constant 16 : i32
      %mul3A_302 = arith.muli %scan3A_208, %mul3A_301 : i32
      %add3A_303 = arith.constant 11 : i32
      %add3A_304 = arith.addi %mul3A_302, %add3A_303 : i32
      %swap3A_305 = arith.index_cast %add3A_304 : i32 to index
      %swap3A_306 = memref.load %arg8[%swap3A_305] : memref<512xi32, #tpu.memory_space<smem>>
      memref.store %squeeze3A_300, %arg8[%swap3A_305] : memref<512xi32, #tpu.memory_space<smem>>
      %slice3A_307 = vector.extract_strided_slice %get3A_213 {offsets = [12], sizes = [1], strides = [1]} : vector<16xi32> to vector<1xi32>
      %squeeze3A_308 = vector.extract %slice3A_307[0] : i32 from vector<1xi32>
      %mul3A_309 = arith.constant 16 : i32
      %mul3A_310 = arith.muli %scan3A_208, %mul3A_309 : i32
      %add3A_311 = arith.constant 12 : i32
      %add3A_312 = arith.addi %mul3A_310, %add3A_311 : i32
      %swap3A_313 = arith.index_cast %add3A_312 : i32 to index
      %swap3A_314 = memref.load %arg8[%swap3A_313] : memref<512xi32, #tpu.memory_space<smem>>
      memref.store %squeeze3A_308, %arg8[%swap3A_313] : memref<512xi32, #tpu.memory_space<smem>>
      %slice3A_315 = vector.extract_strided_slice %get3A_213 {offsets = [13], sizes = [1], strides = [1]} : vector<16xi32> to vector<1xi32>
      %squeeze3A_316 = vector.extract %slice3A_315[0] : i32 from vector<1xi32>
      %mul3A_317 = arith.constant 16 : i32
      %mul3A_318 = arith.muli %scan3A_208, %mul3A_317 : i32
      %add3A_319 = arith.constant 13 : i32
      %add3A_320 = arith.addi %mul3A_318, %add3A_319 : i32
      %swap3A_321 = arith.index_cast %add3A_320 : i32 to index
      %swap3A_322 = memref.load %arg8[%swap3A_321] : memref<512xi32, #tpu.memory_space<smem>>
      memref.store %squeeze3A_316, %arg8[%swap3A_321] : memref<512xi32, #tpu.memory_space<smem>>
      %slice3A_323 = vector.extract_strided_slice %get3A_213 {offsets = [14], sizes = [1], strides = [1]} : vector<16xi32> to vector<1xi32>
      %squeeze3A_324 = vector.extract %slice3A_323[0] : i32 from vector<1xi32>
      %mul3A_325 = arith.constant 16 : i32
      %mul3A_326 = arith.muli %scan3A_208, %mul3A_325 : i32
      %add3A_327 = arith.constant 14 : i32
      %add3A_328 = arith.addi %mul3A_326, %add3A_327 : i32
      %swap3A_329 = arith.index_cast %add3A_328 : i32 to index
      %swap3A_330 = memref.load %arg8[%swap3A_329] : memref<512xi32, #tpu.memory_space<smem>>
      memref.store %squeeze3A_324, %arg8[%swap3A_329] : memref<512xi32, #tpu.memory_space<smem>>
      %slice3A_331 = vector.extract_strided_slice %get3A_213 {offsets = [15], sizes = [1], strides = [1]} : vector<16xi32> to vector<1xi32>
      %squeeze3A_332 = vector.extract %slice3A_331[0] : i32 from vector<1xi32>
      %mul3A_333 = arith.constant 16 : i32
      %mul3A_334 = arith.muli %scan3A_208, %mul3A_333 : i32
      %add3A_335 = arith.constant 15 : i32
      %add3A_336 = arith.addi %mul3A_334, %add3A_335 : i32
      %swap3A_337 = arith.index_cast %add3A_336 : i32 to index
      %swap3A_338 = memref.load %arg8[%swap3A_337] : memref<512xi32, #tpu.memory_space<smem>>
      memref.store %squeeze3A_332, %arg8[%swap3A_337] : memref<512xi32, #tpu.memory_space<smem>>
      %scan3A_339 = arith.constant 0 : i32
      scf.yield %scan3A_339 : i32
    }
    %scan3A_8 = arith.constant 32 : i32
    %get3A = arith.constant 0 : i32
    %get3A_9 = arith.index_cast %get3A : i32 to index
    %get3A_10 = memref.load %arg8[%get3A_9] : memref<512xi32, #tpu.memory_space<smem>>
    %shift_right_arithmetic3A = arith.constant 7 : i32
    %shift_right_arithmetic3A_11 = arith.shrsi %get3A_10, %shift_right_arithmetic3A : i32
    %shift_left3A = arith.constant 7 : i32
    %shift_left3A_12 = arith.shli %shift_right_arithmetic3A_11, %shift_left3A : i32
    %multiple_of3A = tpu.assume_multiple %shift_left3A_12, 128 : i32
    %dma_start3A = arith.constant 0 : i32
    %dma_start3A_13 = arith.constant 0 : i32
    %dma_start3A_14 = arith.constant 0 : i32
    %dma_start3A_15 = arith.constant 0 : i32
    %dma_start3A_16 = tpu.memref_slice %arg6[%dma_start3A, %dma_start3A_14, %dma_start3A_15] : memref<8x32x128xf32, #tpu.memory_space<vmem>> -> memref<1x32x128xf32, #tpu.memory_space<vmem>>
    %dma_start3A_17 = tpu.memref_squeeze %dma_start3A_16 : memref<1x32x128xf32, #tpu.memory_space<vmem>> -> memref<32x128xf32, #tpu.memory_space<vmem>>
    %dma_start3A_18 = arith.constant 0 : i32
    %dma_start3A_19 = tpu.memref_slice %arg3[%dma_start3A_18, %multiple_of3A] : memref<32x1000000xf32, #tpu.memory_space<hbm>> -> memref<32x128xf32, #tpu.memory_space<hbm>>
    %dma_start3A_20 = tpu.memref_slice %arg9[%dma_start3A_13] : memref<8x!tpu.dma_semaphore, #tpu.memory_space<semaphore_mem>> -> memref<1x!tpu.dma_semaphore, #tpu.memory_space<semaphore_mem>>
    %dma_start3A_21 = tpu.memref_squeeze %dma_start3A_20 : memref<1x!tpu.dma_semaphore, #tpu.memory_space<semaphore_mem>> -> memref<!tpu.dma_semaphore, #tpu.memory_space<semaphore_mem>>
    %dma_start3A_22 = arith.constant 0 : i32
    %dma_start3A_23 = arith.constant 0 : i32
    %dma_start3A_24 = tpu.memref_slice %arg6[%dma_start3A, %dma_start3A_22, %dma_start3A_23] : memref<8x32x128xf32, #tpu.memory_space<vmem>> -> memref<1x32x128xf32, #tpu.memory_space<vmem>>
    %dma_start3A_25 = tpu.memref_squeeze %dma_start3A_24 : memref<1x32x128xf32, #tpu.memory_space<vmem>> -> memref<32x128xf32, #tpu.memory_space<vmem>>
    %dma_start3A_26 = arith.constant 0 : i32
    %dma_start3A_27 = tpu.memref_slice %arg3[%dma_start3A_26, %multiple_of3A] : memref<32x1000000xf32, #tpu.memory_space<hbm>> -> memref<32x128xf32, #tpu.memory_space<hbm>>
    tpu.enqueue_dma source(%dma_start3A_27 : memref<32x128xf32, #tpu.memory_space<hbm>>) target(%dma_start3A_25 : memref<32x128xf32, #tpu.memory_space<vmem>>) target_semaphore(%dma_start3A_21 : memref<!tpu.dma_semaphore, #tpu.memory_space<semaphore_mem>>)
    %get3A_28 = arith.constant 1 : i32
    %get3A_29 = arith.index_cast %get3A_28 : i32 to index
    %get3A_30 = memref.load %arg8[%get3A_29] : memref<512xi32, #tpu.memory_space<smem>>
    %shift_right_arithmetic3A_31 = arith.constant 7 : i32
    %shift_right_arithmetic3A_32 = arith.shrsi %get3A_30, %shift_right_arithmetic3A_31 : i32
    %shift_left3A_33 = arith.constant 7 : i32
    %shift_left3A_34 = arith.shli %shift_right_arithmetic3A_32, %shift_left3A_33 : i32
    %multiple_of3A_35 = tpu.assume_multiple %shift_left3A_34, 128 : i32
    %dma_start3A_36 = arith.constant 1 : i32
    %dma_start3A_37 = arith.constant 1 : i32
    %dma_start3A_38 = arith.constant 0 : i32
    %dma_start3A_39 = arith.constant 0 : i32
    %dma_start3A_40 = tpu.memref_slice %arg6[%dma_start3A_36, %dma_start3A_38, %dma_start3A_39] : memref<8x32x128xf32, #tpu.memory_space<vmem>> -> memref<1x32x128xf32, #tpu.memory_space<vmem>>
    %dma_start3A_41 = tpu.memref_squeeze %dma_start3A_40 : memref<1x32x128xf32, #tpu.memory_space<vmem>> -> memref<32x128xf32, #tpu.memory_space<vmem>>
    %dma_start3A_42 = arith.constant 0 : i32
    %dma_start3A_43 = tpu.memref_slice %arg3[%dma_start3A_42, %multiple_of3A_35] : memref<32x1000000xf32, #tpu.memory_space<hbm>> -> memref<32x128xf32, #tpu.memory_space<hbm>>
    %dma_start3A_44 = tpu.memref_slice %arg9[%dma_start3A_37] : memref<8x!tpu.dma_semaphore, #tpu.memory_space<semaphore_mem>> -> memref<1x!tpu.dma_semaphore, #tpu.memory_space<semaphore_mem>>
    %dma_start3A_45 = tpu.memref_squeeze %dma_start3A_44 : memref<1x!tpu.dma_semaphore, #tpu.memory_space<semaphore_mem>> -> memref<!tpu.dma_semaphore, #tpu.memory_space<semaphore_mem>>
    %dma_start3A_46 = arith.constant 0 : i32
    %dma_start3A_47 = arith.constant 0 : i32
    %dma_start3A_48 = tpu.memref_slice %arg6[%dma_start3A_36, %dma_start3A_46, %dma_start3A_47] : memref<8x32x128xf32, #tpu.memory_space<vmem>> -> memref<1x32x128xf32, #tpu.memory_space<vmem>>
    %dma_start3A_49 = tpu.memref_squeeze %dma_start3A_48 : memref<1x32x128xf32, #tpu.memory_space<vmem>> -> memref<32x128xf32, #tpu.memory_space<vmem>>
    %dma_start3A_50 = arith.constant 0 : i32
    %dma_start3A_51 = tpu.memref_slice %arg3[%dma_start3A_50, %multiple_of3A_35] : memref<32x1000000xf32, #tpu.memory_space<hbm>> -> memref<32x128xf32, #tpu.memory_space<hbm>>
    tpu.enqueue_dma source(%dma_start3A_51 : memref<32x128xf32, #tpu.memory_space<hbm>>) target(%dma_start3A_49 : memref<32x128xf32, #tpu.memory_space<vmem>>) target_semaphore(%dma_start3A_45 : memref<!tpu.dma_semaphore, #tpu.memory_space<semaphore_mem>>)
    %get3A_52 = arith.constant 2 : i32
    %get3A_53 = arith.index_cast %get3A_52 : i32 to index
    %get3A_54 = memref.load %arg8[%get3A_53] : memref<512xi32, #tpu.memory_space<smem>>
    %shift_right_arithmetic3A_55 = arith.constant 7 : i32
    %shift_right_arithmetic3A_56 = arith.shrsi %get3A_54, %shift_right_arithmetic3A_55 : i32
    %shift_left3A_57 = arith.constant 7 : i32
    %shift_left3A_58 = arith.shli %shift_right_arithmetic3A_56, %shift_left3A_57 : i32
    %multiple_of3A_59 = tpu.assume_multiple %shift_left3A_58, 128 : i32
    %dma_start3A_60 = arith.constant 2 : i32
    %dma_start3A_61 = arith.constant 2 : i32
    %dma_start3A_62 = arith.constant 0 : i32
    %dma_start3A_63 = arith.constant 0 : i32
    %dma_start3A_64 = tpu.memref_slice %arg6[%dma_start3A_60, %dma_start3A_62, %dma_start3A_63] : memref<8x32x128xf32, #tpu.memory_space<vmem>> -> memref<1x32x128xf32, #tpu.memory_space<vmem>>
    %dma_start3A_65 = tpu.memref_squeeze %dma_start3A_64 : memref<1x32x128xf32, #tpu.memory_space<vmem>> -> memref<32x128xf32, #tpu.memory_space<vmem>>
    %dma_start3A_66 = arith.constant 0 : i32
    %dma_start3A_67 = tpu.memref_slice %arg3[%dma_start3A_66, %multiple_of3A_59] : memref<32x1000000xf32, #tpu.memory_space<hbm>> -> memref<32x128xf32, #tpu.memory_space<hbm>>
    %dma_start3A_68 = tpu.memref_slice %arg9[%dma_start3A_61] : memref<8x!tpu.dma_semaphore, #tpu.memory_space<semaphore_mem>> -> memref<1x!tpu.dma_semaphore, #tpu.memory_space<semaphore_mem>>
    %dma_start3A_69 = tpu.memref_squeeze %dma_start3A_68 : memref<1x!tpu.dma_semaphore, #tpu.memory_space<semaphore_mem>> -> memref<!tpu.dma_semaphore, #tpu.memory_space<semaphore_mem>>
    %dma_start3A_70 = arith.constant 0 : i32
    %dma_start3A_71 = arith.constant 0 : i32
    %dma_start3A_72 = tpu.memref_slice %arg6[%dma_start3A_60, %dma_start3A_70, %dma_start3A_71] : memref<8x32x128xf32, #tpu.memory_space<vmem>> -> memref<1x32x128xf32, #tpu.memory_space<vmem>>
    %dma_start3A_73 = tpu.memref_squeeze %dma_start3A_72 : memref<1x32x128xf32, #tpu.memory_space<vmem>> -> memref<32x128xf32, #tpu.memory_space<vmem>>
    %dma_start3A_74 = arith.constant 0 : i32
    %dma_start3A_75 = tpu.memref_slice %arg3[%dma_start3A_74, %multiple_of3A_59] : memref<32x1000000xf32, #tpu.memory_space<hbm>> -> memref<32x128xf32, #tpu.memory_space<hbm>>
    tpu.enqueue_dma source(%dma_start3A_75 : memref<32x128xf32, #tpu.memory_space<hbm>>) target(%dma_start3A_73 : memref<32x128xf32, #tpu.memory_space<vmem>>) target_semaphore(%dma_start3A_69 : memref<!tpu.dma_semaphore, #tpu.memory_space<semaphore_mem>>)
    %get3A_76 = arith.constant 3 : i32
    %get3A_77 = arith.index_cast %get3A_76 : i32 to index
    %get3A_78 = memref.load %arg8[%get3A_77] : memref<512xi32, #tpu.memory_space<smem>>
    %shift_right_arithmetic3A_79 = arith.constant 7 : i32
    %shift_right_arithmetic3A_80 = arith.shrsi %get3A_78, %shift_right_arithmetic3A_79 : i32
    %shift_left3A_81 = arith.constant 7 : i32
    %shift_left3A_82 = arith.shli %shift_right_arithmetic3A_80, %shift_left3A_81 : i32
    %multiple_of3A_83 = tpu.assume_multiple %shift_left3A_82, 128 : i32
    %dma_start3A_84 = arith.constant 3 : i32
    %dma_start3A_85 = arith.constant 3 : i32
    %dma_start3A_86 = arith.constant 0 : i32
    %dma_start3A_87 = arith.constant 0 : i32
    %dma_start3A_88 = tpu.memref_slice %arg6[%dma_start3A_84, %dma_start3A_86, %dma_start3A_87] : memref<8x32x128xf32, #tpu.memory_space<vmem>> -> memref<1x32x128xf32, #tpu.memory_space<vmem>>
    %dma_start3A_89 = tpu.memref_squeeze %dma_start3A_88 : memref<1x32x128xf32, #tpu.memory_space<vmem>> -> memref<32x128xf32, #tpu.memory_space<vmem>>
    %dma_start3A_90 = arith.constant 0 : i32
    %dma_start3A_91 = tpu.memref_slice %arg3[%dma_start3A_90, %multiple_of3A_83] : memref<32x1000000xf32, #tpu.memory_space<hbm>> -> memref<32x128xf32, #tpu.memory_space<hbm>>
    %dma_start3A_92 = tpu.memref_slice %arg9[%dma_start3A_85] : memref<8x!tpu.dma_semaphore, #tpu.memory_space<semaphore_mem>> -> memref<1x!tpu.dma_semaphore, #tpu.memory_space<semaphore_mem>>
    %dma_start3A_93 = tpu.memref_squeeze %dma_start3A_92 : memref<1x!tpu.dma_semaphore, #tpu.memory_space<semaphore_mem>> -> memref<!tpu.dma_semaphore, #tpu.memory_space<semaphore_mem>>
    %dma_start3A_94 = arith.constant 0 : i32
    %dma_start3A_95 = arith.constant 0 : i32
    %dma_start3A_96 = tpu.memref_slice %arg6[%dma_start3A_84, %dma_start3A_94, %dma_start3A_95] : memref<8x32x128xf32, #tpu.memory_space<vmem>> -> memref<1x32x128xf32, #tpu.memory_space<vmem>>
    %dma_start3A_97 = tpu.memref_squeeze %dma_start3A_96 : memref<1x32x128xf32, #tpu.memory_space<vmem>> -> memref<32x128xf32, #tpu.memory_space<vmem>>
    %dma_start3A_98 = arith.constant 0 : i32
    %dma_start3A_99 = tpu.memref_slice %arg3[%dma_start3A_98, %multiple_of3A_83] : memref<32x1000000xf32, #tpu.memory_space<hbm>> -> memref<32x128xf32, #tpu.memory_space<hbm>>
    tpu.enqueue_dma source(%dma_start3A_99 : memref<32x128xf32, #tpu.memory_space<hbm>>) target(%dma_start3A_97 : memref<32x128xf32, #tpu.memory_space<vmem>>) target_semaphore(%dma_start3A_93 : memref<!tpu.dma_semaphore, #tpu.memory_space<semaphore_mem>>)
    %get3A_100 = arith.constant 4 : i32
    %get3A_101 = arith.index_cast %get3A_100 : i32 to index
    %get3A_102 = memref.load %arg8[%get3A_101] : memref<512xi32, #tpu.memory_space<smem>>
    %shift_right_arithmetic3A_103 = arith.constant 7 : i32
    %shift_right_arithmetic3A_104 = arith.shrsi %get3A_102, %shift_right_arithmetic3A_103 : i32
    %shift_left3A_105 = arith.constant 7 : i32
    %shift_left3A_106 = arith.shli %shift_right_arithmetic3A_104, %shift_left3A_105 : i32
    %multiple_of3A_107 = tpu.assume_multiple %shift_left3A_106, 128 : i32
    %dma_start3A_108 = arith.constant 4 : i32
    %dma_start3A_109 = arith.constant 4 : i32
    %dma_start3A_110 = arith.constant 0 : i32
    %dma_start3A_111 = arith.constant 0 : i32
    %dma_start3A_112 = tpu.memref_slice %arg6[%dma_start3A_108, %dma_start3A_110, %dma_start3A_111] : memref<8x32x128xf32, #tpu.memory_space<vmem>> -> memref<1x32x128xf32, #tpu.memory_space<vmem>>
    %dma_start3A_113 = tpu.memref_squeeze %dma_start3A_112 : memref<1x32x128xf32, #tpu.memory_space<vmem>> -> memref<32x128xf32, #tpu.memory_space<vmem>>
    %dma_start3A_114 = arith.constant 0 : i32
    %dma_start3A_115 = tpu.memref_slice %arg3[%dma_start3A_114, %multiple_of3A_107] : memref<32x1000000xf32, #tpu.memory_space<hbm>> -> memref<32x128xf32, #tpu.memory_space<hbm>>
    %dma_start3A_116 = tpu.memref_slice %arg9[%dma_start3A_109] : memref<8x!tpu.dma_semaphore, #tpu.memory_space<semaphore_mem>> -> memref<1x!tpu.dma_semaphore, #tpu.memory_space<semaphore_mem>>
    %dma_start3A_117 = tpu.memref_squeeze %dma_start3A_116 : memref<1x!tpu.dma_semaphore, #tpu.memory_space<semaphore_mem>> -> memref<!tpu.dma_semaphore, #tpu.memory_space<semaphore_mem>>
    %dma_start3A_118 = arith.constant 0 : i32
    %dma_start3A_119 = arith.constant 0 : i32
    %dma_start3A_120 = tpu.memref_slice %arg6[%dma_start3A_108, %dma_start3A_118, %dma_start3A_119] : memref<8x32x128xf32, #tpu.memory_space<vmem>> -> memref<1x32x128xf32, #tpu.memory_space<vmem>>
    %dma_start3A_121 = tpu.memref_squeeze %dma_start3A_120 : memref<1x32x128xf32, #tpu.memory_space<vmem>> -> memref<32x128xf32, #tpu.memory_space<vmem>>
    %dma_start3A_122 = arith.constant 0 : i32
    %dma_start3A_123 = tpu.memref_slice %arg3[%dma_start3A_122, %multiple_of3A_107] : memref<32x1000000xf32, #tpu.memory_space<hbm>> -> memref<32x128xf32, #tpu.memory_space<hbm>>
    tpu.enqueue_dma source(%dma_start3A_123 : memref<32x128xf32, #tpu.memory_space<hbm>>) target(%dma_start3A_121 : memref<32x128xf32, #tpu.memory_space<vmem>>) target_semaphore(%dma_start3A_117 : memref<!tpu.dma_semaphore, #tpu.memory_space<semaphore_mem>>)
    %get3A_124 = arith.constant 5 : i32
    %get3A_125 = arith.index_cast %get3A_124 : i32 to index
    %get3A_126 = memref.load %arg8[%get3A_125] : memref<512xi32, #tpu.memory_space<smem>>
    %shift_right_arithmetic3A_127 = arith.constant 7 : i32
    %shift_right_arithmetic3A_128 = arith.shrsi %get3A_126, %shift_right_arithmetic3A_127 : i32
    %shift_left3A_129 = arith.constant 7 : i32
    %shift_left3A_130 = arith.shli %shift_right_arithmetic3A_128, %shift_left3A_129 : i32
    %multiple_of3A_131 = tpu.assume_multiple %shift_left3A_130, 128 : i32
    %dma_start3A_132 = arith.constant 5 : i32
    %dma_start3A_133 = arith.constant 5 : i32
    %dma_start3A_134 = arith.constant 0 : i32
    %dma_start3A_135 = arith.constant 0 : i32
    %dma_start3A_136 = tpu.memref_slice %arg6[%dma_start3A_132, %dma_start3A_134, %dma_start3A_135] : memref<8x32x128xf32, #tpu.memory_space<vmem>> -> memref<1x32x128xf32, #tpu.memory_space<vmem>>
    %dma_start3A_137 = tpu.memref_squeeze %dma_start3A_136 : memref<1x32x128xf32, #tpu.memory_space<vmem>> -> memref<32x128xf32, #tpu.memory_space<vmem>>
    %dma_start3A_138 = arith.constant 0 : i32
    %dma_start3A_139 = tpu.memref_slice %arg3[%dma_start3A_138, %multiple_of3A_131] : memref<32x1000000xf32, #tpu.memory_space<hbm>> -> memref<32x128xf32, #tpu.memory_space<hbm>>
    %dma_start3A_140 = tpu.memref_slice %arg9[%dma_start3A_133] : memref<8x!tpu.dma_semaphore, #tpu.memory_space<semaphore_mem>> -> memref<1x!tpu.dma_semaphore, #tpu.memory_space<semaphore_mem>>
    %dma_start3A_141 = tpu.memref_squeeze %dma_start3A_140 : memref<1x!tpu.dma_semaphore, #tpu.memory_space<semaphore_mem>> -> memref<!tpu.dma_semaphore, #tpu.memory_space<semaphore_mem>>
    %dma_start3A_142 = arith.constant 0 : i32
    %dma_start3A_143 = arith.constant 0 : i32
    %dma_start3A_144 = tpu.memref_slice %arg6[%dma_start3A_132, %dma_start3A_142, %dma_start3A_143] : memref<8x32x128xf32, #tpu.memory_space<vmem>> -> memref<1x32x128xf32, #tpu.memory_space<vmem>>
    %dma_start3A_145 = tpu.memref_squeeze %dma_start3A_144 : memref<1x32x128xf32, #tpu.memory_space<vmem>> -> memref<32x128xf32, #tpu.memory_space<vmem>>
    %dma_start3A_146 = arith.constant 0 : i32
    %dma_start3A_147 = tpu.memref_slice %arg3[%dma_start3A_146, %multiple_of3A_131] : memref<32x1000000xf32, #tpu.memory_space<hbm>> -> memref<32x128xf32, #tpu.memory_space<hbm>>
    tpu.enqueue_dma source(%dma_start3A_147 : memref<32x128xf32, #tpu.memory_space<hbm>>) target(%dma_start3A_145 : memref<32x128xf32, #tpu.memory_space<vmem>>) target_semaphore(%dma_start3A_141 : memref<!tpu.dma_semaphore, #tpu.memory_space<semaphore_mem>>)
    %get3A_148 = arith.constant 6 : i32
    %get3A_149 = arith.index_cast %get3A_148 : i32 to index
    %get3A_150 = memref.load %arg8[%get3A_149] : memref<512xi32, #tpu.memory_space<smem>>
    %shift_right_arithmetic3A_151 = arith.constant 7 : i32
    %shift_right_arithmetic3A_152 = arith.shrsi %get3A_150, %shift_right_arithmetic3A_151 : i32
    %shift_left3A_153 = arith.constant 7 : i32
    %shift_left3A_154 = arith.shli %shift_right_arithmetic3A_152, %shift_left3A_153 : i32
    %multiple_of3A_155 = tpu.assume_multiple %shift_left3A_154, 128 : i32
    %dma_start3A_156 = arith.constant 6 : i32
    %dma_start3A_157 = arith.constant 6 : i32
    %dma_start3A_158 = arith.constant 0 : i32
    %dma_start3A_159 = arith.constant 0 : i32
    %dma_start3A_160 = tpu.memref_slice %arg6[%dma_start3A_156, %dma_start3A_158, %dma_start3A_159] : memref<8x32x128xf32, #tpu.memory_space<vmem>> -> memref<1x32x128xf32, #tpu.memory_space<vmem>>
    %dma_start3A_161 = tpu.memref_squeeze %dma_start3A_160 : memref<1x32x128xf32, #tpu.memory_space<vmem>> -> memref<32x128xf32, #tpu.memory_space<vmem>>
    %dma_start3A_162 = arith.constant 0 : i32
    %dma_start3A_163 = tpu.memref_slice %arg3[%dma_start3A_162, %multiple_of3A_155] : memref<32x1000000xf32, #tpu.memory_space<hbm>> -> memref<32x128xf32, #tpu.memory_space<hbm>>
    %dma_start3A_164 = tpu.memref_slice %arg9[%dma_start3A_157] : memref<8x!tpu.dma_semaphore, #tpu.memory_space<semaphore_mem>> -> memref<1x!tpu.dma_semaphore, #tpu.memory_space<semaphore_mem>>
    %dma_start3A_165 = tpu.memref_squeeze %dma_start3A_164 : memref<1x!tpu.dma_semaphore, #tpu.memory_space<semaphore_mem>> -> memref<!tpu.dma_semaphore, #tpu.memory_space<semaphore_mem>>
    %dma_start3A_166 = arith.constant 0 : i32
    %dma_start3A_167 = arith.constant 0 : i32
    %dma_start3A_168 = tpu.memref_slice %arg6[%dma_start3A_156, %dma_start3A_166, %dma_start3A_167] : memref<8x32x128xf32, #tpu.memory_space<vmem>> -> memref<1x32x128xf32, #tpu.memory_space<vmem>>
    %dma_start3A_169 = tpu.memref_squeeze %dma_start3A_168 : memref<1x32x128xf32, #tpu.memory_space<vmem>> -> memref<32x128xf32, #tpu.memory_space<vmem>>
    %dma_start3A_170 = arith.constant 0 : i32
    %dma_start3A_171 = tpu.memref_slice %arg3[%dma_start3A_170, %multiple_of3A_155] : memref<32x1000000xf32, #tpu.memory_space<hbm>> -> memref<32x128xf32, #tpu.memory_space<hbm>>
    tpu.enqueue_dma source(%dma_start3A_171 : memref<32x128xf32, #tpu.memory_space<hbm>>) target(%dma_start3A_169 : memref<32x128xf32, #tpu.memory_space<vmem>>) target_semaphore(%dma_start3A_165 : memref<!tpu.dma_semaphore, #tpu.memory_space<semaphore_mem>>)
    %get3A_172 = arith.constant 7 : i32
    %get3A_173 = arith.index_cast %get3A_172 : i32 to index
    %get3A_174 = memref.load %arg8[%get3A_173] : memref<512xi32, #tpu.memory_space<smem>>
    %shift_right_arithmetic3A_175 = arith.constant 7 : i32
    %shift_right_arithmetic3A_176 = arith.shrsi %get3A_174, %shift_right_arithmetic3A_175 : i32
    %shift_left3A_177 = arith.constant 7 : i32
    %shift_left3A_178 = arith.shli %shift_right_arithmetic3A_176, %shift_left3A_177 : i32
    %multiple_of3A_179 = tpu.assume_multiple %shift_left3A_178, 128 : i32
    %dma_start3A_180 = arith.constant 7 : i32
    %dma_start3A_181 = arith.constant 7 : i32
    %dma_start3A_182 = arith.constant 0 : i32
    %dma_start3A_183 = arith.constant 0 : i32
    %dma_start3A_184 = tpu.memref_slice %arg6[%dma_start3A_180, %dma_start3A_182, %dma_start3A_183] : memref<8x32x128xf32, #tpu.memory_space<vmem>> -> memref<1x32x128xf32, #tpu.memory_space<vmem>>
    %dma_start3A_185 = tpu.memref_squeeze %dma_start3A_184 : memref<1x32x128xf32, #tpu.memory_space<vmem>> -> memref<32x128xf32, #tpu.memory_space<vmem>>
    %dma_start3A_186 = arith.constant 0 : i32
    %dma_start3A_187 = tpu.memref_slice %arg3[%dma_start3A_186, %multiple_of3A_179] : memref<32x1000000xf32, #tpu.memory_space<hbm>> -> memref<32x128xf32, #tpu.memory_space<hbm>>
    %dma_start3A_188 = tpu.memref_slice %arg9[%dma_start3A_181] : memref<8x!tpu.dma_semaphore, #tpu.memory_space<semaphore_mem>> -> memref<1x!tpu.dma_semaphore, #tpu.memory_space<semaphore_mem>>
    %dma_start3A_189 = tpu.memref_squeeze %dma_start3A_188 : memref<1x!tpu.dma_semaphore, #tpu.memory_space<semaphore_mem>> -> memref<!tpu.dma_semaphore, #tpu.memory_space<semaphore_mem>>
    %dma_start3A_190 = arith.constant 0 : i32
    %dma_start3A_191 = arith.constant 0 : i32
    %dma_start3A_192 = tpu.memref_slice %arg6[%dma_start3A_180, %dma_start3A_190, %dma_start3A_191] : memref<8x32x128xf32, #tpu.memory_space<vmem>> -> memref<1x32x128xf32, #tpu.memory_space<vmem>>
    %dma_start3A_193 = tpu.memref_squeeze %dma_start3A_192 : memref<1x32x128xf32, #tpu.memory_space<vmem>> -> memref<32x128xf32, #tpu.memory_space<vmem>>
    %dma_start3A_194 = arith.constant 0 : i32
    %dma_start3A_195 = tpu.memref_slice %arg3[%dma_start3A_194, %multiple_of3A_179] : memref<32x1000000xf32, #tpu.memory_space<hbm>> -> memref<32x128xf32, #tpu.memory_space<hbm>>
    tpu.enqueue_dma source(%dma_start3A_195 : memref<32x128xf32, #tpu.memory_space<hbm>>) target(%dma_start3A_193 : memref<32x128xf32, #tpu.memory_space<vmem>>) target_semaphore(%dma_start3A_189 : memref<!tpu.dma_semaphore, #tpu.memory_space<semaphore_mem>>)
    %iota3A = tpu.iota {dimensions = array<i32: 0>} : vector<16xi32>
    %add3A_196 = arith.constant 16 : i32
    %add3A_197 = vector.broadcast %add3A_196 : i32 to vector<16xi32>
    %add3A_198 = arith.addi %iota3A, %add3A_197 : vector<16xi32>
    %scan3A_199 = arith.constant 0 : i32
    %scan3A_200 = arith.constant 0 : i32
    %scan3A_201 = arith.constant 512 : i32
    %scan3A_202 = arith.addi %scan3A_200, %scan3A_201 : i32
    %scan3A_203 = arith.constant 1 : i32
    %scan3A_204 = scf.for %scan3A_208 = %scan3A_200 to %scan3A_202 step %scan3A_203 iter_args(%scan3A_209 = %scan3A_199) -> (i32)  : i32 {
      %rem3A = arith.constant 8 : i32
      %rem3A_210 = arith.remsi %scan3A_208, %rem3A : i32
      %dma_wait3A = arith.constant 0 : i32
      %dma_wait3A_211 = arith.constant 0 : i32
      %dma_wait3A_212 = tpu.memref_slice %arg6[%rem3A_210, %dma_wait3A, %dma_wait3A_211] : memref<8x32x128xf32, #tpu.memory_space<vmem>> -> memref<1x32x128xf32, #tpu.memory_space<vmem>>
      %dma_wait3A_213 = tpu.memref_squeeze %dma_wait3A_212 : memref<1x32x128xf32, #tpu.memory_space<vmem>> -> memref<32x128xf32, #tpu.memory_space<vmem>>
      %dma_wait3A_214 = arith.constant 0 : i32
      %dma_wait3A_215 = arith.constant 0 : i32
      %dma_wait3A_216 = tpu.memref_slice %arg3[%dma_wait3A_214, %dma_wait3A_215] : memref<32x1000000xf32, #tpu.memory_space<hbm>> -> memref<32x128xf32, #tpu.memory_space<hbm>>
      %dma_wait3A_217 = tpu.memref_slice %arg9[%rem3A_210] : memref<8x!tpu.dma_semaphore, #tpu.memory_space<semaphore_mem>> -> memref<1x!tpu.dma_semaphore, #tpu.memory_space<semaphore_mem>>
      %dma_wait3A_218 = tpu.memref_squeeze %dma_wait3A_217 : memref<1x!tpu.dma_semaphore, #tpu.memory_space<semaphore_mem>> -> memref<!tpu.dma_semaphore, #tpu.memory_space<semaphore_mem>>
      %dma_wait3A_219 = arith.constant 0 : i32
      %dma_wait3A_220 = arith.constant 0 : i32
      %dma_wait3A_221 = tpu.memref_slice %arg6[%rem3A_210, %dma_wait3A_219, %dma_wait3A_220] : memref<8x32x128xf32, #tpu.memory_space<vmem>> -> memref<1x32x128xf32, #tpu.memory_space<vmem>>
      %dma_wait3A_222 = tpu.memref_squeeze %dma_wait3A_221 : memref<1x32x128xf32, #tpu.memory_space<vmem>> -> memref<32x128xf32, #tpu.memory_space<vmem>>
      %dma_wait3A_223 = arith.constant 0 : i32
      %dma_wait3A_224 = arith.constant 0 : i32
      %dma_wait3A_225 = tpu.memref_slice %arg3[%dma_wait3A_223, %dma_wait3A_224] : memref<32x1000000xf32, #tpu.memory_space<hbm>> -> memref<32x128xf32, #tpu.memory_space<hbm>>
      tpu.wait_dma2 semaphore(%dma_wait3A_218 : memref<!tpu.dma_semaphore, #tpu.memory_space<semaphore_mem>>) src(%dma_wait3A_225 : memref<32x128xf32, #tpu.memory_space<hbm>>) dst(%dma_wait3A_222 : memref<32x128xf32, #tpu.memory_space<vmem>>)
      %get3A_226 = arith.index_cast %scan3A_208 : i32 to index
      %get3A_227 = memref.load %arg8[%get3A_226] : memref<512xi32, #tpu.memory_space<smem>>
      %shift_right_arithmetic3A_228 = arith.constant 7 : i32
      %shift_right_arithmetic3A_229 = arith.shrsi %get3A_227, %shift_right_arithmetic3A_228 : i32
      %shift_left3A_230 = arith.constant 7 : i32
      %shift_left3A_231 = arith.shli %shift_right_arithmetic3A_229, %shift_left3A_230 : i32
      %multiple_of3A_232 = tpu.assume_multiple %shift_left3A_231, 128 : i32
      %sub3A = arith.subi %get3A_227, %multiple_of3A_232 : i32
      %broadcast_in_dim3A = vector.broadcast %sub3A : i32 to vector<16xi32>
      %broadcast_in_dim3A_233 = vector.broadcast %rem3A_210 : i32 to vector<16xi32>
      %gather3A = tpu.vector_load_idx %arg6[%broadcast_in_dim3A_233, %iota3A, %broadcast_in_dim3A] : memref<8x32x128xf32, #tpu.memory_space<vmem>>[vector<16xi32>, vector<16xi32>, vector<16xi32>], vector<16xf32>,
      %gather3A_234 = tpu.vector_load_idx %arg6[%broadcast_in_dim3A_233, %add3A_198, %broadcast_in_dim3A] : memref<8x32x128xf32, #tpu.memory_space<vmem>>[vector<16xi32>, vector<16xi32>, vector<16xi32>], vector<16xf32>,
      %mul3A_235 = arith.constant 32 : i32
      %mul3A_236 = arith.muli %scan3A_208, %mul3A_235 : i32
      %swap3A = arith.index_cast %mul3A_236 : i32 to index
      %swap3A_237 = tpu.vector_load %arg7[%swap3A] {strides = array<i32>} : memref<16384xf32, #tpu.memory_space<vmem>>, vector<16xf32>,
      tpu.vector_store %arg7[%swap3A], %gather3A {strides = array<i32>} : memref<16384xf32, #tpu.memory_space<vmem>>, vector<16xf32>,
      %mul3A_238 = arith.constant 32 : i32
      %mul3A_239 = arith.muli %scan3A_208, %mul3A_238 : i32
      %add3A_240 = arith.constant 16 : i32
      %add3A_241 = arith.addi %mul3A_239, %add3A_240 : i32
      %swap3A_242 = arith.index_cast %add3A_241 : i32 to index
      %swap3A_243 = tpu.vector_load %arg7[%swap3A_242] {strides = array<i32>} : memref<16384xf32, #tpu.memory_space<vmem>>, vector<16xf32>,
      tpu.vector_store %arg7[%swap3A_242], %gather3A_234 {strides = array<i32>} : memref<16384xf32, #tpu.memory_space<vmem>>, vector<16xf32>,
      %lt3A = arith.constant 504 : i32
      %lt3A_244 = arith.cmpi slt, %scan3A_208, %lt3A : i32
      %convert_element_type3A = arith.extui %lt3A_244 : i1 to i32
      %cond3A = arith.constant 0 : i32
      %cond3A_245 = arith.cmpi ne, %convert_element_type3A, %cond3A : i32
      scf.if %cond3A_245 {
        %add3A_247 = arith.constant 8 : i32
        %add3A_248 = arith.addi %scan3A_208, %add3A_247 : i32
        %get3A_249 = arith.index_cast %add3A_248 : i32 to index
        %get3A_250 = memref.load %arg8[%get3A_249] : memref<512xi32, #tpu.memory_space<smem>>
        %shift_right_arithmetic3A_251 = arith.constant 7 : i32
        %shift_right_arithmetic3A_252 = arith.shrsi %get3A_250, %shift_right_arithmetic3A_251 : i32
        %shift_left3A_253 = arith.constant 7 : i32
        %shift_left3A_254 = arith.shli %shift_right_arithmetic3A_252, %shift_left3A_253 : i32
        %multiple_of3A_255 = tpu.assume_multiple %shift_left3A_254, 128 : i32
        %dma_start3A_256 = arith.constant 0 : i32
        %dma_start3A_257 = arith.constant 0 : i32
        %dma_start3A_258 = tpu.memref_slice %arg6[%rem3A_210, %dma_start3A_256, %dma_start3A_257] : memref<8x32x128xf32, #tpu.memory_space<vmem>> -> memref<1x32x128xf32, #tpu.memory_space<vmem>>
        %dma_start3A_259 = tpu.memref_squeeze %dma_start3A_258 : memref<1x32x128xf32, #tpu.memory_space<vmem>> -> memref<32x128xf32, #tpu.memory_space<vmem>>
        %dma_start3A_260 = arith.constant 0 : i32
        %dma_start3A_261 = tpu.memref_slice %arg3[%dma_start3A_260, %multiple_of3A_255] : memref<32x1000000xf32, #tpu.memory_space<hbm>> -> memref<32x128xf32, #tpu.memory_space<hbm>>
        %dma_start3A_262 = tpu.memref_slice %arg9[%rem3A_210] : memref<8x!tpu.dma_semaphore, #tpu.memory_space<semaphore_mem>> -> memref<1x!tpu.dma_semaphore, #tpu.memory_space<semaphore_mem>>
        %dma_start3A_263 = tpu.memref_squeeze %dma_start3A_262 : memref<1x!tpu.dma_semaphore, #tpu.memory_space<semaphore_mem>> -> memref<!tpu.dma_semaphore, #tpu.memory_space<semaphore_mem>>
        %dma_start3A_264 = arith.constant 0 : i32
        %dma_start3A_265 = arith.constant 0 : i32
        %dma_start3A_266 = tpu.memref_slice %arg6[%rem3A_210, %dma_start3A_264, %dma_start3A_265] : memref<8x32x128xf32, #tpu.memory_space<vmem>> -> memref<1x32x128xf32, #tpu.memory_space<vmem>>
        %dma_start3A_267 = tpu.memref_squeeze %dma_start3A_266 : memref<1x32x128xf32, #tpu.memory_space<vmem>> -> memref<32x128xf32, #tpu.memory_space<vmem>>
        %dma_start3A_268 = arith.constant 0 : i32
        %dma_start3A_269 = tpu.memref_slice %arg3[%dma_start3A_268, %multiple_of3A_255] : memref<32x1000000xf32, #tpu.memory_space<hbm>> -> memref<32x128xf32, #tpu.memory_space<hbm>>
        tpu.enqueue_dma source(%dma_start3A_269 : memref<32x128xf32, #tpu.memory_space<hbm>>) target(%dma_start3A_267 : memref<32x128xf32, #tpu.memory_space<vmem>>) target_semaphore(%dma_start3A_263 : memref<!tpu.dma_semaphore, #tpu.memory_space<semaphore_mem>>)
      } else {
      }
      %scan3A_246 = arith.constant 0 : i32
      scf.yield %scan3A_246 : i32
    }
    %scan3A_205 = arith.constant 512 : i32
    %mul3A_206 = arith.constant 32 : i32
    %mul3A_207 = arith.muli %mul3A_2, %mul3A_206 : i32
    "tpu.region"() ({
      %run_scoped3A = tpu.sem_alloc : memref<!tpu.dma_semaphore, #tpu.memory_space<semaphore_mem>>
      %dma_start3A_208 = tpu.memref_slice %arg4[%mul3A_207] : memref<524288xf32, #tpu.memory_space<hbm>> -> memref<16384xf32, #tpu.memory_space<hbm>>
      %dma_start3A_209 = tpu.memref_slice %arg4[%mul3A_207] : memref<524288xf32, #tpu.memory_space<hbm>> -> memref<16384xf32, #tpu.memory_space<hbm>>
      tpu.enqueue_dma source(%arg7 : memref<16384xf32, #tpu.memory_space<vmem>>) target(%dma_start3A_209 : memref<16384xf32, #tpu.memory_space<hbm>>) target_semaphore(%run_scoped3A : memref<!tpu.dma_semaphore, #tpu.memory_space<semaphore_mem>>)
      %dma_wait3A = tpu.memref_slice %arg4[%mul3A_207] : memref<524288xf32, #tpu.memory_space<hbm>> -> memref<16384xf32, #tpu.memory_space<hbm>>
      %dma_wait3A_210 = tpu.memref_slice %arg4[%mul3A_207] : memref<524288xf32, #tpu.memory_space<hbm>> -> memref<16384xf32, #tpu.memory_space<hbm>>
      tpu.wait_dma2 semaphore(%run_scoped3A : memref<!tpu.dma_semaphore, #tpu.memory_space<semaphore_mem>>) src(%arg7 : memref<16384xf32, #tpu.memory_space<vmem>>) dst(%dma_wait3A_210 : memref<16384xf32, #tpu.memory_space<hbm>>)
      tpu.yield
    }) : () -> ()
    return
  }
}

#map = affine_map<(d0, d1) -> (0, 0)>
#map1 = affine_map<(d0, d1) -> (0)>
module attributes {stable_mosaic.version = 14 : i64} {
  func.func @_dot_kernel(%arg0: i32, %arg1: i32, %arg2: memref<128x128xi32, #tpu.memory_space<hbm>>, %arg3: memref<100000x32xf32, #tpu.memory_space<hbm>>, %arg4: memref<524288xf32, #tpu.memory_space<hbm>>, %arg5: memref<128x128xf32, #tpu.memory_space<hbm>>, %arg6: memref<4x128xi32, #tpu.memory_space<vmem>>, %arg7: memref<16384xf32, #tpu.memory_space<vmem>>, %arg8: memref<2x128x32xf32, #tpu.memory_space<vmem>>, %arg9: memref<4x128xf32, #tpu.memory_space<vmem>>, %arg10: memref<2x!tpu.dma_semaphore, #tpu.memory_space<semaphore_mem>>) attributes {dimension_semantics = [#tpu.dimension_semantics<core_parallel>, #tpu.dimension_semantics<subcore_parallel>], iteration_bounds = array<i64: 2, 16>, scalar_prefetch = 0 : i64, scratch_operands = 5 : i64, tpu.core_type = #tpu.core_type<sc_vector_subcore>, window_params = [{transform_indices = #map}, {transform_indices = #map}, {transform_indices = #map1}, {transform_indices = #map}]} {
    %mul3A = arith.constant 2 : i32
    %mul3A_0 = arith.muli %arg1, %mul3A : i32
    %add3A = arith.addi %mul3A_0, %arg0 : i32
    %mul3A_1 = arith.constant 4 : i32
    %mul3A_2 = arith.muli %add3A, %mul3A_1 : i32
    "tpu.region"() ({
      %run_scoped3A = tpu.sem_alloc : memref<!tpu.dma_semaphore, #tpu.memory_space<semaphore_mem>>
      %dma_start3A_152 = arith.constant 0 : i32
      %dma_start3A_153 = tpu.memref_slice %arg2[%mul3A_2, %dma_start3A_152] : memref<128x128xi32, #tpu.memory_space<hbm>> -> memref<4x128xi32, #tpu.memory_space<hbm>>
      %dma_start3A_154 = arith.constant 0 : i32
      %dma_start3A_155 = tpu.memref_slice %arg2[%mul3A_2, %dma_start3A_154] : memref<128x128xi32, #tpu.memory_space<hbm>> -> memref<4x128xi32, #tpu.memory_space<hbm>>
      tpu.enqueue_dma source(%dma_start3A_155 : memref<4x128xi32, #tpu.memory_space<hbm>>) target(%arg6 : memref<4x128xi32, #tpu.memory_space<vmem>>) target_semaphore(%run_scoped3A : memref<!tpu.dma_semaphore, #tpu.memory_space<semaphore_mem>>)
      %dma_wait3A_156 = arith.constant 0 : i32
      %dma_wait3A_157 = tpu.memref_slice %arg2[%mul3A_2, %dma_wait3A_156] : memref<128x128xi32, #tpu.memory_space<hbm>> -> memref<4x128xi32, #tpu.memory_space<hbm>>
      %dma_wait3A_158 = arith.constant 0 : i32
      %dma_wait3A_159 = tpu.memref_slice %arg2[%mul3A_2, %dma_wait3A_158] : memref<128x128xi32, #tpu.memory_space<hbm>> -> memref<4x128xi32, #tpu.memory_space<hbm>>
      tpu.wait_dma2 semaphore(%run_scoped3A : memref<!tpu.dma_semaphore, #tpu.memory_space<semaphore_mem>>) src(%dma_wait3A_159 : memref<4x128xi32, #tpu.memory_space<hbm>>) dst(%arg6 : memref<4x128xi32, #tpu.memory_space<vmem>>)
      tpu.yield
    }) : () -> ()
    %mul3A_3 = arith.constant 512 : i32
    %mul3A_4 = arith.muli %add3A, %mul3A_3 : i32
    %mul3A_5 = arith.constant 32 : i32
    %mul3A_6 = arith.muli %mul3A_4, %mul3A_5 : i32
    "tpu.region"() ({
      %run_scoped3A = tpu.sem_alloc : memref<!tpu.dma_semaphore, #tpu.memory_space<semaphore_mem>>
      %dma_start3A_152 = tpu.memref_slice %arg4[%mul3A_6] : memref<524288xf32, #tpu.memory_space<hbm>> -> memref<16384xf32, #tpu.memory_space<hbm>>
      %dma_start3A_153 = tpu.memref_slice %arg4[%mul3A_6] : memref<524288xf32, #tpu.memory_space<hbm>> -> memref<16384xf32, #tpu.memory_space<hbm>>
      tpu.enqueue_dma source(%dma_start3A_153 : memref<16384xf32, #tpu.memory_space<hbm>>) target(%arg7 : memref<16384xf32, #tpu.memory_space<vmem>>) target_semaphore(%run_scoped3A : memref<!tpu.dma_semaphore, #tpu.memory_space<semaphore_mem>>)
      %dma_wait3A_154 = tpu.memref_slice %arg4[%mul3A_6] : memref<524288xf32, #tpu.memory_space<hbm>> -> memref<16384xf32, #tpu.memory_space<hbm>>
      %dma_wait3A_155 = tpu.memref_slice %arg4[%mul3A_6] : memref<524288xf32, #tpu.memory_space<hbm>> -> memref<16384xf32, #tpu.memory_space<hbm>>
      tpu.wait_dma2 semaphore(%run_scoped3A : memref<!tpu.dma_semaphore, #tpu.memory_space<semaphore_mem>>) src(%dma_wait3A_155 : memref<16384xf32, #tpu.memory_space<hbm>>) dst(%arg7 : memref<16384xf32, #tpu.memory_space<vmem>>)
      tpu.yield
    }) : () -> ()
    %dma_start3A = arith.constant 0 : i32
    %dma_start3A_7 = arith.constant 0 : i32
    %dma_start3A_8 = arith.constant 0 : i32
    %dma_start3A_9 = arith.constant 0 : i32
    %dma_start3A_10 = arith.constant 0 : i32
    %dma_start3A_11 = tpu.memref_slice %arg8[%dma_start3A_7, %dma_start3A_9, %dma_start3A_10] : memref<2x128x32xf32, #tpu.memory_space<vmem>> -> memref<1x128x32xf32, #tpu.memory_space<vmem>>
    %dma_start3A_12 = tpu.memref_squeeze %dma_start3A_11 : memref<1x128x32xf32, #tpu.memory_space<vmem>> -> memref<128x32xf32, #tpu.memory_space<vmem>>
    %dma_start3A_13 = arith.constant 0 : i32
    %dma_start3A_14 = tpu.memref_slice %arg6[%dma_start3A, %dma_start3A_13] : memref<4x128xi32, #tpu.memory_space<vmem>> -> memref<1x128xi32, #tpu.memory_space<vmem>>
    %dma_start3A_15 = tpu.memref_squeeze %dma_start3A_14 : memref<1x128xi32, #tpu.memory_space<vmem>> -> memref<128xi32, #tpu.memory_space<vmem>>
    %dma_start3A_16 = arith.constant 0 : i32
    %dma_start3A_17 = arith.constant 0 : i32
    %dma_start3A_18 = tpu.memref_slice %arg3[%dma_start3A_16, %dma_start3A_17] : memref<100000x32xf32, #tpu.memory_space<hbm>> -> memref<100000x32xf32, #tpu.memory_space<hbm>>
    %dma_start3A_19 = tpu.memref_slice %arg10[%dma_start3A_8] : memref<2x!tpu.dma_semaphore, #tpu.memory_space<semaphore_mem>> -> memref<1x!tpu.dma_semaphore, #tpu.memory_space<semaphore_mem>>
    %dma_start3A_20 = tpu.memref_squeeze %dma_start3A_19 : memref<1x!tpu.dma_semaphore, #tpu.memory_space<semaphore_mem>> -> memref<!tpu.dma_semaphore, #tpu.memory_space<semaphore_mem>>
    tpu.enqueue_indirect_dma source(%dma_start3A_18 : memref<100000x32xf32, #tpu.memory_space<hbm>>) target(%dma_start3A_12 : memref<128x32xf32, #tpu.memory_space<vmem>>) offsets(%dma_start3A_15 : memref<128xi32, #tpu.memory_space<vmem>>) semaphore(%dma_start3A_20 : memref<!tpu.dma_semaphore, #tpu.memory_space<semaphore_mem>>)
    %iota3A = tpu.iota {dimensions = array<i32: 0>} : vector<16xi32>
    %dma_start3A_21 = arith.constant 1 : i32
    %dma_start3A_22 = arith.constant 1 : i32
    %dma_start3A_23 = arith.constant 1 : i32
    %dma_start3A_24 = arith.constant 0 : i32
    %dma_start3A_25 = arith.constant 0 : i32
    %dma_start3A_26 = tpu.memref_slice %arg8[%dma_start3A_22, %dma_start3A_24, %dma_start3A_25] : memref<2x128x32xf32, #tpu.memory_space<vmem>> -> memref<1x128x32xf32, #tpu.memory_space<vmem>>
    %dma_start3A_27 = tpu.memref_squeeze %dma_start3A_26 : memref<1x128x32xf32, #tpu.memory_space<vmem>> -> memref<128x32xf32, #tpu.memory_space<vmem>>
    %dma_start3A_28 = arith.constant 0 : i32
    %dma_start3A_29 = tpu.memref_slice %arg6[%dma_start3A_21, %dma_start3A_28] : memref<4x128xi32, #tpu.memory_space<vmem>> -> memref<1x128xi32, #tpu.memory_space<vmem>>
    %dma_start3A_30 = tpu.memref_squeeze %dma_start3A_29 : memref<1x128xi32, #tpu.memory_space<vmem>> -> memref<128xi32, #tpu.memory_space<vmem>>
    %dma_start3A_31 = arith.constant 0 : i32
    %dma_start3A_32 = arith.constant 0 : i32
    %dma_start3A_33 = tpu.memref_slice %arg3[%dma_start3A_31, %dma_start3A_32] : memref<100000x32xf32, #tpu.memory_space<hbm>> -> memref<100000x32xf32, #tpu.memory_space<hbm>>
    %dma_start3A_34 = tpu.memref_slice %arg10[%dma_start3A_23] : memref<2x!tpu.dma_semaphore, #tpu.memory_space<semaphore_mem>> -> memref<1x!tpu.dma_semaphore, #tpu.memory_space<semaphore_mem>>
    %dma_start3A_35 = tpu.memref_squeeze %dma_start3A_34 : memref<1x!tpu.dma_semaphore, #tpu.memory_space<semaphore_mem>> -> memref<!tpu.dma_semaphore, #tpu.memory_space<semaphore_mem>>
    tpu.enqueue_indirect_dma source(%dma_start3A_33 : memref<100000x32xf32, #tpu.memory_space<hbm>>) target(%dma_start3A_27 : memref<128x32xf32, #tpu.memory_space<vmem>>) offsets(%dma_start3A_30 : memref<128xi32, #tpu.memory_space<vmem>>) semaphore(%dma_start3A_35 : memref<!tpu.dma_semaphore, #tpu.memory_space<semaphore_mem>>)
    %dma_wait3A = arith.constant 0 : i32
    %dma_wait3A_36 = arith.constant 0 : i32
    %dma_wait3A_37 = arith.constant 0 : i32
    %dma_wait3A_38 = arith.constant 0 : i32
    %dma_wait3A_39 = arith.constant 0 : i32
    %dma_wait3A_40 = tpu.memref_slice %arg8[%dma_wait3A_36, %dma_wait3A_38, %dma_wait3A_39] : memref<2x128x32xf32, #tpu.memory_space<vmem>> -> memref<1x128x32xf32, #tpu.memory_space<vmem>>
    %dma_wait3A_41 = tpu.memref_squeeze %dma_wait3A_40 : memref<1x128x32xf32, #tpu.memory_space<vmem>> -> memref<128x32xf32, #tpu.memory_space<vmem>>
    %dma_wait3A_42 = arith.constant 0 : i32
    %dma_wait3A_43 = tpu.memref_slice %arg6[%dma_wait3A, %dma_wait3A_42] : memref<4x128xi32, #tpu.memory_space<vmem>> -> memref<1x128xi32, #tpu.memory_space<vmem>>
    %dma_wait3A_44 = tpu.memref_squeeze %dma_wait3A_43 : memref<1x128xi32, #tpu.memory_space<vmem>> -> memref<128xi32, #tpu.memory_space<vmem>>
    %dma_wait3A_45 = arith.constant 0 : i32
    %dma_wait3A_46 = arith.constant 0 : i32
    %dma_wait3A_47 = tpu.memref_slice %arg3[%dma_wait3A_45, %dma_wait3A_46] : memref<100000x32xf32, #tpu.memory_space<hbm>> -> memref<100000x32xf32, #tpu.memory_space<hbm>>
    %dma_wait3A_48 = tpu.memref_slice %arg10[%dma_wait3A_37] : memref<2x!tpu.dma_semaphore, #tpu.memory_space<semaphore_mem>> -> memref<1x!tpu.dma_semaphore, #tpu.memory_space<semaphore_mem>>
    %dma_wait3A_49 = tpu.memref_squeeze %dma_wait3A_48 : memref<1x!tpu.dma_semaphore, #tpu.memory_space<semaphore_mem>> -> memref<!tpu.dma_semaphore, #tpu.memory_space<semaphore_mem>>
    tpu.wait_indirect_dma semaphore(%dma_wait3A_49 : memref<!tpu.dma_semaphore, #tpu.memory_space<semaphore_mem>>) src(%dma_wait3A_47 : memref<100000x32xf32, #tpu.memory_space<hbm>>) dst(%dma_wait3A_41 : memref<128x32xf32, #tpu.memory_space<vmem>>)
    %scan3A = arith.constant 0 : i32
    %scan3A_50 = arith.constant 0 : i32
    %scan3A_51 = arith.constant 8 : i32
    %scan3A_52 = arith.addi %scan3A_50, %scan3A_51 : i32
    %scan3A_53 = arith.constant 1 : i32
    %scan3A_54 = scf.for %scan3A_152 = %scan3A_50 to %scan3A_52 step %scan3A_53 iter_args(%scan3A_153 = %scan3A) -> (i32)  : i32 {
      %mul3A_154 = arith.constant 16 : i32
      %mul3A_155 = arith.muli %scan3A_152, %mul3A_154 : i32
      %add3A_156 = arith.constant 0 : i32
      %add3A_157 = arith.addi %add3A_156, %mul3A_155 : i32
      %add3A_158 = vector.broadcast %add3A_157 : i32 to vector<16xi32>
      %add3A_159 = arith.addi %add3A_158, %iota3A : vector<16xi32>
      %broadcast_in_dim3A = arith.constant 0.000000e+00 : f32
      %broadcast_in_dim3A_160 = vector.broadcast %broadcast_in_dim3A : f32 to vector<16xf32>
      %mul3A_161 = arith.constant 32 : i32
      %mul3A_162 = vector.broadcast %mul3A_161 : i32 to vector<16xi32>
      %mul3A_163 = arith.muli %add3A_159, %mul3A_162 : vector<16xi32>
      %add3A_164 = arith.constant 0 : i32
      %add3A_165 = vector.broadcast %add3A_164 : i32 to vector<16xi32>
      %add3A_166 = arith.addi %mul3A_163, %add3A_165 : vector<16xi32>
      %gather3A = tpu.vector_load_idx %arg7[%add3A_166] : memref<16384xf32, #tpu.memory_space<vmem>>[vector<16xi32>], vector<16xf32>,
      %sub3A = arith.constant 0 : i32
      %sub3A_167 = vector.broadcast %sub3A : i32 to vector<16xi32>
      %sub3A_168 = arith.subi %add3A_159, %sub3A_167 : vector<16xi32>
      %broadcast_in_dim3A_169 = arith.constant 0 : i32
      %broadcast_in_dim3A_170 = vector.broadcast %broadcast_in_dim3A_169 : i32 to vector<16xi32>
      %gather3A_171 = arith.constant 0 : i32
      %gather3A_172 = arith.constant 0 : i32
      %gather3A_173 = arith.constant 0 : i32
      %gather3A_174 = tpu.memref_slice %arg8[%gather3A_171, %gather3A_172, %gather3A_173] : memref<2x128x32xf32, #tpu.memory_space<vmem>> -> memref<1x128x32xf32, #tpu.memory_space<vmem>>
      %gather3A_175 = tpu.memref_squeeze %gather3A_174 : memref<1x128x32xf32, #tpu.memory_space<vmem>> -> memref<128x32xf32, #tpu.memory_space<vmem>>
      %gather3A_176 = tpu.vector_load_idx %gather3A_175[%sub3A_168, %broadcast_in_dim3A_170] : memref<128x32xf32, #tpu.memory_space<vmem>>[vector<16xi32>, vector<16xi32>], vector<16xf32>,
      %mul3A_177 = arith.mulf %gather3A, %gather3A_176 : vector<16xf32>
      %add3A_178 = arith.addf %broadcast_in_dim3A_160, %mul3A_177 : vector<16xf32>
      %mul3A_179 = arith.constant 32 : i32
      %mul3A_180 = vector.broadcast %mul3A_179 : i32 to vector<16xi32>
      %mul3A_181 = arith.muli %add3A_159, %mul3A_180 : vector<16xi32>
      %add3A_182 = arith.constant 1 : i32
      %add3A_183 = vector.broadcast %add3A_182 : i32 to vector<16xi32>
      %add3A_184 = arith.addi %mul3A_181, %add3A_183 : vector<16xi32>
      %gather3A_185 = tpu.vector_load_idx %arg7[%add3A_184] : memref<16384xf32, #tpu.memory_space<vmem>>[vector<16xi32>], vector<16xf32>,
      %sub3A_186 = arith.constant 0 : i32
      %sub3A_187 = vector.broadcast %sub3A_186 : i32 to vector<16xi32>
      %sub3A_188 = arith.subi %add3A_159, %sub3A_187 : vector<16xi32>
      %broadcast_in_dim3A_189 = arith.constant 1 : i32
      %broadcast_in_dim3A_190 = vector.broadcast %broadcast_in_dim3A_189 : i32 to vector<16xi32>
      %gather3A_191 = arith.constant 0 : i32
      %gather3A_192 = arith.constant 0 : i32
      %gather3A_193 = arith.constant 0 : i32
      %gather3A_194 = tpu.memref_slice %arg8[%gather3A_191, %gather3A_192, %gather3A_193] : memref<2x128x32xf32, #tpu.memory_space<vmem>> -> memref<1x128x32xf32, #tpu.memory_space<vmem>>
      %gather3A_195 = tpu.memref_squeeze %gather3A_194 : memref<1x128x32xf32, #tpu.memory_space<vmem>> -> memref<128x32xf32, #tpu.memory_space<vmem>>
      %gather3A_196 = tpu.vector_load_idx %gather3A_195[%sub3A_188, %broadcast_in_dim3A_190] : memref<128x32xf32, #tpu.memory_space<vmem>>[vector<16xi32>, vector<16xi32>], vector<16xf32>,
      %mul3A_197 = arith.mulf %gather3A_185, %gather3A_196 : vector<16xf32>
      %add3A_198 = arith.addf %add3A_178, %mul3A_197 : vector<16xf32>
      %mul3A_199 = arith.constant 32 : i32
      %mul3A_200 = vector.broadcast %mul3A_199 : i32 to vector<16xi32>
      %mul3A_201 = arith.muli %add3A_159, %mul3A_200 : vector<16xi32>
      %add3A_202 = arith.constant 2 : i32
      %add3A_203 = vector.broadcast %add3A_202 : i32 to vector<16xi32>
      %add3A_204 = arith.addi %mul3A_201, %add3A_203 : vector<16xi32>
      %gather3A_205 = tpu.vector_load_idx %arg7[%add3A_204] : memref<16384xf32, #tpu.memory_space<vmem>>[vector<16xi32>], vector<16xf32>,
      %sub3A_206 = arith.constant 0 : i32
      %sub3A_207 = vector.broadcast %sub3A_206 : i32 to vector<16xi32>
      %sub3A_208 = arith.subi %add3A_159, %sub3A_207 : vector<16xi32>
      %broadcast_in_dim3A_209 = arith.constant 2 : i32
      %broadcast_in_dim3A_210 = vector.broadcast %broadcast_in_dim3A_209 : i32 to vector<16xi32>
      %gather3A_211 = arith.constant 0 : i32
      %gather3A_212 = arith.constant 0 : i32
      %gather3A_213 = arith.constant 0 : i32
      %gather3A_214 = tpu.memref_slice %arg8[%gather3A_211, %gather3A_212, %gather3A_213] : memref<2x128x32xf32, #tpu.memory_space<vmem>> -> memref<1x128x32xf32, #tpu.memory_space<vmem>>
      %gather3A_215 = tpu.memref_squeeze %gather3A_214 : memref<1x128x32xf32, #tpu.memory_space<vmem>> -> memref<128x32xf32, #tpu.memory_space<vmem>>
      %gather3A_216 = tpu.vector_load_idx %gather3A_215[%sub3A_208, %broadcast_in_dim3A_210] : memref<128x32xf32, #tpu.memory_space<vmem>>[vector<16xi32>, vector<16xi32>], vector<16xf32>,
      %mul3A_217 = arith.mulf %gather3A_205, %gather3A_216 : vector<16xf32>
      %add3A_218 = arith.addf %add3A_198, %mul3A_217 : vector<16xf32>
      %mul3A_219 = arith.constant 32 : i32
      %mul3A_220 = vector.broadcast %mul3A_219 : i32 to vector<16xi32>
      %mul3A_221 = arith.muli %add3A_159, %mul3A_220 : vector<16xi32>
      %add3A_222 = arith.constant 3 : i32
      %add3A_223 = vector.broadcast %add3A_222 : i32 to vector<16xi32>
      %add3A_224 = arith.addi %mul3A_221, %add3A_223 : vector<16xi32>
      %gather3A_225 = tpu.vector_load_idx %arg7[%add3A_224] : memref<16384xf32, #tpu.memory_space<vmem>>[vector<16xi32>], vector<16xf32>,
      %sub3A_226 = arith.constant 0 : i32
      %sub3A_227 = vector.broadcast %sub3A_226 : i32 to vector<16xi32>
      %sub3A_228 = arith.subi %add3A_159, %sub3A_227 : vector<16xi32>
      %broadcast_in_dim3A_229 = arith.constant 3 : i32
      %broadcast_in_dim3A_230 = vector.broadcast %broadcast_in_dim3A_229 : i32 to vector<16xi32>
      %gather3A_231 = arith.constant 0 : i32
      %gather3A_232 = arith.constant 0 : i32
      %gather3A_233 = arith.constant 0 : i32
      %gather3A_234 = tpu.memref_slice %arg8[%gather3A_231, %gather3A_232, %gather3A_233] : memref<2x128x32xf32, #tpu.memory_space<vmem>> -> memref<1x128x32xf32, #tpu.memory_space<vmem>>
      %gather3A_235 = tpu.memref_squeeze %gather3A_234 : memref<1x128x32xf32, #tpu.memory_space<vmem>> -> memref<128x32xf32, #tpu.memory_space<vmem>>
      %gather3A_236 = tpu.vector_load_idx %gather3A_235[%sub3A_228, %broadcast_in_dim3A_230] : memref<128x32xf32, #tpu.memory_space<vmem>>[vector<16xi32>, vector<16xi32>], vector<16xf32>,
      %mul3A_237 = arith.mulf %gather3A_225, %gather3A_236 : vector<16xf32>
      %add3A_238 = arith.addf %add3A_218, %mul3A_237 : vector<16xf32>
      %mul3A_239 = arith.constant 32 : i32
      %mul3A_240 = vector.broadcast %mul3A_239 : i32 to vector<16xi32>
      %mul3A_241 = arith.muli %add3A_159, %mul3A_240 : vector<16xi32>
      %add3A_242 = arith.constant 4 : i32
      %add3A_243 = vector.broadcast %add3A_242 : i32 to vector<16xi32>
      %add3A_244 = arith.addi %mul3A_241, %add3A_243 : vector<16xi32>
      %gather3A_245 = tpu.vector_load_idx %arg7[%add3A_244] : memref<16384xf32, #tpu.memory_space<vmem>>[vector<16xi32>], vector<16xf32>,
      %sub3A_246 = arith.constant 0 : i32
      %sub3A_247 = vector.broadcast %sub3A_246 : i32 to vector<16xi32>
      %sub3A_248 = arith.subi %add3A_159, %sub3A_247 : vector<16xi32>
      %broadcast_in_dim3A_249 = arith.constant 4 : i32
      %broadcast_in_dim3A_250 = vector.broadcast %broadcast_in_dim3A_249 : i32 to vector<16xi32>
      %gather3A_251 = arith.constant 0 : i32
      %gather3A_252 = arith.constant 0 : i32
      %gather3A_253 = arith.constant 0 : i32
      %gather3A_254 = tpu.memref_slice %arg8[%gather3A_251, %gather3A_252, %gather3A_253] : memref<2x128x32xf32, #tpu.memory_space<vmem>> -> memref<1x128x32xf32, #tpu.memory_space<vmem>>
      %gather3A_255 = tpu.memref_squeeze %gather3A_254 : memref<1x128x32xf32, #tpu.memory_space<vmem>> -> memref<128x32xf32, #tpu.memory_space<vmem>>
      %gather3A_256 = tpu.vector_load_idx %gather3A_255[%sub3A_248, %broadcast_in_dim3A_250] : memref<128x32xf32, #tpu.memory_space<vmem>>[vector<16xi32>, vector<16xi32>], vector<16xf32>,
      %mul3A_257 = arith.mulf %gather3A_245, %gather3A_256 : vector<16xf32>
      %add3A_258 = arith.addf %add3A_238, %mul3A_257 : vector<16xf32>
      %mul3A_259 = arith.constant 32 : i32
      %mul3A_260 = vector.broadcast %mul3A_259 : i32 to vector<16xi32>
      %mul3A_261 = arith.muli %add3A_159, %mul3A_260 : vector<16xi32>
      %add3A_262 = arith.constant 5 : i32
      %add3A_263 = vector.broadcast %add3A_262 : i32 to vector<16xi32>
      %add3A_264 = arith.addi %mul3A_261, %add3A_263 : vector<16xi32>
      %gather3A_265 = tpu.vector_load_idx %arg7[%add3A_264] : memref<16384xf32, #tpu.memory_space<vmem>>[vector<16xi32>], vector<16xf32>,
      %sub3A_266 = arith.constant 0 : i32
      %sub3A_267 = vector.broadcast %sub3A_266 : i32 to vector<16xi32>
      %sub3A_268 = arith.subi %add3A_159, %sub3A_267 : vector<16xi32>
      %broadcast_in_dim3A_269 = arith.constant 5 : i32
      %broadcast_in_dim3A_270 = vector.broadcast %broadcast_in_dim3A_269 : i32 to vector<16xi32>
      %gather3A_271 = arith.constant 0 : i32
      %gather3A_272 = arith.constant 0 : i32
      %gather3A_273 = arith.constant 0 : i32
      %gather3A_274 = tpu.memref_slice %arg8[%gather3A_271, %gather3A_272, %gather3A_273] : memref<2x128x32xf32, #tpu.memory_space<vmem>> -> memref<1x128x32xf32, #tpu.memory_space<vmem>>
      %gather3A_275 = tpu.memref_squeeze %gather3A_274 : memref<1x128x32xf32, #tpu.memory_space<vmem>> -> memref<128x32xf32, #tpu.memory_space<vmem>>
      %gather3A_276 = tpu.vector_load_idx %gather3A_275[%sub3A_268, %broadcast_in_dim3A_270] : memref<128x32xf32, #tpu.memory_space<vmem>>[vector<16xi32>, vector<16xi32>], vector<16xf32>,
      %mul3A_277 = arith.mulf %gather3A_265, %gather3A_276 : vector<16xf32>
      %add3A_278 = arith.addf %add3A_258, %mul3A_277 : vector<16xf32>
      %mul3A_279 = arith.constant 32 : i32
      %mul3A_280 = vector.broadcast %mul3A_279 : i32 to vector<16xi32>
      %mul3A_281 = arith.muli %add3A_159, %mul3A_280 : vector<16xi32>
      %add3A_282 = arith.constant 6 : i32
      %add3A_283 = vector.broadcast %add3A_282 : i32 to vector<16xi32>
      %add3A_284 = arith.addi %mul3A_281, %add3A_283 : vector<16xi32>
      %gather3A_285 = tpu.vector_load_idx %arg7[%add3A_284] : memref<16384xf32, #tpu.memory_space<vmem>>[vector<16xi32>], vector<16xf32>,
      %sub3A_286 = arith.constant 0 : i32
      %sub3A_287 = vector.broadcast %sub3A_286 : i32 to vector<16xi32>
      %sub3A_288 = arith.subi %add3A_159, %sub3A_287 : vector<16xi32>
      %broadcast_in_dim3A_289 = arith.constant 6 : i32
      %broadcast_in_dim3A_290 = vector.broadcast %broadcast_in_dim3A_289 : i32 to vector<16xi32>
      %gather3A_291 = arith.constant 0 : i32
      %gather3A_292 = arith.constant 0 : i32
      %gather3A_293 = arith.constant 0 : i32
      %gather3A_294 = tpu.memref_slice %arg8[%gather3A_291, %gather3A_292, %gather3A_293] : memref<2x128x32xf32, #tpu.memory_space<vmem>> -> memref<1x128x32xf32, #tpu.memory_space<vmem>>
      %gather3A_295 = tpu.memref_squeeze %gather3A_294 : memref<1x128x32xf32, #tpu.memory_space<vmem>> -> memref<128x32xf32, #tpu.memory_space<vmem>>
      %gather3A_296 = tpu.vector_load_idx %gather3A_295[%sub3A_288, %broadcast_in_dim3A_290] : memref<128x32xf32, #tpu.memory_space<vmem>>[vector<16xi32>, vector<16xi32>], vector<16xf32>,
      %mul3A_297 = arith.mulf %gather3A_285, %gather3A_296 : vector<16xf32>
      %add3A_298 = arith.addf %add3A_278, %mul3A_297 : vector<16xf32>
      %mul3A_299 = arith.constant 32 : i32
      %mul3A_300 = vector.broadcast %mul3A_299 : i32 to vector<16xi32>
      %mul3A_301 = arith.muli %add3A_159, %mul3A_300 : vector<16xi32>
      %add3A_302 = arith.constant 7 : i32
      %add3A_303 = vector.broadcast %add3A_302 : i32 to vector<16xi32>
      %add3A_304 = arith.addi %mul3A_301, %add3A_303 : vector<16xi32>
      %gather3A_305 = tpu.vector_load_idx %arg7[%add3A_304] : memref<16384xf32, #tpu.memory_space<vmem>>[vector<16xi32>], vector<16xf32>,
      %sub3A_306 = arith.constant 0 : i32
      %sub3A_307 = vector.broadcast %sub3A_306 : i32 to vector<16xi32>
      %sub3A_308 = arith.subi %add3A_159, %sub3A_307 : vector<16xi32>
      %broadcast_in_dim3A_309 = arith.constant 7 : i32
      %broadcast_in_dim3A_310 = vector.broadcast %broadcast_in_dim3A_309 : i32 to vector<16xi32>
      %gather3A_311 = arith.constant 0 : i32
      %gather3A_312 = arith.constant 0 : i32
      %gather3A_313 = arith.constant 0 : i32
      %gather3A_314 = tpu.memref_slice %arg8[%gather3A_311, %gather3A_312, %gather3A_313] : memref<2x128x32xf32, #tpu.memory_space<vmem>> -> memref<1x128x32xf32, #tpu.memory_space<vmem>>
      %gather3A_315 = tpu.memref_squeeze %gather3A_314 : memref<1x128x32xf32, #tpu.memory_space<vmem>> -> memref<128x32xf32, #tpu.memory_space<vmem>>
      %gather3A_316 = tpu.vector_load_idx %gather3A_315[%sub3A_308, %broadcast_in_dim3A_310] : memref<128x32xf32, #tpu.memory_space<vmem>>[vector<16xi32>, vector<16xi32>], vector<16xf32>,
      %mul3A_317 = arith.mulf %gather3A_305, %gather3A_316 : vector<16xf32>
      %add3A_318 = arith.addf %add3A_298, %mul3A_317 : vector<16xf32>
      %mul3A_319 = arith.constant 32 : i32
      %mul3A_320 = vector.broadcast %mul3A_319 : i32 to vector<16xi32>
      %mul3A_321 = arith.muli %add3A_159, %mul3A_320 : vector<16xi32>
      %add3A_322 = arith.constant 8 : i32
      %add3A_323 = vector.broadcast %add3A_322 : i32 to vector<16xi32>
      %add3A_324 = arith.addi %mul3A_321, %add3A_323 : vector<16xi32>
      %gather3A_325 = tpu.vector_load_idx %arg7[%add3A_324] : memref<16384xf32, #tpu.memory_space<vmem>>[vector<16xi32>], vector<16xf32>,
      %sub3A_326 = arith.constant 0 : i32
      %sub3A_327 = vector.broadcast %sub3A_326 : i32 to vector<16xi32>
      %sub3A_328 = arith.subi %add3A_159, %sub3A_327 : vector<16xi32>
      %broadcast_in_dim3A_329 = arith.constant 8 : i32
      %broadcast_in_dim3A_330 = vector.broadcast %broadcast_in_dim3A_329 : i32 to vector<16xi32>
      %gather3A_331 = arith.constant 0 : i32
      %gather3A_332 = arith.constant 0 : i32
      %gather3A_333 = arith.constant 0 : i32
      %gather3A_334 = tpu.memref_slice %arg8[%gather3A_331, %gather3A_332, %gather3A_333] : memref<2x128x32xf32, #tpu.memory_space<vmem>> -> memref<1x128x32xf32, #tpu.memory_space<vmem>>
      %gather3A_335 = tpu.memref_squeeze %gather3A_334 : memref<1x128x32xf32, #tpu.memory_space<vmem>> -> memref<128x32xf32, #tpu.memory_space<vmem>>
      %gather3A_336 = tpu.vector_load_idx %gather3A_335[%sub3A_328, %broadcast_in_dim3A_330] : memref<128x32xf32, #tpu.memory_space<vmem>>[vector<16xi32>, vector<16xi32>], vector<16xf32>,
      %mul3A_337 = arith.mulf %gather3A_325, %gather3A_336 : vector<16xf32>
      %add3A_338 = arith.addf %add3A_318, %mul3A_337 : vector<16xf32>
      %mul3A_339 = arith.constant 32 : i32
      %mul3A_340 = vector.broadcast %mul3A_339 : i32 to vector<16xi32>
      %mul3A_341 = arith.muli %add3A_159, %mul3A_340 : vector<16xi32>
      %add3A_342 = arith.constant 9 : i32
      %add3A_343 = vector.broadcast %add3A_342 : i32 to vector<16xi32>
      %add3A_344 = arith.addi %mul3A_341, %add3A_343 : vector<16xi32>
      %gather3A_345 = tpu.vector_load_idx %arg7[%add3A_344] : memref<16384xf32, #tpu.memory_space<vmem>>[vector<16xi32>], vector<16xf32>,
      %sub3A_346 = arith.constant 0 : i32
      %sub3A_347 = vector.broadcast %sub3A_346 : i32 to vector<16xi32>
      %sub3A_348 = arith.subi %add3A_159, %sub3A_347 : vector<16xi32>
      %broadcast_in_dim3A_349 = arith.constant 9 : i32
      %broadcast_in_dim3A_350 = vector.broadcast %broadcast_in_dim3A_349 : i32 to vector<16xi32>
      %gather3A_351 = arith.constant 0 : i32
      %gather3A_352 = arith.constant 0 : i32
      %gather3A_353 = arith.constant 0 : i32
      %gather3A_354 = tpu.memref_slice %arg8[%gather3A_351, %gather3A_352, %gather3A_353] : memref<2x128x32xf32, #tpu.memory_space<vmem>> -> memref<1x128x32xf32, #tpu.memory_space<vmem>>
      %gather3A_355 = tpu.memref_squeeze %gather3A_354 : memref<1x128x32xf32, #tpu.memory_space<vmem>> -> memref<128x32xf32, #tpu.memory_space<vmem>>
      %gather3A_356 = tpu.vector_load_idx %gather3A_355[%sub3A_348, %broadcast_in_dim3A_350] : memref<128x32xf32, #tpu.memory_space<vmem>>[vector<16xi32>, vector<16xi32>], vector<16xf32>,
      %mul3A_357 = arith.mulf %gather3A_345, %gather3A_356 : vector<16xf32>
      %add3A_358 = arith.addf %add3A_338, %mul3A_357 : vector<16xf32>
      %mul3A_359 = arith.constant 32 : i32
      %mul3A_360 = vector.broadcast %mul3A_359 : i32 to vector<16xi32>
      %mul3A_361 = arith.muli %add3A_159, %mul3A_360 : vector<16xi32>
      %add3A_362 = arith.constant 10 : i32
      %add3A_363 = vector.broadcast %add3A_362 : i32 to vector<16xi32>
      %add3A_364 = arith.addi %mul3A_361, %add3A_363 : vector<16xi32>
      %gather3A_365 = tpu.vector_load_idx %arg7[%add3A_364] : memref<16384xf32, #tpu.memory_space<vmem>>[vector<16xi32>], vector<16xf32>,
      %sub3A_366 = arith.constant 0 : i32
      %sub3A_367 = vector.broadcast %sub3A_366 : i32 to vector<16xi32>
      %sub3A_368 = arith.subi %add3A_159, %sub3A_367 : vector<16xi32>
      %broadcast_in_dim3A_369 = arith.constant 10 : i32
      %broadcast_in_dim3A_370 = vector.broadcast %broadcast_in_dim3A_369 : i32 to vector<16xi32>
      %gather3A_371 = arith.constant 0 : i32
      %gather3A_372 = arith.constant 0 : i32
      %gather3A_373 = arith.constant 0 : i32
      %gather3A_374 = tpu.memref_slice %arg8[%gather3A_371, %gather3A_372, %gather3A_373] : memref<2x128x32xf32, #tpu.memory_space<vmem>> -> memref<1x128x32xf32, #tpu.memory_space<vmem>>
      %gather3A_375 = tpu.memref_squeeze %gather3A_374 : memref<1x128x32xf32, #tpu.memory_space<vmem>> -> memref<128x32xf32, #tpu.memory_space<vmem>>
      %gather3A_376 = tpu.vector_load_idx %gather3A_375[%sub3A_368, %broadcast_in_dim3A_370] : memref<128x32xf32, #tpu.memory_space<vmem>>[vector<16xi32>, vector<16xi32>], vector<16xf32>,
      %mul3A_377 = arith.mulf %gather3A_365, %gather3A_376 : vector<16xf32>
      %add3A_378 = arith.addf %add3A_358, %mul3A_377 : vector<16xf32>
      %mul3A_379 = arith.constant 32 : i32
      %mul3A_380 = vector.broadcast %mul3A_379 : i32 to vector<16xi32>
      %mul3A_381 = arith.muli %add3A_159, %mul3A_380 : vector<16xi32>
      %add3A_382 = arith.constant 11 : i32
      %add3A_383 = vector.broadcast %add3A_382 : i32 to vector<16xi32>
      %add3A_384 = arith.addi %mul3A_381, %add3A_383 : vector<16xi32>
      %gather3A_385 = tpu.vector_load_idx %arg7[%add3A_384] : memref<16384xf32, #tpu.memory_space<vmem>>[vector<16xi32>], vector<16xf32>,
      %sub3A_386 = arith.constant 0 : i32
      %sub3A_387 = vector.broadcast %sub3A_386 : i32 to vector<16xi32>
      %sub3A_388 = arith.subi %add3A_159, %sub3A_387 : vector<16xi32>
      %broadcast_in_dim3A_389 = arith.constant 11 : i32
      %broadcast_in_dim3A_390 = vector.broadcast %broadcast_in_dim3A_389 : i32 to vector<16xi32>
      %gather3A_391 = arith.constant 0 : i32
      %gather3A_392 = arith.constant 0 : i32
      %gather3A_393 = arith.constant 0 : i32
      %gather3A_394 = tpu.memref_slice %arg8[%gather3A_391, %gather3A_392, %gather3A_393] : memref<2x128x32xf32, #tpu.memory_space<vmem>> -> memref<1x128x32xf32, #tpu.memory_space<vmem>>
      %gather3A_395 = tpu.memref_squeeze %gather3A_394 : memref<1x128x32xf32, #tpu.memory_space<vmem>> -> memref<128x32xf32, #tpu.memory_space<vmem>>
      %gather3A_396 = tpu.vector_load_idx %gather3A_395[%sub3A_388, %broadcast_in_dim3A_390] : memref<128x32xf32, #tpu.memory_space<vmem>>[vector<16xi32>, vector<16xi32>], vector<16xf32>,
      %mul3A_397 = arith.mulf %gather3A_385, %gather3A_396 : vector<16xf32>
      %add3A_398 = arith.addf %add3A_378, %mul3A_397 : vector<16xf32>
      %mul3A_399 = arith.constant 32 : i32
      %mul3A_400 = vector.broadcast %mul3A_399 : i32 to vector<16xi32>
      %mul3A_401 = arith.muli %add3A_159, %mul3A_400 : vector<16xi32>
      %add3A_402 = arith.constant 12 : i32
      %add3A_403 = vector.broadcast %add3A_402 : i32 to vector<16xi32>
      %add3A_404 = arith.addi %mul3A_401, %add3A_403 : vector<16xi32>
      %gather3A_405 = tpu.vector_load_idx %arg7[%add3A_404] : memref<16384xf32, #tpu.memory_space<vmem>>[vector<16xi32>], vector<16xf32>,
      %sub3A_406 = arith.constant 0 : i32
      %sub3A_407 = vector.broadcast %sub3A_406 : i32 to vector<16xi32>
      %sub3A_408 = arith.subi %add3A_159, %sub3A_407 : vector<16xi32>
      %broadcast_in_dim3A_409 = arith.constant 12 : i32
      %broadcast_in_dim3A_410 = vector.broadcast %broadcast_in_dim3A_409 : i32 to vector<16xi32>
      %gather3A_411 = arith.constant 0 : i32
      %gather3A_412 = arith.constant 0 : i32
      %gather3A_413 = arith.constant 0 : i32
      %gather3A_414 = tpu.memref_slice %arg8[%gather3A_411, %gather3A_412, %gather3A_413] : memref<2x128x32xf32, #tpu.memory_space<vmem>> -> memref<1x128x32xf32, #tpu.memory_space<vmem>>
      %gather3A_415 = tpu.memref_squeeze %gather3A_414 : memref<1x128x32xf32, #tpu.memory_space<vmem>> -> memref<128x32xf32, #tpu.memory_space<vmem>>
      %gather3A_416 = tpu.vector_load_idx %gather3A_415[%sub3A_408, %broadcast_in_dim3A_410] : memref<128x32xf32, #tpu.memory_space<vmem>>[vector<16xi32>, vector<16xi32>], vector<16xf32>,
      %mul3A_417 = arith.mulf %gather3A_405, %gather3A_416 : vector<16xf32>
      %add3A_418 = arith.addf %add3A_398, %mul3A_417 : vector<16xf32>
      %mul3A_419 = arith.constant 32 : i32
      %mul3A_420 = vector.broadcast %mul3A_419 : i32 to vector<16xi32>
      %mul3A_421 = arith.muli %add3A_159, %mul3A_420 : vector<16xi32>
      %add3A_422 = arith.constant 13 : i32
      %add3A_423 = vector.broadcast %add3A_422 : i32 to vector<16xi32>
      %add3A_424 = arith.addi %mul3A_421, %add3A_423 : vector<16xi32>
      %gather3A_425 = tpu.vector_load_idx %arg7[%add3A_424] : memref<16384xf32, #tpu.memory_space<vmem>>[vector<16xi32>], vector<16xf32>,
      %sub3A_426 = arith.constant 0 : i32
      %sub3A_427 = vector.broadcast %sub3A_426 : i32 to vector<16xi32>
      %sub3A_428 = arith.subi %add3A_159, %sub3A_427 : vector<16xi32>
      %broadcast_in_dim3A_429 = arith.constant 13 : i32
      %broadcast_in_dim3A_430 = vector.broadcast %broadcast_in_dim3A_429 : i32 to vector<16xi32>
      %gather3A_431 = arith.constant 0 : i32
      %gather3A_432 = arith.constant 0 : i32
      %gather3A_433 = arith.constant 0 : i32
      %gather3A_434 = tpu.memref_slice %arg8[%gather3A_431, %gather3A_432, %gather3A_433] : memref<2x128x32xf32, #tpu.memory_space<vmem>> -> memref<1x128x32xf32, #tpu.memory_space<vmem>>
      %gather3A_435 = tpu.memref_squeeze %gather3A_434 : memref<1x128x32xf32, #tpu.memory_space<vmem>> -> memref<128x32xf32, #tpu.memory_space<vmem>>
      %gather3A_436 = tpu.vector_load_idx %gather3A_435[%sub3A_428, %broadcast_in_dim3A_430] : memref<128x32xf32, #tpu.memory_space<vmem>>[vector<16xi32>, vector<16xi32>], vector<16xf32>,
      %mul3A_437 = arith.mulf %gather3A_425, %gather3A_436 : vector<16xf32>
      %add3A_438 = arith.addf %add3A_418, %mul3A_437 : vector<16xf32>
      %mul3A_439 = arith.constant 32 : i32
      %mul3A_440 = vector.broadcast %mul3A_439 : i32 to vector<16xi32>
      %mul3A_441 = arith.muli %add3A_159, %mul3A_440 : vector<16xi32>
      %add3A_442 = arith.constant 14 : i32
      %add3A_443 = vector.broadcast %add3A_442 : i32 to vector<16xi32>
      %add3A_444 = arith.addi %mul3A_441, %add3A_443 : vector<16xi32>
      %gather3A_445 = tpu.vector_load_idx %arg7[%add3A_444] : memref<16384xf32, #tpu.memory_space<vmem>>[vector<16xi32>], vector<16xf32>,
      %sub3A_446 = arith.constant 0 : i32
      %sub3A_447 = vector.broadcast %sub3A_446 : i32 to vector<16xi32>
      %sub3A_448 = arith.subi %add3A_159, %sub3A_447 : vector<16xi32>
      %broadcast_in_dim3A_449 = arith.constant 14 : i32
      %broadcast_in_dim3A_450 = vector.broadcast %broadcast_in_dim3A_449 : i32 to vector<16xi32>
      %gather3A_451 = arith.constant 0 : i32
      %gather3A_452 = arith.constant 0 : i32
      %gather3A_453 = arith.constant 0 : i32
      %gather3A_454 = tpu.memref_slice %arg8[%gather3A_451, %gather3A_452, %gather3A_453] : memref<2x128x32xf32, #tpu.memory_space<vmem>> -> memref<1x128x32xf32, #tpu.memory_space<vmem>>
      %gather3A_455 = tpu.memref_squeeze %gather3A_454 : memref<1x128x32xf32, #tpu.memory_space<vmem>> -> memref<128x32xf32, #tpu.memory_space<vmem>>
      %gather3A_456 = tpu.vector_load_idx %gather3A_455[%sub3A_448, %broadcast_in_dim3A_450] : memref<128x32xf32, #tpu.memory_space<vmem>>[vector<16xi32>, vector<16xi32>], vector<16xf32>,
      %mul3A_457 = arith.mulf %gather3A_445, %gather3A_456 : vector<16xf32>
      %add3A_458 = arith.addf %add3A_438, %mul3A_457 : vector<16xf32>
      %mul3A_459 = arith.constant 32 : i32
      %mul3A_460 = vector.broadcast %mul3A_459 : i32 to vector<16xi32>
      %mul3A_461 = arith.muli %add3A_159, %mul3A_460 : vector<16xi32>
      %add3A_462 = arith.constant 15 : i32
      %add3A_463 = vector.broadcast %add3A_462 : i32 to vector<16xi32>
      %add3A_464 = arith.addi %mul3A_461, %add3A_463 : vector<16xi32>
      %gather3A_465 = tpu.vector_load_idx %arg7[%add3A_464] : memref<16384xf32, #tpu.memory_space<vmem>>[vector<16xi32>], vector<16xf32>,
      %sub3A_466 = arith.constant 0 : i32
      %sub3A_467 = vector.broadcast %sub3A_466 : i32 to vector<16xi32>
      %sub3A_468 = arith.subi %add3A_159, %sub3A_467 : vector<16xi32>
      %broadcast_in_dim3A_469 = arith.constant 15 : i32
      %broadcast_in_dim3A_470 = vector.broadcast %broadcast_in_dim3A_469 : i32 to vector<16xi32>
      %gather3A_471 = arith.constant 0 : i32
      %gather3A_472 = arith.constant 0 : i32
      %gather3A_473 = arith.constant 0 : i32
      %gather3A_474 = tpu.memref_slice %arg8[%gather3A_471, %gather3A_472, %gather3A_473] : memref<2x128x32xf32, #tpu.memory_space<vmem>> -> memref<1x128x32xf32, #tpu.memory_space<vmem>>
      %gather3A_475 = tpu.memref_squeeze %gather3A_474 : memref<1x128x32xf32, #tpu.memory_space<vmem>> -> memref<128x32xf32, #tpu.memory_space<vmem>>
      %gather3A_476 = tpu.vector_load_idx %gather3A_475[%sub3A_468, %broadcast_in_dim3A_470] : memref<128x32xf32, #tpu.memory_space<vmem>>[vector<16xi32>, vector<16xi32>], vector<16xf32>,
      %mul3A_477 = arith.mulf %gather3A_465, %gather3A_476 : vector<16xf32>
      %add3A_478 = arith.addf %add3A_458, %mul3A_477 : vector<16xf32>
      %mul3A_479 = arith.constant 32 : i32
      %mul3A_480 = vector.broadcast %mul3A_479 : i32 to vector<16xi32>
      %mul3A_481 = arith.muli %add3A_159, %mul3A_480 : vector<16xi32>
      %add3A_482 = arith.constant 16 : i32
      %add3A_483 = vector.broadcast %add3A_482 : i32 to vector<16xi32>
      %add3A_484 = arith.addi %mul3A_481, %add3A_483 : vector<16xi32>
      %gather3A_485 = tpu.vector_load_idx %arg7[%add3A_484] : memref<16384xf32, #tpu.memory_space<vmem>>[vector<16xi32>], vector<16xf32>,
      %sub3A_486 = arith.constant 0 : i32
      %sub3A_487 = vector.broadcast %sub3A_486 : i32 to vector<16xi32>
      %sub3A_488 = arith.subi %add3A_159, %sub3A_487 : vector<16xi32>
      %broadcast_in_dim3A_489 = arith.constant 16 : i32
      %broadcast_in_dim3A_490 = vector.broadcast %broadcast_in_dim3A_489 : i32 to vector<16xi32>
      %gather3A_491 = arith.constant 0 : i32
      %gather3A_492 = arith.constant 0 : i32
      %gather3A_493 = arith.constant 0 : i32
      %gather3A_494 = tpu.memref_slice %arg8[%gather3A_491, %gather3A_492, %gather3A_493] : memref<2x128x32xf32, #tpu.memory_space<vmem>> -> memref<1x128x32xf32, #tpu.memory_space<vmem>>
      %gather3A_495 = tpu.memref_squeeze %gather3A_494 : memref<1x128x32xf32, #tpu.memory_space<vmem>> -> memref<128x32xf32, #tpu.memory_space<vmem>>
      %gather3A_496 = tpu.vector_load_idx %gather3A_495[%sub3A_488, %broadcast_in_dim3A_490] : memref<128x32xf32, #tpu.memory_space<vmem>>[vector<16xi32>, vector<16xi32>], vector<16xf32>,
      %mul3A_497 = arith.mulf %gather3A_485, %gather3A_496 : vector<16xf32>
      %add3A_498 = arith.addf %add3A_478, %mul3A_497 : vector<16xf32>
      %mul3A_499 = arith.constant 32 : i32
      %mul3A_500 = vector.broadcast %mul3A_499 : i32 to vector<16xi32>
      %mul3A_501 = arith.muli %add3A_159, %mul3A_500 : vector<16xi32>
      %add3A_502 = arith.constant 17 : i32
      %add3A_503 = vector.broadcast %add3A_502 : i32 to vector<16xi32>
      %add3A_504 = arith.addi %mul3A_501, %add3A_503 : vector<16xi32>
      %gather3A_505 = tpu.vector_load_idx %arg7[%add3A_504] : memref<16384xf32, #tpu.memory_space<vmem>>[vector<16xi32>], vector<16xf32>,
      %sub3A_506 = arith.constant 0 : i32
      %sub3A_507 = vector.broadcast %sub3A_506 : i32 to vector<16xi32>
      %sub3A_508 = arith.subi %add3A_159, %sub3A_507 : vector<16xi32>
      %broadcast_in_dim3A_509 = arith.constant 17 : i32
      %broadcast_in_dim3A_510 = vector.broadcast %broadcast_in_dim3A_509 : i32 to vector<16xi32>
      %gather3A_511 = arith.constant 0 : i32
      %gather3A_512 = arith.constant 0 : i32
      %gather3A_513 = arith.constant 0 : i32
      %gather3A_514 = tpu.memref_slice %arg8[%gather3A_511, %gather3A_512, %gather3A_513] : memref<2x128x32xf32, #tpu.memory_space<vmem>> -> memref<1x128x32xf32, #tpu.memory_space<vmem>>
      %gather3A_515 = tpu.memref_squeeze %gather3A_514 : memref<1x128x32xf32, #tpu.memory_space<vmem>> -> memref<128x32xf32, #tpu.memory_space<vmem>>
      %gather3A_516 = tpu.vector_load_idx %gather3A_515[%sub3A_508, %broadcast_in_dim3A_510] : memref<128x32xf32, #tpu.memory_space<vmem>>[vector<16xi32>, vector<16xi32>], vector<16xf32>,
      %mul3A_517 = arith.mulf %gather3A_505, %gather3A_516 : vector<16xf32>
      %add3A_518 = arith.addf %add3A_498, %mul3A_517 : vector<16xf32>
      %mul3A_519 = arith.constant 32 : i32
      %mul3A_520 = vector.broadcast %mul3A_519 : i32 to vector<16xi32>
      %mul3A_521 = arith.muli %add3A_159, %mul3A_520 : vector<16xi32>
      %add3A_522 = arith.constant 18 : i32
      %add3A_523 = vector.broadcast %add3A_522 : i32 to vector<16xi32>
      %add3A_524 = arith.addi %mul3A_521, %add3A_523 : vector<16xi32>
      %gather3A_525 = tpu.vector_load_idx %arg7[%add3A_524] : memref<16384xf32, #tpu.memory_space<vmem>>[vector<16xi32>], vector<16xf32>,
      %sub3A_526 = arith.constant 0 : i32
      %sub3A_527 = vector.broadcast %sub3A_526 : i32 to vector<16xi32>
      %sub3A_528 = arith.subi %add3A_159, %sub3A_527 : vector<16xi32>
      %broadcast_in_dim3A_529 = arith.constant 18 : i32
      %broadcast_in_dim3A_530 = vector.broadcast %broadcast_in_dim3A_529 : i32 to vector<16xi32>
      %gather3A_531 = arith.constant 0 : i32
      %gather3A_532 = arith.constant 0 : i32
      %gather3A_533 = arith.constant 0 : i32
      %gather3A_534 = tpu.memref_slice %arg8[%gather3A_531, %gather3A_532, %gather3A_533] : memref<2x128x32xf32, #tpu.memory_space<vmem>> -> memref<1x128x32xf32, #tpu.memory_space<vmem>>
      %gather3A_535 = tpu.memref_squeeze %gather3A_534 : memref<1x128x32xf32, #tpu.memory_space<vmem>> -> memref<128x32xf32, #tpu.memory_space<vmem>>
      %gather3A_536 = tpu.vector_load_idx %gather3A_535[%sub3A_528, %broadcast_in_dim3A_530] : memref<128x32xf32, #tpu.memory_space<vmem>>[vector<16xi32>, vector<16xi32>], vector<16xf32>,
      %mul3A_537 = arith.mulf %gather3A_525, %gather3A_536 : vector<16xf32>
      %add3A_538 = arith.addf %add3A_518, %mul3A_537 : vector<16xf32>
      %mul3A_539 = arith.constant 32 : i32
      %mul3A_540 = vector.broadcast %mul3A_539 : i32 to vector<16xi32>
      %mul3A_541 = arith.muli %add3A_159, %mul3A_540 : vector<16xi32>
      %add3A_542 = arith.constant 19 : i32
      %add3A_543 = vector.broadcast %add3A_542 : i32 to vector<16xi32>
      %add3A_544 = arith.addi %mul3A_541, %add3A_543 : vector<16xi32>
      %gather3A_545 = tpu.vector_load_idx %arg7[%add3A_544] : memref<16384xf32, #tpu.memory_space<vmem>>[vector<16xi32>], vector<16xf32>,
      %sub3A_546 = arith.constant 0 : i32
      %sub3A_547 = vector.broadcast %sub3A_546 : i32 to vector<16xi32>
      %sub3A_548 = arith.subi %add3A_159, %sub3A_547 : vector<16xi32>
      %broadcast_in_dim3A_549 = arith.constant 19 : i32
      %broadcast_in_dim3A_550 = vector.broadcast %broadcast_in_dim3A_549 : i32 to vector<16xi32>
      %gather3A_551 = arith.constant 0 : i32
      %gather3A_552 = arith.constant 0 : i32
      %gather3A_553 = arith.constant 0 : i32
      %gather3A_554 = tpu.memref_slice %arg8[%gather3A_551, %gather3A_552, %gather3A_553] : memref<2x128x32xf32, #tpu.memory_space<vmem>> -> memref<1x128x32xf32, #tpu.memory_space<vmem>>
      %gather3A_555 = tpu.memref_squeeze %gather3A_554 : memref<1x128x32xf32, #tpu.memory_space<vmem>> -> memref<128x32xf32, #tpu.memory_space<vmem>>
      %gather3A_556 = tpu.vector_load_idx %gather3A_555[%sub3A_548, %broadcast_in_dim3A_550] : memref<128x32xf32, #tpu.memory_space<vmem>>[vector<16xi32>, vector<16xi32>], vector<16xf32>,
      %mul3A_557 = arith.mulf %gather3A_545, %gather3A_556 : vector<16xf32>
      %add3A_558 = arith.addf %add3A_538, %mul3A_557 : vector<16xf32>
      %mul3A_559 = arith.constant 32 : i32
      %mul3A_560 = vector.broadcast %mul3A_559 : i32 to vector<16xi32>
      %mul3A_561 = arith.muli %add3A_159, %mul3A_560 : vector<16xi32>
      %add3A_562 = arith.constant 20 : i32
      %add3A_563 = vector.broadcast %add3A_562 : i32 to vector<16xi32>
      %add3A_564 = arith.addi %mul3A_561, %add3A_563 : vector<16xi32>
      %gather3A_565 = tpu.vector_load_idx %arg7[%add3A_564] : memref<16384xf32, #tpu.memory_space<vmem>>[vector<16xi32>], vector<16xf32>,
      %sub3A_566 = arith.constant 0 : i32
      %sub3A_567 = vector.broadcast %sub3A_566 : i32 to vector<16xi32>
      %sub3A_568 = arith.subi %add3A_159, %sub3A_567 : vector<16xi32>
      %broadcast_in_dim3A_569 = arith.constant 20 : i32
      %broadcast_in_dim3A_570 = vector.broadcast %broadcast_in_dim3A_569 : i32 to vector<16xi32>
      %gather3A_571 = arith.constant 0 : i32
      %gather3A_572 = arith.constant 0 : i32
      %gather3A_573 = arith.constant 0 : i32
      %gather3A_574 = tpu.memref_slice %arg8[%gather3A_571, %gather3A_572, %gather3A_573] : memref<2x128x32xf32, #tpu.memory_space<vmem>> -> memref<1x128x32xf32, #tpu.memory_space<vmem>>
      %gather3A_575 = tpu.memref_squeeze %gather3A_574 : memref<1x128x32xf32, #tpu.memory_space<vmem>> -> memref<128x32xf32, #tpu.memory_space<vmem>>
      %gather3A_576 = tpu.vector_load_idx %gather3A_575[%sub3A_568, %broadcast_in_dim3A_570] : memref<128x32xf32, #tpu.memory_space<vmem>>[vector<16xi32>, vector<16xi32>], vector<16xf32>,
      %mul3A_577 = arith.mulf %gather3A_565, %gather3A_576 : vector<16xf32>
      %add3A_578 = arith.addf %add3A_558, %mul3A_577 : vector<16xf32>
      %mul3A_579 = arith.constant 32 : i32
      %mul3A_580 = vector.broadcast %mul3A_579 : i32 to vector<16xi32>
      %mul3A_581 = arith.muli %add3A_159, %mul3A_580 : vector<16xi32>
      %add3A_582 = arith.constant 21 : i32
      %add3A_583 = vector.broadcast %add3A_582 : i32 to vector<16xi32>
      %add3A_584 = arith.addi %mul3A_581, %add3A_583 : vector<16xi32>
      %gather3A_585 = tpu.vector_load_idx %arg7[%add3A_584] : memref<16384xf32, #tpu.memory_space<vmem>>[vector<16xi32>], vector<16xf32>,
      %sub3A_586 = arith.constant 0 : i32
      %sub3A_587 = vector.broadcast %sub3A_586 : i32 to vector<16xi32>
      %sub3A_588 = arith.subi %add3A_159, %sub3A_587 : vector<16xi32>
      %broadcast_in_dim3A_589 = arith.constant 21 : i32
      %broadcast_in_dim3A_590 = vector.broadcast %broadcast_in_dim3A_589 : i32 to vector<16xi32>
      %gather3A_591 = arith.constant 0 : i32
      %gather3A_592 = arith.constant 0 : i32
      %gather3A_593 = arith.constant 0 : i32
      %gather3A_594 = tpu.memref_slice %arg8[%gather3A_591, %gather3A_592, %gather3A_593] : memref<2x128x32xf32, #tpu.memory_space<vmem>> -> memref<1x128x32xf32, #tpu.memory_space<vmem>>
      %gather3A_595 = tpu.memref_squeeze %gather3A_594 : memref<1x128x32xf32, #tpu.memory_space<vmem>> -> memref<128x32xf32, #tpu.memory_space<vmem>>
      %gather3A_596 = tpu.vector_load_idx %gather3A_595[%sub3A_588, %broadcast_in_dim3A_590] : memref<128x32xf32, #tpu.memory_space<vmem>>[vector<16xi32>, vector<16xi32>], vector<16xf32>,
      %mul3A_597 = arith.mulf %gather3A_585, %gather3A_596 : vector<16xf32>
      %add3A_598 = arith.addf %add3A_578, %mul3A_597 : vector<16xf32>
      %mul3A_599 = arith.constant 32 : i32
      %mul3A_600 = vector.broadcast %mul3A_599 : i32 to vector<16xi32>
      %mul3A_601 = arith.muli %add3A_159, %mul3A_600 : vector<16xi32>
      %add3A_602 = arith.constant 22 : i32
      %add3A_603 = vector.broadcast %add3A_602 : i32 to vector<16xi32>
      %add3A_604 = arith.addi %mul3A_601, %add3A_603 : vector<16xi32>
      %gather3A_605 = tpu.vector_load_idx %arg7[%add3A_604] : memref<16384xf32, #tpu.memory_space<vmem>>[vector<16xi32>], vector<16xf32>,
      %sub3A_606 = arith.constant 0 : i32
      %sub3A_607 = vector.broadcast %sub3A_606 : i32 to vector<16xi32>
      %sub3A_608 = arith.subi %add3A_159, %sub3A_607 : vector<16xi32>
      %broadcast_in_dim3A_609 = arith.constant 22 : i32
      %broadcast_in_dim3A_610 = vector.broadcast %broadcast_in_dim3A_609 : i32 to vector<16xi32>
      %gather3A_611 = arith.constant 0 : i32
      %gather3A_612 = arith.constant 0 : i32
      %gather3A_613 = arith.constant 0 : i32
      %gather3A_614 = tpu.memref_slice %arg8[%gather3A_611, %gather3A_612, %gather3A_613] : memref<2x128x32xf32, #tpu.memory_space<vmem>> -> memref<1x128x32xf32, #tpu.memory_space<vmem>>
      %gather3A_615 = tpu.memref_squeeze %gather3A_614 : memref<1x128x32xf32, #tpu.memory_space<vmem>> -> memref<128x32xf32, #tpu.memory_space<vmem>>
      %gather3A_616 = tpu.vector_load_idx %gather3A_615[%sub3A_608, %broadcast_in_dim3A_610] : memref<128x32xf32, #tpu.memory_space<vmem>>[vector<16xi32>, vector<16xi32>], vector<16xf32>,
      %mul3A_617 = arith.mulf %gather3A_605, %gather3A_616 : vector<16xf32>
      %add3A_618 = arith.addf %add3A_598, %mul3A_617 : vector<16xf32>
      %mul3A_619 = arith.constant 32 : i32
      %mul3A_620 = vector.broadcast %mul3A_619 : i32 to vector<16xi32>
      %mul3A_621 = arith.muli %add3A_159, %mul3A_620 : vector<16xi32>
      %add3A_622 = arith.constant 23 : i32
      %add3A_623 = vector.broadcast %add3A_622 : i32 to vector<16xi32>
      %add3A_624 = arith.addi %mul3A_621, %add3A_623 : vector<16xi32>
      %gather3A_625 = tpu.vector_load_idx %arg7[%add3A_624] : memref<16384xf32, #tpu.memory_space<vmem>>[vector<16xi32>], vector<16xf32>,
      %sub3A_626 = arith.constant 0 : i32
      %sub3A_627 = vector.broadcast %sub3A_626 : i32 to vector<16xi32>
      %sub3A_628 = arith.subi %add3A_159, %sub3A_627 : vector<16xi32>
      %broadcast_in_dim3A_629 = arith.constant 23 : i32
      %broadcast_in_dim3A_630 = vector.broadcast %broadcast_in_dim3A_629 : i32 to vector<16xi32>
      %gather3A_631 = arith.constant 0 : i32
      %gather3A_632 = arith.constant 0 : i32
      %gather3A_633 = arith.constant 0 : i32
      %gather3A_634 = tpu.memref_slice %arg8[%gather3A_631, %gather3A_632, %gather3A_633] : memref<2x128x32xf32, #tpu.memory_space<vmem>> -> memref<1x128x32xf32, #tpu.memory_space<vmem>>
      %gather3A_635 = tpu.memref_squeeze %gather3A_634 : memref<1x128x32xf32, #tpu.memory_space<vmem>> -> memref<128x32xf32, #tpu.memory_space<vmem>>
      %gather3A_636 = tpu.vector_load_idx %gather3A_635[%sub3A_628, %broadcast_in_dim3A_630] : memref<128x32xf32, #tpu.memory_space<vmem>>[vector<16xi32>, vector<16xi32>], vector<16xf32>,
      %mul3A_637 = arith.mulf %gather3A_625, %gather3A_636 : vector<16xf32>
      %add3A_638 = arith.addf %add3A_618, %mul3A_637 : vector<16xf32>
      %mul3A_639 = arith.constant 32 : i32
      %mul3A_640 = vector.broadcast %mul3A_639 : i32 to vector<16xi32>
      %mul3A_641 = arith.muli %add3A_159, %mul3A_640 : vector<16xi32>
      %add3A_642 = arith.constant 24 : i32
      %add3A_643 = vector.broadcast %add3A_642 : i32 to vector<16xi32>
      %add3A_644 = arith.addi %mul3A_641, %add3A_643 : vector<16xi32>
      %gather3A_645 = tpu.vector_load_idx %arg7[%add3A_644] : memref<16384xf32, #tpu.memory_space<vmem>>[vector<16xi32>], vector<16xf32>,
      %sub3A_646 = arith.constant 0 : i32
      %sub3A_647 = vector.broadcast %sub3A_646 : i32 to vector<16xi32>
      %sub3A_648 = arith.subi %add3A_159, %sub3A_647 : vector<16xi32>
      %broadcast_in_dim3A_649 = arith.constant 24 : i32
      %broadcast_in_dim3A_650 = vector.broadcast %broadcast_in_dim3A_649 : i32 to vector<16xi32>
      %gather3A_651 = arith.constant 0 : i32
      %gather3A_652 = arith.constant 0 : i32
      %gather3A_653 = arith.constant 0 : i32
      %gather3A_654 = tpu.memref_slice %arg8[%gather3A_651, %gather3A_652, %gather3A_653] : memref<2x128x32xf32, #tpu.memory_space<vmem>> -> memref<1x128x32xf32, #tpu.memory_space<vmem>>
      %gather3A_655 = tpu.memref_squeeze %gather3A_654 : memref<1x128x32xf32, #tpu.memory_space<vmem>> -> memref<128x32xf32, #tpu.memory_space<vmem>>
      %gather3A_656 = tpu.vector_load_idx %gather3A_655[%sub3A_648, %broadcast_in_dim3A_650] : memref<128x32xf32, #tpu.memory_space<vmem>>[vector<16xi32>, vector<16xi32>], vector<16xf32>,
      %mul3A_657 = arith.mulf %gather3A_645, %gather3A_656 : vector<16xf32>
      %add3A_658 = arith.addf %add3A_638, %mul3A_657 : vector<16xf32>
      %mul3A_659 = arith.constant 32 : i32
      %mul3A_660 = vector.broadcast %mul3A_659 : i32 to vector<16xi32>
      %mul3A_661 = arith.muli %add3A_159, %mul3A_660 : vector<16xi32>
      %add3A_662 = arith.constant 25 : i32
      %add3A_663 = vector.broadcast %add3A_662 : i32 to vector<16xi32>
      %add3A_664 = arith.addi %mul3A_661, %add3A_663 : vector<16xi32>
      %gather3A_665 = tpu.vector_load_idx %arg7[%add3A_664] : memref<16384xf32, #tpu.memory_space<vmem>>[vector<16xi32>], vector<16xf32>,
      %sub3A_666 = arith.constant 0 : i32
      %sub3A_667 = vector.broadcast %sub3A_666 : i32 to vector<16xi32>
      %sub3A_668 = arith.subi %add3A_159, %sub3A_667 : vector<16xi32>
      %broadcast_in_dim3A_669 = arith.constant 25 : i32
      %broadcast_in_dim3A_670 = vector.broadcast %broadcast_in_dim3A_669 : i32 to vector<16xi32>
      %gather3A_671 = arith.constant 0 : i32
      %gather3A_672 = arith.constant 0 : i32
      %gather3A_673 = arith.constant 0 : i32
      %gather3A_674 = tpu.memref_slice %arg8[%gather3A_671, %gather3A_672, %gather3A_673] : memref<2x128x32xf32, #tpu.memory_space<vmem>> -> memref<1x128x32xf32, #tpu.memory_space<vmem>>
      %gather3A_675 = tpu.memref_squeeze %gather3A_674 : memref<1x128x32xf32, #tpu.memory_space<vmem>> -> memref<128x32xf32, #tpu.memory_space<vmem>>
      %gather3A_676 = tpu.vector_load_idx %gather3A_675[%sub3A_668, %broadcast_in_dim3A_670] : memref<128x32xf32, #tpu.memory_space<vmem>>[vector<16xi32>, vector<16xi32>], vector<16xf32>,
      %mul3A_677 = arith.mulf %gather3A_665, %gather3A_676 : vector<16xf32>
      %add3A_678 = arith.addf %add3A_658, %mul3A_677 : vector<16xf32>
      %mul3A_679 = arith.constant 32 : i32
      %mul3A_680 = vector.broadcast %mul3A_679 : i32 to vector<16xi32>
      %mul3A_681 = arith.muli %add3A_159, %mul3A_680 : vector<16xi32>
      %add3A_682 = arith.constant 26 : i32
      %add3A_683 = vector.broadcast %add3A_682 : i32 to vector<16xi32>
      %add3A_684 = arith.addi %mul3A_681, %add3A_683 : vector<16xi32>
      %gather3A_685 = tpu.vector_load_idx %arg7[%add3A_684] : memref<16384xf32, #tpu.memory_space<vmem>>[vector<16xi32>], vector<16xf32>,
      %sub3A_686 = arith.constant 0 : i32
      %sub3A_687 = vector.broadcast %sub3A_686 : i32 to vector<16xi32>
      %sub3A_688 = arith.subi %add3A_159, %sub3A_687 : vector<16xi32>
      %broadcast_in_dim3A_689 = arith.constant 26 : i32
      %broadcast_in_dim3A_690 = vector.broadcast %broadcast_in_dim3A_689 : i32 to vector<16xi32>
      %gather3A_691 = arith.constant 0 : i32
      %gather3A_692 = arith.constant 0 : i32
      %gather3A_693 = arith.constant 0 : i32
      %gather3A_694 = tpu.memref_slice %arg8[%gather3A_691, %gather3A_692, %gather3A_693] : memref<2x128x32xf32, #tpu.memory_space<vmem>> -> memref<1x128x32xf32, #tpu.memory_space<vmem>>
      %gather3A_695 = tpu.memref_squeeze %gather3A_694 : memref<1x128x32xf32, #tpu.memory_space<vmem>> -> memref<128x32xf32, #tpu.memory_space<vmem>>
      %gather3A_696 = tpu.vector_load_idx %gather3A_695[%sub3A_688, %broadcast_in_dim3A_690] : memref<128x32xf32, #tpu.memory_space<vmem>>[vector<16xi32>, vector<16xi32>], vector<16xf32>,
      %mul3A_697 = arith.mulf %gather3A_685, %gather3A_696 : vector<16xf32>
      %add3A_698 = arith.addf %add3A_678, %mul3A_697 : vector<16xf32>
      %mul3A_699 = arith.constant 32 : i32
      %mul3A_700 = vector.broadcast %mul3A_699 : i32 to vector<16xi32>
      %mul3A_701 = arith.muli %add3A_159, %mul3A_700 : vector<16xi32>
      %add3A_702 = arith.constant 27 : i32
      %add3A_703 = vector.broadcast %add3A_702 : i32 to vector<16xi32>
      %add3A_704 = arith.addi %mul3A_701, %add3A_703 : vector<16xi32>
      %gather3A_705 = tpu.vector_load_idx %arg7[%add3A_704] : memref<16384xf32, #tpu.memory_space<vmem>>[vector<16xi32>], vector<16xf32>,
      %sub3A_706 = arith.constant 0 : i32
      %sub3A_707 = vector.broadcast %sub3A_706 : i32 to vector<16xi32>
      %sub3A_708 = arith.subi %add3A_159, %sub3A_707 : vector<16xi32>
      %broadcast_in_dim3A_709 = arith.constant 27 : i32
      %broadcast_in_dim3A_710 = vector.broadcast %broadcast_in_dim3A_709 : i32 to vector<16xi32>
      %gather3A_711 = arith.constant 0 : i32
      %gather3A_712 = arith.constant 0 : i32
      %gather3A_713 = arith.constant 0 : i32
      %gather3A_714 = tpu.memref_slice %arg8[%gather3A_711, %gather3A_712, %gather3A_713] : memref<2x128x32xf32, #tpu.memory_space<vmem>> -> memref<1x128x32xf32, #tpu.memory_space<vmem>>
      %gather3A_715 = tpu.memref_squeeze %gather3A_714 : memref<1x128x32xf32, #tpu.memory_space<vmem>> -> memref<128x32xf32, #tpu.memory_space<vmem>>
      %gather3A_716 = tpu.vector_load_idx %gather3A_715[%sub3A_708, %broadcast_in_dim3A_710] : memref<128x32xf32, #tpu.memory_space<vmem>>[vector<16xi32>, vector<16xi32>], vector<16xf32>,
      %mul3A_717 = arith.mulf %gather3A_705, %gather3A_716 : vector<16xf32>
      %add3A_718 = arith.addf %add3A_698, %mul3A_717 : vector<16xf32>
      %mul3A_719 = arith.constant 32 : i32
      %mul3A_720 = vector.broadcast %mul3A_719 : i32 to vector<16xi32>
      %mul3A_721 = arith.muli %add3A_159, %mul3A_720 : vector<16xi32>
      %add3A_722 = arith.constant 28 : i32
      %add3A_723 = vector.broadcast %add3A_722 : i32 to vector<16xi32>
      %add3A_724 = arith.addi %mul3A_721, %add3A_723 : vector<16xi32>
      %gather3A_725 = tpu.vector_load_idx %arg7[%add3A_724] : memref<16384xf32, #tpu.memory_space<vmem>>[vector<16xi32>], vector<16xf32>,
      %sub3A_726 = arith.constant 0 : i32
      %sub3A_727 = vector.broadcast %sub3A_726 : i32 to vector<16xi32>
      %sub3A_728 = arith.subi %add3A_159, %sub3A_727 : vector<16xi32>
      %broadcast_in_dim3A_729 = arith.constant 28 : i32
      %broadcast_in_dim3A_730 = vector.broadcast %broadcast_in_dim3A_729 : i32 to vector<16xi32>
      %gather3A_731 = arith.constant 0 : i32
      %gather3A_732 = arith.constant 0 : i32
      %gather3A_733 = arith.constant 0 : i32
      %gather3A_734 = tpu.memref_slice %arg8[%gather3A_731, %gather3A_732, %gather3A_733] : memref<2x128x32xf32, #tpu.memory_space<vmem>> -> memref<1x128x32xf32, #tpu.memory_space<vmem>>
      %gather3A_735 = tpu.memref_squeeze %gather3A_734 : memref<1x128x32xf32, #tpu.memory_space<vmem>> -> memref<128x32xf32, #tpu.memory_space<vmem>>
      %gather3A_736 = tpu.vector_load_idx %gather3A_735[%sub3A_728, %broadcast_in_dim3A_730] : memref<128x32xf32, #tpu.memory_space<vmem>>[vector<16xi32>, vector<16xi32>], vector<16xf32>,
      %mul3A_737 = arith.mulf %gather3A_725, %gather3A_736 : vector<16xf32>
      %add3A_738 = arith.addf %add3A_718, %mul3A_737 : vector<16xf32>
      %mul3A_739 = arith.constant 32 : i32
      %mul3A_740 = vector.broadcast %mul3A_739 : i32 to vector<16xi32>
      %mul3A_741 = arith.muli %add3A_159, %mul3A_740 : vector<16xi32>
      %add3A_742 = arith.constant 29 : i32
      %add3A_743 = vector.broadcast %add3A_742 : i32 to vector<16xi32>
      %add3A_744 = arith.addi %mul3A_741, %add3A_743 : vector<16xi32>
      %gather3A_745 = tpu.vector_load_idx %arg7[%add3A_744] : memref<16384xf32, #tpu.memory_space<vmem>>[vector<16xi32>], vector<16xf32>,
      %sub3A_746 = arith.constant 0 : i32
      %sub3A_747 = vector.broadcast %sub3A_746 : i32 to vector<16xi32>
      %sub3A_748 = arith.subi %add3A_159, %sub3A_747 : vector<16xi32>
      %broadcast_in_dim3A_749 = arith.constant 29 : i32
      %broadcast_in_dim3A_750 = vector.broadcast %broadcast_in_dim3A_749 : i32 to vector<16xi32>
      %gather3A_751 = arith.constant 0 : i32
      %gather3A_752 = arith.constant 0 : i32
      %gather3A_753 = arith.constant 0 : i32
      %gather3A_754 = tpu.memref_slice %arg8[%gather3A_751, %gather3A_752, %gather3A_753] : memref<2x128x32xf32, #tpu.memory_space<vmem>> -> memref<1x128x32xf32, #tpu.memory_space<vmem>>
      %gather3A_755 = tpu.memref_squeeze %gather3A_754 : memref<1x128x32xf32, #tpu.memory_space<vmem>> -> memref<128x32xf32, #tpu.memory_space<vmem>>
      %gather3A_756 = tpu.vector_load_idx %gather3A_755[%sub3A_748, %broadcast_in_dim3A_750] : memref<128x32xf32, #tpu.memory_space<vmem>>[vector<16xi32>, vector<16xi32>], vector<16xf32>,
      %mul3A_757 = arith.mulf %gather3A_745, %gather3A_756 : vector<16xf32>
      %add3A_758 = arith.addf %add3A_738, %mul3A_757 : vector<16xf32>
      %mul3A_759 = arith.constant 32 : i32
      %mul3A_760 = vector.broadcast %mul3A_759 : i32 to vector<16xi32>
      %mul3A_761 = arith.muli %add3A_159, %mul3A_760 : vector<16xi32>
      %add3A_762 = arith.constant 30 : i32
      %add3A_763 = vector.broadcast %add3A_762 : i32 to vector<16xi32>
      %add3A_764 = arith.addi %mul3A_761, %add3A_763 : vector<16xi32>
      %gather3A_765 = tpu.vector_load_idx %arg7[%add3A_764] : memref<16384xf32, #tpu.memory_space<vmem>>[vector<16xi32>], vector<16xf32>,
      %sub3A_766 = arith.constant 0 : i32
      %sub3A_767 = vector.broadcast %sub3A_766 : i32 to vector<16xi32>
      %sub3A_768 = arith.subi %add3A_159, %sub3A_767 : vector<16xi32>
      %broadcast_in_dim3A_769 = arith.constant 30 : i32
      %broadcast_in_dim3A_770 = vector.broadcast %broadcast_in_dim3A_769 : i32 to vector<16xi32>
      %gather3A_771 = arith.constant 0 : i32
      %gather3A_772 = arith.constant 0 : i32
      %gather3A_773 = arith.constant 0 : i32
      %gather3A_774 = tpu.memref_slice %arg8[%gather3A_771, %gather3A_772, %gather3A_773] : memref<2x128x32xf32, #tpu.memory_space<vmem>> -> memref<1x128x32xf32, #tpu.memory_space<vmem>>
      %gather3A_775 = tpu.memref_squeeze %gather3A_774 : memref<1x128x32xf32, #tpu.memory_space<vmem>> -> memref<128x32xf32, #tpu.memory_space<vmem>>
      %gather3A_776 = tpu.vector_load_idx %gather3A_775[%sub3A_768, %broadcast_in_dim3A_770] : memref<128x32xf32, #tpu.memory_space<vmem>>[vector<16xi32>, vector<16xi32>], vector<16xf32>,
      %mul3A_777 = arith.mulf %gather3A_765, %gather3A_776 : vector<16xf32>
      %add3A_778 = arith.addf %add3A_758, %mul3A_777 : vector<16xf32>
      %mul3A_779 = arith.constant 32 : i32
      %mul3A_780 = vector.broadcast %mul3A_779 : i32 to vector<16xi32>
      %mul3A_781 = arith.muli %add3A_159, %mul3A_780 : vector<16xi32>
      %add3A_782 = arith.constant 31 : i32
      %add3A_783 = vector.broadcast %add3A_782 : i32 to vector<16xi32>
      %add3A_784 = arith.addi %mul3A_781, %add3A_783 : vector<16xi32>
      %gather3A_785 = tpu.vector_load_idx %arg7[%add3A_784] : memref<16384xf32, #tpu.memory_space<vmem>>[vector<16xi32>], vector<16xf32>,
      %sub3A_786 = arith.constant 0 : i32
      %sub3A_787 = vector.broadcast %sub3A_786 : i32 to vector<16xi32>
      %sub3A_788 = arith.subi %add3A_159, %sub3A_787 : vector<16xi32>
      %broadcast_in_dim3A_789 = arith.constant 31 : i32
      %broadcast_in_dim3A_790 = vector.broadcast %broadcast_in_dim3A_789 : i32 to vector<16xi32>
      %gather3A_791 = arith.constant 0 : i32
      %gather3A_792 = arith.constant 0 : i32
      %gather3A_793 = arith.constant 0 : i32
      %gather3A_794 = tpu.memref_slice %arg8[%gather3A_791, %gather3A_792, %gather3A_793] : memref<2x128x32xf32, #tpu.memory_space<vmem>> -> memref<1x128x32xf32, #tpu.memory_space<vmem>>
      %gather3A_795 = tpu.memref_squeeze %gather3A_794 : memref<1x128x32xf32, #tpu.memory_space<vmem>> -> memref<128x32xf32, #tpu.memory_space<vmem>>
      %gather3A_796 = tpu.vector_load_idx %gather3A_795[%sub3A_788, %broadcast_in_dim3A_790] : memref<128x32xf32, #tpu.memory_space<vmem>>[vector<16xi32>, vector<16xi32>], vector<16xf32>,
      %mul3A_797 = arith.mulf %gather3A_785, %gather3A_796 : vector<16xf32>
      %add3A_798 = arith.addf %add3A_778, %mul3A_797 : vector<16xf32>
      %mul3A_799 = arith.constant 16 : i32
      %mul3A_800 = arith.muli %scan3A_152, %mul3A_799 : i32
      %swap3A = arith.constant 0 : i32
      %swap3A_801 = arith.index_cast %swap3A : i32 to index
      %swap3A_802 = arith.index_cast %mul3A_800 : i32 to index
      %swap3A_803 = tpu.vector_load %arg9[%swap3A_801, %swap3A_802] {strides = array<i32>} : memref<4x128xf32, #tpu.memory_space<vmem>>, vector<16xf32>,
      tpu.vector_store %arg9[%swap3A_801, %swap3A_802], %add3A_798 {strides = array<i32>} : memref<4x128xf32, #tpu.memory_space<vmem>>, vector<16xf32>,
      %scan3A_804 = arith.constant 0 : i32
      scf.yield %scan3A_804 : i32
    }
    %scan3A_55 = arith.constant 8 : i32
    %dma_start3A_56 = arith.constant 2 : i32
    %dma_start3A_57 = arith.constant 0 : i32
    %dma_start3A_58 = arith.constant 0 : i32
    %dma_start3A_59 = arith.constant 0 : i32
    %dma_start3A_60 = arith.constant 0 : i32
    %dma_start3A_61 = tpu.memref_slice %arg8[%dma_start3A_57, %dma_start3A_59, %dma_start3A_60] : memref<2x128x32xf32, #tpu.memory_space<vmem>> -> memref<1x128x32xf32, #tpu.memory_space<vmem>>
    %dma_start3A_62 = tpu.memref_squeeze %dma_start3A_61 : memref<1x128x32xf32, #tpu.memory_space<vmem>> -> memref<128x32xf32, #tpu.memory_space<vmem>>
    %dma_start3A_63 = arith.constant 0 : i32
    %dma_start3A_64 = tpu.memref_slice %arg6[%dma_start3A_56, %dma_start3A_63] : memref<4x128xi32, #tpu.memory_space<vmem>> -> memref<1x128xi32, #tpu.memory_space<vmem>>
    %dma_start3A_65 = tpu.memref_squeeze %dma_start3A_64 : memref<1x128xi32, #tpu.memory_space<vmem>> -> memref<128xi32, #tpu.memory_space<vmem>>
    %dma_start3A_66 = arith.constant 0 : i32
    %dma_start3A_67 = arith.constant 0 : i32
    %dma_start3A_68 = tpu.memref_slice %arg3[%dma_start3A_66, %dma_start3A_67] : memref<100000x32xf32, #tpu.memory_space<hbm>> -> memref<100000x32xf32, #tpu.memory_space<hbm>>
    %dma_start3A_69 = tpu.memref_slice %arg10[%dma_start3A_58] : memref<2x!tpu.dma_semaphore, #tpu.memory_space<semaphore_mem>> -> memref<1x!tpu.dma_semaphore, #tpu.memory_space<semaphore_mem>>
    %dma_start3A_70 = tpu.memref_squeeze %dma_start3A_69 : memref<1x!tpu.dma_semaphore, #tpu.memory_space<semaphore_mem>> -> memref<!tpu.dma_semaphore, #tpu.memory_space<semaphore_mem>>
    tpu.enqueue_indirect_dma source(%dma_start3A_68 : memref<100000x32xf32, #tpu.memory_space<hbm>>) target(%dma_start3A_62 : memref<128x32xf32, #tpu.memory_space<vmem>>) offsets(%dma_start3A_65 : memref<128xi32, #tpu.memory_space<vmem>>) semaphore(%dma_start3A_70 : memref<!tpu.dma_semaphore, #tpu.memory_space<semaphore_mem>>)
    %dma_wait3A_71 = arith.constant 1 : i32
    %dma_wait3A_72 = arith.constant 1 : i32
    %dma_wait3A_73 = arith.constant 1 : i32
    %dma_wait3A_74 = arith.constant 0 : i32
    %dma_wait3A_75 = arith.constant 0 : i32
    %dma_wait3A_76 = tpu.memref_slice %arg8[%dma_wait3A_72, %dma_wait3A_74, %dma_wait3A_75] : memref<2x128x32xf32, #tpu.memory_space<vmem>> -> memref<1x128x32xf32, #tpu.memory_space<vmem>>
    %dma_wait3A_77 = tpu.memref_squeeze %dma_wait3A_76 : memref<1x128x32xf32, #tpu.memory_space<vmem>> -> memref<128x32xf32, #tpu.memory_space<vmem>>
    %dma_wait3A_78 = arith.constant 0 : i32
    %dma_wait3A_79 = tpu.memref_slice %arg6[%dma_wait3A_71, %dma_wait3A_78] : memref<4x128xi32, #tpu.memory_space<vmem>> -> memref<1x128xi32, #tpu.memory_space<vmem>>
    %dma_wait3A_80 = tpu.memref_squeeze %dma_wait3A_79 : memref<1x128xi32, #tpu.memory_space<vmem>> -> memref<128xi32, #tpu.memory_space<vmem>>
    %dma_wait3A_81 = arith.constant 0 : i32
    %dma_wait3A_82 = arith.constant 0 : i32
    %dma_wait3A_83 = tpu.memref_slice %arg3[%dma_wait3A_81, %dma_wait3A_82] : memref<100000x32xf32, #tpu.memory_space<hbm>> -> memref<100000x32xf32, #tpu.memory_space<hbm>>
    %dma_wait3A_84 = tpu.memref_slice %arg10[%dma_wait3A_73] : memref<2x!tpu.dma_semaphore, #tpu.memory_space<semaphore_mem>> -> memref<1x!tpu.dma_semaphore, #tpu.memory_space<semaphore_mem>>
    %dma_wait3A_85 = tpu.memref_squeeze %dma_wait3A_84 : memref<1x!tpu.dma_semaphore, #tpu.memory_space<semaphore_mem>> -> memref<!tpu.dma_semaphore, #tpu.memory_space<semaphore_mem>>
    tpu.wait_indirect_dma semaphore(%dma_wait3A_85 : memref<!tpu.dma_semaphore, #tpu.memory_space<semaphore_mem>>) src(%dma_wait3A_83 : memref<100000x32xf32, #tpu.memory_space<hbm>>) dst(%dma_wait3A_77 : memref<128x32xf32, #tpu.memory_space<vmem>>)
    %scan3A_86 = arith.constant 0 : i32
    %scan3A_87 = arith.constant 0 : i32
    %scan3A_88 = arith.constant 8 : i32
    %scan3A_89 = arith.addi %scan3A_87, %scan3A_88 : i32
    %scan3A_90 = arith.constant 1 : i32
    %scan3A_91 = scf.for %scan3A_152 = %scan3A_87 to %scan3A_89 step %scan3A_90 iter_args(%scan3A_153 = %scan3A_86) -> (i32)  : i32 {
      %mul3A_154 = arith.constant 16 : i32
      %mul3A_155 = arith.muli %scan3A_152, %mul3A_154 : i32
      %add3A_156 = arith.constant 128 : i32
      %add3A_157 = arith.addi %add3A_156, %mul3A_155 : i32
      %add3A_158 = vector.broadcast %add3A_157 : i32 to vector<16xi32>
      %add3A_159 = arith.addi %add3A_158, %iota3A : vector<16xi32>
      %broadcast_in_dim3A = arith.constant 0.000000e+00 : f32
      %broadcast_in_dim3A_160 = vector.broadcast %broadcast_in_dim3A : f32 to vector<16xf32>
      %mul3A_161 = arith.constant 32 : i32
      %mul3A_162 = vector.broadcast %mul3A_161 : i32 to vector<16xi32>
      %mul3A_163 = arith.muli %add3A_159, %mul3A_162 : vector<16xi32>
      %add3A_164 = arith.constant 0 : i32
      %add3A_165 = vector.broadcast %add3A_164 : i32 to vector<16xi32>
      %add3A_166 = arith.addi %mul3A_163, %add3A_165 : vector<16xi32>
      %gather3A = tpu.vector_load_idx %arg7[%add3A_166] : memref<16384xf32, #tpu.memory_space<vmem>>[vector<16xi32>], vector<16xf32>,
      %sub3A = arith.constant 128 : i32
      %sub3A_167 = vector.broadcast %sub3A : i32 to vector<16xi32>
      %sub3A_168 = arith.subi %add3A_159, %sub3A_167 : vector<16xi32>
      %broadcast_in_dim3A_169 = arith.constant 0 : i32
      %broadcast_in_dim3A_170 = vector.broadcast %broadcast_in_dim3A_169 : i32 to vector<16xi32>
      %gather3A_171 = arith.constant 1 : i32
      %gather3A_172 = arith.constant 0 : i32
      %gather3A_173 = arith.constant 0 : i32
      %gather3A_174 = tpu.memref_slice %arg8[%gather3A_171, %gather3A_172, %gather3A_173] : memref<2x128x32xf32, #tpu.memory_space<vmem>> -> memref<1x128x32xf32, #tpu.memory_space<vmem>>
      %gather3A_175 = tpu.memref_squeeze %gather3A_174 : memref<1x128x32xf32, #tpu.memory_space<vmem>> -> memref<128x32xf32, #tpu.memory_space<vmem>>
      %gather3A_176 = tpu.vector_load_idx %gather3A_175[%sub3A_168, %broadcast_in_dim3A_170] : memref<128x32xf32, #tpu.memory_space<vmem>>[vector<16xi32>, vector<16xi32>], vector<16xf32>,
      %mul3A_177 = arith.mulf %gather3A, %gather3A_176 : vector<16xf32>
      %add3A_178 = arith.addf %broadcast_in_dim3A_160, %mul3A_177 : vector<16xf32>
      %mul3A_179 = arith.constant 32 : i32
      %mul3A_180 = vector.broadcast %mul3A_179 : i32 to vector<16xi32>
      %mul3A_181 = arith.muli %add3A_159, %mul3A_180 : vector<16xi32>
      %add3A_182 = arith.constant 1 : i32
      %add3A_183 = vector.broadcast %add3A_182 : i32 to vector<16xi32>
      %add3A_184 = arith.addi %mul3A_181, %add3A_183 : vector<16xi32>
      %gather3A_185 = tpu.vector_load_idx %arg7[%add3A_184] : memref<16384xf32, #tpu.memory_space<vmem>>[vector<16xi32>], vector<16xf32>,
      %sub3A_186 = arith.constant 128 : i32
      %sub3A_187 = vector.broadcast %sub3A_186 : i32 to vector<16xi32>
      %sub3A_188 = arith.subi %add3A_159, %sub3A_187 : vector<16xi32>
      %broadcast_in_dim3A_189 = arith.constant 1 : i32
      %broadcast_in_dim3A_190 = vector.broadcast %broadcast_in_dim3A_189 : i32 to vector<16xi32>
      %gather3A_191 = arith.constant 1 : i32
      %gather3A_192 = arith.constant 0 : i32
      %gather3A_193 = arith.constant 0 : i32
      %gather3A_194 = tpu.memref_slice %arg8[%gather3A_191, %gather3A_192, %gather3A_193] : memref<2x128x32xf32, #tpu.memory_space<vmem>> -> memref<1x128x32xf32, #tpu.memory_space<vmem>>
      %gather3A_195 = tpu.memref_squeeze %gather3A_194 : memref<1x128x32xf32, #tpu.memory_space<vmem>> -> memref<128x32xf32, #tpu.memory_space<vmem>>
      %gather3A_196 = tpu.vector_load_idx %gather3A_195[%sub3A_188, %broadcast_in_dim3A_190] : memref<128x32xf32, #tpu.memory_space<vmem>>[vector<16xi32>, vector<16xi32>], vector<16xf32>,
      %mul3A_197 = arith.mulf %gather3A_185, %gather3A_196 : vector<16xf32>
      %add3A_198 = arith.addf %add3A_178, %mul3A_197 : vector<16xf32>
      %mul3A_199 = arith.constant 32 : i32
      %mul3A_200 = vector.broadcast %mul3A_199 : i32 to vector<16xi32>
      %mul3A_201 = arith.muli %add3A_159, %mul3A_200 : vector<16xi32>
      %add3A_202 = arith.constant 2 : i32
      %add3A_203 = vector.broadcast %add3A_202 : i32 to vector<16xi32>
      %add3A_204 = arith.addi %mul3A_201, %add3A_203 : vector<16xi32>
      %gather3A_205 = tpu.vector_load_idx %arg7[%add3A_204] : memref<16384xf32, #tpu.memory_space<vmem>>[vector<16xi32>], vector<16xf32>,
      %sub3A_206 = arith.constant 128 : i32
      %sub3A_207 = vector.broadcast %sub3A_206 : i32 to vector<16xi32>
      %sub3A_208 = arith.subi %add3A_159, %sub3A_207 : vector<16xi32>
      %broadcast_in_dim3A_209 = arith.constant 2 : i32
      %broadcast_in_dim3A_210 = vector.broadcast %broadcast_in_dim3A_209 : i32 to vector<16xi32>
      %gather3A_211 = arith.constant 1 : i32
      %gather3A_212 = arith.constant 0 : i32
      %gather3A_213 = arith.constant 0 : i32
      %gather3A_214 = tpu.memref_slice %arg8[%gather3A_211, %gather3A_212, %gather3A_213] : memref<2x128x32xf32, #tpu.memory_space<vmem>> -> memref<1x128x32xf32, #tpu.memory_space<vmem>>
      %gather3A_215 = tpu.memref_squeeze %gather3A_214 : memref<1x128x32xf32, #tpu.memory_space<vmem>> -> memref<128x32xf32, #tpu.memory_space<vmem>>
      %gather3A_216 = tpu.vector_load_idx %gather3A_215[%sub3A_208, %broadcast_in_dim3A_210] : memref<128x32xf32, #tpu.memory_space<vmem>>[vector<16xi32>, vector<16xi32>], vector<16xf32>,
      %mul3A_217 = arith.mulf %gather3A_205, %gather3A_216 : vector<16xf32>
      %add3A_218 = arith.addf %add3A_198, %mul3A_217 : vector<16xf32>
      %mul3A_219 = arith.constant 32 : i32
      %mul3A_220 = vector.broadcast %mul3A_219 : i32 to vector<16xi32>
      %mul3A_221 = arith.muli %add3A_159, %mul3A_220 : vector<16xi32>
      %add3A_222 = arith.constant 3 : i32
      %add3A_223 = vector.broadcast %add3A_222 : i32 to vector<16xi32>
      %add3A_224 = arith.addi %mul3A_221, %add3A_223 : vector<16xi32>
      %gather3A_225 = tpu.vector_load_idx %arg7[%add3A_224] : memref<16384xf32, #tpu.memory_space<vmem>>[vector<16xi32>], vector<16xf32>,
      %sub3A_226 = arith.constant 128 : i32
      %sub3A_227 = vector.broadcast %sub3A_226 : i32 to vector<16xi32>
      %sub3A_228 = arith.subi %add3A_159, %sub3A_227 : vector<16xi32>
      %broadcast_in_dim3A_229 = arith.constant 3 : i32
      %broadcast_in_dim3A_230 = vector.broadcast %broadcast_in_dim3A_229 : i32 to vector<16xi32>
      %gather3A_231 = arith.constant 1 : i32
      %gather3A_232 = arith.constant 0 : i32
      %gather3A_233 = arith.constant 0 : i32
      %gather3A_234 = tpu.memref_slice %arg8[%gather3A_231, %gather3A_232, %gather3A_233] : memref<2x128x32xf32, #tpu.memory_space<vmem>> -> memref<1x128x32xf32, #tpu.memory_space<vmem>>
      %gather3A_235 = tpu.memref_squeeze %gather3A_234 : memref<1x128x32xf32, #tpu.memory_space<vmem>> -> memref<128x32xf32, #tpu.memory_space<vmem>>
      %gather3A_236 = tpu.vector_load_idx %gather3A_235[%sub3A_228, %broadcast_in_dim3A_230] : memref<128x32xf32, #tpu.memory_space<vmem>>[vector<16xi32>, vector<16xi32>], vector<16xf32>,
      %mul3A_237 = arith.mulf %gather3A_225, %gather3A_236 : vector<16xf32>
      %add3A_238 = arith.addf %add3A_218, %mul3A_237 : vector<16xf32>
      %mul3A_239 = arith.constant 32 : i32
      %mul3A_240 = vector.broadcast %mul3A_239 : i32 to vector<16xi32>
      %mul3A_241 = arith.muli %add3A_159, %mul3A_240 : vector<16xi32>
      %add3A_242 = arith.constant 4 : i32
      %add3A_243 = vector.broadcast %add3A_242 : i32 to vector<16xi32>
      %add3A_244 = arith.addi %mul3A_241, %add3A_243 : vector<16xi32>
      %gather3A_245 = tpu.vector_load_idx %arg7[%add3A_244] : memref<16384xf32, #tpu.memory_space<vmem>>[vector<16xi32>], vector<16xf32>,
      %sub3A_246 = arith.constant 128 : i32
      %sub3A_247 = vector.broadcast %sub3A_246 : i32 to vector<16xi32>
      %sub3A_248 = arith.subi %add3A_159, %sub3A_247 : vector<16xi32>
      %broadcast_in_dim3A_249 = arith.constant 4 : i32
      %broadcast_in_dim3A_250 = vector.broadcast %broadcast_in_dim3A_249 : i32 to vector<16xi32>
      %gather3A_251 = arith.constant 1 : i32
      %gather3A_252 = arith.constant 0 : i32
      %gather3A_253 = arith.constant 0 : i32
      %gather3A_254 = tpu.memref_slice %arg8[%gather3A_251, %gather3A_252, %gather3A_253] : memref<2x128x32xf32, #tpu.memory_space<vmem>> -> memref<1x128x32xf32, #tpu.memory_space<vmem>>
      %gather3A_255 = tpu.memref_squeeze %gather3A_254 : memref<1x128x32xf32, #tpu.memory_space<vmem>> -> memref<128x32xf32, #tpu.memory_space<vmem>>
      %gather3A_256 = tpu.vector_load_idx %gather3A_255[%sub3A_248, %broadcast_in_dim3A_250] : memref<128x32xf32, #tpu.memory_space<vmem>>[vector<16xi32>, vector<16xi32>], vector<16xf32>,
      %mul3A_257 = arith.mulf %gather3A_245, %gather3A_256 : vector<16xf32>
      %add3A_258 = arith.addf %add3A_238, %mul3A_257 : vector<16xf32>
      %mul3A_259 = arith.constant 32 : i32
      %mul3A_260 = vector.broadcast %mul3A_259 : i32 to vector<16xi32>
      %mul3A_261 = arith.muli %add3A_159, %mul3A_260 : vector<16xi32>
      %add3A_262 = arith.constant 5 : i32
      %add3A_263 = vector.broadcast %add3A_262 : i32 to vector<16xi32>
      %add3A_264 = arith.addi %mul3A_261, %add3A_263 : vector<16xi32>
      %gather3A_265 = tpu.vector_load_idx %arg7[%add3A_264] : memref<16384xf32, #tpu.memory_space<vmem>>[vector<16xi32>], vector<16xf32>,
      %sub3A_266 = arith.constant 128 : i32
      %sub3A_267 = vector.broadcast %sub3A_266 : i32 to vector<16xi32>
      %sub3A_268 = arith.subi %add3A_159, %sub3A_267 : vector<16xi32>
      %broadcast_in_dim3A_269 = arith.constant 5 : i32
      %broadcast_in_dim3A_270 = vector.broadcast %broadcast_in_dim3A_269 : i32 to vector<16xi32>
      %gather3A_271 = arith.constant 1 : i32
      %gather3A_272 = arith.constant 0 : i32
      %gather3A_273 = arith.constant 0 : i32
      %gather3A_274 = tpu.memref_slice %arg8[%gather3A_271, %gather3A_272, %gather3A_273] : memref<2x128x32xf32, #tpu.memory_space<vmem>> -> memref<1x128x32xf32, #tpu.memory_space<vmem>>
      %gather3A_275 = tpu.memref_squeeze %gather3A_274 : memref<1x128x32xf32, #tpu.memory_space<vmem>> -> memref<128x32xf32, #tpu.memory_space<vmem>>
      %gather3A_276 = tpu.vector_load_idx %gather3A_275[%sub3A_268, %broadcast_in_dim3A_270] : memref<128x32xf32, #tpu.memory_space<vmem>>[vector<16xi32>, vector<16xi32>], vector<16xf32>,
      %mul3A_277 = arith.mulf %gather3A_265, %gather3A_276 : vector<16xf32>
      %add3A_278 = arith.addf %add3A_258, %mul3A_277 : vector<16xf32>
      %mul3A_279 = arith.constant 32 : i32
      %mul3A_280 = vector.broadcast %mul3A_279 : i32 to vector<16xi32>
      %mul3A_281 = arith.muli %add3A_159, %mul3A_280 : vector<16xi32>
      %add3A_282 = arith.constant 6 : i32
      %add3A_283 = vector.broadcast %add3A_282 : i32 to vector<16xi32>
      %add3A_284 = arith.addi %mul3A_281, %add3A_283 : vector<16xi32>
      %gather3A_285 = tpu.vector_load_idx %arg7[%add3A_284] : memref<16384xf32, #tpu.memory_space<vmem>>[vector<16xi32>], vector<16xf32>,
      %sub3A_286 = arith.constant 128 : i32
      %sub3A_287 = vector.broadcast %sub3A_286 : i32 to vector<16xi32>
      %sub3A_288 = arith.subi %add3A_159, %sub3A_287 : vector<16xi32>
      %broadcast_in_dim3A_289 = arith.constant 6 : i32
      %broadcast_in_dim3A_290 = vector.broadcast %broadcast_in_dim3A_289 : i32 to vector<16xi32>
      %gather3A_291 = arith.constant 1 : i32
      %gather3A_292 = arith.constant 0 : i32
      %gather3A_293 = arith.constant 0 : i32
      %gather3A_294 = tpu.memref_slice %arg8[%gather3A_291, %gather3A_292, %gather3A_293] : memref<2x128x32xf32, #tpu.memory_space<vmem>> -> memref<1x128x32xf32, #tpu.memory_space<vmem>>
      %gather3A_295 = tpu.memref_squeeze %gather3A_294 : memref<1x128x32xf32, #tpu.memory_space<vmem>> -> memref<128x32xf32, #tpu.memory_space<vmem>>
      %gather3A_296 = tpu.vector_load_idx %gather3A_295[%sub3A_288, %broadcast_in_dim3A_290] : memref<128x32xf32, #tpu.memory_space<vmem>>[vector<16xi32>, vector<16xi32>], vector<16xf32>,
      %mul3A_297 = arith.mulf %gather3A_285, %gather3A_296 : vector<16xf32>
      %add3A_298 = arith.addf %add3A_278, %mul3A_297 : vector<16xf32>
      %mul3A_299 = arith.constant 32 : i32
      %mul3A_300 = vector.broadcast %mul3A_299 : i32 to vector<16xi32>
      %mul3A_301 = arith.muli %add3A_159, %mul3A_300 : vector<16xi32>
      %add3A_302 = arith.constant 7 : i32
      %add3A_303 = vector.broadcast %add3A_302 : i32 to vector<16xi32>
      %add3A_304 = arith.addi %mul3A_301, %add3A_303 : vector<16xi32>
      %gather3A_305 = tpu.vector_load_idx %arg7[%add3A_304] : memref<16384xf32, #tpu.memory_space<vmem>>[vector<16xi32>], vector<16xf32>,
      %sub3A_306 = arith.constant 128 : i32
      %sub3A_307 = vector.broadcast %sub3A_306 : i32 to vector<16xi32>
      %sub3A_308 = arith.subi %add3A_159, %sub3A_307 : vector<16xi32>
      %broadcast_in_dim3A_309 = arith.constant 7 : i32
      %broadcast_in_dim3A_310 = vector.broadcast %broadcast_in_dim3A_309 : i32 to vector<16xi32>
      %gather3A_311 = arith.constant 1 : i32
      %gather3A_312 = arith.constant 0 : i32
      %gather3A_313 = arith.constant 0 : i32
      %gather3A_314 = tpu.memref_slice %arg8[%gather3A_311, %gather3A_312, %gather3A_313] : memref<2x128x32xf32, #tpu.memory_space<vmem>> -> memref<1x128x32xf32, #tpu.memory_space<vmem>>
      %gather3A_315 = tpu.memref_squeeze %gather3A_314 : memref<1x128x32xf32, #tpu.memory_space<vmem>> -> memref<128x32xf32, #tpu.memory_space<vmem>>
      %gather3A_316 = tpu.vector_load_idx %gather3A_315[%sub3A_308, %broadcast_in_dim3A_310] : memref<128x32xf32, #tpu.memory_space<vmem>>[vector<16xi32>, vector<16xi32>], vector<16xf32>,
      %mul3A_317 = arith.mulf %gather3A_305, %gather3A_316 : vector<16xf32>
      %add3A_318 = arith.addf %add3A_298, %mul3A_317 : vector<16xf32>
      %mul3A_319 = arith.constant 32 : i32
      %mul3A_320 = vector.broadcast %mul3A_319 : i32 to vector<16xi32>
      %mul3A_321 = arith.muli %add3A_159, %mul3A_320 : vector<16xi32>
      %add3A_322 = arith.constant 8 : i32
      %add3A_323 = vector.broadcast %add3A_322 : i32 to vector<16xi32>
      %add3A_324 = arith.addi %mul3A_321, %add3A_323 : vector<16xi32>
      %gather3A_325 = tpu.vector_load_idx %arg7[%add3A_324] : memref<16384xf32, #tpu.memory_space<vmem>>[vector<16xi32>], vector<16xf32>,
      %sub3A_326 = arith.constant 128 : i32
      %sub3A_327 = vector.broadcast %sub3A_326 : i32 to vector<16xi32>
      %sub3A_328 = arith.subi %add3A_159, %sub3A_327 : vector<16xi32>
      %broadcast_in_dim3A_329 = arith.constant 8 : i32
      %broadcast_in_dim3A_330 = vector.broadcast %broadcast_in_dim3A_329 : i32 to vector<16xi32>
      %gather3A_331 = arith.constant 1 : i32
      %gather3A_332 = arith.constant 0 : i32
      %gather3A_333 = arith.constant 0 : i32
      %gather3A_334 = tpu.memref_slice %arg8[%gather3A_331, %gather3A_332, %gather3A_333] : memref<2x128x32xf32, #tpu.memory_space<vmem>> -> memref<1x128x32xf32, #tpu.memory_space<vmem>>
      %gather3A_335 = tpu.memref_squeeze %gather3A_334 : memref<1x128x32xf32, #tpu.memory_space<vmem>> -> memref<128x32xf32, #tpu.memory_space<vmem>>
      %gather3A_336 = tpu.vector_load_idx %gather3A_335[%sub3A_328, %broadcast_in_dim3A_330] : memref<128x32xf32, #tpu.memory_space<vmem>>[vector<16xi32>, vector<16xi32>], vector<16xf32>,
      %mul3A_337 = arith.mulf %gather3A_325, %gather3A_336 : vector<16xf32>
      %add3A_338 = arith.addf %add3A_318, %mul3A_337 : vector<16xf32>
      %mul3A_339 = arith.constant 32 : i32
      %mul3A_340 = vector.broadcast %mul3A_339 : i32 to vector<16xi32>
      %mul3A_341 = arith.muli %add3A_159, %mul3A_340 : vector<16xi32>
      %add3A_342 = arith.constant 9 : i32
      %add3A_343 = vector.broadcast %add3A_342 : i32 to vector<16xi32>
      %add3A_344 = arith.addi %mul3A_341, %add3A_343 : vector<16xi32>
      %gather3A_345 = tpu.vector_load_idx %arg7[%add3A_344] : memref<16384xf32, #tpu.memory_space<vmem>>[vector<16xi32>], vector<16xf32>,
      %sub3A_346 = arith.constant 128 : i32
      %sub3A_347 = vector.broadcast %sub3A_346 : i32 to vector<16xi32>
      %sub3A_348 = arith.subi %add3A_159, %sub3A_347 : vector<16xi32>
      %broadcast_in_dim3A_349 = arith.constant 9 : i32
      %broadcast_in_dim3A_350 = vector.broadcast %broadcast_in_dim3A_349 : i32 to vector<16xi32>
      %gather3A_351 = arith.constant 1 : i32
      %gather3A_352 = arith.constant 0 : i32
      %gather3A_353 = arith.constant 0 : i32
      %gather3A_354 = tpu.memref_slice %arg8[%gather3A_351, %gather3A_352, %gather3A_353] : memref<2x128x32xf32, #tpu.memory_space<vmem>> -> memref<1x128x32xf32, #tpu.memory_space<vmem>>
      %gather3A_355 = tpu.memref_squeeze %gather3A_354 : memref<1x128x32xf32, #tpu.memory_space<vmem>> -> memref<128x32xf32, #tpu.memory_space<vmem>>
      %gather3A_356 = tpu.vector_load_idx %gather3A_355[%sub3A_348, %broadcast_in_dim3A_350] : memref<128x32xf32, #tpu.memory_space<vmem>>[vector<16xi32>, vector<16xi32>], vector<16xf32>,
      %mul3A_357 = arith.mulf %gather3A_345, %gather3A_356 : vector<16xf32>
      %add3A_358 = arith.addf %add3A_338, %mul3A_357 : vector<16xf32>
      %mul3A_359 = arith.constant 32 : i32
      %mul3A_360 = vector.broadcast %mul3A_359 : i32 to vector<16xi32>
      %mul3A_361 = arith.muli %add3A_159, %mul3A_360 : vector<16xi32>
      %add3A_362 = arith.constant 10 : i32
      %add3A_363 = vector.broadcast %add3A_362 : i32 to vector<16xi32>
      %add3A_364 = arith.addi %mul3A_361, %add3A_363 : vector<16xi32>
      %gather3A_365 = tpu.vector_load_idx %arg7[%add3A_364] : memref<16384xf32, #tpu.memory_space<vmem>>[vector<16xi32>], vector<16xf32>,
      %sub3A_366 = arith.constant 128 : i32
      %sub3A_367 = vector.broadcast %sub3A_366 : i32 to vector<16xi32>
      %sub3A_368 = arith.subi %add3A_159, %sub3A_367 : vector<16xi32>
      %broadcast_in_dim3A_369 = arith.constant 10 : i32
      %broadcast_in_dim3A_370 = vector.broadcast %broadcast_in_dim3A_369 : i32 to vector<16xi32>
      %gather3A_371 = arith.constant 1 : i32
      %gather3A_372 = arith.constant 0 : i32
      %gather3A_373 = arith.constant 0 : i32
      %gather3A_374 = tpu.memref_slice %arg8[%gather3A_371, %gather3A_372, %gather3A_373] : memref<2x128x32xf32, #tpu.memory_space<vmem>> -> memref<1x128x32xf32, #tpu.memory_space<vmem>>
      %gather3A_375 = tpu.memref_squeeze %gather3A_374 : memref<1x128x32xf32, #tpu.memory_space<vmem>> -> memref<128x32xf32, #tpu.memory_space<vmem>>
      %gather3A_376 = tpu.vector_load_idx %gather3A_375[%sub3A_368, %broadcast_in_dim3A_370] : memref<128x32xf32, #tpu.memory_space<vmem>>[vector<16xi32>, vector<16xi32>], vector<16xf32>,
      %mul3A_377 = arith.mulf %gather3A_365, %gather3A_376 : vector<16xf32>
      %add3A_378 = arith.addf %add3A_358, %mul3A_377 : vector<16xf32>
      %mul3A_379 = arith.constant 32 : i32
      %mul3A_380 = vector.broadcast %mul3A_379 : i32 to vector<16xi32>
      %mul3A_381 = arith.muli %add3A_159, %mul3A_380 : vector<16xi32>
      %add3A_382 = arith.constant 11 : i32
      %add3A_383 = vector.broadcast %add3A_382 : i32 to vector<16xi32>
      %add3A_384 = arith.addi %mul3A_381, %add3A_383 : vector<16xi32>
      %gather3A_385 = tpu.vector_load_idx %arg7[%add3A_384] : memref<16384xf32, #tpu.memory_space<vmem>>[vector<16xi32>], vector<16xf32>,
      %sub3A_386 = arith.constant 128 : i32
      %sub3A_387 = vector.broadcast %sub3A_386 : i32 to vector<16xi32>
      %sub3A_388 = arith.subi %add3A_159, %sub3A_387 : vector<16xi32>
      %broadcast_in_dim3A_389 = arith.constant 11 : i32
      %broadcast_in_dim3A_390 = vector.broadcast %broadcast_in_dim3A_389 : i32 to vector<16xi32>
      %gather3A_391 = arith.constant 1 : i32
      %gather3A_392 = arith.constant 0 : i32
      %gather3A_393 = arith.constant 0 : i32
      %gather3A_394 = tpu.memref_slice %arg8[%gather3A_391, %gather3A_392, %gather3A_393] : memref<2x128x32xf32, #tpu.memory_space<vmem>> -> memref<1x128x32xf32, #tpu.memory_space<vmem>>
      %gather3A_395 = tpu.memref_squeeze %gather3A_394 : memref<1x128x32xf32, #tpu.memory_space<vmem>> -> memref<128x32xf32, #tpu.memory_space<vmem>>
      %gather3A_396 = tpu.vector_load_idx %gather3A_395[%sub3A_388, %broadcast_in_dim3A_390] : memref<128x32xf32, #tpu.memory_space<vmem>>[vector<16xi32>, vector<16xi32>], vector<16xf32>,
      %mul3A_397 = arith.mulf %gather3A_385, %gather3A_396 : vector<16xf32>
      %add3A_398 = arith.addf %add3A_378, %mul3A_397 : vector<16xf32>
      %mul3A_399 = arith.constant 32 : i32
      %mul3A_400 = vector.broadcast %mul3A_399 : i32 to vector<16xi32>
      %mul3A_401 = arith.muli %add3A_159, %mul3A_400 : vector<16xi32>
      %add3A_402 = arith.constant 12 : i32
      %add3A_403 = vector.broadcast %add3A_402 : i32 to vector<16xi32>
      %add3A_404 = arith.addi %mul3A_401, %add3A_403 : vector<16xi32>
      %gather3A_405 = tpu.vector_load_idx %arg7[%add3A_404] : memref<16384xf32, #tpu.memory_space<vmem>>[vector<16xi32>], vector<16xf32>,
      %sub3A_406 = arith.constant 128 : i32
      %sub3A_407 = vector.broadcast %sub3A_406 : i32 to vector<16xi32>
      %sub3A_408 = arith.subi %add3A_159, %sub3A_407 : vector<16xi32>
      %broadcast_in_dim3A_409 = arith.constant 12 : i32
      %broadcast_in_dim3A_410 = vector.broadcast %broadcast_in_dim3A_409 : i32 to vector<16xi32>
      %gather3A_411 = arith.constant 1 : i32
      %gather3A_412 = arith.constant 0 : i32
      %gather3A_413 = arith.constant 0 : i32
      %gather3A_414 = tpu.memref_slice %arg8[%gather3A_411, %gather3A_412, %gather3A_413] : memref<2x128x32xf32, #tpu.memory_space<vmem>> -> memref<1x128x32xf32, #tpu.memory_space<vmem>>
      %gather3A_415 = tpu.memref_squeeze %gather3A_414 : memref<1x128x32xf32, #tpu.memory_space<vmem>> -> memref<128x32xf32, #tpu.memory_space<vmem>>
      %gather3A_416 = tpu.vector_load_idx %gather3A_415[%sub3A_408, %broadcast_in_dim3A_410] : memref<128x32xf32, #tpu.memory_space<vmem>>[vector<16xi32>, vector<16xi32>], vector<16xf32>,
      %mul3A_417 = arith.mulf %gather3A_405, %gather3A_416 : vector<16xf32>
      %add3A_418 = arith.addf %add3A_398, %mul3A_417 : vector<16xf32>
      %mul3A_419 = arith.constant 32 : i32
      %mul3A_420 = vector.broadcast %mul3A_419 : i32 to vector<16xi32>
      %mul3A_421 = arith.muli %add3A_159, %mul3A_420 : vector<16xi32>
      %add3A_422 = arith.constant 13 : i32
      %add3A_423 = vector.broadcast %add3A_422 : i32 to vector<16xi32>
      %add3A_424 = arith.addi %mul3A_421, %add3A_423 : vector<16xi32>
      %gather3A_425 = tpu.vector_load_idx %arg7[%add3A_424] : memref<16384xf32, #tpu.memory_space<vmem>>[vector<16xi32>], vector<16xf32>,
      %sub3A_426 = arith.constant 128 : i32
      %sub3A_427 = vector.broadcast %sub3A_426 : i32 to vector<16xi32>
      %sub3A_428 = arith.subi %add3A_159, %sub3A_427 : vector<16xi32>
      %broadcast_in_dim3A_429 = arith.constant 13 : i32
      %broadcast_in_dim3A_430 = vector.broadcast %broadcast_in_dim3A_429 : i32 to vector<16xi32>
      %gather3A_431 = arith.constant 1 : i32
      %gather3A_432 = arith.constant 0 : i32
      %gather3A_433 = arith.constant 0 : i32
      %gather3A_434 = tpu.memref_slice %arg8[%gather3A_431, %gather3A_432, %gather3A_433] : memref<2x128x32xf32, #tpu.memory_space<vmem>> -> memref<1x128x32xf32, #tpu.memory_space<vmem>>
      %gather3A_435 = tpu.memref_squeeze %gather3A_434 : memref<1x128x32xf32, #tpu.memory_space<vmem>> -> memref<128x32xf32, #tpu.memory_space<vmem>>
      %gather3A_436 = tpu.vector_load_idx %gather3A_435[%sub3A_428, %broadcast_in_dim3A_430] : memref<128x32xf32, #tpu.memory_space<vmem>>[vector<16xi32>, vector<16xi32>], vector<16xf32>,
      %mul3A_437 = arith.mulf %gather3A_425, %gather3A_436 : vector<16xf32>
      %add3A_438 = arith.addf %add3A_418, %mul3A_437 : vector<16xf32>
      %mul3A_439 = arith.constant 32 : i32
      %mul3A_440 = vector.broadcast %mul3A_439 : i32 to vector<16xi32>
      %mul3A_441 = arith.muli %add3A_159, %mul3A_440 : vector<16xi32>
      %add3A_442 = arith.constant 14 : i32
      %add3A_443 = vector.broadcast %add3A_442 : i32 to vector<16xi32>
      %add3A_444 = arith.addi %mul3A_441, %add3A_443 : vector<16xi32>
      %gather3A_445 = tpu.vector_load_idx %arg7[%add3A_444] : memref<16384xf32, #tpu.memory_space<vmem>>[vector<16xi32>], vector<16xf32>,
      %sub3A_446 = arith.constant 128 : i32
      %sub3A_447 = vector.broadcast %sub3A_446 : i32 to vector<16xi32>
      %sub3A_448 = arith.subi %add3A_159, %sub3A_447 : vector<16xi32>
      %broadcast_in_dim3A_449 = arith.constant 14 : i32
      %broadcast_in_dim3A_450 = vector.broadcast %broadcast_in_dim3A_449 : i32 to vector<16xi32>
      %gather3A_451 = arith.constant 1 : i32
      %gather3A_452 = arith.constant 0 : i32
      %gather3A_453 = arith.constant 0 : i32
      %gather3A_454 = tpu.memref_slice %arg8[%gather3A_451, %gather3A_452, %gather3A_453] : memref<2x128x32xf32, #tpu.memory_space<vmem>> -> memref<1x128x32xf32, #tpu.memory_space<vmem>>
      %gather3A_455 = tpu.memref_squeeze %gather3A_454 : memref<1x128x32xf32, #tpu.memory_space<vmem>> -> memref<128x32xf32, #tpu.memory_space<vmem>>
      %gather3A_456 = tpu.vector_load_idx %gather3A_455[%sub3A_448, %broadcast_in_dim3A_450] : memref<128x32xf32, #tpu.memory_space<vmem>>[vector<16xi32>, vector<16xi32>], vector<16xf32>,
      %mul3A_457 = arith.mulf %gather3A_445, %gather3A_456 : vector<16xf32>
      %add3A_458 = arith.addf %add3A_438, %mul3A_457 : vector<16xf32>
      %mul3A_459 = arith.constant 32 : i32
      %mul3A_460 = vector.broadcast %mul3A_459 : i32 to vector<16xi32>
      %mul3A_461 = arith.muli %add3A_159, %mul3A_460 : vector<16xi32>
      %add3A_462 = arith.constant 15 : i32
      %add3A_463 = vector.broadcast %add3A_462 : i32 to vector<16xi32>
      %add3A_464 = arith.addi %mul3A_461, %add3A_463 : vector<16xi32>
      %gather3A_465 = tpu.vector_load_idx %arg7[%add3A_464] : memref<16384xf32, #tpu.memory_space<vmem>>[vector<16xi32>], vector<16xf32>,
      %sub3A_466 = arith.constant 128 : i32
      %sub3A_467 = vector.broadcast %sub3A_466 : i32 to vector<16xi32>
      %sub3A_468 = arith.subi %add3A_159, %sub3A_467 : vector<16xi32>
      %broadcast_in_dim3A_469 = arith.constant 15 : i32
      %broadcast_in_dim3A_470 = vector.broadcast %broadcast_in_dim3A_469 : i32 to vector<16xi32>
      %gather3A_471 = arith.constant 1 : i32
      %gather3A_472 = arith.constant 0 : i32
      %gather3A_473 = arith.constant 0 : i32
      %gather3A_474 = tpu.memref_slice %arg8[%gather3A_471, %gather3A_472, %gather3A_473] : memref<2x128x32xf32, #tpu.memory_space<vmem>> -> memref<1x128x32xf32, #tpu.memory_space<vmem>>
      %gather3A_475 = tpu.memref_squeeze %gather3A_474 : memref<1x128x32xf32, #tpu.memory_space<vmem>> -> memref<128x32xf32, #tpu.memory_space<vmem>>
      %gather3A_476 = tpu.vector_load_idx %gather3A_475[%sub3A_468, %broadcast_in_dim3A_470] : memref<128x32xf32, #tpu.memory_space<vmem>>[vector<16xi32>, vector<16xi32>], vector<16xf32>,
      %mul3A_477 = arith.mulf %gather3A_465, %gather3A_476 : vector<16xf32>
      %add3A_478 = arith.addf %add3A_458, %mul3A_477 : vector<16xf32>
      %mul3A_479 = arith.constant 32 : i32
      %mul3A_480 = vector.broadcast %mul3A_479 : i32 to vector<16xi32>
      %mul3A_481 = arith.muli %add3A_159, %mul3A_480 : vector<16xi32>
      %add3A_482 = arith.constant 16 : i32
      %add3A_483 = vector.broadcast %add3A_482 : i32 to vector<16xi32>
      %add3A_484 = arith.addi %mul3A_481, %add3A_483 : vector<16xi32>
      %gather3A_485 = tpu.vector_load_idx %arg7[%add3A_484] : memref<16384xf32, #tpu.memory_space<vmem>>[vector<16xi32>], vector<16xf32>,
      %sub3A_486 = arith.constant 128 : i32
      %sub3A_487 = vector.broadcast %sub3A_486 : i32 to vector<16xi32>
      %sub3A_488 = arith.subi %add3A_159, %sub3A_487 : vector<16xi32>
      %broadcast_in_dim3A_489 = arith.constant 16 : i32
      %broadcast_in_dim3A_490 = vector.broadcast %broadcast_in_dim3A_489 : i32 to vector<16xi32>
      %gather3A_491 = arith.constant 1 : i32
      %gather3A_492 = arith.constant 0 : i32
      %gather3A_493 = arith.constant 0 : i32
      %gather3A_494 = tpu.memref_slice %arg8[%gather3A_491, %gather3A_492, %gather3A_493] : memref<2x128x32xf32, #tpu.memory_space<vmem>> -> memref<1x128x32xf32, #tpu.memory_space<vmem>>
      %gather3A_495 = tpu.memref_squeeze %gather3A_494 : memref<1x128x32xf32, #tpu.memory_space<vmem>> -> memref<128x32xf32, #tpu.memory_space<vmem>>
      %gather3A_496 = tpu.vector_load_idx %gather3A_495[%sub3A_488, %broadcast_in_dim3A_490] : memref<128x32xf32, #tpu.memory_space<vmem>>[vector<16xi32>, vector<16xi32>], vector<16xf32>,
      %mul3A_497 = arith.mulf %gather3A_485, %gather3A_496 : vector<16xf32>
      %add3A_498 = arith.addf %add3A_478, %mul3A_497 : vector<16xf32>
      %mul3A_499 = arith.constant 32 : i32
      %mul3A_500 = vector.broadcast %mul3A_499 : i32 to vector<16xi32>
      %mul3A_501 = arith.muli %add3A_159, %mul3A_500 : vector<16xi32>
      %add3A_502 = arith.constant 17 : i32
      %add3A_503 = vector.broadcast %add3A_502 : i32 to vector<16xi32>
      %add3A_504 = arith.addi %mul3A_501, %add3A_503 : vector<16xi32>
      %gather3A_505 = tpu.vector_load_idx %arg7[%add3A_504] : memref<16384xf32, #tpu.memory_space<vmem>>[vector<16xi32>], vector<16xf32>,
      %sub3A_506 = arith.constant 128 : i32
      %sub3A_507 = vector.broadcast %sub3A_506 : i32 to vector<16xi32>
      %sub3A_508 = arith.subi %add3A_159, %sub3A_507 : vector<16xi32>
      %broadcast_in_dim3A_509 = arith.constant 17 : i32
      %broadcast_in_dim3A_510 = vector.broadcast %broadcast_in_dim3A_509 : i32 to vector<16xi32>
      %gather3A_511 = arith.constant 1 : i32
      %gather3A_512 = arith.constant 0 : i32
      %gather3A_513 = arith.constant 0 : i32
      %gather3A_514 = tpu.memref_slice %arg8[%gather3A_511, %gather3A_512, %gather3A_513] : memref<2x128x32xf32, #tpu.memory_space<vmem>> -> memref<1x128x32xf32, #tpu.memory_space<vmem>>
      %gather3A_515 = tpu.memref_squeeze %gather3A_514 : memref<1x128x32xf32, #tpu.memory_space<vmem>> -> memref<128x32xf32, #tpu.memory_space<vmem>>
      %gather3A_516 = tpu.vector_load_idx %gather3A_515[%sub3A_508, %broadcast_in_dim3A_510] : memref<128x32xf32, #tpu.memory_space<vmem>>[vector<16xi32>, vector<16xi32>], vector<16xf32>,
      %mul3A_517 = arith.mulf %gather3A_505, %gather3A_516 : vector<16xf32>
      %add3A_518 = arith.addf %add3A_498, %mul3A_517 : vector<16xf32>
      %mul3A_519 = arith.constant 32 : i32
      %mul3A_520 = vector.broadcast %mul3A_519 : i32 to vector<16xi32>
      %mul3A_521 = arith.muli %add3A_159, %mul3A_520 : vector<16xi32>
      %add3A_522 = arith.constant 18 : i32
      %add3A_523 = vector.broadcast %add3A_522 : i32 to vector<16xi32>
      %add3A_524 = arith.addi %mul3A_521, %add3A_523 : vector<16xi32>
      %gather3A_525 = tpu.vector_load_idx %arg7[%add3A_524] : memref<16384xf32, #tpu.memory_space<vmem>>[vector<16xi32>], vector<16xf32>,
      %sub3A_526 = arith.constant 128 : i32
      %sub3A_527 = vector.broadcast %sub3A_526 : i32 to vector<16xi32>
      %sub3A_528 = arith.subi %add3A_159, %sub3A_527 : vector<16xi32>
      %broadcast_in_dim3A_529 = arith.constant 18 : i32
      %broadcast_in_dim3A_530 = vector.broadcast %broadcast_in_dim3A_529 : i32 to vector<16xi32>
      %gather3A_531 = arith.constant 1 : i32
      %gather3A_532 = arith.constant 0 : i32
      %gather3A_533 = arith.constant 0 : i32
      %gather3A_534 = tpu.memref_slice %arg8[%gather3A_531, %gather3A_532, %gather3A_533] : memref<2x128x32xf32, #tpu.memory_space<vmem>> -> memref<1x128x32xf32, #tpu.memory_space<vmem>>
      %gather3A_535 = tpu.memref_squeeze %gather3A_534 : memref<1x128x32xf32, #tpu.memory_space<vmem>> -> memref<128x32xf32, #tpu.memory_space<vmem>>
      %gather3A_536 = tpu.vector_load_idx %gather3A_535[%sub3A_528, %broadcast_in_dim3A_530] : memref<128x32xf32, #tpu.memory_space<vmem>>[vector<16xi32>, vector<16xi32>], vector<16xf32>,
      %mul3A_537 = arith.mulf %gather3A_525, %gather3A_536 : vector<16xf32>
      %add3A_538 = arith.addf %add3A_518, %mul3A_537 : vector<16xf32>
      %mul3A_539 = arith.constant 32 : i32
      %mul3A_540 = vector.broadcast %mul3A_539 : i32 to vector<16xi32>
      %mul3A_541 = arith.muli %add3A_159, %mul3A_540 : vector<16xi32>
      %add3A_542 = arith.constant 19 : i32
      %add3A_543 = vector.broadcast %add3A_542 : i32 to vector<16xi32>
      %add3A_544 = arith.addi %mul3A_541, %add3A_543 : vector<16xi32>
      %gather3A_545 = tpu.vector_load_idx %arg7[%add3A_544] : memref<16384xf32, #tpu.memory_space<vmem>>[vector<16xi32>], vector<16xf32>,
      %sub3A_546 = arith.constant 128 : i32
      %sub3A_547 = vector.broadcast %sub3A_546 : i32 to vector<16xi32>
      %sub3A_548 = arith.subi %add3A_159, %sub3A_547 : vector<16xi32>
      %broadcast_in_dim3A_549 = arith.constant 19 : i32
      %broadcast_in_dim3A_550 = vector.broadcast %broadcast_in_dim3A_549 : i32 to vector<16xi32>
      %gather3A_551 = arith.constant 1 : i32
      %gather3A_552 = arith.constant 0 : i32
      %gather3A_553 = arith.constant 0 : i32
      %gather3A_554 = tpu.memref_slice %arg8[%gather3A_551, %gather3A_552, %gather3A_553] : memref<2x128x32xf32, #tpu.memory_space<vmem>> -> memref<1x128x32xf32, #tpu.memory_space<vmem>>
      %gather3A_555 = tpu.memref_squeeze %gather3A_554 : memref<1x128x32xf32, #tpu.memory_space<vmem>> -> memref<128x32xf32, #tpu.memory_space<vmem>>
      %gather3A_556 = tpu.vector_load_idx %gather3A_555[%sub3A_548, %broadcast_in_dim3A_550] : memref<128x32xf32, #tpu.memory_space<vmem>>[vector<16xi32>, vector<16xi32>], vector<16xf32>,
      %mul3A_557 = arith.mulf %gather3A_545, %gather3A_556 : vector<16xf32>
      %add3A_558 = arith.addf %add3A_538, %mul3A_557 : vector<16xf32>
      %mul3A_559 = arith.constant 32 : i32
      %mul3A_560 = vector.broadcast %mul3A_559 : i32 to vector<16xi32>
      %mul3A_561 = arith.muli %add3A_159, %mul3A_560 : vector<16xi32>
      %add3A_562 = arith.constant 20 : i32
      %add3A_563 = vector.broadcast %add3A_562 : i32 to vector<16xi32>
      %add3A_564 = arith.addi %mul3A_561, %add3A_563 : vector<16xi32>
      %gather3A_565 = tpu.vector_load_idx %arg7[%add3A_564] : memref<16384xf32, #tpu.memory_space<vmem>>[vector<16xi32>], vector<16xf32>,
      %sub3A_566 = arith.constant 128 : i32
      %sub3A_567 = vector.broadcast %sub3A_566 : i32 to vector<16xi32>
      %sub3A_568 = arith.subi %add3A_159, %sub3A_567 : vector<16xi32>
      %broadcast_in_dim3A_569 = arith.constant 20 : i32
      %broadcast_in_dim3A_570 = vector.broadcast %broadcast_in_dim3A_569 : i32 to vector<16xi32>
      %gather3A_571 = arith.constant 1 : i32
      %gather3A_572 = arith.constant 0 : i32
      %gather3A_573 = arith.constant 0 : i32
      %gather3A_574 = tpu.memref_slice %arg8[%gather3A_571, %gather3A_572, %gather3A_573] : memref<2x128x32xf32, #tpu.memory_space<vmem>> -> memref<1x128x32xf32, #tpu.memory_space<vmem>>
      %gather3A_575 = tpu.memref_squeeze %gather3A_574 : memref<1x128x32xf32, #tpu.memory_space<vmem>> -> memref<128x32xf32, #tpu.memory_space<vmem>>
      %gather3A_576 = tpu.vector_load_idx %gather3A_575[%sub3A_568, %broadcast_in_dim3A_570] : memref<128x32xf32, #tpu.memory_space<vmem>>[vector<16xi32>, vector<16xi32>], vector<16xf32>,
      %mul3A_577 = arith.mulf %gather3A_565, %gather3A_576 : vector<16xf32>
      %add3A_578 = arith.addf %add3A_558, %mul3A_577 : vector<16xf32>
      %mul3A_579 = arith.constant 32 : i32
      %mul3A_580 = vector.broadcast %mul3A_579 : i32 to vector<16xi32>
      %mul3A_581 = arith.muli %add3A_159, %mul3A_580 : vector<16xi32>
      %add3A_582 = arith.constant 21 : i32
      %add3A_583 = vector.broadcast %add3A_582 : i32 to vector<16xi32>
      %add3A_584 = arith.addi %mul3A_581, %add3A_583 : vector<16xi32>
      %gather3A_585 = tpu.vector_load_idx %arg7[%add3A_584] : memref<16384xf32, #tpu.memory_space<vmem>>[vector<16xi32>], vector<16xf32>,
      %sub3A_586 = arith.constant 128 : i32
      %sub3A_587 = vector.broadcast %sub3A_586 : i32 to vector<16xi32>
      %sub3A_588 = arith.subi %add3A_159, %sub3A_587 : vector<16xi32>
      %broadcast_in_dim3A_589 = arith.constant 21 : i32
      %broadcast_in_dim3A_590 = vector.broadcast %broadcast_in_dim3A_589 : i32 to vector<16xi32>
      %gather3A_591 = arith.constant 1 : i32
      %gather3A_592 = arith.constant 0 : i32
      %gather3A_593 = arith.constant 0 : i32
      %gather3A_594 = tpu.memref_slice %arg8[%gather3A_591, %gather3A_592, %gather3A_593] : memref<2x128x32xf32, #tpu.memory_space<vmem>> -> memref<1x128x32xf32, #tpu.memory_space<vmem>>
      %gather3A_595 = tpu.memref_squeeze %gather3A_594 : memref<1x128x32xf32, #tpu.memory_space<vmem>> -> memref<128x32xf32, #tpu.memory_space<vmem>>
      %gather3A_596 = tpu.vector_load_idx %gather3A_595[%sub3A_588, %broadcast_in_dim3A_590] : memref<128x32xf32, #tpu.memory_space<vmem>>[vector<16xi32>, vector<16xi32>], vector<16xf32>,
      %mul3A_597 = arith.mulf %gather3A_585, %gather3A_596 : vector<16xf32>
      %add3A_598 = arith.addf %add3A_578, %mul3A_597 : vector<16xf32>
      %mul3A_599 = arith.constant 32 : i32
      %mul3A_600 = vector.broadcast %mul3A_599 : i32 to vector<16xi32>
      %mul3A_601 = arith.muli %add3A_159, %mul3A_600 : vector<16xi32>
      %add3A_602 = arith.constant 22 : i32
      %add3A_603 = vector.broadcast %add3A_602 : i32 to vector<16xi32>
      %add3A_604 = arith.addi %mul3A_601, %add3A_603 : vector<16xi32>
      %gather3A_605 = tpu.vector_load_idx %arg7[%add3A_604] : memref<16384xf32, #tpu.memory_space<vmem>>[vector<16xi32>], vector<16xf32>,
      %sub3A_606 = arith.constant 128 : i32
      %sub3A_607 = vector.broadcast %sub3A_606 : i32 to vector<16xi32>
      %sub3A_608 = arith.subi %add3A_159, %sub3A_607 : vector<16xi32>
      %broadcast_in_dim3A_609 = arith.constant 22 : i32
      %broadcast_in_dim3A_610 = vector.broadcast %broadcast_in_dim3A_609 : i32 to vector<16xi32>
      %gather3A_611 = arith.constant 1 : i32
      %gather3A_612 = arith.constant 0 : i32
      %gather3A_613 = arith.constant 0 : i32
      %gather3A_614 = tpu.memref_slice %arg8[%gather3A_611, %gather3A_612, %gather3A_613] : memref<2x128x32xf32, #tpu.memory_space<vmem>> -> memref<1x128x32xf32, #tpu.memory_space<vmem>>
      %gather3A_615 = tpu.memref_squeeze %gather3A_614 : memref<1x128x32xf32, #tpu.memory_space<vmem>> -> memref<128x32xf32, #tpu.memory_space<vmem>>
      %gather3A_616 = tpu.vector_load_idx %gather3A_615[%sub3A_608, %broadcast_in_dim3A_610] : memref<128x32xf32, #tpu.memory_space<vmem>>[vector<16xi32>, vector<16xi32>], vector<16xf32>,
      %mul3A_617 = arith.mulf %gather3A_605, %gather3A_616 : vector<16xf32>
      %add3A_618 = arith.addf %add3A_598, %mul3A_617 : vector<16xf32>
      %mul3A_619 = arith.constant 32 : i32
      %mul3A_620 = vector.broadcast %mul3A_619 : i32 to vector<16xi32>
      %mul3A_621 = arith.muli %add3A_159, %mul3A_620 : vector<16xi32>
      %add3A_622 = arith.constant 23 : i32
      %add3A_623 = vector.broadcast %add3A_622 : i32 to vector<16xi32>
      %add3A_624 = arith.addi %mul3A_621, %add3A_623 : vector<16xi32>
      %gather3A_625 = tpu.vector_load_idx %arg7[%add3A_624] : memref<16384xf32, #tpu.memory_space<vmem>>[vector<16xi32>], vector<16xf32>,
      %sub3A_626 = arith.constant 128 : i32
      %sub3A_627 = vector.broadcast %sub3A_626 : i32 to vector<16xi32>
      %sub3A_628 = arith.subi %add3A_159, %sub3A_627 : vector<16xi32>
      %broadcast_in_dim3A_629 = arith.constant 23 : i32
      %broadcast_in_dim3A_630 = vector.broadcast %broadcast_in_dim3A_629 : i32 to vector<16xi32>
      %gather3A_631 = arith.constant 1 : i32
      %gather3A_632 = arith.constant 0 : i32
      %gather3A_633 = arith.constant 0 : i32
      %gather3A_634 = tpu.memref_slice %arg8[%gather3A_631, %gather3A_632, %gather3A_633] : memref<2x128x32xf32, #tpu.memory_space<vmem>> -> memref<1x128x32xf32, #tpu.memory_space<vmem>>
      %gather3A_635 = tpu.memref_squeeze %gather3A_634 : memref<1x128x32xf32, #tpu.memory_space<vmem>> -> memref<128x32xf32, #tpu.memory_space<vmem>>
      %gather3A_636 = tpu.vector_load_idx %gather3A_635[%sub3A_628, %broadcast_in_dim3A_630] : memref<128x32xf32, #tpu.memory_space<vmem>>[vector<16xi32>, vector<16xi32>], vector<16xf32>,
      %mul3A_637 = arith.mulf %gather3A_625, %gather3A_636 : vector<16xf32>
      %add3A_638 = arith.addf %add3A_618, %mul3A_637 : vector<16xf32>
      %mul3A_639 = arith.constant 32 : i32
      %mul3A_640 = vector.broadcast %mul3A_639 : i32 to vector<16xi32>
      %mul3A_641 = arith.muli %add3A_159, %mul3A_640 : vector<16xi32>
      %add3A_642 = arith.constant 24 : i32
      %add3A_643 = vector.broadcast %add3A_642 : i32 to vector<16xi32>
      %add3A_644 = arith.addi %mul3A_641, %add3A_643 : vector<16xi32>
      %gather3A_645 = tpu.vector_load_idx %arg7[%add3A_644] : memref<16384xf32, #tpu.memory_space<vmem>>[vector<16xi32>], vector<16xf32>,
      %sub3A_646 = arith.constant 128 : i32
      %sub3A_647 = vector.broadcast %sub3A_646 : i32 to vector<16xi32>
      %sub3A_648 = arith.subi %add3A_159, %sub3A_647 : vector<16xi32>
      %broadcast_in_dim3A_649 = arith.constant 24 : i32
      %broadcast_in_dim3A_650 = vector.broadcast %broadcast_in_dim3A_649 : i32 to vector<16xi32>
      %gather3A_651 = arith.constant 1 : i32
      %gather3A_652 = arith.constant 0 : i32
      %gather3A_653 = arith.constant 0 : i32
      %gather3A_654 = tpu.memref_slice %arg8[%gather3A_651, %gather3A_652, %gather3A_653] : memref<2x128x32xf32, #tpu.memory_space<vmem>> -> memref<1x128x32xf32, #tpu.memory_space<vmem>>
      %gather3A_655 = tpu.memref_squeeze %gather3A_654 : memref<1x128x32xf32, #tpu.memory_space<vmem>> -> memref<128x32xf32, #tpu.memory_space<vmem>>
      %gather3A_656 = tpu.vector_load_idx %gather3A_655[%sub3A_648, %broadcast_in_dim3A_650] : memref<128x32xf32, #tpu.memory_space<vmem>>[vector<16xi32>, vector<16xi32>], vector<16xf32>,
      %mul3A_657 = arith.mulf %gather3A_645, %gather3A_656 : vector<16xf32>
      %add3A_658 = arith.addf %add3A_638, %mul3A_657 : vector<16xf32>
      %mul3A_659 = arith.constant 32 : i32
      %mul3A_660 = vector.broadcast %mul3A_659 : i32 to vector<16xi32>
      %mul3A_661 = arith.muli %add3A_159, %mul3A_660 : vector<16xi32>
      %add3A_662 = arith.constant 25 : i32
      %add3A_663 = vector.broadcast %add3A_662 : i32 to vector<16xi32>
      %add3A_664 = arith.addi %mul3A_661, %add3A_663 : vector<16xi32>
      %gather3A_665 = tpu.vector_load_idx %arg7[%add3A_664] : memref<16384xf32, #tpu.memory_space<vmem>>[vector<16xi32>], vector<16xf32>,
      %sub3A_666 = arith.constant 128 : i32
      %sub3A_667 = vector.broadcast %sub3A_666 : i32 to vector<16xi32>
      %sub3A_668 = arith.subi %add3A_159, %sub3A_667 : vector<16xi32>
      %broadcast_in_dim3A_669 = arith.constant 25 : i32
      %broadcast_in_dim3A_670 = vector.broadcast %broadcast_in_dim3A_669 : i32 to vector<16xi32>
      %gather3A_671 = arith.constant 1 : i32
      %gather3A_672 = arith.constant 0 : i32
      %gather3A_673 = arith.constant 0 : i32
      %gather3A_674 = tpu.memref_slice %arg8[%gather3A_671, %gather3A_672, %gather3A_673] : memref<2x128x32xf32, #tpu.memory_space<vmem>> -> memref<1x128x32xf32, #tpu.memory_space<vmem>>
      %gather3A_675 = tpu.memref_squeeze %gather3A_674 : memref<1x128x32xf32, #tpu.memory_space<vmem>> -> memref<128x32xf32, #tpu.memory_space<vmem>>
      %gather3A_676 = tpu.vector_load_idx %gather3A_675[%sub3A_668, %broadcast_in_dim3A_670] : memref<128x32xf32, #tpu.memory_space<vmem>>[vector<16xi32>, vector<16xi32>], vector<16xf32>,
      %mul3A_677 = arith.mulf %gather3A_665, %gather3A_676 : vector<16xf32>
      %add3A_678 = arith.addf %add3A_658, %mul3A_677 : vector<16xf32>
      %mul3A_679 = arith.constant 32 : i32
      %mul3A_680 = vector.broadcast %mul3A_679 : i32 to vector<16xi32>
      %mul3A_681 = arith.muli %add3A_159, %mul3A_680 : vector<16xi32>
      %add3A_682 = arith.constant 26 : i32
      %add3A_683 = vector.broadcast %add3A_682 : i32 to vector<16xi32>
      %add3A_684 = arith.addi %mul3A_681, %add3A_683 : vector<16xi32>
      %gather3A_685 = tpu.vector_load_idx %arg7[%add3A_684] : memref<16384xf32, #tpu.memory_space<vmem>>[vector<16xi32>], vector<16xf32>,
      %sub3A_686 = arith.constant 128 : i32
      %sub3A_687 = vector.broadcast %sub3A_686 : i32 to vector<16xi32>
      %sub3A_688 = arith.subi %add3A_159, %sub3A_687 : vector<16xi32>
      %broadcast_in_dim3A_689 = arith.constant 26 : i32
      %broadcast_in_dim3A_690 = vector.broadcast %broadcast_in_dim3A_689 : i32 to vector<16xi32>
      %gather3A_691 = arith.constant 1 : i32
      %gather3A_692 = arith.constant 0 : i32
      %gather3A_693 = arith.constant 0 : i32
      %gather3A_694 = tpu.memref_slice %arg8[%gather3A_691, %gather3A_692, %gather3A_693] : memref<2x128x32xf32, #tpu.memory_space<vmem>> -> memref<1x128x32xf32, #tpu.memory_space<vmem>>
      %gather3A_695 = tpu.memref_squeeze %gather3A_694 : memref<1x128x32xf32, #tpu.memory_space<vmem>> -> memref<128x32xf32, #tpu.memory_space<vmem>>
      %gather3A_696 = tpu.vector_load_idx %gather3A_695[%sub3A_688, %broadcast_in_dim3A_690] : memref<128x32xf32, #tpu.memory_space<vmem>>[vector<16xi32>, vector<16xi32>], vector<16xf32>,
      %mul3A_697 = arith.mulf %gather3A_685, %gather3A_696 : vector<16xf32>
      %add3A_698 = arith.addf %add3A_678, %mul3A_697 : vector<16xf32>
      %mul3A_699 = arith.constant 32 : i32
      %mul3A_700 = vector.broadcast %mul3A_699 : i32 to vector<16xi32>
      %mul3A_701 = arith.muli %add3A_159, %mul3A_700 : vector<16xi32>
      %add3A_702 = arith.constant 27 : i32
      %add3A_703 = vector.broadcast %add3A_702 : i32 to vector<16xi32>
      %add3A_704 = arith.addi %mul3A_701, %add3A_703 : vector<16xi32>
      %gather3A_705 = tpu.vector_load_idx %arg7[%add3A_704] : memref<16384xf32, #tpu.memory_space<vmem>>[vector<16xi32>], vector<16xf32>,
      %sub3A_706 = arith.constant 128 : i32
      %sub3A_707 = vector.broadcast %sub3A_706 : i32 to vector<16xi32>
      %sub3A_708 = arith.subi %add3A_159, %sub3A_707 : vector<16xi32>
      %broadcast_in_dim3A_709 = arith.constant 27 : i32
      %broadcast_in_dim3A_710 = vector.broadcast %broadcast_in_dim3A_709 : i32 to vector<16xi32>
      %gather3A_711 = arith.constant 1 : i32
      %gather3A_712 = arith.constant 0 : i32
      %gather3A_713 = arith.constant 0 : i32
      %gather3A_714 = tpu.memref_slice %arg8[%gather3A_711, %gather3A_712, %gather3A_713] : memref<2x128x32xf32, #tpu.memory_space<vmem>> -> memref<1x128x32xf32, #tpu.memory_space<vmem>>
      %gather3A_715 = tpu.memref_squeeze %gather3A_714 : memref<1x128x32xf32, #tpu.memory_space<vmem>> -> memref<128x32xf32, #tpu.memory_space<vmem>>
      %gather3A_716 = tpu.vector_load_idx %gather3A_715[%sub3A_708, %broadcast_in_dim3A_710] : memref<128x32xf32, #tpu.memory_space<vmem>>[vector<16xi32>, vector<16xi32>], vector<16xf32>,
      %mul3A_717 = arith.mulf %gather3A_705, %gather3A_716 : vector<16xf32>
      %add3A_718 = arith.addf %add3A_698, %mul3A_717 : vector<16xf32>
      %mul3A_719 = arith.constant 32 : i32
      %mul3A_720 = vector.broadcast %mul3A_719 : i32 to vector<16xi32>
      %mul3A_721 = arith.muli %add3A_159, %mul3A_720 : vector<16xi32>
      %add3A_722 = arith.constant 28 : i32
      %add3A_723 = vector.broadcast %add3A_722 : i32 to vector<16xi32>
      %add3A_724 = arith.addi %mul3A_721, %add3A_723 : vector<16xi32>
      %gather3A_725 = tpu.vector_load_idx %arg7[%add3A_724] : memref<16384xf32, #tpu.memory_space<vmem>>[vector<16xi32>], vector<16xf32>,
      %sub3A_726 = arith.constant 128 : i32
      %sub3A_727 = vector.broadcast %sub3A_726 : i32 to vector<16xi32>
      %sub3A_728 = arith.subi %add3A_159, %sub3A_727 : vector<16xi32>
      %broadcast_in_dim3A_729 = arith.constant 28 : i32
      %broadcast_in_dim3A_730 = vector.broadcast %broadcast_in_dim3A_729 : i32 to vector<16xi32>
      %gather3A_731 = arith.constant 1 : i32
      %gather3A_732 = arith.constant 0 : i32
      %gather3A_733 = arith.constant 0 : i32
      %gather3A_734 = tpu.memref_slice %arg8[%gather3A_731, %gather3A_732, %gather3A_733] : memref<2x128x32xf32, #tpu.memory_space<vmem>> -> memref<1x128x32xf32, #tpu.memory_space<vmem>>
      %gather3A_735 = tpu.memref_squeeze %gather3A_734 : memref<1x128x32xf32, #tpu.memory_space<vmem>> -> memref<128x32xf32, #tpu.memory_space<vmem>>
      %gather3A_736 = tpu.vector_load_idx %gather3A_735[%sub3A_728, %broadcast_in_dim3A_730] : memref<128x32xf32, #tpu.memory_space<vmem>>[vector<16xi32>, vector<16xi32>], vector<16xf32>,
      %mul3A_737 = arith.mulf %gather3A_725, %gather3A_736 : vector<16xf32>
      %add3A_738 = arith.addf %add3A_718, %mul3A_737 : vector<16xf32>
      %mul3A_739 = arith.constant 32 : i32
      %mul3A_740 = vector.broadcast %mul3A_739 : i32 to vector<16xi32>
      %mul3A_741 = arith.muli %add3A_159, %mul3A_740 : vector<16xi32>
      %add3A_742 = arith.constant 29 : i32
      %add3A_743 = vector.broadcast %add3A_742 : i32 to vector<16xi32>
      %add3A_744 = arith.addi %mul3A_741, %add3A_743 : vector<16xi32>
      %gather3A_745 = tpu.vector_load_idx %arg7[%add3A_744] : memref<16384xf32, #tpu.memory_space<vmem>>[vector<16xi32>], vector<16xf32>,
      %sub3A_746 = arith.constant 128 : i32
      %sub3A_747 = vector.broadcast %sub3A_746 : i32 to vector<16xi32>
      %sub3A_748 = arith.subi %add3A_159, %sub3A_747 : vector<16xi32>
      %broadcast_in_dim3A_749 = arith.constant 29 : i32
      %broadcast_in_dim3A_750 = vector.broadcast %broadcast_in_dim3A_749 : i32 to vector<16xi32>
      %gather3A_751 = arith.constant 1 : i32
      %gather3A_752 = arith.constant 0 : i32
      %gather3A_753 = arith.constant 0 : i32
      %gather3A_754 = tpu.memref_slice %arg8[%gather3A_751, %gather3A_752, %gather3A_753] : memref<2x128x32xf32, #tpu.memory_space<vmem>> -> memref<1x128x32xf32, #tpu.memory_space<vmem>>
      %gather3A_755 = tpu.memref_squeeze %gather3A_754 : memref<1x128x32xf32, #tpu.memory_space<vmem>> -> memref<128x32xf32, #tpu.memory_space<vmem>>
      %gather3A_756 = tpu.vector_load_idx %gather3A_755[%sub3A_748, %broadcast_in_dim3A_750] : memref<128x32xf32, #tpu.memory_space<vmem>>[vector<16xi32>, vector<16xi32>], vector<16xf32>,
      %mul3A_757 = arith.mulf %gather3A_745, %gather3A_756 : vector<16xf32>
      %add3A_758 = arith.addf %add3A_738, %mul3A_757 : vector<16xf32>
      %mul3A_759 = arith.constant 32 : i32
      %mul3A_760 = vector.broadcast %mul3A_759 : i32 to vector<16xi32>
      %mul3A_761 = arith.muli %add3A_159, %mul3A_760 : vector<16xi32>
      %add3A_762 = arith.constant 30 : i32
      %add3A_763 = vector.broadcast %add3A_762 : i32 to vector<16xi32>
      %add3A_764 = arith.addi %mul3A_761, %add3A_763 : vector<16xi32>
      %gather3A_765 = tpu.vector_load_idx %arg7[%add3A_764] : memref<16384xf32, #tpu.memory_space<vmem>>[vector<16xi32>], vector<16xf32>,
      %sub3A_766 = arith.constant 128 : i32
      %sub3A_767 = vector.broadcast %sub3A_766 : i32 to vector<16xi32>
      %sub3A_768 = arith.subi %add3A_159, %sub3A_767 : vector<16xi32>
      %broadcast_in_dim3A_769 = arith.constant 30 : i32
      %broadcast_in_dim3A_770 = vector.broadcast %broadcast_in_dim3A_769 : i32 to vector<16xi32>
      %gather3A_771 = arith.constant 1 : i32
      %gather3A_772 = arith.constant 0 : i32
      %gather3A_773 = arith.constant 0 : i32
      %gather3A_774 = tpu.memref_slice %arg8[%gather3A_771, %gather3A_772, %gather3A_773] : memref<2x128x32xf32, #tpu.memory_space<vmem>> -> memref<1x128x32xf32, #tpu.memory_space<vmem>>
      %gather3A_775 = tpu.memref_squeeze %gather3A_774 : memref<1x128x32xf32, #tpu.memory_space<vmem>> -> memref<128x32xf32, #tpu.memory_space<vmem>>
      %gather3A_776 = tpu.vector_load_idx %gather3A_775[%sub3A_768, %broadcast_in_dim3A_770] : memref<128x32xf32, #tpu.memory_space<vmem>>[vector<16xi32>, vector<16xi32>], vector<16xf32>,
      %mul3A_777 = arith.mulf %gather3A_765, %gather3A_776 : vector<16xf32>
      %add3A_778 = arith.addf %add3A_758, %mul3A_777 : vector<16xf32>
      %mul3A_779 = arith.constant 32 : i32
      %mul3A_780 = vector.broadcast %mul3A_779 : i32 to vector<16xi32>
      %mul3A_781 = arith.muli %add3A_159, %mul3A_780 : vector<16xi32>
      %add3A_782 = arith.constant 31 : i32
      %add3A_783 = vector.broadcast %add3A_782 : i32 to vector<16xi32>
      %add3A_784 = arith.addi %mul3A_781, %add3A_783 : vector<16xi32>
      %gather3A_785 = tpu.vector_load_idx %arg7[%add3A_784] : memref<16384xf32, #tpu.memory_space<vmem>>[vector<16xi32>], vector<16xf32>,
      %sub3A_786 = arith.constant 128 : i32
      %sub3A_787 = vector.broadcast %sub3A_786 : i32 to vector<16xi32>
      %sub3A_788 = arith.subi %add3A_159, %sub3A_787 : vector<16xi32>
      %broadcast_in_dim3A_789 = arith.constant 31 : i32
      %broadcast_in_dim3A_790 = vector.broadcast %broadcast_in_dim3A_789 : i32 to vector<16xi32>
      %gather3A_791 = arith.constant 1 : i32
      %gather3A_792 = arith.constant 0 : i32
      %gather3A_793 = arith.constant 0 : i32
      %gather3A_794 = tpu.memref_slice %arg8[%gather3A_791, %gather3A_792, %gather3A_793] : memref<2x128x32xf32, #tpu.memory_space<vmem>> -> memref<1x128x32xf32, #tpu.memory_space<vmem>>
      %gather3A_795 = tpu.memref_squeeze %gather3A_794 : memref<1x128x32xf32, #tpu.memory_space<vmem>> -> memref<128x32xf32, #tpu.memory_space<vmem>>
      %gather3A_796 = tpu.vector_load_idx %gather3A_795[%sub3A_788, %broadcast_in_dim3A_790] : memref<128x32xf32, #tpu.memory_space<vmem>>[vector<16xi32>, vector<16xi32>], vector<16xf32>,
      %mul3A_797 = arith.mulf %gather3A_785, %gather3A_796 : vector<16xf32>
      %add3A_798 = arith.addf %add3A_778, %mul3A_797 : vector<16xf32>
      %mul3A_799 = arith.constant 16 : i32
      %mul3A_800 = arith.muli %scan3A_152, %mul3A_799 : i32
      %swap3A = arith.constant 1 : i32
      %swap3A_801 = arith.index_cast %swap3A : i32 to index
      %swap3A_802 = arith.index_cast %mul3A_800 : i32 to index
      %swap3A_803 = tpu.vector_load %arg9[%swap3A_801, %swap3A_802] {strides = array<i32>} : memref<4x128xf32, #tpu.memory_space<vmem>>, vector<16xf32>,
      tpu.vector_store %arg9[%swap3A_801, %swap3A_802], %add3A_798 {strides = array<i32>} : memref<4x128xf32, #tpu.memory_space<vmem>>, vector<16xf32>,
      %scan3A_804 = arith.constant 0 : i32
      scf.yield %scan3A_804 : i32
    }
    %scan3A_92 = arith.constant 8 : i32
    %dma_start3A_93 = arith.constant 3 : i32
    %dma_start3A_94 = arith.constant 1 : i32
    %dma_start3A_95 = arith.constant 1 : i32
    %dma_start3A_96 = arith.constant 0 : i32
    %dma_start3A_97 = arith.constant 0 : i32
    %dma_start3A_98 = tpu.memref_slice %arg8[%dma_start3A_94, %dma_start3A_96, %dma_start3A_97] : memref<2x128x32xf32, #tpu.memory_space<vmem>> -> memref<1x128x32xf32, #tpu.memory_space<vmem>>
    %dma_start3A_99 = tpu.memref_squeeze %dma_start3A_98 : memref<1x128x32xf32, #tpu.memory_space<vmem>> -> memref<128x32xf32, #tpu.memory_space<vmem>>
    %dma_start3A_100 = arith.constant 0 : i32
    %dma_start3A_101 = tpu.memref_slice %arg6[%dma_start3A_93, %dma_start3A_100] : memref<4x128xi32, #tpu.memory_space<vmem>> -> memref<1x128xi32, #tpu.memory_space<vmem>>
    %dma_start3A_102 = tpu.memref_squeeze %dma_start3A_101 : memref<1x128xi32, #tpu.memory_space<vmem>> -> memref<128xi32, #tpu.memory_space<vmem>>
    %dma_start3A_103 = arith.constant 0 : i32
    %dma_start3A_104 = arith.constant 0 : i32
    %dma_start3A_105 = tpu.memref_slice %arg3[%dma_start3A_103, %dma_start3A_104] : memref<100000x32xf32, #tpu.memory_space<hbm>> -> memref<100000x32xf32, #tpu.memory_space<hbm>>
    %dma_start3A_106 = tpu.memref_slice %arg10[%dma_start3A_95] : memref<2x!tpu.dma_semaphore, #tpu.memory_space<semaphore_mem>> -> memref<1x!tpu.dma_semaphore, #tpu.memory_space<semaphore_mem>>
    %dma_start3A_107 = tpu.memref_squeeze %dma_start3A_106 : memref<1x!tpu.dma_semaphore, #tpu.memory_space<semaphore_mem>> -> memref<!tpu.dma_semaphore, #tpu.memory_space<semaphore_mem>>
    tpu.enqueue_indirect_dma source(%dma_start3A_105 : memref<100000x32xf32, #tpu.memory_space<hbm>>) target(%dma_start3A_99 : memref<128x32xf32, #tpu.memory_space<vmem>>) offsets(%dma_start3A_102 : memref<128xi32, #tpu.memory_space<vmem>>) semaphore(%dma_start3A_107 : memref<!tpu.dma_semaphore, #tpu.memory_space<semaphore_mem>>)
    %dma_wait3A_108 = arith.constant 2 : i32
    %dma_wait3A_109 = arith.constant 0 : i32
    %dma_wait3A_110 = arith.constant 0 : i32
    %dma_wait3A_111 = arith.constant 0 : i32
    %dma_wait3A_112 = arith.constant 0 : i32
    %dma_wait3A_113 = tpu.memref_slice %arg8[%dma_wait3A_109, %dma_wait3A_111, %dma_wait3A_112] : memref<2x128x32xf32, #tpu.memory_space<vmem>> -> memref<1x128x32xf32, #tpu.memory_space<vmem>>
    %dma_wait3A_114 = tpu.memref_squeeze %dma_wait3A_113 : memref<1x128x32xf32, #tpu.memory_space<vmem>> -> memref<128x32xf32, #tpu.memory_space<vmem>>
    %dma_wait3A_115 = arith.constant 0 : i32
    %dma_wait3A_116 = tpu.memref_slice %arg6[%dma_wait3A_108, %dma_wait3A_115] : memref<4x128xi32, #tpu.memory_space<vmem>> -> memref<1x128xi32, #tpu.memory_space<vmem>>
    %dma_wait3A_117 = tpu.memref_squeeze %dma_wait3A_116 : memref<1x128xi32, #tpu.memory_space<vmem>> -> memref<128xi32, #tpu.memory_space<vmem>>
    %dma_wait3A_118 = arith.constant 0 : i32
    %dma_wait3A_119 = arith.constant 0 : i32
    %dma_wait3A_120 = tpu.memref_slice %arg3[%dma_wait3A_118, %dma_wait3A_119] : memref<100000x32xf32, #tpu.memory_space<hbm>> -> memref<100000x32xf32, #tpu.memory_space<hbm>>
    %dma_wait3A_121 = tpu.memref_slice %arg10[%dma_wait3A_110] : memref<2x!tpu.dma_semaphore, #tpu.memory_space<semaphore_mem>> -> memref<1x!tpu.dma_semaphore, #tpu.memory_space<semaphore_mem>>
    %dma_wait3A_122 = tpu.memref_squeeze %dma_wait3A_121 : memref<1x!tpu.dma_semaphore, #tpu.memory_space<semaphore_mem>> -> memref<!tpu.dma_semaphore, #tpu.memory_space<semaphore_mem>>
    tpu.wait_indirect_dma semaphore(%dma_wait3A_122 : memref<!tpu.dma_semaphore, #tpu.memory_space<semaphore_mem>>) src(%dma_wait3A_120 : memref<100000x32xf32, #tpu.memory_space<hbm>>) dst(%dma_wait3A_114 : memref<128x32xf32, #tpu.memory_space<vmem>>)
    %scan3A_123 = arith.constant 0 : i32
    %scan3A_124 = arith.constant 0 : i32
    %scan3A_125 = arith.constant 8 : i32
    %scan3A_126 = arith.addi %scan3A_124, %scan3A_125 : i32
    %scan3A_127 = arith.constant 1 : i32
    %scan3A_128 = scf.for %scan3A_152 = %scan3A_124 to %scan3A_126 step %scan3A_127 iter_args(%scan3A_153 = %scan3A_123) -> (i32)  : i32 {
      %mul3A_154 = arith.constant 16 : i32
      %mul3A_155 = arith.muli %scan3A_152, %mul3A_154 : i32
      %add3A_156 = arith.constant 256 : i32
      %add3A_157 = arith.addi %add3A_156, %mul3A_155 : i32
      %add3A_158 = vector.broadcast %add3A_157 : i32 to vector<16xi32>
      %add3A_159 = arith.addi %add3A_158, %iota3A : vector<16xi32>
      %broadcast_in_dim3A = arith.constant 0.000000e+00 : f32
      %broadcast_in_dim3A_160 = vector.broadcast %broadcast_in_dim3A : f32 to vector<16xf32>
      %mul3A_161 = arith.constant 32 : i32
      %mul3A_162 = vector.broadcast %mul3A_161 : i32 to vector<16xi32>
      %mul3A_163 = arith.muli %add3A_159, %mul3A_162 : vector<16xi32>
      %add3A_164 = arith.constant 0 : i32
      %add3A_165 = vector.broadcast %add3A_164 : i32 to vector<16xi32>
      %add3A_166 = arith.addi %mul3A_163, %add3A_165 : vector<16xi32>
      %gather3A = tpu.vector_load_idx %arg7[%add3A_166] : memref<16384xf32, #tpu.memory_space<vmem>>[vector<16xi32>], vector<16xf32>,
      %sub3A = arith.constant 256 : i32
      %sub3A_167 = vector.broadcast %sub3A : i32 to vector<16xi32>
      %sub3A_168 = arith.subi %add3A_159, %sub3A_167 : vector<16xi32>
      %broadcast_in_dim3A_169 = arith.constant 0 : i32
      %broadcast_in_dim3A_170 = vector.broadcast %broadcast_in_dim3A_169 : i32 to vector<16xi32>
      %gather3A_171 = arith.constant 0 : i32
      %gather3A_172 = arith.constant 0 : i32
      %gather3A_173 = arith.constant 0 : i32
      %gather3A_174 = tpu.memref_slice %arg8[%gather3A_171, %gather3A_172, %gather3A_173] : memref<2x128x32xf32, #tpu.memory_space<vmem>> -> memref<1x128x32xf32, #tpu.memory_space<vmem>>
      %gather3A_175 = tpu.memref_squeeze %gather3A_174 : memref<1x128x32xf32, #tpu.memory_space<vmem>> -> memref<128x32xf32, #tpu.memory_space<vmem>>
      %gather3A_176 = tpu.vector_load_idx %gather3A_175[%sub3A_168, %broadcast_in_dim3A_170] : memref<128x32xf32, #tpu.memory_space<vmem>>[vector<16xi32>, vector<16xi32>], vector<16xf32>,
      %mul3A_177 = arith.mulf %gather3A, %gather3A_176 : vector<16xf32>
      %add3A_178 = arith.addf %broadcast_in_dim3A_160, %mul3A_177 : vector<16xf32>
      %mul3A_179 = arith.constant 32 : i32
      %mul3A_180 = vector.broadcast %mul3A_179 : i32 to vector<16xi32>
      %mul3A_181 = arith.muli %add3A_159, %mul3A_180 : vector<16xi32>
      %add3A_182 = arith.constant 1 : i32
      %add3A_183 = vector.broadcast %add3A_182 : i32 to vector<16xi32>
      %add3A_184 = arith.addi %mul3A_181, %add3A_183 : vector<16xi32>
      %gather3A_185 = tpu.vector_load_idx %arg7[%add3A_184] : memref<16384xf32, #tpu.memory_space<vmem>>[vector<16xi32>], vector<16xf32>,
      %sub3A_186 = arith.constant 256 : i32
      %sub3A_187 = vector.broadcast %sub3A_186 : i32 to vector<16xi32>
      %sub3A_188 = arith.subi %add3A_159, %sub3A_187 : vector<16xi32>
      %broadcast_in_dim3A_189 = arith.constant 1 : i32
      %broadcast_in_dim3A_190 = vector.broadcast %broadcast_in_dim3A_189 : i32 to vector<16xi32>
      %gather3A_191 = arith.constant 0 : i32
      %gather3A_192 = arith.constant 0 : i32
      %gather3A_193 = arith.constant 0 : i32
      %gather3A_194 = tpu.memref_slice %arg8[%gather3A_191, %gather3A_192, %gather3A_193] : memref<2x128x32xf32, #tpu.memory_space<vmem>> -> memref<1x128x32xf32, #tpu.memory_space<vmem>>
      %gather3A_195 = tpu.memref_squeeze %gather3A_194 : memref<1x128x32xf32, #tpu.memory_space<vmem>> -> memref<128x32xf32, #tpu.memory_space<vmem>>
      %gather3A_196 = tpu.vector_load_idx %gather3A_195[%sub3A_188, %broadcast_in_dim3A_190] : memref<128x32xf32, #tpu.memory_space<vmem>>[vector<16xi32>, vector<16xi32>], vector<16xf32>,
      %mul3A_197 = arith.mulf %gather3A_185, %gather3A_196 : vector<16xf32>
      %add3A_198 = arith.addf %add3A_178, %mul3A_197 : vector<16xf32>
      %mul3A_199 = arith.constant 32 : i32
      %mul3A_200 = vector.broadcast %mul3A_199 : i32 to vector<16xi32>
      %mul3A_201 = arith.muli %add3A_159, %mul3A_200 : vector<16xi32>
      %add3A_202 = arith.constant 2 : i32
      %add3A_203 = vector.broadcast %add3A_202 : i32 to vector<16xi32>
      %add3A_204 = arith.addi %mul3A_201, %add3A_203 : vector<16xi32>
      %gather3A_205 = tpu.vector_load_idx %arg7[%add3A_204] : memref<16384xf32, #tpu.memory_space<vmem>>[vector<16xi32>], vector<16xf32>,
      %sub3A_206 = arith.constant 256 : i32
      %sub3A_207 = vector.broadcast %sub3A_206 : i32 to vector<16xi32>
      %sub3A_208 = arith.subi %add3A_159, %sub3A_207 : vector<16xi32>
      %broadcast_in_dim3A_209 = arith.constant 2 : i32
      %broadcast_in_dim3A_210 = vector.broadcast %broadcast_in_dim3A_209 : i32 to vector<16xi32>
      %gather3A_211 = arith.constant 0 : i32
      %gather3A_212 = arith.constant 0 : i32
      %gather3A_213 = arith.constant 0 : i32
      %gather3A_214 = tpu.memref_slice %arg8[%gather3A_211, %gather3A_212, %gather3A_213] : memref<2x128x32xf32, #tpu.memory_space<vmem>> -> memref<1x128x32xf32, #tpu.memory_space<vmem>>
      %gather3A_215 = tpu.memref_squeeze %gather3A_214 : memref<1x128x32xf32, #tpu.memory_space<vmem>> -> memref<128x32xf32, #tpu.memory_space<vmem>>
      %gather3A_216 = tpu.vector_load_idx %gather3A_215[%sub3A_208, %broadcast_in_dim3A_210] : memref<128x32xf32, #tpu.memory_space<vmem>>[vector<16xi32>, vector<16xi32>], vector<16xf32>,
      %mul3A_217 = arith.mulf %gather3A_205, %gather3A_216 : vector<16xf32>
      %add3A_218 = arith.addf %add3A_198, %mul3A_217 : vector<16xf32>
      %mul3A_219 = arith.constant 32 : i32
      %mul3A_220 = vector.broadcast %mul3A_219 : i32 to vector<16xi32>
      %mul3A_221 = arith.muli %add3A_159, %mul3A_220 : vector<16xi32>
      %add3A_222 = arith.constant 3 : i32
      %add3A_223 = vector.broadcast %add3A_222 : i32 to vector<16xi32>
      %add3A_224 = arith.addi %mul3A_221, %add3A_223 : vector<16xi32>
      %gather3A_225 = tpu.vector_load_idx %arg7[%add3A_224] : memref<16384xf32, #tpu.memory_space<vmem>>[vector<16xi32>], vector<16xf32>,
      %sub3A_226 = arith.constant 256 : i32
      %sub3A_227 = vector.broadcast %sub3A_226 : i32 to vector<16xi32>
      %sub3A_228 = arith.subi %add3A_159, %sub3A_227 : vector<16xi32>
      %broadcast_in_dim3A_229 = arith.constant 3 : i32
      %broadcast_in_dim3A_230 = vector.broadcast %broadcast_in_dim3A_229 : i32 to vector<16xi32>
      %gather3A_231 = arith.constant 0 : i32
      %gather3A_232 = arith.constant 0 : i32
      %gather3A_233 = arith.constant 0 : i32
      %gather3A_234 = tpu.memref_slice %arg8[%gather3A_231, %gather3A_232, %gather3A_233] : memref<2x128x32xf32, #tpu.memory_space<vmem>> -> memref<1x128x32xf32, #tpu.memory_space<vmem>>
      %gather3A_235 = tpu.memref_squeeze %gather3A_234 : memref<1x128x32xf32, #tpu.memory_space<vmem>> -> memref<128x32xf32, #tpu.memory_space<vmem>>
      %gather3A_236 = tpu.vector_load_idx %gather3A_235[%sub3A_228, %broadcast_in_dim3A_230] : memref<128x32xf32, #tpu.memory_space<vmem>>[vector<16xi32>, vector<16xi32>], vector<16xf32>,
      %mul3A_237 = arith.mulf %gather3A_225, %gather3A_236 : vector<16xf32>
      %add3A_238 = arith.addf %add3A_218, %mul3A_237 : vector<16xf32>
      %mul3A_239 = arith.constant 32 : i32
      %mul3A_240 = vector.broadcast %mul3A_239 : i32 to vector<16xi32>
      %mul3A_241 = arith.muli %add3A_159, %mul3A_240 : vector<16xi32>
      %add3A_242 = arith.constant 4 : i32
      %add3A_243 = vector.broadcast %add3A_242 : i32 to vector<16xi32>
      %add3A_244 = arith.addi %mul3A_241, %add3A_243 : vector<16xi32>
      %gather3A_245 = tpu.vector_load_idx %arg7[%add3A_244] : memref<16384xf32, #tpu.memory_space<vmem>>[vector<16xi32>], vector<16xf32>,
      %sub3A_246 = arith.constant 256 : i32
      %sub3A_247 = vector.broadcast %sub3A_246 : i32 to vector<16xi32>
      %sub3A_248 = arith.subi %add3A_159, %sub3A_247 : vector<16xi32>
      %broadcast_in_dim3A_249 = arith.constant 4 : i32
      %broadcast_in_dim3A_250 = vector.broadcast %broadcast_in_dim3A_249 : i32 to vector<16xi32>
      %gather3A_251 = arith.constant 0 : i32
      %gather3A_252 = arith.constant 0 : i32
      %gather3A_253 = arith.constant 0 : i32
      %gather3A_254 = tpu.memref_slice %arg8[%gather3A_251, %gather3A_252, %gather3A_253] : memref<2x128x32xf32, #tpu.memory_space<vmem>> -> memref<1x128x32xf32, #tpu.memory_space<vmem>>
      %gather3A_255 = tpu.memref_squeeze %gather3A_254 : memref<1x128x32xf32, #tpu.memory_space<vmem>> -> memref<128x32xf32, #tpu.memory_space<vmem>>
      %gather3A_256 = tpu.vector_load_idx %gather3A_255[%sub3A_248, %broadcast_in_dim3A_250] : memref<128x32xf32, #tpu.memory_space<vmem>>[vector<16xi32>, vector<16xi32>], vector<16xf32>,
      %mul3A_257 = arith.mulf %gather3A_245, %gather3A_256 : vector<16xf32>
      %add3A_258 = arith.addf %add3A_238, %mul3A_257 : vector<16xf32>
      %mul3A_259 = arith.constant 32 : i32
      %mul3A_260 = vector.broadcast %mul3A_259 : i32 to vector<16xi32>
      %mul3A_261 = arith.muli %add3A_159, %mul3A_260 : vector<16xi32>
      %add3A_262 = arith.constant 5 : i32
      %add3A_263 = vector.broadcast %add3A_262 : i32 to vector<16xi32>
      %add3A_264 = arith.addi %mul3A_261, %add3A_263 : vector<16xi32>
      %gather3A_265 = tpu.vector_load_idx %arg7[%add3A_264] : memref<16384xf32, #tpu.memory_space<vmem>>[vector<16xi32>], vector<16xf32>,
      %sub3A_266 = arith.constant 256 : i32
      %sub3A_267 = vector.broadcast %sub3A_266 : i32 to vector<16xi32>
      %sub3A_268 = arith.subi %add3A_159, %sub3A_267 : vector<16xi32>
      %broadcast_in_dim3A_269 = arith.constant 5 : i32
      %broadcast_in_dim3A_270 = vector.broadcast %broadcast_in_dim3A_269 : i32 to vector<16xi32>
      %gather3A_271 = arith.constant 0 : i32
      %gather3A_272 = arith.constant 0 : i32
      %gather3A_273 = arith.constant 0 : i32
      %gather3A_274 = tpu.memref_slice %arg8[%gather3A_271, %gather3A_272, %gather3A_273] : memref<2x128x32xf32, #tpu.memory_space<vmem>> -> memref<1x128x32xf32, #tpu.memory_space<vmem>>
      %gather3A_275 = tpu.memref_squeeze %gather3A_274 : memref<1x128x32xf32, #tpu.memory_space<vmem>> -> memref<128x32xf32, #tpu.memory_space<vmem>>
      %gather3A_276 = tpu.vector_load_idx %gather3A_275[%sub3A_268, %broadcast_in_dim3A_270] : memref<128x32xf32, #tpu.memory_space<vmem>>[vector<16xi32>, vector<16xi32>], vector<16xf32>,
      %mul3A_277 = arith.mulf %gather3A_265, %gather3A_276 : vector<16xf32>
      %add3A_278 = arith.addf %add3A_258, %mul3A_277 : vector<16xf32>
      %mul3A_279 = arith.constant 32 : i32
      %mul3A_280 = vector.broadcast %mul3A_279 : i32 to vector<16xi32>
      %mul3A_281 = arith.muli %add3A_159, %mul3A_280 : vector<16xi32>
      %add3A_282 = arith.constant 6 : i32
      %add3A_283 = vector.broadcast %add3A_282 : i32 to vector<16xi32>
      %add3A_284 = arith.addi %mul3A_281, %add3A_283 : vector<16xi32>
      %gather3A_285 = tpu.vector_load_idx %arg7[%add3A_284] : memref<16384xf32, #tpu.memory_space<vmem>>[vector<16xi32>], vector<16xf32>,
      %sub3A_286 = arith.constant 256 : i32
      %sub3A_287 = vector.broadcast %sub3A_286 : i32 to vector<16xi32>
      %sub3A_288 = arith.subi %add3A_159, %sub3A_287 : vector<16xi32>
      %broadcast_in_dim3A_289 = arith.constant 6 : i32
      %broadcast_in_dim3A_290 = vector.broadcast %broadcast_in_dim3A_289 : i32 to vector<16xi32>
      %gather3A_291 = arith.constant 0 : i32
      %gather3A_292 = arith.constant 0 : i32
      %gather3A_293 = arith.constant 0 : i32
      %gather3A_294 = tpu.memref_slice %arg8[%gather3A_291, %gather3A_292, %gather3A_293] : memref<2x128x32xf32, #tpu.memory_space<vmem>> -> memref<1x128x32xf32, #tpu.memory_space<vmem>>
      %gather3A_295 = tpu.memref_squeeze %gather3A_294 : memref<1x128x32xf32, #tpu.memory_space<vmem>> -> memref<128x32xf32, #tpu.memory_space<vmem>>
      %gather3A_296 = tpu.vector_load_idx %gather3A_295[%sub3A_288, %broadcast_in_dim3A_290] : memref<128x32xf32, #tpu.memory_space<vmem>>[vector<16xi32>, vector<16xi32>], vector<16xf32>,
      %mul3A_297 = arith.mulf %gather3A_285, %gather3A_296 : vector<16xf32>
      %add3A_298 = arith.addf %add3A_278, %mul3A_297 : vector<16xf32>
      %mul3A_299 = arith.constant 32 : i32
      %mul3A_300 = vector.broadcast %mul3A_299 : i32 to vector<16xi32>
      %mul3A_301 = arith.muli %add3A_159, %mul3A_300 : vector<16xi32>
      %add3A_302 = arith.constant 7 : i32
      %add3A_303 = vector.broadcast %add3A_302 : i32 to vector<16xi32>
      %add3A_304 = arith.addi %mul3A_301, %add3A_303 : vector<16xi32>
      %gather3A_305 = tpu.vector_load_idx %arg7[%add3A_304] : memref<16384xf32, #tpu.memory_space<vmem>>[vector<16xi32>], vector<16xf32>,
      %sub3A_306 = arith.constant 256 : i32
      %sub3A_307 = vector.broadcast %sub3A_306 : i32 to vector<16xi32>
      %sub3A_308 = arith.subi %add3A_159, %sub3A_307 : vector<16xi32>
      %broadcast_in_dim3A_309 = arith.constant 7 : i32
      %broadcast_in_dim3A_310 = vector.broadcast %broadcast_in_dim3A_309 : i32 to vector<16xi32>
      %gather3A_311 = arith.constant 0 : i32
      %gather3A_312 = arith.constant 0 : i32
      %gather3A_313 = arith.constant 0 : i32
      %gather3A_314 = tpu.memref_slice %arg8[%gather3A_311, %gather3A_312, %gather3A_313] : memref<2x128x32xf32, #tpu.memory_space<vmem>> -> memref<1x128x32xf32, #tpu.memory_space<vmem>>
      %gather3A_315 = tpu.memref_squeeze %gather3A_314 : memref<1x128x32xf32, #tpu.memory_space<vmem>> -> memref<128x32xf32, #tpu.memory_space<vmem>>
      %gather3A_316 = tpu.vector_load_idx %gather3A_315[%sub3A_308, %broadcast_in_dim3A_310] : memref<128x32xf32, #tpu.memory_space<vmem>>[vector<16xi32>, vector<16xi32>], vector<16xf32>,
      %mul3A_317 = arith.mulf %gather3A_305, %gather3A_316 : vector<16xf32>
      %add3A_318 = arith.addf %add3A_298, %mul3A_317 : vector<16xf32>
      %mul3A_319 = arith.constant 32 : i32
      %mul3A_320 = vector.broadcast %mul3A_319 : i32 to vector<16xi32>
      %mul3A_321 = arith.muli %add3A_159, %mul3A_320 : vector<16xi32>
      %add3A_322 = arith.constant 8 : i32
      %add3A_323 = vector.broadcast %add3A_322 : i32 to vector<16xi32>
      %add3A_324 = arith.addi %mul3A_321, %add3A_323 : vector<16xi32>
      %gather3A_325 = tpu.vector_load_idx %arg7[%add3A_324] : memref<16384xf32, #tpu.memory_space<vmem>>[vector<16xi32>], vector<16xf32>,
      %sub3A_326 = arith.constant 256 : i32
      %sub3A_327 = vector.broadcast %sub3A_326 : i32 to vector<16xi32>
      %sub3A_328 = arith.subi %add3A_159, %sub3A_327 : vector<16xi32>
      %broadcast_in_dim3A_329 = arith.constant 8 : i32
      %broadcast_in_dim3A_330 = vector.broadcast %broadcast_in_dim3A_329 : i32 to vector<16xi32>
      %gather3A_331 = arith.constant 0 : i32
      %gather3A_332 = arith.constant 0 : i32
      %gather3A_333 = arith.constant 0 : i32
      %gather3A_334 = tpu.memref_slice %arg8[%gather3A_331, %gather3A_332, %gather3A_333] : memref<2x128x32xf32, #tpu.memory_space<vmem>> -> memref<1x128x32xf32, #tpu.memory_space<vmem>>
      %gather3A_335 = tpu.memref_squeeze %gather3A_334 : memref<1x128x32xf32, #tpu.memory_space<vmem>> -> memref<128x32xf32, #tpu.memory_space<vmem>>
      %gather3A_336 = tpu.vector_load_idx %gather3A_335[%sub3A_328, %broadcast_in_dim3A_330] : memref<128x32xf32, #tpu.memory_space<vmem>>[vector<16xi32>, vector<16xi32>], vector<16xf32>,
      %mul3A_337 = arith.mulf %gather3A_325, %gather3A_336 : vector<16xf32>
      %add3A_338 = arith.addf %add3A_318, %mul3A_337 : vector<16xf32>
      %mul3A_339 = arith.constant 32 : i32
      %mul3A_340 = vector.broadcast %mul3A_339 : i32 to vector<16xi32>
      %mul3A_341 = arith.muli %add3A_159, %mul3A_340 : vector<16xi32>
      %add3A_342 = arith.constant 9 : i32
      %add3A_343 = vector.broadcast %add3A_342 : i32 to vector<16xi32>
      %add3A_344 = arith.addi %mul3A_341, %add3A_343 : vector<16xi32>
      %gather3A_345 = tpu.vector_load_idx %arg7[%add3A_344] : memref<16384xf32, #tpu.memory_space<vmem>>[vector<16xi32>], vector<16xf32>,
      %sub3A_346 = arith.constant 256 : i32
      %sub3A_347 = vector.broadcast %sub3A_346 : i32 to vector<16xi32>
      %sub3A_348 = arith.subi %add3A_159, %sub3A_347 : vector<16xi32>
      %broadcast_in_dim3A_349 = arith.constant 9 : i32
      %broadcast_in_dim3A_350 = vector.broadcast %broadcast_in_dim3A_349 : i32 to vector<16xi32>
      %gather3A_351 = arith.constant 0 : i32
      %gather3A_352 = arith.constant 0 : i32
      %gather3A_353 = arith.constant 0 : i32
      %gather3A_354 = tpu.memref_slice %arg8[%gather3A_351, %gather3A_352, %gather3A_353] : memref<2x128x32xf32, #tpu.memory_space<vmem>> -> memref<1x128x32xf32, #tpu.memory_space<vmem>>
      %gather3A_355 = tpu.memref_squeeze %gather3A_354 : memref<1x128x32xf32, #tpu.memory_space<vmem>> -> memref<128x32xf32, #tpu.memory_space<vmem>>
      %gather3A_356 = tpu.vector_load_idx %gather3A_355[%sub3A_348, %broadcast_in_dim3A_350] : memref<128x32xf32, #tpu.memory_space<vmem>>[vector<16xi32>, vector<16xi32>], vector<16xf32>,
      %mul3A_357 = arith.mulf %gather3A_345, %gather3A_356 : vector<16xf32>
      %add3A_358 = arith.addf %add3A_338, %mul3A_357 : vector<16xf32>
      %mul3A_359 = arith.constant 32 : i32
      %mul3A_360 = vector.broadcast %mul3A_359 : i32 to vector<16xi32>
      %mul3A_361 = arith.muli %add3A_159, %mul3A_360 : vector<16xi32>
      %add3A_362 = arith.constant 10 : i32
      %add3A_363 = vector.broadcast %add3A_362 : i32 to vector<16xi32>
      %add3A_364 = arith.addi %mul3A_361, %add3A_363 : vector<16xi32>
      %gather3A_365 = tpu.vector_load_idx %arg7[%add3A_364] : memref<16384xf32, #tpu.memory_space<vmem>>[vector<16xi32>], vector<16xf32>,
      %sub3A_366 = arith.constant 256 : i32
      %sub3A_367 = vector.broadcast %sub3A_366 : i32 to vector<16xi32>
      %sub3A_368 = arith.subi %add3A_159, %sub3A_367 : vector<16xi32>
      %broadcast_in_dim3A_369 = arith.constant 10 : i32
      %broadcast_in_dim3A_370 = vector.broadcast %broadcast_in_dim3A_369 : i32 to vector<16xi32>
      %gather3A_371 = arith.constant 0 : i32
      %gather3A_372 = arith.constant 0 : i32
      %gather3A_373 = arith.constant 0 : i32
      %gather3A_374 = tpu.memref_slice %arg8[%gather3A_371, %gather3A_372, %gather3A_373] : memref<2x128x32xf32, #tpu.memory_space<vmem>> -> memref<1x128x32xf32, #tpu.memory_space<vmem>>
      %gather3A_375 = tpu.memref_squeeze %gather3A_374 : memref<1x128x32xf32, #tpu.memory_space<vmem>> -> memref<128x32xf32, #tpu.memory_space<vmem>>
      %gather3A_376 = tpu.vector_load_idx %gather3A_375[%sub3A_368, %broadcast_in_dim3A_370] : memref<128x32xf32, #tpu.memory_space<vmem>>[vector<16xi32>, vector<16xi32>], vector<16xf32>,
      %mul3A_377 = arith.mulf %gather3A_365, %gather3A_376 : vector<16xf32>
      %add3A_378 = arith.addf %add3A_358, %mul3A_377 : vector<16xf32>
      %mul3A_379 = arith.constant 32 : i32
      %mul3A_380 = vector.broadcast %mul3A_379 : i32 to vector<16xi32>
      %mul3A_381 = arith.muli %add3A_159, %mul3A_380 : vector<16xi32>
      %add3A_382 = arith.constant 11 : i32
      %add3A_383 = vector.broadcast %add3A_382 : i32 to vector<16xi32>
      %add3A_384 = arith.addi %mul3A_381, %add3A_383 : vector<16xi32>
      %gather3A_385 = tpu.vector_load_idx %arg7[%add3A_384] : memref<16384xf32, #tpu.memory_space<vmem>>[vector<16xi32>], vector<16xf32>,
      %sub3A_386 = arith.constant 256 : i32
      %sub3A_387 = vector.broadcast %sub3A_386 : i32 to vector<16xi32>
      %sub3A_388 = arith.subi %add3A_159, %sub3A_387 : vector<16xi32>
      %broadcast_in_dim3A_389 = arith.constant 11 : i32
      %broadcast_in_dim3A_390 = vector.broadcast %broadcast_in_dim3A_389 : i32 to vector<16xi32>
      %gather3A_391 = arith.constant 0 : i32
      %gather3A_392 = arith.constant 0 : i32
      %gather3A_393 = arith.constant 0 : i32
      %gather3A_394 = tpu.memref_slice %arg8[%gather3A_391, %gather3A_392, %gather3A_393] : memref<2x128x32xf32, #tpu.memory_space<vmem>> -> memref<1x128x32xf32, #tpu.memory_space<vmem>>
      %gather3A_395 = tpu.memref_squeeze %gather3A_394 : memref<1x128x32xf32, #tpu.memory_space<vmem>> -> memref<128x32xf32, #tpu.memory_space<vmem>>
      %gather3A_396 = tpu.vector_load_idx %gather3A_395[%sub3A_388, %broadcast_in_dim3A_390] : memref<128x32xf32, #tpu.memory_space<vmem>>[vector<16xi32>, vector<16xi32>], vector<16xf32>,
      %mul3A_397 = arith.mulf %gather3A_385, %gather3A_396 : vector<16xf32>
      %add3A_398 = arith.addf %add3A_378, %mul3A_397 : vector<16xf32>
      %mul3A_399 = arith.constant 32 : i32
      %mul3A_400 = vector.broadcast %mul3A_399 : i32 to vector<16xi32>
      %mul3A_401 = arith.muli %add3A_159, %mul3A_400 : vector<16xi32>
      %add3A_402 = arith.constant 12 : i32
      %add3A_403 = vector.broadcast %add3A_402 : i32 to vector<16xi32>
      %add3A_404 = arith.addi %mul3A_401, %add3A_403 : vector<16xi32>
      %gather3A_405 = tpu.vector_load_idx %arg7[%add3A_404] : memref<16384xf32, #tpu.memory_space<vmem>>[vector<16xi32>], vector<16xf32>,
      %sub3A_406 = arith.constant 256 : i32
      %sub3A_407 = vector.broadcast %sub3A_406 : i32 to vector<16xi32>
      %sub3A_408 = arith.subi %add3A_159, %sub3A_407 : vector<16xi32>
      %broadcast_in_dim3A_409 = arith.constant 12 : i32
      %broadcast_in_dim3A_410 = vector.broadcast %broadcast_in_dim3A_409 : i32 to vector<16xi32>
      %gather3A_411 = arith.constant 0 : i32
      %gather3A_412 = arith.constant 0 : i32
      %gather3A_413 = arith.constant 0 : i32
      %gather3A_414 = tpu.memref_slice %arg8[%gather3A_411, %gather3A_412, %gather3A_413] : memref<2x128x32xf32, #tpu.memory_space<vmem>> -> memref<1x128x32xf32, #tpu.memory_space<vmem>>
      %gather3A_415 = tpu.memref_squeeze %gather3A_414 : memref<1x128x32xf32, #tpu.memory_space<vmem>> -> memref<128x32xf32, #tpu.memory_space<vmem>>
      %gather3A_416 = tpu.vector_load_idx %gather3A_415[%sub3A_408, %broadcast_in_dim3A_410] : memref<128x32xf32, #tpu.memory_space<vmem>>[vector<16xi32>, vector<16xi32>], vector<16xf32>,
      %mul3A_417 = arith.mulf %gather3A_405, %gather3A_416 : vector<16xf32>
      %add3A_418 = arith.addf %add3A_398, %mul3A_417 : vector<16xf32>
      %mul3A_419 = arith.constant 32 : i32
      %mul3A_420 = vector.broadcast %mul3A_419 : i32 to vector<16xi32>
      %mul3A_421 = arith.muli %add3A_159, %mul3A_420 : vector<16xi32>
      %add3A_422 = arith.constant 13 : i32
      %add3A_423 = vector.broadcast %add3A_422 : i32 to vector<16xi32>
      %add3A_424 = arith.addi %mul3A_421, %add3A_423 : vector<16xi32>
      %gather3A_425 = tpu.vector_load_idx %arg7[%add3A_424] : memref<16384xf32, #tpu.memory_space<vmem>>[vector<16xi32>], vector<16xf32>,
      %sub3A_426 = arith.constant 256 : i32
      %sub3A_427 = vector.broadcast %sub3A_426 : i32 to vector<16xi32>
      %sub3A_428 = arith.subi %add3A_159, %sub3A_427 : vector<16xi32>
      %broadcast_in_dim3A_429 = arith.constant 13 : i32
      %broadcast_in_dim3A_430 = vector.broadcast %broadcast_in_dim3A_429 : i32 to vector<16xi32>
      %gather3A_431 = arith.constant 0 : i32
      %gather3A_432 = arith.constant 0 : i32
      %gather3A_433 = arith.constant 0 : i32
      %gather3A_434 = tpu.memref_slice %arg8[%gather3A_431, %gather3A_432, %gather3A_433] : memref<2x128x32xf32, #tpu.memory_space<vmem>> -> memref<1x128x32xf32, #tpu.memory_space<vmem>>
      %gather3A_435 = tpu.memref_squeeze %gather3A_434 : memref<1x128x32xf32, #tpu.memory_space<vmem>> -> memref<128x32xf32, #tpu.memory_space<vmem>>
      %gather3A_436 = tpu.vector_load_idx %gather3A_435[%sub3A_428, %broadcast_in_dim3A_430] : memref<128x32xf32, #tpu.memory_space<vmem>>[vector<16xi32>, vector<16xi32>], vector<16xf32>,
      %mul3A_437 = arith.mulf %gather3A_425, %gather3A_436 : vector<16xf32>
      %add3A_438 = arith.addf %add3A_418, %mul3A_437 : vector<16xf32>
      %mul3A_439 = arith.constant 32 : i32
      %mul3A_440 = vector.broadcast %mul3A_439 : i32 to vector<16xi32>
      %mul3A_441 = arith.muli %add3A_159, %mul3A_440 : vector<16xi32>
      %add3A_442 = arith.constant 14 : i32
      %add3A_443 = vector.broadcast %add3A_442 : i32 to vector<16xi32>
      %add3A_444 = arith.addi %mul3A_441, %add3A_443 : vector<16xi32>
      %gather3A_445 = tpu.vector_load_idx %arg7[%add3A_444] : memref<16384xf32, #tpu.memory_space<vmem>>[vector<16xi32>], vector<16xf32>,
      %sub3A_446 = arith.constant 256 : i32
      %sub3A_447 = vector.broadcast %sub3A_446 : i32 to vector<16xi32>
      %sub3A_448 = arith.subi %add3A_159, %sub3A_447 : vector<16xi32>
      %broadcast_in_dim3A_449 = arith.constant 14 : i32
      %broadcast_in_dim3A_450 = vector.broadcast %broadcast_in_dim3A_449 : i32 to vector<16xi32>
      %gather3A_451 = arith.constant 0 : i32
      %gather3A_452 = arith.constant 0 : i32
      %gather3A_453 = arith.constant 0 : i32
      %gather3A_454 = tpu.memref_slice %arg8[%gather3A_451, %gather3A_452, %gather3A_453] : memref<2x128x32xf32, #tpu.memory_space<vmem>> -> memref<1x128x32xf32, #tpu.memory_space<vmem>>
      %gather3A_455 = tpu.memref_squeeze %gather3A_454 : memref<1x128x32xf32, #tpu.memory_space<vmem>> -> memref<128x32xf32, #tpu.memory_space<vmem>>
      %gather3A_456 = tpu.vector_load_idx %gather3A_455[%sub3A_448, %broadcast_in_dim3A_450] : memref<128x32xf32, #tpu.memory_space<vmem>>[vector<16xi32>, vector<16xi32>], vector<16xf32>,
      %mul3A_457 = arith.mulf %gather3A_445, %gather3A_456 : vector<16xf32>
      %add3A_458 = arith.addf %add3A_438, %mul3A_457 : vector<16xf32>
      %mul3A_459 = arith.constant 32 : i32
      %mul3A_460 = vector.broadcast %mul3A_459 : i32 to vector<16xi32>
      %mul3A_461 = arith.muli %add3A_159, %mul3A_460 : vector<16xi32>
      %add3A_462 = arith.constant 15 : i32
      %add3A_463 = vector.broadcast %add3A_462 : i32 to vector<16xi32>
      %add3A_464 = arith.addi %mul3A_461, %add3A_463 : vector<16xi32>
      %gather3A_465 = tpu.vector_load_idx %arg7[%add3A_464] : memref<16384xf32, #tpu.memory_space<vmem>>[vector<16xi32>], vector<16xf32>,
      %sub3A_466 = arith.constant 256 : i32
      %sub3A_467 = vector.broadcast %sub3A_466 : i32 to vector<16xi32>
      %sub3A_468 = arith.subi %add3A_159, %sub3A_467 : vector<16xi32>
      %broadcast_in_dim3A_469 = arith.constant 15 : i32
      %broadcast_in_dim3A_470 = vector.broadcast %broadcast_in_dim3A_469 : i32 to vector<16xi32>
      %gather3A_471 = arith.constant 0 : i32
      %gather3A_472 = arith.constant 0 : i32
      %gather3A_473 = arith.constant 0 : i32
      %gather3A_474 = tpu.memref_slice %arg8[%gather3A_471, %gather3A_472, %gather3A_473] : memref<2x128x32xf32, #tpu.memory_space<vmem>> -> memref<1x128x32xf32, #tpu.memory_space<vmem>>
      %gather3A_475 = tpu.memref_squeeze %gather3A_474 : memref<1x128x32xf32, #tpu.memory_space<vmem>> -> memref<128x32xf32, #tpu.memory_space<vmem>>
      %gather3A_476 = tpu.vector_load_idx %gather3A_475[%sub3A_468, %broadcast_in_dim3A_470] : memref<128x32xf32, #tpu.memory_space<vmem>>[vector<16xi32>, vector<16xi32>], vector<16xf32>,
      %mul3A_477 = arith.mulf %gather3A_465, %gather3A_476 : vector<16xf32>
      %add3A_478 = arith.addf %add3A_458, %mul3A_477 : vector<16xf32>
      %mul3A_479 = arith.constant 32 : i32
      %mul3A_480 = vector.broadcast %mul3A_479 : i32 to vector<16xi32>
      %mul3A_481 = arith.muli %add3A_159, %mul3A_480 : vector<16xi32>
      %add3A_482 = arith.constant 16 : i32
      %add3A_483 = vector.broadcast %add3A_482 : i32 to vector<16xi32>
      %add3A_484 = arith.addi %mul3A_481, %add3A_483 : vector<16xi32>
      %gather3A_485 = tpu.vector_load_idx %arg7[%add3A_484] : memref<16384xf32, #tpu.memory_space<vmem>>[vector<16xi32>], vector<16xf32>,
      %sub3A_486 = arith.constant 256 : i32
      %sub3A_487 = vector.broadcast %sub3A_486 : i32 to vector<16xi32>
      %sub3A_488 = arith.subi %add3A_159, %sub3A_487 : vector<16xi32>
      %broadcast_in_dim3A_489 = arith.constant 16 : i32
      %broadcast_in_dim3A_490 = vector.broadcast %broadcast_in_dim3A_489 : i32 to vector<16xi32>
      %gather3A_491 = arith.constant 0 : i32
      %gather3A_492 = arith.constant 0 : i32
      %gather3A_493 = arith.constant 0 : i32
      %gather3A_494 = tpu.memref_slice %arg8[%gather3A_491, %gather3A_492, %gather3A_493] : memref<2x128x32xf32, #tpu.memory_space<vmem>> -> memref<1x128x32xf32, #tpu.memory_space<vmem>>
      %gather3A_495 = tpu.memref_squeeze %gather3A_494 : memref<1x128x32xf32, #tpu.memory_space<vmem>> -> memref<128x32xf32, #tpu.memory_space<vmem>>
      %gather3A_496 = tpu.vector_load_idx %gather3A_495[%sub3A_488, %broadcast_in_dim3A_490] : memref<128x32xf32, #tpu.memory_space<vmem>>[vector<16xi32>, vector<16xi32>], vector<16xf32>,
      %mul3A_497 = arith.mulf %gather3A_485, %gather3A_496 : vector<16xf32>
      %add3A_498 = arith.addf %add3A_478, %mul3A_497 : vector<16xf32>
      %mul3A_499 = arith.constant 32 : i32
      %mul3A_500 = vector.broadcast %mul3A_499 : i32 to vector<16xi32>
      %mul3A_501 = arith.muli %add3A_159, %mul3A_500 : vector<16xi32>
      %add3A_502 = arith.constant 17 : i32
      %add3A_503 = vector.broadcast %add3A_502 : i32 to vector<16xi32>
      %add3A_504 = arith.addi %mul3A_501, %add3A_503 : vector<16xi32>
      %gather3A_505 = tpu.vector_load_idx %arg7[%add3A_504] : memref<16384xf32, #tpu.memory_space<vmem>>[vector<16xi32>], vector<16xf32>,
      %sub3A_506 = arith.constant 256 : i32
      %sub3A_507 = vector.broadcast %sub3A_506 : i32 to vector<16xi32>
      %sub3A_508 = arith.subi %add3A_159, %sub3A_507 : vector<16xi32>
      %broadcast_in_dim3A_509 = arith.constant 17 : i32
      %broadcast_in_dim3A_510 = vector.broadcast %broadcast_in_dim3A_509 : i32 to vector<16xi32>
      %gather3A_511 = arith.constant 0 : i32
      %gather3A_512 = arith.constant 0 : i32
      %gather3A_513 = arith.constant 0 : i32
      %gather3A_514 = tpu.memref_slice %arg8[%gather3A_511, %gather3A_512, %gather3A_513] : memref<2x128x32xf32, #tpu.memory_space<vmem>> -> memref<1x128x32xf32, #tpu.memory_space<vmem>>
      %gather3A_515 = tpu.memref_squeeze %gather3A_514 : memref<1x128x32xf32, #tpu.memory_space<vmem>> -> memref<128x32xf32, #tpu.memory_space<vmem>>
      %gather3A_516 = tpu.vector_load_idx %gather3A_515[%sub3A_508, %broadcast_in_dim3A_510] : memref<128x32xf32, #tpu.memory_space<vmem>>[vector<16xi32>, vector<16xi32>], vector<16xf32>,
      %mul3A_517 = arith.mulf %gather3A_505, %gather3A_516 : vector<16xf32>
      %add3A_518 = arith.addf %add3A_498, %mul3A_517 : vector<16xf32>
      %mul3A_519 = arith.constant 32 : i32
      %mul3A_520 = vector.broadcast %mul3A_519 : i32 to vector<16xi32>
      %mul3A_521 = arith.muli %add3A_159, %mul3A_520 : vector<16xi32>
      %add3A_522 = arith.constant 18 : i32
      %add3A_523 = vector.broadcast %add3A_522 : i32 to vector<16xi32>
      %add3A_524 = arith.addi %mul3A_521, %add3A_523 : vector<16xi32>
      %gather3A_525 = tpu.vector_load_idx %arg7[%add3A_524] : memref<16384xf32, #tpu.memory_space<vmem>>[vector<16xi32>], vector<16xf32>,
      %sub3A_526 = arith.constant 256 : i32
      %sub3A_527 = vector.broadcast %sub3A_526 : i32 to vector<16xi32>
      %sub3A_528 = arith.subi %add3A_159, %sub3A_527 : vector<16xi32>
      %broadcast_in_dim3A_529 = arith.constant 18 : i32
      %broadcast_in_dim3A_530 = vector.broadcast %broadcast_in_dim3A_529 : i32 to vector<16xi32>
      %gather3A_531 = arith.constant 0 : i32
      %gather3A_532 = arith.constant 0 : i32
      %gather3A_533 = arith.constant 0 : i32
      %gather3A_534 = tpu.memref_slice %arg8[%gather3A_531, %gather3A_532, %gather3A_533] : memref<2x128x32xf32, #tpu.memory_space<vmem>> -> memref<1x128x32xf32, #tpu.memory_space<vmem>>
      %gather3A_535 = tpu.memref_squeeze %gather3A_534 : memref<1x128x32xf32, #tpu.memory_space<vmem>> -> memref<128x32xf32, #tpu.memory_space<vmem>>
      %gather3A_536 = tpu.vector_load_idx %gather3A_535[%sub3A_528, %broadcast_in_dim3A_530] : memref<128x32xf32, #tpu.memory_space<vmem>>[vector<16xi32>, vector<16xi32>], vector<16xf32>,
      %mul3A_537 = arith.mulf %gather3A_525, %gather3A_536 : vector<16xf32>
      %add3A_538 = arith.addf %add3A_518, %mul3A_537 : vector<16xf32>
      %mul3A_539 = arith.constant 32 : i32
      %mul3A_540 = vector.broadcast %mul3A_539 : i32 to vector<16xi32>
      %mul3A_541 = arith.muli %add3A_159, %mul3A_540 : vector<16xi32>
      %add3A_542 = arith.constant 19 : i32
      %add3A_543 = vector.broadcast %add3A_542 : i32 to vector<16xi32>
      %add3A_544 = arith.addi %mul3A_541, %add3A_543 : vector<16xi32>
      %gather3A_545 = tpu.vector_load_idx %arg7[%add3A_544] : memref<16384xf32, #tpu.memory_space<vmem>>[vector<16xi32>], vector<16xf32>,
      %sub3A_546 = arith.constant 256 : i32
      %sub3A_547 = vector.broadcast %sub3A_546 : i32 to vector<16xi32>
      %sub3A_548 = arith.subi %add3A_159, %sub3A_547 : vector<16xi32>
      %broadcast_in_dim3A_549 = arith.constant 19 : i32
      %broadcast_in_dim3A_550 = vector.broadcast %broadcast_in_dim3A_549 : i32 to vector<16xi32>
      %gather3A_551 = arith.constant 0 : i32
      %gather3A_552 = arith.constant 0 : i32
      %gather3A_553 = arith.constant 0 : i32
      %gather3A_554 = tpu.memref_slice %arg8[%gather3A_551, %gather3A_552, %gather3A_553] : memref<2x128x32xf32, #tpu.memory_space<vmem>> -> memref<1x128x32xf32, #tpu.memory_space<vmem>>
      %gather3A_555 = tpu.memref_squeeze %gather3A_554 : memref<1x128x32xf32, #tpu.memory_space<vmem>> -> memref<128x32xf32, #tpu.memory_space<vmem>>
      %gather3A_556 = tpu.vector_load_idx %gather3A_555[%sub3A_548, %broadcast_in_dim3A_550] : memref<128x32xf32, #tpu.memory_space<vmem>>[vector<16xi32>, vector<16xi32>], vector<16xf32>,
      %mul3A_557 = arith.mulf %gather3A_545, %gather3A_556 : vector<16xf32>
      %add3A_558 = arith.addf %add3A_538, %mul3A_557 : vector<16xf32>
      %mul3A_559 = arith.constant 32 : i32
      %mul3A_560 = vector.broadcast %mul3A_559 : i32 to vector<16xi32>
      %mul3A_561 = arith.muli %add3A_159, %mul3A_560 : vector<16xi32>
      %add3A_562 = arith.constant 20 : i32
      %add3A_563 = vector.broadcast %add3A_562 : i32 to vector<16xi32>
      %add3A_564 = arith.addi %mul3A_561, %add3A_563 : vector<16xi32>
      %gather3A_565 = tpu.vector_load_idx %arg7[%add3A_564] : memref<16384xf32, #tpu.memory_space<vmem>>[vector<16xi32>], vector<16xf32>,
      %sub3A_566 = arith.constant 256 : i32
      %sub3A_567 = vector.broadcast %sub3A_566 : i32 to vector<16xi32>
      %sub3A_568 = arith.subi %add3A_159, %sub3A_567 : vector<16xi32>
      %broadcast_in_dim3A_569 = arith.constant 20 : i32
      %broadcast_in_dim3A_570 = vector.broadcast %broadcast_in_dim3A_569 : i32 to vector<16xi32>
      %gather3A_571 = arith.constant 0 : i32
      %gather3A_572 = arith.constant 0 : i32
      %gather3A_573 = arith.constant 0 : i32
      %gather3A_574 = tpu.memref_slice %arg8[%gather3A_571, %gather3A_572, %gather3A_573] : memref<2x128x32xf32, #tpu.memory_space<vmem>> -> memref<1x128x32xf32, #tpu.memory_space<vmem>>
      %gather3A_575 = tpu.memref_squeeze %gather3A_574 : memref<1x128x32xf32, #tpu.memory_space<vmem>> -> memref<128x32xf32, #tpu.memory_space<vmem>>
      %gather3A_576 = tpu.vector_load_idx %gather3A_575[%sub3A_568, %broadcast_in_dim3A_570] : memref<128x32xf32, #tpu.memory_space<vmem>>[vector<16xi32>, vector<16xi32>], vector<16xf32>,
      %mul3A_577 = arith.mulf %gather3A_565, %gather3A_576 : vector<16xf32>
      %add3A_578 = arith.addf %add3A_558, %mul3A_577 : vector<16xf32>
      %mul3A_579 = arith.constant 32 : i32
      %mul3A_580 = vector.broadcast %mul3A_579 : i32 to vector<16xi32>
      %mul3A_581 = arith.muli %add3A_159, %mul3A_580 : vector<16xi32>
      %add3A_582 = arith.constant 21 : i32
      %add3A_583 = vector.broadcast %add3A_582 : i32 to vector<16xi32>
      %add3A_584 = arith.addi %mul3A_581, %add3A_583 : vector<16xi32>
      %gather3A_585 = tpu.vector_load_idx %arg7[%add3A_584] : memref<16384xf32, #tpu.memory_space<vmem>>[vector<16xi32>], vector<16xf32>,
      %sub3A_586 = arith.constant 256 : i32
      %sub3A_587 = vector.broadcast %sub3A_586 : i32 to vector<16xi32>
      %sub3A_588 = arith.subi %add3A_159, %sub3A_587 : vector<16xi32>
      %broadcast_in_dim3A_589 = arith.constant 21 : i32
      %broadcast_in_dim3A_590 = vector.broadcast %broadcast_in_dim3A_589 : i32 to vector<16xi32>
      %gather3A_591 = arith.constant 0 : i32
      %gather3A_592 = arith.constant 0 : i32
      %gather3A_593 = arith.constant 0 : i32
      %gather3A_594 = tpu.memref_slice %arg8[%gather3A_591, %gather3A_592, %gather3A_593] : memref<2x128x32xf32, #tpu.memory_space<vmem>> -> memref<1x128x32xf32, #tpu.memory_space<vmem>>
      %gather3A_595 = tpu.memref_squeeze %gather3A_594 : memref<1x128x32xf32, #tpu.memory_space<vmem>> -> memref<128x32xf32, #tpu.memory_space<vmem>>
      %gather3A_596 = tpu.vector_load_idx %gather3A_595[%sub3A_588, %broadcast_in_dim3A_590] : memref<128x32xf32, #tpu.memory_space<vmem>>[vector<16xi32>, vector<16xi32>], vector<16xf32>,
      %mul3A_597 = arith.mulf %gather3A_585, %gather3A_596 : vector<16xf32>
      %add3A_598 = arith.addf %add3A_578, %mul3A_597 : vector<16xf32>
      %mul3A_599 = arith.constant 32 : i32
      %mul3A_600 = vector.broadcast %mul3A_599 : i32 to vector<16xi32>
      %mul3A_601 = arith.muli %add3A_159, %mul3A_600 : vector<16xi32>
      %add3A_602 = arith.constant 22 : i32
      %add3A_603 = vector.broadcast %add3A_602 : i32 to vector<16xi32>
      %add3A_604 = arith.addi %mul3A_601, %add3A_603 : vector<16xi32>
      %gather3A_605 = tpu.vector_load_idx %arg7[%add3A_604] : memref<16384xf32, #tpu.memory_space<vmem>>[vector<16xi32>], vector<16xf32>,
      %sub3A_606 = arith.constant 256 : i32
      %sub3A_607 = vector.broadcast %sub3A_606 : i32 to vector<16xi32>
      %sub3A_608 = arith.subi %add3A_159, %sub3A_607 : vector<16xi32>
      %broadcast_in_dim3A_609 = arith.constant 22 : i32
      %broadcast_in_dim3A_610 = vector.broadcast %broadcast_in_dim3A_609 : i32 to vector<16xi32>
      %gather3A_611 = arith.constant 0 : i32
      %gather3A_612 = arith.constant 0 : i32
      %gather3A_613 = arith.constant 0 : i32
      %gather3A_614 = tpu.memref_slice %arg8[%gather3A_611, %gather3A_612, %gather3A_613] : memref<2x128x32xf32, #tpu.memory_space<vmem>> -> memref<1x128x32xf32, #tpu.memory_space<vmem>>
      %gather3A_615 = tpu.memref_squeeze %gather3A_614 : memref<1x128x32xf32, #tpu.memory_space<vmem>> -> memref<128x32xf32, #tpu.memory_space<vmem>>
      %gather3A_616 = tpu.vector_load_idx %gather3A_615[%sub3A_608, %broadcast_in_dim3A_610] : memref<128x32xf32, #tpu.memory_space<vmem>>[vector<16xi32>, vector<16xi32>], vector<16xf32>,
      %mul3A_617 = arith.mulf %gather3A_605, %gather3A_616 : vector<16xf32>
      %add3A_618 = arith.addf %add3A_598, %mul3A_617 : vector<16xf32>
      %mul3A_619 = arith.constant 32 : i32
      %mul3A_620 = vector.broadcast %mul3A_619 : i32 to vector<16xi32>
      %mul3A_621 = arith.muli %add3A_159, %mul3A_620 : vector<16xi32>
      %add3A_622 = arith.constant 23 : i32
      %add3A_623 = vector.broadcast %add3A_622 : i32 to vector<16xi32>
      %add3A_624 = arith.addi %mul3A_621, %add3A_623 : vector<16xi32>
      %gather3A_625 = tpu.vector_load_idx %arg7[%add3A_624] : memref<16384xf32, #tpu.memory_space<vmem>>[vector<16xi32>], vector<16xf32>,
      %sub3A_626 = arith.constant 256 : i32
      %sub3A_627 = vector.broadcast %sub3A_626 : i32 to vector<16xi32>
      %sub3A_628 = arith.subi %add3A_159, %sub3A_627 : vector<16xi32>
      %broadcast_in_dim3A_629 = arith.constant 23 : i32
      %broadcast_in_dim3A_630 = vector.broadcast %broadcast_in_dim3A_629 : i32 to vector<16xi32>
      %gather3A_631 = arith.constant 0 : i32
      %gather3A_632 = arith.constant 0 : i32
      %gather3A_633 = arith.constant 0 : i32
      %gather3A_634 = tpu.memref_slice %arg8[%gather3A_631, %gather3A_632, %gather3A_633] : memref<2x128x32xf32, #tpu.memory_space<vmem>> -> memref<1x128x32xf32, #tpu.memory_space<vmem>>
      %gather3A_635 = tpu.memref_squeeze %gather3A_634 : memref<1x128x32xf32, #tpu.memory_space<vmem>> -> memref<128x32xf32, #tpu.memory_space<vmem>>
      %gather3A_636 = tpu.vector_load_idx %gather3A_635[%sub3A_628, %broadcast_in_dim3A_630] : memref<128x32xf32, #tpu.memory_space<vmem>>[vector<16xi32>, vector<16xi32>], vector<16xf32>,
      %mul3A_637 = arith.mulf %gather3A_625, %gather3A_636 : vector<16xf32>
      %add3A_638 = arith.addf %add3A_618, %mul3A_637 : vector<16xf32>
      %mul3A_639 = arith.constant 32 : i32
      %mul3A_640 = vector.broadcast %mul3A_639 : i32 to vector<16xi32>
      %mul3A_641 = arith.muli %add3A_159, %mul3A_640 : vector<16xi32>
      %add3A_642 = arith.constant 24 : i32
      %add3A_643 = vector.broadcast %add3A_642 : i32 to vector<16xi32>
      %add3A_644 = arith.addi %mul3A_641, %add3A_643 : vector<16xi32>
      %gather3A_645 = tpu.vector_load_idx %arg7[%add3A_644] : memref<16384xf32, #tpu.memory_space<vmem>>[vector<16xi32>], vector<16xf32>,
      %sub3A_646 = arith.constant 256 : i32
      %sub3A_647 = vector.broadcast %sub3A_646 : i32 to vector<16xi32>
      %sub3A_648 = arith.subi %add3A_159, %sub3A_647 : vector<16xi32>
      %broadcast_in_dim3A_649 = arith.constant 24 : i32
      %broadcast_in_dim3A_650 = vector.broadcast %broadcast_in_dim3A_649 : i32 to vector<16xi32>
      %gather3A_651 = arith.constant 0 : i32
      %gather3A_652 = arith.constant 0 : i32
      %gather3A_653 = arith.constant 0 : i32
      %gather3A_654 = tpu.memref_slice %arg8[%gather3A_651, %gather3A_652, %gather3A_653] : memref<2x128x32xf32, #tpu.memory_space<vmem>> -> memref<1x128x32xf32, #tpu.memory_space<vmem>>
      %gather3A_655 = tpu.memref_squeeze %gather3A_654 : memref<1x128x32xf32, #tpu.memory_space<vmem>> -> memref<128x32xf32, #tpu.memory_space<vmem>>
      %gather3A_656 = tpu.vector_load_idx %gather3A_655[%sub3A_648, %broadcast_in_dim3A_650] : memref<128x32xf32, #tpu.memory_space<vmem>>[vector<16xi32>, vector<16xi32>], vector<16xf32>,
      %mul3A_657 = arith.mulf %gather3A_645, %gather3A_656 : vector<16xf32>
      %add3A_658 = arith.addf %add3A_638, %mul3A_657 : vector<16xf32>
      %mul3A_659 = arith.constant 32 : i32
      %mul3A_660 = vector.broadcast %mul3A_659 : i32 to vector<16xi32>
      %mul3A_661 = arith.muli %add3A_159, %mul3A_660 : vector<16xi32>
      %add3A_662 = arith.constant 25 : i32
      %add3A_663 = vector.broadcast %add3A_662 : i32 to vector<16xi32>
      %add3A_664 = arith.addi %mul3A_661, %add3A_663 : vector<16xi32>
      %gather3A_665 = tpu.vector_load_idx %arg7[%add3A_664] : memref<16384xf32, #tpu.memory_space<vmem>>[vector<16xi32>], vector<16xf32>,
      %sub3A_666 = arith.constant 256 : i32
      %sub3A_667 = vector.broadcast %sub3A_666 : i32 to vector<16xi32>
      %sub3A_668 = arith.subi %add3A_159, %sub3A_667 : vector<16xi32>
      %broadcast_in_dim3A_669 = arith.constant 25 : i32
      %broadcast_in_dim3A_670 = vector.broadcast %broadcast_in_dim3A_669 : i32 to vector<16xi32>
      %gather3A_671 = arith.constant 0 : i32
      %gather3A_672 = arith.constant 0 : i32
      %gather3A_673 = arith.constant 0 : i32
      %gather3A_674 = tpu.memref_slice %arg8[%gather3A_671, %gather3A_672, %gather3A_673] : memref<2x128x32xf32, #tpu.memory_space<vmem>> -> memref<1x128x32xf32, #tpu.memory_space<vmem>>
      %gather3A_675 = tpu.memref_squeeze %gather3A_674 : memref<1x128x32xf32, #tpu.memory_space<vmem>> -> memref<128x32xf32, #tpu.memory_space<vmem>>
      %gather3A_676 = tpu.vector_load_idx %gather3A_675[%sub3A_668, %broadcast_in_dim3A_670] : memref<128x32xf32, #tpu.memory_space<vmem>>[vector<16xi32>, vector<16xi32>], vector<16xf32>,
      %mul3A_677 = arith.mulf %gather3A_665, %gather3A_676 : vector<16xf32>
      %add3A_678 = arith.addf %add3A_658, %mul3A_677 : vector<16xf32>
      %mul3A_679 = arith.constant 32 : i32
      %mul3A_680 = vector.broadcast %mul3A_679 : i32 to vector<16xi32>
      %mul3A_681 = arith.muli %add3A_159, %mul3A_680 : vector<16xi32>
      %add3A_682 = arith.constant 26 : i32
      %add3A_683 = vector.broadcast %add3A_682 : i32 to vector<16xi32>
      %add3A_684 = arith.addi %mul3A_681, %add3A_683 : vector<16xi32>
      %gather3A_685 = tpu.vector_load_idx %arg7[%add3A_684] : memref<16384xf32, #tpu.memory_space<vmem>>[vector<16xi32>], vector<16xf32>,
      %sub3A_686 = arith.constant 256 : i32
      %sub3A_687 = vector.broadcast %sub3A_686 : i32 to vector<16xi32>
      %sub3A_688 = arith.subi %add3A_159, %sub3A_687 : vector<16xi32>
      %broadcast_in_dim3A_689 = arith.constant 26 : i32
      %broadcast_in_dim3A_690 = vector.broadcast %broadcast_in_dim3A_689 : i32 to vector<16xi32>
      %gather3A_691 = arith.constant 0 : i32
      %gather3A_692 = arith.constant 0 : i32
      %gather3A_693 = arith.constant 0 : i32
      %gather3A_694 = tpu.memref_slice %arg8[%gather3A_691, %gather3A_692, %gather3A_693] : memref<2x128x32xf32, #tpu.memory_space<vmem>> -> memref<1x128x32xf32, #tpu.memory_space<vmem>>
      %gather3A_695 = tpu.memref_squeeze %gather3A_694 : memref<1x128x32xf32, #tpu.memory_space<vmem>> -> memref<128x32xf32, #tpu.memory_space<vmem>>
      %gather3A_696 = tpu.vector_load_idx %gather3A_695[%sub3A_688, %broadcast_in_dim3A_690] : memref<128x32xf32, #tpu.memory_space<vmem>>[vector<16xi32>, vector<16xi32>], vector<16xf32>,
      %mul3A_697 = arith.mulf %gather3A_685, %gather3A_696 : vector<16xf32>
      %add3A_698 = arith.addf %add3A_678, %mul3A_697 : vector<16xf32>
      %mul3A_699 = arith.constant 32 : i32
      %mul3A_700 = vector.broadcast %mul3A_699 : i32 to vector<16xi32>
      %mul3A_701 = arith.muli %add3A_159, %mul3A_700 : vector<16xi32>
      %add3A_702 = arith.constant 27 : i32
      %add3A_703 = vector.broadcast %add3A_702 : i32 to vector<16xi32>
      %add3A_704 = arith.addi %mul3A_701, %add3A_703 : vector<16xi32>
      %gather3A_705 = tpu.vector_load_idx %arg7[%add3A_704] : memref<16384xf32, #tpu.memory_space<vmem>>[vector<16xi32>], vector<16xf32>,
      %sub3A_706 = arith.constant 256 : i32
      %sub3A_707 = vector.broadcast %sub3A_706 : i32 to vector<16xi32>
      %sub3A_708 = arith.subi %add3A_159, %sub3A_707 : vector<16xi32>
      %broadcast_in_dim3A_709 = arith.constant 27 : i32
      %broadcast_in_dim3A_710 = vector.broadcast %broadcast_in_dim3A_709 : i32 to vector<16xi32>
      %gather3A_711 = arith.constant 0 : i32
      %gather3A_712 = arith.constant 0 : i32
      %gather3A_713 = arith.constant 0 : i32
      %gather3A_714 = tpu.memref_slice %arg8[%gather3A_711, %gather3A_712, %gather3A_713] : memref<2x128x32xf32, #tpu.memory_space<vmem>> -> memref<1x128x32xf32, #tpu.memory_space<vmem>>
      %gather3A_715 = tpu.memref_squeeze %gather3A_714 : memref<1x128x32xf32, #tpu.memory_space<vmem>> -> memref<128x32xf32, #tpu.memory_space<vmem>>
      %gather3A_716 = tpu.vector_load_idx %gather3A_715[%sub3A_708, %broadcast_in_dim3A_710] : memref<128x32xf32, #tpu.memory_space<vmem>>[vector<16xi32>, vector<16xi32>], vector<16xf32>,
      %mul3A_717 = arith.mulf %gather3A_705, %gather3A_716 : vector<16xf32>
      %add3A_718 = arith.addf %add3A_698, %mul3A_717 : vector<16xf32>
      %mul3A_719 = arith.constant 32 : i32
      %mul3A_720 = vector.broadcast %mul3A_719 : i32 to vector<16xi32>
      %mul3A_721 = arith.muli %add3A_159, %mul3A_720 : vector<16xi32>
      %add3A_722 = arith.constant 28 : i32
      %add3A_723 = vector.broadcast %add3A_722 : i32 to vector<16xi32>
      %add3A_724 = arith.addi %mul3A_721, %add3A_723 : vector<16xi32>
      %gather3A_725 = tpu.vector_load_idx %arg7[%add3A_724] : memref<16384xf32, #tpu.memory_space<vmem>>[vector<16xi32>], vector<16xf32>,
      %sub3A_726 = arith.constant 256 : i32
      %sub3A_727 = vector.broadcast %sub3A_726 : i32 to vector<16xi32>
      %sub3A_728 = arith.subi %add3A_159, %sub3A_727 : vector<16xi32>
      %broadcast_in_dim3A_729 = arith.constant 28 : i32
      %broadcast_in_dim3A_730 = vector.broadcast %broadcast_in_dim3A_729 : i32 to vector<16xi32>
      %gather3A_731 = arith.constant 0 : i32
      %gather3A_732 = arith.constant 0 : i32
      %gather3A_733 = arith.constant 0 : i32
      %gather3A_734 = tpu.memref_slice %arg8[%gather3A_731, %gather3A_732, %gather3A_733] : memref<2x128x32xf32, #tpu.memory_space<vmem>> -> memref<1x128x32xf32, #tpu.memory_space<vmem>>
      %gather3A_735 = tpu.memref_squeeze %gather3A_734 : memref<1x128x32xf32, #tpu.memory_space<vmem>> -> memref<128x32xf32, #tpu.memory_space<vmem>>
      %gather3A_736 = tpu.vector_load_idx %gather3A_735[%sub3A_728, %broadcast_in_dim3A_730] : memref<128x32xf32, #tpu.memory_space<vmem>>[vector<16xi32>, vector<16xi32>], vector<16xf32>,
      %mul3A_737 = arith.mulf %gather3A_725, %gather3A_736 : vector<16xf32>
      %add3A_738 = arith.addf %add3A_718, %mul3A_737 : vector<16xf32>
      %mul3A_739 = arith.constant 32 : i32
      %mul3A_740 = vector.broadcast %mul3A_739 : i32 to vector<16xi32>
      %mul3A_741 = arith.muli %add3A_159, %mul3A_740 : vector<16xi32>
      %add3A_742 = arith.constant 29 : i32
      %add3A_743 = vector.broadcast %add3A_742 : i32 to vector<16xi32>
      %add3A_744 = arith.addi %mul3A_741, %add3A_743 : vector<16xi32>
      %gather3A_745 = tpu.vector_load_idx %arg7[%add3A_744] : memref<16384xf32, #tpu.memory_space<vmem>>[vector<16xi32>], vector<16xf32>,
      %sub3A_746 = arith.constant 256 : i32
      %sub3A_747 = vector.broadcast %sub3A_746 : i32 to vector<16xi32>
      %sub3A_748 = arith.subi %add3A_159, %sub3A_747 : vector<16xi32>
      %broadcast_in_dim3A_749 = arith.constant 29 : i32
      %broadcast_in_dim3A_750 = vector.broadcast %broadcast_in_dim3A_749 : i32 to vector<16xi32>
      %gather3A_751 = arith.constant 0 : i32
      %gather3A_752 = arith.constant 0 : i32
      %gather3A_753 = arith.constant 0 : i32
      %gather3A_754 = tpu.memref_slice %arg8[%gather3A_751, %gather3A_752, %gather3A_753] : memref<2x128x32xf32, #tpu.memory_space<vmem>> -> memref<1x128x32xf32, #tpu.memory_space<vmem>>
      %gather3A_755 = tpu.memref_squeeze %gather3A_754 : memref<1x128x32xf32, #tpu.memory_space<vmem>> -> memref<128x32xf32, #tpu.memory_space<vmem>>
      %gather3A_756 = tpu.vector_load_idx %gather3A_755[%sub3A_748, %broadcast_in_dim3A_750] : memref<128x32xf32, #tpu.memory_space<vmem>>[vector<16xi32>, vector<16xi32>], vector<16xf32>,
      %mul3A_757 = arith.mulf %gather3A_745, %gather3A_756 : vector<16xf32>
      %add3A_758 = arith.addf %add3A_738, %mul3A_757 : vector<16xf32>
      %mul3A_759 = arith.constant 32 : i32
      %mul3A_760 = vector.broadcast %mul3A_759 : i32 to vector<16xi32>
      %mul3A_761 = arith.muli %add3A_159, %mul3A_760 : vector<16xi32>
      %add3A_762 = arith.constant 30 : i32
      %add3A_763 = vector.broadcast %add3A_762 : i32 to vector<16xi32>
      %add3A_764 = arith.addi %mul3A_761, %add3A_763 : vector<16xi32>
      %gather3A_765 = tpu.vector_load_idx %arg7[%add3A_764] : memref<16384xf32, #tpu.memory_space<vmem>>[vector<16xi32>], vector<16xf32>,
      %sub3A_766 = arith.constant 256 : i32
      %sub3A_767 = vector.broadcast %sub3A_766 : i32 to vector<16xi32>
      %sub3A_768 = arith.subi %add3A_159, %sub3A_767 : vector<16xi32>
      %broadcast_in_dim3A_769 = arith.constant 30 : i32
      %broadcast_in_dim3A_770 = vector.broadcast %broadcast_in_dim3A_769 : i32 to vector<16xi32>
      %gather3A_771 = arith.constant 0 : i32
      %gather3A_772 = arith.constant 0 : i32
      %gather3A_773 = arith.constant 0 : i32
      %gather3A_774 = tpu.memref_slice %arg8[%gather3A_771, %gather3A_772, %gather3A_773] : memref<2x128x32xf32, #tpu.memory_space<vmem>> -> memref<1x128x32xf32, #tpu.memory_space<vmem>>
      %gather3A_775 = tpu.memref_squeeze %gather3A_774 : memref<1x128x32xf32, #tpu.memory_space<vmem>> -> memref<128x32xf32, #tpu.memory_space<vmem>>
      %gather3A_776 = tpu.vector_load_idx %gather3A_775[%sub3A_768, %broadcast_in_dim3A_770] : memref<128x32xf32, #tpu.memory_space<vmem>>[vector<16xi32>, vector<16xi32>], vector<16xf32>,
      %mul3A_777 = arith.mulf %gather3A_765, %gather3A_776 : vector<16xf32>
      %add3A_778 = arith.addf %add3A_758, %mul3A_777 : vector<16xf32>
      %mul3A_779 = arith.constant 32 : i32
      %mul3A_780 = vector.broadcast %mul3A_779 : i32 to vector<16xi32>
      %mul3A_781 = arith.muli %add3A_159, %mul3A_780 : vector<16xi32>
      %add3A_782 = arith.constant 31 : i32
      %add3A_783 = vector.broadcast %add3A_782 : i32 to vector<16xi32>
      %add3A_784 = arith.addi %mul3A_781, %add3A_783 : vector<16xi32>
      %gather3A_785 = tpu.vector_load_idx %arg7[%add3A_784] : memref<16384xf32, #tpu.memory_space<vmem>>[vector<16xi32>], vector<16xf32>,
      %sub3A_786 = arith.constant 256 : i32
      %sub3A_787 = vector.broadcast %sub3A_786 : i32 to vector<16xi32>
      %sub3A_788 = arith.subi %add3A_159, %sub3A_787 : vector<16xi32>
      %broadcast_in_dim3A_789 = arith.constant 31 : i32
      %broadcast_in_dim3A_790 = vector.broadcast %broadcast_in_dim3A_789 : i32 to vector<16xi32>
      %gather3A_791 = arith.constant 0 : i32
      %gather3A_792 = arith.constant 0 : i32
      %gather3A_793 = arith.constant 0 : i32
      %gather3A_794 = tpu.memref_slice %arg8[%gather3A_791, %gather3A_792, %gather3A_793] : memref<2x128x32xf32, #tpu.memory_space<vmem>> -> memref<1x128x32xf32, #tpu.memory_space<vmem>>
      %gather3A_795 = tpu.memref_squeeze %gather3A_794 : memref<1x128x32xf32, #tpu.memory_space<vmem>> -> memref<128x32xf32, #tpu.memory_space<vmem>>
      %gather3A_796 = tpu.vector_load_idx %gather3A_795[%sub3A_788, %broadcast_in_dim3A_790] : memref<128x32xf32, #tpu.memory_space<vmem>>[vector<16xi32>, vector<16xi32>], vector<16xf32>,
      %mul3A_797 = arith.mulf %gather3A_785, %gather3A_796 : vector<16xf32>
      %add3A_798 = arith.addf %add3A_778, %mul3A_797 : vector<16xf32>
      %mul3A_799 = arith.constant 16 : i32
      %mul3A_800 = arith.muli %scan3A_152, %mul3A_799 : i32
      %swap3A = arith.constant 2 : i32
      %swap3A_801 = arith.index_cast %swap3A : i32 to index
      %swap3A_802 = arith.index_cast %mul3A_800 : i32 to index
      %swap3A_803 = tpu.vector_load %arg9[%swap3A_801, %swap3A_802] {strides = array<i32>} : memref<4x128xf32, #tpu.memory_space<vmem>>, vector<16xf32>,
      tpu.vector_store %arg9[%swap3A_801, %swap3A_802], %add3A_798 {strides = array<i32>} : memref<4x128xf32, #tpu.memory_space<vmem>>, vector<16xf32>,
      %scan3A_804 = arith.constant 0 : i32
      scf.yield %scan3A_804 : i32
    }
    %scan3A_129 = arith.constant 8 : i32
    %dma_wait3A_130 = arith.constant 3 : i32
    %dma_wait3A_131 = arith.constant 1 : i32
    %dma_wait3A_132 = arith.constant 1 : i32
    %dma_wait3A_133 = arith.constant 0 : i32
    %dma_wait3A_134 = arith.constant 0 : i32
    %dma_wait3A_135 = tpu.memref_slice %arg8[%dma_wait3A_131, %dma_wait3A_133, %dma_wait3A_134] : memref<2x128x32xf32, #tpu.memory_space<vmem>> -> memref<1x128x32xf32, #tpu.memory_space<vmem>>
    %dma_wait3A_136 = tpu.memref_squeeze %dma_wait3A_135 : memref<1x128x32xf32, #tpu.memory_space<vmem>> -> memref<128x32xf32, #tpu.memory_space<vmem>>
    %dma_wait3A_137 = arith.constant 0 : i32
    %dma_wait3A_138 = tpu.memref_slice %arg6[%dma_wait3A_130, %dma_wait3A_137] : memref<4x128xi32, #tpu.memory_space<vmem>> -> memref<1x128xi32, #tpu.memory_space<vmem>>
    %dma_wait3A_139 = tpu.memref_squeeze %dma_wait3A_138 : memref<1x128xi32, #tpu.memory_space<vmem>> -> memref<128xi32, #tpu.memory_space<vmem>>
    %dma_wait3A_140 = arith.constant 0 : i32
    %dma_wait3A_141 = arith.constant 0 : i32
    %dma_wait3A_142 = tpu.memref_slice %arg3[%dma_wait3A_140, %dma_wait3A_141] : memref<100000x32xf32, #tpu.memory_space<hbm>> -> memref<100000x32xf32, #tpu.memory_space<hbm>>
    %dma_wait3A_143 = tpu.memref_slice %arg10[%dma_wait3A_132] : memref<2x!tpu.dma_semaphore, #tpu.memory_space<semaphore_mem>> -> memref<1x!tpu.dma_semaphore, #tpu.memory_space<semaphore_mem>>
    %dma_wait3A_144 = tpu.memref_squeeze %dma_wait3A_143 : memref<1x!tpu.dma_semaphore, #tpu.memory_space<semaphore_mem>> -> memref<!tpu.dma_semaphore, #tpu.memory_space<semaphore_mem>>
    tpu.wait_indirect_dma semaphore(%dma_wait3A_144 : memref<!tpu.dma_semaphore, #tpu.memory_space<semaphore_mem>>) src(%dma_wait3A_142 : memref<100000x32xf32, #tpu.memory_space<hbm>>) dst(%dma_wait3A_136 : memref<128x32xf32, #tpu.memory_space<vmem>>)
    %scan3A_145 = arith.constant 0 : i32
    %scan3A_146 = arith.constant 0 : i32
    %scan3A_147 = arith.constant 8 : i32
    %scan3A_148 = arith.addi %scan3A_146, %scan3A_147 : i32
    %scan3A_149 = arith.constant 1 : i32
    %scan3A_150 = scf.for %scan3A_152 = %scan3A_146 to %scan3A_148 step %scan3A_149 iter_args(%scan3A_153 = %scan3A_145) -> (i32)  : i32 {
      %mul3A_154 = arith.constant 16 : i32
      %mul3A_155 = arith.muli %scan3A_152, %mul3A_154 : i32
      %add3A_156 = arith.constant 384 : i32
      %add3A_157 = arith.addi %add3A_156, %mul3A_155 : i32
      %add3A_158 = vector.broadcast %add3A_157 : i32 to vector<16xi32>
      %add3A_159 = arith.addi %add3A_158, %iota3A : vector<16xi32>
      %broadcast_in_dim3A = arith.constant 0.000000e+00 : f32
      %broadcast_in_dim3A_160 = vector.broadcast %broadcast_in_dim3A : f32 to vector<16xf32>
      %mul3A_161 = arith.constant 32 : i32
      %mul3A_162 = vector.broadcast %mul3A_161 : i32 to vector<16xi32>
      %mul3A_163 = arith.muli %add3A_159, %mul3A_162 : vector<16xi32>
      %add3A_164 = arith.constant 0 : i32
      %add3A_165 = vector.broadcast %add3A_164 : i32 to vector<16xi32>
      %add3A_166 = arith.addi %mul3A_163, %add3A_165 : vector<16xi32>
      %gather3A = tpu.vector_load_idx %arg7[%add3A_166] : memref<16384xf32, #tpu.memory_space<vmem>>[vector<16xi32>], vector<16xf32>,
      %sub3A = arith.constant 384 : i32
      %sub3A_167 = vector.broadcast %sub3A : i32 to vector<16xi32>
      %sub3A_168 = arith.subi %add3A_159, %sub3A_167 : vector<16xi32>
      %broadcast_in_dim3A_169 = arith.constant 0 : i32
      %broadcast_in_dim3A_170 = vector.broadcast %broadcast_in_dim3A_169 : i32 to vector<16xi32>
      %gather3A_171 = arith.constant 1 : i32
      %gather3A_172 = arith.constant 0 : i32
      %gather3A_173 = arith.constant 0 : i32
      %gather3A_174 = tpu.memref_slice %arg8[%gather3A_171, %gather3A_172, %gather3A_173] : memref<2x128x32xf32, #tpu.memory_space<vmem>> -> memref<1x128x32xf32, #tpu.memory_space<vmem>>
      %gather3A_175 = tpu.memref_squeeze %gather3A_174 : memref<1x128x32xf32, #tpu.memory_space<vmem>> -> memref<128x32xf32, #tpu.memory_space<vmem>>
      %gather3A_176 = tpu.vector_load_idx %gather3A_175[%sub3A_168, %broadcast_in_dim3A_170] : memref<128x32xf32, #tpu.memory_space<vmem>>[vector<16xi32>, vector<16xi32>], vector<16xf32>,
      %mul3A_177 = arith.mulf %gather3A, %gather3A_176 : vector<16xf32>
      %add3A_178 = arith.addf %broadcast_in_dim3A_160, %mul3A_177 : vector<16xf32>
      %mul3A_179 = arith.constant 32 : i32
      %mul3A_180 = vector.broadcast %mul3A_179 : i32 to vector<16xi32>
      %mul3A_181 = arith.muli %add3A_159, %mul3A_180 : vector<16xi32>
      %add3A_182 = arith.constant 1 : i32
      %add3A_183 = vector.broadcast %add3A_182 : i32 to vector<16xi32>
      %add3A_184 = arith.addi %mul3A_181, %add3A_183 : vector<16xi32>
      %gather3A_185 = tpu.vector_load_idx %arg7[%add3A_184] : memref<16384xf32, #tpu.memory_space<vmem>>[vector<16xi32>], vector<16xf32>,
      %sub3A_186 = arith.constant 384 : i32
      %sub3A_187 = vector.broadcast %sub3A_186 : i32 to vector<16xi32>
      %sub3A_188 = arith.subi %add3A_159, %sub3A_187 : vector<16xi32>
      %broadcast_in_dim3A_189 = arith.constant 1 : i32
      %broadcast_in_dim3A_190 = vector.broadcast %broadcast_in_dim3A_189 : i32 to vector<16xi32>
      %gather3A_191 = arith.constant 1 : i32
      %gather3A_192 = arith.constant 0 : i32
      %gather3A_193 = arith.constant 0 : i32
      %gather3A_194 = tpu.memref_slice %arg8[%gather3A_191, %gather3A_192, %gather3A_193] : memref<2x128x32xf32, #tpu.memory_space<vmem>> -> memref<1x128x32xf32, #tpu.memory_space<vmem>>
      %gather3A_195 = tpu.memref_squeeze %gather3A_194 : memref<1x128x32xf32, #tpu.memory_space<vmem>> -> memref<128x32xf32, #tpu.memory_space<vmem>>
      %gather3A_196 = tpu.vector_load_idx %gather3A_195[%sub3A_188, %broadcast_in_dim3A_190] : memref<128x32xf32, #tpu.memory_space<vmem>>[vector<16xi32>, vector<16xi32>], vector<16xf32>,
      %mul3A_197 = arith.mulf %gather3A_185, %gather3A_196 : vector<16xf32>
      %add3A_198 = arith.addf %add3A_178, %mul3A_197 : vector<16xf32>
      %mul3A_199 = arith.constant 32 : i32
      %mul3A_200 = vector.broadcast %mul3A_199 : i32 to vector<16xi32>
      %mul3A_201 = arith.muli %add3A_159, %mul3A_200 : vector<16xi32>
      %add3A_202 = arith.constant 2 : i32
      %add3A_203 = vector.broadcast %add3A_202 : i32 to vector<16xi32>
      %add3A_204 = arith.addi %mul3A_201, %add3A_203 : vector<16xi32>
      %gather3A_205 = tpu.vector_load_idx %arg7[%add3A_204] : memref<16384xf32, #tpu.memory_space<vmem>>[vector<16xi32>], vector<16xf32>,
      %sub3A_206 = arith.constant 384 : i32
      %sub3A_207 = vector.broadcast %sub3A_206 : i32 to vector<16xi32>
      %sub3A_208 = arith.subi %add3A_159, %sub3A_207 : vector<16xi32>
      %broadcast_in_dim3A_209 = arith.constant 2 : i32
      %broadcast_in_dim3A_210 = vector.broadcast %broadcast_in_dim3A_209 : i32 to vector<16xi32>
      %gather3A_211 = arith.constant 1 : i32
      %gather3A_212 = arith.constant 0 : i32
      %gather3A_213 = arith.constant 0 : i32
      %gather3A_214 = tpu.memref_slice %arg8[%gather3A_211, %gather3A_212, %gather3A_213] : memref<2x128x32xf32, #tpu.memory_space<vmem>> -> memref<1x128x32xf32, #tpu.memory_space<vmem>>
      %gather3A_215 = tpu.memref_squeeze %gather3A_214 : memref<1x128x32xf32, #tpu.memory_space<vmem>> -> memref<128x32xf32, #tpu.memory_space<vmem>>
      %gather3A_216 = tpu.vector_load_idx %gather3A_215[%sub3A_208, %broadcast_in_dim3A_210] : memref<128x32xf32, #tpu.memory_space<vmem>>[vector<16xi32>, vector<16xi32>], vector<16xf32>,
      %mul3A_217 = arith.mulf %gather3A_205, %gather3A_216 : vector<16xf32>
      %add3A_218 = arith.addf %add3A_198, %mul3A_217 : vector<16xf32>
      %mul3A_219 = arith.constant 32 : i32
      %mul3A_220 = vector.broadcast %mul3A_219 : i32 to vector<16xi32>
      %mul3A_221 = arith.muli %add3A_159, %mul3A_220 : vector<16xi32>
      %add3A_222 = arith.constant 3 : i32
      %add3A_223 = vector.broadcast %add3A_222 : i32 to vector<16xi32>
      %add3A_224 = arith.addi %mul3A_221, %add3A_223 : vector<16xi32>
      %gather3A_225 = tpu.vector_load_idx %arg7[%add3A_224] : memref<16384xf32, #tpu.memory_space<vmem>>[vector<16xi32>], vector<16xf32>,
      %sub3A_226 = arith.constant 384 : i32
      %sub3A_227 = vector.broadcast %sub3A_226 : i32 to vector<16xi32>
      %sub3A_228 = arith.subi %add3A_159, %sub3A_227 : vector<16xi32>
      %broadcast_in_dim3A_229 = arith.constant 3 : i32
      %broadcast_in_dim3A_230 = vector.broadcast %broadcast_in_dim3A_229 : i32 to vector<16xi32>
      %gather3A_231 = arith.constant 1 : i32
      %gather3A_232 = arith.constant 0 : i32
      %gather3A_233 = arith.constant 0 : i32
      %gather3A_234 = tpu.memref_slice %arg8[%gather3A_231, %gather3A_232, %gather3A_233] : memref<2x128x32xf32, #tpu.memory_space<vmem>> -> memref<1x128x32xf32, #tpu.memory_space<vmem>>
      %gather3A_235 = tpu.memref_squeeze %gather3A_234 : memref<1x128x32xf32, #tpu.memory_space<vmem>> -> memref<128x32xf32, #tpu.memory_space<vmem>>
      %gather3A_236 = tpu.vector_load_idx %gather3A_235[%sub3A_228, %broadcast_in_dim3A_230] : memref<128x32xf32, #tpu.memory_space<vmem>>[vector<16xi32>, vector<16xi32>], vector<16xf32>,
      %mul3A_237 = arith.mulf %gather3A_225, %gather3A_236 : vector<16xf32>
      %add3A_238 = arith.addf %add3A_218, %mul3A_237 : vector<16xf32>
      %mul3A_239 = arith.constant 32 : i32
      %mul3A_240 = vector.broadcast %mul3A_239 : i32 to vector<16xi32>
      %mul3A_241 = arith.muli %add3A_159, %mul3A_240 : vector<16xi32>
      %add3A_242 = arith.constant 4 : i32
      %add3A_243 = vector.broadcast %add3A_242 : i32 to vector<16xi32>
      %add3A_244 = arith.addi %mul3A_241, %add3A_243 : vector<16xi32>
      %gather3A_245 = tpu.vector_load_idx %arg7[%add3A_244] : memref<16384xf32, #tpu.memory_space<vmem>>[vector<16xi32>], vector<16xf32>,
      %sub3A_246 = arith.constant 384 : i32
      %sub3A_247 = vector.broadcast %sub3A_246 : i32 to vector<16xi32>
      %sub3A_248 = arith.subi %add3A_159, %sub3A_247 : vector<16xi32>
      %broadcast_in_dim3A_249 = arith.constant 4 : i32
      %broadcast_in_dim3A_250 = vector.broadcast %broadcast_in_dim3A_249 : i32 to vector<16xi32>
      %gather3A_251 = arith.constant 1 : i32
      %gather3A_252 = arith.constant 0 : i32
      %gather3A_253 = arith.constant 0 : i32
      %gather3A_254 = tpu.memref_slice %arg8[%gather3A_251, %gather3A_252, %gather3A_253] : memref<2x128x32xf32, #tpu.memory_space<vmem>> -> memref<1x128x32xf32, #tpu.memory_space<vmem>>
      %gather3A_255 = tpu.memref_squeeze %gather3A_254 : memref<1x128x32xf32, #tpu.memory_space<vmem>> -> memref<128x32xf32, #tpu.memory_space<vmem>>
      %gather3A_256 = tpu.vector_load_idx %gather3A_255[%sub3A_248, %broadcast_in_dim3A_250] : memref<128x32xf32, #tpu.memory_space<vmem>>[vector<16xi32>, vector<16xi32>], vector<16xf32>,
      %mul3A_257 = arith.mulf %gather3A_245, %gather3A_256 : vector<16xf32>
      %add3A_258 = arith.addf %add3A_238, %mul3A_257 : vector<16xf32>
      %mul3A_259 = arith.constant 32 : i32
      %mul3A_260 = vector.broadcast %mul3A_259 : i32 to vector<16xi32>
      %mul3A_261 = arith.muli %add3A_159, %mul3A_260 : vector<16xi32>
      %add3A_262 = arith.constant 5 : i32
      %add3A_263 = vector.broadcast %add3A_262 : i32 to vector<16xi32>
      %add3A_264 = arith.addi %mul3A_261, %add3A_263 : vector<16xi32>
      %gather3A_265 = tpu.vector_load_idx %arg7[%add3A_264] : memref<16384xf32, #tpu.memory_space<vmem>>[vector<16xi32>], vector<16xf32>,
      %sub3A_266 = arith.constant 384 : i32
      %sub3A_267 = vector.broadcast %sub3A_266 : i32 to vector<16xi32>
      %sub3A_268 = arith.subi %add3A_159, %sub3A_267 : vector<16xi32>
      %broadcast_in_dim3A_269 = arith.constant 5 : i32
      %broadcast_in_dim3A_270 = vector.broadcast %broadcast_in_dim3A_269 : i32 to vector<16xi32>
      %gather3A_271 = arith.constant 1 : i32
      %gather3A_272 = arith.constant 0 : i32
      %gather3A_273 = arith.constant 0 : i32
      %gather3A_274 = tpu.memref_slice %arg8[%gather3A_271, %gather3A_272, %gather3A_273] : memref<2x128x32xf32, #tpu.memory_space<vmem>> -> memref<1x128x32xf32, #tpu.memory_space<vmem>>
      %gather3A_275 = tpu.memref_squeeze %gather3A_274 : memref<1x128x32xf32, #tpu.memory_space<vmem>> -> memref<128x32xf32, #tpu.memory_space<vmem>>
      %gather3A_276 = tpu.vector_load_idx %gather3A_275[%sub3A_268, %broadcast_in_dim3A_270] : memref<128x32xf32, #tpu.memory_space<vmem>>[vector<16xi32>, vector<16xi32>], vector<16xf32>,
      %mul3A_277 = arith.mulf %gather3A_265, %gather3A_276 : vector<16xf32>
      %add3A_278 = arith.addf %add3A_258, %mul3A_277 : vector<16xf32>
      %mul3A_279 = arith.constant 32 : i32
      %mul3A_280 = vector.broadcast %mul3A_279 : i32 to vector<16xi32>
      %mul3A_281 = arith.muli %add3A_159, %mul3A_280 : vector<16xi32>
      %add3A_282 = arith.constant 6 : i32
      %add3A_283 = vector.broadcast %add3A_282 : i32 to vector<16xi32>
      %add3A_284 = arith.addi %mul3A_281, %add3A_283 : vector<16xi32>
      %gather3A_285 = tpu.vector_load_idx %arg7[%add3A_284] : memref<16384xf32, #tpu.memory_space<vmem>>[vector<16xi32>], vector<16xf32>,
      %sub3A_286 = arith.constant 384 : i32
      %sub3A_287 = vector.broadcast %sub3A_286 : i32 to vector<16xi32>
      %sub3A_288 = arith.subi %add3A_159, %sub3A_287 : vector<16xi32>
      %broadcast_in_dim3A_289 = arith.constant 6 : i32
      %broadcast_in_dim3A_290 = vector.broadcast %broadcast_in_dim3A_289 : i32 to vector<16xi32>
      %gather3A_291 = arith.constant 1 : i32
      %gather3A_292 = arith.constant 0 : i32
      %gather3A_293 = arith.constant 0 : i32
      %gather3A_294 = tpu.memref_slice %arg8[%gather3A_291, %gather3A_292, %gather3A_293] : memref<2x128x32xf32, #tpu.memory_space<vmem>> -> memref<1x128x32xf32, #tpu.memory_space<vmem>>
      %gather3A_295 = tpu.memref_squeeze %gather3A_294 : memref<1x128x32xf32, #tpu.memory_space<vmem>> -> memref<128x32xf32, #tpu.memory_space<vmem>>
      %gather3A_296 = tpu.vector_load_idx %gather3A_295[%sub3A_288, %broadcast_in_dim3A_290] : memref<128x32xf32, #tpu.memory_space<vmem>>[vector<16xi32>, vector<16xi32>], vector<16xf32>,
      %mul3A_297 = arith.mulf %gather3A_285, %gather3A_296 : vector<16xf32>
      %add3A_298 = arith.addf %add3A_278, %mul3A_297 : vector<16xf32>
      %mul3A_299 = arith.constant 32 : i32
      %mul3A_300 = vector.broadcast %mul3A_299 : i32 to vector<16xi32>
      %mul3A_301 = arith.muli %add3A_159, %mul3A_300 : vector<16xi32>
      %add3A_302 = arith.constant 7 : i32
      %add3A_303 = vector.broadcast %add3A_302 : i32 to vector<16xi32>
      %add3A_304 = arith.addi %mul3A_301, %add3A_303 : vector<16xi32>
      %gather3A_305 = tpu.vector_load_idx %arg7[%add3A_304] : memref<16384xf32, #tpu.memory_space<vmem>>[vector<16xi32>], vector<16xf32>,
      %sub3A_306 = arith.constant 384 : i32
      %sub3A_307 = vector.broadcast %sub3A_306 : i32 to vector<16xi32>
      %sub3A_308 = arith.subi %add3A_159, %sub3A_307 : vector<16xi32>
      %broadcast_in_dim3A_309 = arith.constant 7 : i32
      %broadcast_in_dim3A_310 = vector.broadcast %broadcast_in_dim3A_309 : i32 to vector<16xi32>
      %gather3A_311 = arith.constant 1 : i32
      %gather3A_312 = arith.constant 0 : i32
      %gather3A_313 = arith.constant 0 : i32
      %gather3A_314 = tpu.memref_slice %arg8[%gather3A_311, %gather3A_312, %gather3A_313] : memref<2x128x32xf32, #tpu.memory_space<vmem>> -> memref<1x128x32xf32, #tpu.memory_space<vmem>>
      %gather3A_315 = tpu.memref_squeeze %gather3A_314 : memref<1x128x32xf32, #tpu.memory_space<vmem>> -> memref<128x32xf32, #tpu.memory_space<vmem>>
      %gather3A_316 = tpu.vector_load_idx %gather3A_315[%sub3A_308, %broadcast_in_dim3A_310] : memref<128x32xf32, #tpu.memory_space<vmem>>[vector<16xi32>, vector<16xi32>], vector<16xf32>,
      %mul3A_317 = arith.mulf %gather3A_305, %gather3A_316 : vector<16xf32>
      %add3A_318 = arith.addf %add3A_298, %mul3A_317 : vector<16xf32>
      %mul3A_319 = arith.constant 32 : i32
      %mul3A_320 = vector.broadcast %mul3A_319 : i32 to vector<16xi32>
      %mul3A_321 = arith.muli %add3A_159, %mul3A_320 : vector<16xi32>
      %add3A_322 = arith.constant 8 : i32
      %add3A_323 = vector.broadcast %add3A_322 : i32 to vector<16xi32>
      %add3A_324 = arith.addi %mul3A_321, %add3A_323 : vector<16xi32>
      %gather3A_325 = tpu.vector_load_idx %arg7[%add3A_324] : memref<16384xf32, #tpu.memory_space<vmem>>[vector<16xi32>], vector<16xf32>,
      %sub3A_326 = arith.constant 384 : i32
      %sub3A_327 = vector.broadcast %sub3A_326 : i32 to vector<16xi32>
      %sub3A_328 = arith.subi %add3A_159, %sub3A_327 : vector<16xi32>
      %broadcast_in_dim3A_329 = arith.constant 8 : i32
      %broadcast_in_dim3A_330 = vector.broadcast %broadcast_in_dim3A_329 : i32 to vector<16xi32>
      %gather3A_331 = arith.constant 1 : i32
      %gather3A_332 = arith.constant 0 : i32
      %gather3A_333 = arith.constant 0 : i32
      %gather3A_334 = tpu.memref_slice %arg8[%gather3A_331, %gather3A_332, %gather3A_333] : memref<2x128x32xf32, #tpu.memory_space<vmem>> -> memref<1x128x32xf32, #tpu.memory_space<vmem>>
      %gather3A_335 = tpu.memref_squeeze %gather3A_334 : memref<1x128x32xf32, #tpu.memory_space<vmem>> -> memref<128x32xf32, #tpu.memory_space<vmem>>
      %gather3A_336 = tpu.vector_load_idx %gather3A_335[%sub3A_328, %broadcast_in_dim3A_330] : memref<128x32xf32, #tpu.memory_space<vmem>>[vector<16xi32>, vector<16xi32>], vector<16xf32>,
      %mul3A_337 = arith.mulf %gather3A_325, %gather3A_336 : vector<16xf32>
      %add3A_338 = arith.addf %add3A_318, %mul3A_337 : vector<16xf32>
      %mul3A_339 = arith.constant 32 : i32
      %mul3A_340 = vector.broadcast %mul3A_339 : i32 to vector<16xi32>
      %mul3A_341 = arith.muli %add3A_159, %mul3A_340 : vector<16xi32>
      %add3A_342 = arith.constant 9 : i32
      %add3A_343 = vector.broadcast %add3A_342 : i32 to vector<16xi32>
      %add3A_344 = arith.addi %mul3A_341, %add3A_343 : vector<16xi32>
      %gather3A_345 = tpu.vector_load_idx %arg7[%add3A_344] : memref<16384xf32, #tpu.memory_space<vmem>>[vector<16xi32>], vector<16xf32>,
      %sub3A_346 = arith.constant 384 : i32
      %sub3A_347 = vector.broadcast %sub3A_346 : i32 to vector<16xi32>
      %sub3A_348 = arith.subi %add3A_159, %sub3A_347 : vector<16xi32>
      %broadcast_in_dim3A_349 = arith.constant 9 : i32
      %broadcast_in_dim3A_350 = vector.broadcast %broadcast_in_dim3A_349 : i32 to vector<16xi32>
      %gather3A_351 = arith.constant 1 : i32
      %gather3A_352 = arith.constant 0 : i32
      %gather3A_353 = arith.constant 0 : i32
      %gather3A_354 = tpu.memref_slice %arg8[%gather3A_351, %gather3A_352, %gather3A_353] : memref<2x128x32xf32, #tpu.memory_space<vmem>> -> memref<1x128x32xf32, #tpu.memory_space<vmem>>
      %gather3A_355 = tpu.memref_squeeze %gather3A_354 : memref<1x128x32xf32, #tpu.memory_space<vmem>> -> memref<128x32xf32, #tpu.memory_space<vmem>>
      %gather3A_356 = tpu.vector_load_idx %gather3A_355[%sub3A_348, %broadcast_in_dim3A_350] : memref<128x32xf32, #tpu.memory_space<vmem>>[vector<16xi32>, vector<16xi32>], vector<16xf32>,
      %mul3A_357 = arith.mulf %gather3A_345, %gather3A_356 : vector<16xf32>
      %add3A_358 = arith.addf %add3A_338, %mul3A_357 : vector<16xf32>
      %mul3A_359 = arith.constant 32 : i32
      %mul3A_360 = vector.broadcast %mul3A_359 : i32 to vector<16xi32>
      %mul3A_361 = arith.muli %add3A_159, %mul3A_360 : vector<16xi32>
      %add3A_362 = arith.constant 10 : i32
      %add3A_363 = vector.broadcast %add3A_362 : i32 to vector<16xi32>
      %add3A_364 = arith.addi %mul3A_361, %add3A_363 : vector<16xi32>
      %gather3A_365 = tpu.vector_load_idx %arg7[%add3A_364] : memref<16384xf32, #tpu.memory_space<vmem>>[vector<16xi32>], vector<16xf32>,
      %sub3A_366 = arith.constant 384 : i32
      %sub3A_367 = vector.broadcast %sub3A_366 : i32 to vector<16xi32>
      %sub3A_368 = arith.subi %add3A_159, %sub3A_367 : vector<16xi32>
      %broadcast_in_dim3A_369 = arith.constant 10 : i32
      %broadcast_in_dim3A_370 = vector.broadcast %broadcast_in_dim3A_369 : i32 to vector<16xi32>
      %gather3A_371 = arith.constant 1 : i32
      %gather3A_372 = arith.constant 0 : i32
      %gather3A_373 = arith.constant 0 : i32
      %gather3A_374 = tpu.memref_slice %arg8[%gather3A_371, %gather3A_372, %gather3A_373] : memref<2x128x32xf32, #tpu.memory_space<vmem>> -> memref<1x128x32xf32, #tpu.memory_space<vmem>>
      %gather3A_375 = tpu.memref_squeeze %gather3A_374 : memref<1x128x32xf32, #tpu.memory_space<vmem>> -> memref<128x32xf32, #tpu.memory_space<vmem>>
      %gather3A_376 = tpu.vector_load_idx %gather3A_375[%sub3A_368, %broadcast_in_dim3A_370] : memref<128x32xf32, #tpu.memory_space<vmem>>[vector<16xi32>, vector<16xi32>], vector<16xf32>,
      %mul3A_377 = arith.mulf %gather3A_365, %gather3A_376 : vector<16xf32>
      %add3A_378 = arith.addf %add3A_358, %mul3A_377 : vector<16xf32>
      %mul3A_379 = arith.constant 32 : i32
      %mul3A_380 = vector.broadcast %mul3A_379 : i32 to vector<16xi32>
      %mul3A_381 = arith.muli %add3A_159, %mul3A_380 : vector<16xi32>
      %add3A_382 = arith.constant 11 : i32
      %add3A_383 = vector.broadcast %add3A_382 : i32 to vector<16xi32>
      %add3A_384 = arith.addi %mul3A_381, %add3A_383 : vector<16xi32>
      %gather3A_385 = tpu.vector_load_idx %arg7[%add3A_384] : memref<16384xf32, #tpu.memory_space<vmem>>[vector<16xi32>], vector<16xf32>,
      %sub3A_386 = arith.constant 384 : i32
      %sub3A_387 = vector.broadcast %sub3A_386 : i32 to vector<16xi32>
      %sub3A_388 = arith.subi %add3A_159, %sub3A_387 : vector<16xi32>
      %broadcast_in_dim3A_389 = arith.constant 11 : i32
      %broadcast_in_dim3A_390 = vector.broadcast %broadcast_in_dim3A_389 : i32 to vector<16xi32>
      %gather3A_391 = arith.constant 1 : i32
      %gather3A_392 = arith.constant 0 : i32
      %gather3A_393 = arith.constant 0 : i32
      %gather3A_394 = tpu.memref_slice %arg8[%gather3A_391, %gather3A_392, %gather3A_393] : memref<2x128x32xf32, #tpu.memory_space<vmem>> -> memref<1x128x32xf32, #tpu.memory_space<vmem>>
      %gather3A_395 = tpu.memref_squeeze %gather3A_394 : memref<1x128x32xf32, #tpu.memory_space<vmem>> -> memref<128x32xf32, #tpu.memory_space<vmem>>
      %gather3A_396 = tpu.vector_load_idx %gather3A_395[%sub3A_388, %broadcast_in_dim3A_390] : memref<128x32xf32, #tpu.memory_space<vmem>>[vector<16xi32>, vector<16xi32>], vector<16xf32>,
      %mul3A_397 = arith.mulf %gather3A_385, %gather3A_396 : vector<16xf32>
      %add3A_398 = arith.addf %add3A_378, %mul3A_397 : vector<16xf32>
      %mul3A_399 = arith.constant 32 : i32
      %mul3A_400 = vector.broadcast %mul3A_399 : i32 to vector<16xi32>
      %mul3A_401 = arith.muli %add3A_159, %mul3A_400 : vector<16xi32>
      %add3A_402 = arith.constant 12 : i32
      %add3A_403 = vector.broadcast %add3A_402 : i32 to vector<16xi32>
      %add3A_404 = arith.addi %mul3A_401, %add3A_403 : vector<16xi32>
      %gather3A_405 = tpu.vector_load_idx %arg7[%add3A_404] : memref<16384xf32, #tpu.memory_space<vmem>>[vector<16xi32>], vector<16xf32>,
      %sub3A_406 = arith.constant 384 : i32
      %sub3A_407 = vector.broadcast %sub3A_406 : i32 to vector<16xi32>
      %sub3A_408 = arith.subi %add3A_159, %sub3A_407 : vector<16xi32>
      %broadcast_in_dim3A_409 = arith.constant 12 : i32
      %broadcast_in_dim3A_410 = vector.broadcast %broadcast_in_dim3A_409 : i32 to vector<16xi32>
      %gather3A_411 = arith.constant 1 : i32
      %gather3A_412 = arith.constant 0 : i32
      %gather3A_413 = arith.constant 0 : i32
      %gather3A_414 = tpu.memref_slice %arg8[%gather3A_411, %gather3A_412, %gather3A_413] : memref<2x128x32xf32, #tpu.memory_space<vmem>> -> memref<1x128x32xf32, #tpu.memory_space<vmem>>
      %gather3A_415 = tpu.memref_squeeze %gather3A_414 : memref<1x128x32xf32, #tpu.memory_space<vmem>> -> memref<128x32xf32, #tpu.memory_space<vmem>>
      %gather3A_416 = tpu.vector_load_idx %gather3A_415[%sub3A_408, %broadcast_in_dim3A_410] : memref<128x32xf32, #tpu.memory_space<vmem>>[vector<16xi32>, vector<16xi32>], vector<16xf32>,
      %mul3A_417 = arith.mulf %gather3A_405, %gather3A_416 : vector<16xf32>
      %add3A_418 = arith.addf %add3A_398, %mul3A_417 : vector<16xf32>
      %mul3A_419 = arith.constant 32 : i32
      %mul3A_420 = vector.broadcast %mul3A_419 : i32 to vector<16xi32>
      %mul3A_421 = arith.muli %add3A_159, %mul3A_420 : vector<16xi32>
      %add3A_422 = arith.constant 13 : i32
      %add3A_423 = vector.broadcast %add3A_422 : i32 to vector<16xi32>
      %add3A_424 = arith.addi %mul3A_421, %add3A_423 : vector<16xi32>
      %gather3A_425 = tpu.vector_load_idx %arg7[%add3A_424] : memref<16384xf32, #tpu.memory_space<vmem>>[vector<16xi32>], vector<16xf32>,
      %sub3A_426 = arith.constant 384 : i32
      %sub3A_427 = vector.broadcast %sub3A_426 : i32 to vector<16xi32>
      %sub3A_428 = arith.subi %add3A_159, %sub3A_427 : vector<16xi32>
      %broadcast_in_dim3A_429 = arith.constant 13 : i32
      %broadcast_in_dim3A_430 = vector.broadcast %broadcast_in_dim3A_429 : i32 to vector<16xi32>
      %gather3A_431 = arith.constant 1 : i32
      %gather3A_432 = arith.constant 0 : i32
      %gather3A_433 = arith.constant 0 : i32
      %gather3A_434 = tpu.memref_slice %arg8[%gather3A_431, %gather3A_432, %gather3A_433] : memref<2x128x32xf32, #tpu.memory_space<vmem>> -> memref<1x128x32xf32, #tpu.memory_space<vmem>>
      %gather3A_435 = tpu.memref_squeeze %gather3A_434 : memref<1x128x32xf32, #tpu.memory_space<vmem>> -> memref<128x32xf32, #tpu.memory_space<vmem>>
      %gather3A_436 = tpu.vector_load_idx %gather3A_435[%sub3A_428, %broadcast_in_dim3A_430] : memref<128x32xf32, #tpu.memory_space<vmem>>[vector<16xi32>, vector<16xi32>], vector<16xf32>,
      %mul3A_437 = arith.mulf %gather3A_425, %gather3A_436 : vector<16xf32>
      %add3A_438 = arith.addf %add3A_418, %mul3A_437 : vector<16xf32>
      %mul3A_439 = arith.constant 32 : i32
      %mul3A_440 = vector.broadcast %mul3A_439 : i32 to vector<16xi32>
      %mul3A_441 = arith.muli %add3A_159, %mul3A_440 : vector<16xi32>
      %add3A_442 = arith.constant 14 : i32
      %add3A_443 = vector.broadcast %add3A_442 : i32 to vector<16xi32>
      %add3A_444 = arith.addi %mul3A_441, %add3A_443 : vector<16xi32>
      %gather3A_445 = tpu.vector_load_idx %arg7[%add3A_444] : memref<16384xf32, #tpu.memory_space<vmem>>[vector<16xi32>], vector<16xf32>,
      %sub3A_446 = arith.constant 384 : i32
      %sub3A_447 = vector.broadcast %sub3A_446 : i32 to vector<16xi32>
      %sub3A_448 = arith.subi %add3A_159, %sub3A_447 : vector<16xi32>
      %broadcast_in_dim3A_449 = arith.constant 14 : i32
      %broadcast_in_dim3A_450 = vector.broadcast %broadcast_in_dim3A_449 : i32 to vector<16xi32>
      %gather3A_451 = arith.constant 1 : i32
      %gather3A_452 = arith.constant 0 : i32
      %gather3A_453 = arith.constant 0 : i32
      %gather3A_454 = tpu.memref_slice %arg8[%gather3A_451, %gather3A_452, %gather3A_453] : memref<2x128x32xf32, #tpu.memory_space<vmem>> -> memref<1x128x32xf32, #tpu.memory_space<vmem>>
      %gather3A_455 = tpu.memref_squeeze %gather3A_454 : memref<1x128x32xf32, #tpu.memory_space<vmem>> -> memref<128x32xf32, #tpu.memory_space<vmem>>
      %gather3A_456 = tpu.vector_load_idx %gather3A_455[%sub3A_448, %broadcast_in_dim3A_450] : memref<128x32xf32, #tpu.memory_space<vmem>>[vector<16xi32>, vector<16xi32>], vector<16xf32>,
      %mul3A_457 = arith.mulf %gather3A_445, %gather3A_456 : vector<16xf32>
      %add3A_458 = arith.addf %add3A_438, %mul3A_457 : vector<16xf32>
      %mul3A_459 = arith.constant 32 : i32
      %mul3A_460 = vector.broadcast %mul3A_459 : i32 to vector<16xi32>
      %mul3A_461 = arith.muli %add3A_159, %mul3A_460 : vector<16xi32>
      %add3A_462 = arith.constant 15 : i32
      %add3A_463 = vector.broadcast %add3A_462 : i32 to vector<16xi32>
      %add3A_464 = arith.addi %mul3A_461, %add3A_463 : vector<16xi32>
      %gather3A_465 = tpu.vector_load_idx %arg7[%add3A_464] : memref<16384xf32, #tpu.memory_space<vmem>>[vector<16xi32>], vector<16xf32>,
      %sub3A_466 = arith.constant 384 : i32
      %sub3A_467 = vector.broadcast %sub3A_466 : i32 to vector<16xi32>
      %sub3A_468 = arith.subi %add3A_159, %sub3A_467 : vector<16xi32>
      %broadcast_in_dim3A_469 = arith.constant 15 : i32
      %broadcast_in_dim3A_470 = vector.broadcast %broadcast_in_dim3A_469 : i32 to vector<16xi32>
      %gather3A_471 = arith.constant 1 : i32
      %gather3A_472 = arith.constant 0 : i32
      %gather3A_473 = arith.constant 0 : i32
      %gather3A_474 = tpu.memref_slice %arg8[%gather3A_471, %gather3A_472, %gather3A_473] : memref<2x128x32xf32, #tpu.memory_space<vmem>> -> memref<1x128x32xf32, #tpu.memory_space<vmem>>
      %gather3A_475 = tpu.memref_squeeze %gather3A_474 : memref<1x128x32xf32, #tpu.memory_space<vmem>> -> memref<128x32xf32, #tpu.memory_space<vmem>>
      %gather3A_476 = tpu.vector_load_idx %gather3A_475[%sub3A_468, %broadcast_in_dim3A_470] : memref<128x32xf32, #tpu.memory_space<vmem>>[vector<16xi32>, vector<16xi32>], vector<16xf32>,
      %mul3A_477 = arith.mulf %gather3A_465, %gather3A_476 : vector<16xf32>
      %add3A_478 = arith.addf %add3A_458, %mul3A_477 : vector<16xf32>
      %mul3A_479 = arith.constant 32 : i32
      %mul3A_480 = vector.broadcast %mul3A_479 : i32 to vector<16xi32>
      %mul3A_481 = arith.muli %add3A_159, %mul3A_480 : vector<16xi32>
      %add3A_482 = arith.constant 16 : i32
      %add3A_483 = vector.broadcast %add3A_482 : i32 to vector<16xi32>
      %add3A_484 = arith.addi %mul3A_481, %add3A_483 : vector<16xi32>
      %gather3A_485 = tpu.vector_load_idx %arg7[%add3A_484] : memref<16384xf32, #tpu.memory_space<vmem>>[vector<16xi32>], vector<16xf32>,
      %sub3A_486 = arith.constant 384 : i32
      %sub3A_487 = vector.broadcast %sub3A_486 : i32 to vector<16xi32>
      %sub3A_488 = arith.subi %add3A_159, %sub3A_487 : vector<16xi32>
      %broadcast_in_dim3A_489 = arith.constant 16 : i32
      %broadcast_in_dim3A_490 = vector.broadcast %broadcast_in_dim3A_489 : i32 to vector<16xi32>
      %gather3A_491 = arith.constant 1 : i32
      %gather3A_492 = arith.constant 0 : i32
      %gather3A_493 = arith.constant 0 : i32
      %gather3A_494 = tpu.memref_slice %arg8[%gather3A_491, %gather3A_492, %gather3A_493] : memref<2x128x32xf32, #tpu.memory_space<vmem>> -> memref<1x128x32xf32, #tpu.memory_space<vmem>>
      %gather3A_495 = tpu.memref_squeeze %gather3A_494 : memref<1x128x32xf32, #tpu.memory_space<vmem>> -> memref<128x32xf32, #tpu.memory_space<vmem>>
      %gather3A_496 = tpu.vector_load_idx %gather3A_495[%sub3A_488, %broadcast_in_dim3A_490] : memref<128x32xf32, #tpu.memory_space<vmem>>[vector<16xi32>, vector<16xi32>], vector<16xf32>,
      %mul3A_497 = arith.mulf %gather3A_485, %gather3A_496 : vector<16xf32>
      %add3A_498 = arith.addf %add3A_478, %mul3A_497 : vector<16xf32>
      %mul3A_499 = arith.constant 32 : i32
      %mul3A_500 = vector.broadcast %mul3A_499 : i32 to vector<16xi32>
      %mul3A_501 = arith.muli %add3A_159, %mul3A_500 : vector<16xi32>
      %add3A_502 = arith.constant 17 : i32
      %add3A_503 = vector.broadcast %add3A_502 : i32 to vector<16xi32>
      %add3A_504 = arith.addi %mul3A_501, %add3A_503 : vector<16xi32>
      %gather3A_505 = tpu.vector_load_idx %arg7[%add3A_504] : memref<16384xf32, #tpu.memory_space<vmem>>[vector<16xi32>], vector<16xf32>,
      %sub3A_506 = arith.constant 384 : i32
      %sub3A_507 = vector.broadcast %sub3A_506 : i32 to vector<16xi32>
      %sub3A_508 = arith.subi %add3A_159, %sub3A_507 : vector<16xi32>
      %broadcast_in_dim3A_509 = arith.constant 17 : i32
      %broadcast_in_dim3A_510 = vector.broadcast %broadcast_in_dim3A_509 : i32 to vector<16xi32>
      %gather3A_511 = arith.constant 1 : i32
      %gather3A_512 = arith.constant 0 : i32
      %gather3A_513 = arith.constant 0 : i32
      %gather3A_514 = tpu.memref_slice %arg8[%gather3A_511, %gather3A_512, %gather3A_513] : memref<2x128x32xf32, #tpu.memory_space<vmem>> -> memref<1x128x32xf32, #tpu.memory_space<vmem>>
      %gather3A_515 = tpu.memref_squeeze %gather3A_514 : memref<1x128x32xf32, #tpu.memory_space<vmem>> -> memref<128x32xf32, #tpu.memory_space<vmem>>
      %gather3A_516 = tpu.vector_load_idx %gather3A_515[%sub3A_508, %broadcast_in_dim3A_510] : memref<128x32xf32, #tpu.memory_space<vmem>>[vector<16xi32>, vector<16xi32>], vector<16xf32>,
      %mul3A_517 = arith.mulf %gather3A_505, %gather3A_516 : vector<16xf32>
      %add3A_518 = arith.addf %add3A_498, %mul3A_517 : vector<16xf32>
      %mul3A_519 = arith.constant 32 : i32
      %mul3A_520 = vector.broadcast %mul3A_519 : i32 to vector<16xi32>
      %mul3A_521 = arith.muli %add3A_159, %mul3A_520 : vector<16xi32>
      %add3A_522 = arith.constant 18 : i32
      %add3A_523 = vector.broadcast %add3A_522 : i32 to vector<16xi32>
      %add3A_524 = arith.addi %mul3A_521, %add3A_523 : vector<16xi32>
      %gather3A_525 = tpu.vector_load_idx %arg7[%add3A_524] : memref<16384xf32, #tpu.memory_space<vmem>>[vector<16xi32>], vector<16xf32>,
      %sub3A_526 = arith.constant 384 : i32
      %sub3A_527 = vector.broadcast %sub3A_526 : i32 to vector<16xi32>
      %sub3A_528 = arith.subi %add3A_159, %sub3A_527 : vector<16xi32>
      %broadcast_in_dim3A_529 = arith.constant 18 : i32
      %broadcast_in_dim3A_530 = vector.broadcast %broadcast_in_dim3A_529 : i32 to vector<16xi32>
      %gather3A_531 = arith.constant 1 : i32
      %gather3A_532 = arith.constant 0 : i32
      %gather3A_533 = arith.constant 0 : i32
      %gather3A_534 = tpu.memref_slice %arg8[%gather3A_531, %gather3A_532, %gather3A_533] : memref<2x128x32xf32, #tpu.memory_space<vmem>> -> memref<1x128x32xf32, #tpu.memory_space<vmem>>
      %gather3A_535 = tpu.memref_squeeze %gather3A_534 : memref<1x128x32xf32, #tpu.memory_space<vmem>> -> memref<128x32xf32, #tpu.memory_space<vmem>>
      %gather3A_536 = tpu.vector_load_idx %gather3A_535[%sub3A_528, %broadcast_in_dim3A_530] : memref<128x32xf32, #tpu.memory_space<vmem>>[vector<16xi32>, vector<16xi32>], vector<16xf32>,
      %mul3A_537 = arith.mulf %gather3A_525, %gather3A_536 : vector<16xf32>
      %add3A_538 = arith.addf %add3A_518, %mul3A_537 : vector<16xf32>
      %mul3A_539 = arith.constant 32 : i32
      %mul3A_540 = vector.broadcast %mul3A_539 : i32 to vector<16xi32>
      %mul3A_541 = arith.muli %add3A_159, %mul3A_540 : vector<16xi32>
      %add3A_542 = arith.constant 19 : i32
      %add3A_543 = vector.broadcast %add3A_542 : i32 to vector<16xi32>
      %add3A_544 = arith.addi %mul3A_541, %add3A_543 : vector<16xi32>
      %gather3A_545 = tpu.vector_load_idx %arg7[%add3A_544] : memref<16384xf32, #tpu.memory_space<vmem>>[vector<16xi32>], vector<16xf32>,
      %sub3A_546 = arith.constant 384 : i32
      %sub3A_547 = vector.broadcast %sub3A_546 : i32 to vector<16xi32>
      %sub3A_548 = arith.subi %add3A_159, %sub3A_547 : vector<16xi32>
      %broadcast_in_dim3A_549 = arith.constant 19 : i32
      %broadcast_in_dim3A_550 = vector.broadcast %broadcast_in_dim3A_549 : i32 to vector<16xi32>
      %gather3A_551 = arith.constant 1 : i32
      %gather3A_552 = arith.constant 0 : i32
      %gather3A_553 = arith.constant 0 : i32
      %gather3A_554 = tpu.memref_slice %arg8[%gather3A_551, %gather3A_552, %gather3A_553] : memref<2x128x32xf32, #tpu.memory_space<vmem>> -> memref<1x128x32xf32, #tpu.memory_space<vmem>>
      %gather3A_555 = tpu.memref_squeeze %gather3A_554 : memref<1x128x32xf32, #tpu.memory_space<vmem>> -> memref<128x32xf32, #tpu.memory_space<vmem>>
      %gather3A_556 = tpu.vector_load_idx %gather3A_555[%sub3A_548, %broadcast_in_dim3A_550] : memref<128x32xf32, #tpu.memory_space<vmem>>[vector<16xi32>, vector<16xi32>], vector<16xf32>,
      %mul3A_557 = arith.mulf %gather3A_545, %gather3A_556 : vector<16xf32>
      %add3A_558 = arith.addf %add3A_538, %mul3A_557 : vector<16xf32>
      %mul3A_559 = arith.constant 32 : i32
      %mul3A_560 = vector.broadcast %mul3A_559 : i32 to vector<16xi32>
      %mul3A_561 = arith.muli %add3A_159, %mul3A_560 : vector<16xi32>
      %add3A_562 = arith.constant 20 : i32
      %add3A_563 = vector.broadcast %add3A_562 : i32 to vector<16xi32>
      %add3A_564 = arith.addi %mul3A_561, %add3A_563 : vector<16xi32>
      %gather3A_565 = tpu.vector_load_idx %arg7[%add3A_564] : memref<16384xf32, #tpu.memory_space<vmem>>[vector<16xi32>], vector<16xf32>,
      %sub3A_566 = arith.constant 384 : i32
      %sub3A_567 = vector.broadcast %sub3A_566 : i32 to vector<16xi32>
      %sub3A_568 = arith.subi %add3A_159, %sub3A_567 : vector<16xi32>
      %broadcast_in_dim3A_569 = arith.constant 20 : i32
      %broadcast_in_dim3A_570 = vector.broadcast %broadcast_in_dim3A_569 : i32 to vector<16xi32>
      %gather3A_571 = arith.constant 1 : i32
      %gather3A_572 = arith.constant 0 : i32
      %gather3A_573 = arith.constant 0 : i32
      %gather3A_574 = tpu.memref_slice %arg8[%gather3A_571, %gather3A_572, %gather3A_573] : memref<2x128x32xf32, #tpu.memory_space<vmem>> -> memref<1x128x32xf32, #tpu.memory_space<vmem>>
      %gather3A_575 = tpu.memref_squeeze %gather3A_574 : memref<1x128x32xf32, #tpu.memory_space<vmem>> -> memref<128x32xf32, #tpu.memory_space<vmem>>
      %gather3A_576 = tpu.vector_load_idx %gather3A_575[%sub3A_568, %broadcast_in_dim3A_570] : memref<128x32xf32, #tpu.memory_space<vmem>>[vector<16xi32>, vector<16xi32>], vector<16xf32>,
      %mul3A_577 = arith.mulf %gather3A_565, %gather3A_576 : vector<16xf32>
      %add3A_578 = arith.addf %add3A_558, %mul3A_577 : vector<16xf32>
      %mul3A_579 = arith.constant 32 : i32
      %mul3A_580 = vector.broadcast %mul3A_579 : i32 to vector<16xi32>
      %mul3A_581 = arith.muli %add3A_159, %mul3A_580 : vector<16xi32>
      %add3A_582 = arith.constant 21 : i32
      %add3A_583 = vector.broadcast %add3A_582 : i32 to vector<16xi32>
      %add3A_584 = arith.addi %mul3A_581, %add3A_583 : vector<16xi32>
      %gather3A_585 = tpu.vector_load_idx %arg7[%add3A_584] : memref<16384xf32, #tpu.memory_space<vmem>>[vector<16xi32>], vector<16xf32>,
      %sub3A_586 = arith.constant 384 : i32
      %sub3A_587 = vector.broadcast %sub3A_586 : i32 to vector<16xi32>
      %sub3A_588 = arith.subi %add3A_159, %sub3A_587 : vector<16xi32>
      %broadcast_in_dim3A_589 = arith.constant 21 : i32
      %broadcast_in_dim3A_590 = vector.broadcast %broadcast_in_dim3A_589 : i32 to vector<16xi32>
      %gather3A_591 = arith.constant 1 : i32
      %gather3A_592 = arith.constant 0 : i32
      %gather3A_593 = arith.constant 0 : i32
      %gather3A_594 = tpu.memref_slice %arg8[%gather3A_591, %gather3A_592, %gather3A_593] : memref<2x128x32xf32, #tpu.memory_space<vmem>> -> memref<1x128x32xf32, #tpu.memory_space<vmem>>
      %gather3A_595 = tpu.memref_squeeze %gather3A_594 : memref<1x128x32xf32, #tpu.memory_space<vmem>> -> memref<128x32xf32, #tpu.memory_space<vmem>>
      %gather3A_596 = tpu.vector_load_idx %gather3A_595[%sub3A_588, %broadcast_in_dim3A_590] : memref<128x32xf32, #tpu.memory_space<vmem>>[vector<16xi32>, vector<16xi32>], vector<16xf32>,
      %mul3A_597 = arith.mulf %gather3A_585, %gather3A_596 : vector<16xf32>
      %add3A_598 = arith.addf %add3A_578, %mul3A_597 : vector<16xf32>
      %mul3A_599 = arith.constant 32 : i32
      %mul3A_600 = vector.broadcast %mul3A_599 : i32 to vector<16xi32>
      %mul3A_601 = arith.muli %add3A_159, %mul3A_600 : vector<16xi32>
      %add3A_602 = arith.constant 22 : i32
      %add3A_603 = vector.broadcast %add3A_602 : i32 to vector<16xi32>
      %add3A_604 = arith.addi %mul3A_601, %add3A_603 : vector<16xi32>
      %gather3A_605 = tpu.vector_load_idx %arg7[%add3A_604] : memref<16384xf32, #tpu.memory_space<vmem>>[vector<16xi32>], vector<16xf32>,
      %sub3A_606 = arith.constant 384 : i32
      %sub3A_607 = vector.broadcast %sub3A_606 : i32 to vector<16xi32>
      %sub3A_608 = arith.subi %add3A_159, %sub3A_607 : vector<16xi32>
      %broadcast_in_dim3A_609 = arith.constant 22 : i32
      %broadcast_in_dim3A_610 = vector.broadcast %broadcast_in_dim3A_609 : i32 to vector<16xi32>
      %gather3A_611 = arith.constant 1 : i32
      %gather3A_612 = arith.constant 0 : i32
      %gather3A_613 = arith.constant 0 : i32
      %gather3A_614 = tpu.memref_slice %arg8[%gather3A_611, %gather3A_612, %gather3A_613] : memref<2x128x32xf32, #tpu.memory_space<vmem>> -> memref<1x128x32xf32, #tpu.memory_space<vmem>>
      %gather3A_615 = tpu.memref_squeeze %gather3A_614 : memref<1x128x32xf32, #tpu.memory_space<vmem>> -> memref<128x32xf32, #tpu.memory_space<vmem>>
      %gather3A_616 = tpu.vector_load_idx %gather3A_615[%sub3A_608, %broadcast_in_dim3A_610] : memref<128x32xf32, #tpu.memory_space<vmem>>[vector<16xi32>, vector<16xi32>], vector<16xf32>,
      %mul3A_617 = arith.mulf %gather3A_605, %gather3A_616 : vector<16xf32>
      %add3A_618 = arith.addf %add3A_598, %mul3A_617 : vector<16xf32>
      %mul3A_619 = arith.constant 32 : i32
      %mul3A_620 = vector.broadcast %mul3A_619 : i32 to vector<16xi32>
      %mul3A_621 = arith.muli %add3A_159, %mul3A_620 : vector<16xi32>
      %add3A_622 = arith.constant 23 : i32
      %add3A_623 = vector.broadcast %add3A_622 : i32 to vector<16xi32>
      %add3A_624 = arith.addi %mul3A_621, %add3A_623 : vector<16xi32>
      %gather3A_625 = tpu.vector_load_idx %arg7[%add3A_624] : memref<16384xf32, #tpu.memory_space<vmem>>[vector<16xi32>], vector<16xf32>,
      %sub3A_626 = arith.constant 384 : i32
      %sub3A_627 = vector.broadcast %sub3A_626 : i32 to vector<16xi32>
      %sub3A_628 = arith.subi %add3A_159, %sub3A_627 : vector<16xi32>
      %broadcast_in_dim3A_629 = arith.constant 23 : i32
      %broadcast_in_dim3A_630 = vector.broadcast %broadcast_in_dim3A_629 : i32 to vector<16xi32>
      %gather3A_631 = arith.constant 1 : i32
      %gather3A_632 = arith.constant 0 : i32
      %gather3A_633 = arith.constant 0 : i32
      %gather3A_634 = tpu.memref_slice %arg8[%gather3A_631, %gather3A_632, %gather3A_633] : memref<2x128x32xf32, #tpu.memory_space<vmem>> -> memref<1x128x32xf32, #tpu.memory_space<vmem>>
      %gather3A_635 = tpu.memref_squeeze %gather3A_634 : memref<1x128x32xf32, #tpu.memory_space<vmem>> -> memref<128x32xf32, #tpu.memory_space<vmem>>
      %gather3A_636 = tpu.vector_load_idx %gather3A_635[%sub3A_628, %broadcast_in_dim3A_630] : memref<128x32xf32, #tpu.memory_space<vmem>>[vector<16xi32>, vector<16xi32>], vector<16xf32>,
      %mul3A_637 = arith.mulf %gather3A_625, %gather3A_636 : vector<16xf32>
      %add3A_638 = arith.addf %add3A_618, %mul3A_637 : vector<16xf32>
      %mul3A_639 = arith.constant 32 : i32
      %mul3A_640 = vector.broadcast %mul3A_639 : i32 to vector<16xi32>
      %mul3A_641 = arith.muli %add3A_159, %mul3A_640 : vector<16xi32>
      %add3A_642 = arith.constant 24 : i32
      %add3A_643 = vector.broadcast %add3A_642 : i32 to vector<16xi32>
      %add3A_644 = arith.addi %mul3A_641, %add3A_643 : vector<16xi32>
      %gather3A_645 = tpu.vector_load_idx %arg7[%add3A_644] : memref<16384xf32, #tpu.memory_space<vmem>>[vector<16xi32>], vector<16xf32>,
      %sub3A_646 = arith.constant 384 : i32
      %sub3A_647 = vector.broadcast %sub3A_646 : i32 to vector<16xi32>
      %sub3A_648 = arith.subi %add3A_159, %sub3A_647 : vector<16xi32>
      %broadcast_in_dim3A_649 = arith.constant 24 : i32
      %broadcast_in_dim3A_650 = vector.broadcast %broadcast_in_dim3A_649 : i32 to vector<16xi32>
      %gather3A_651 = arith.constant 1 : i32
      %gather3A_652 = arith.constant 0 : i32
      %gather3A_653 = arith.constant 0 : i32
      %gather3A_654 = tpu.memref_slice %arg8[%gather3A_651, %gather3A_652, %gather3A_653] : memref<2x128x32xf32, #tpu.memory_space<vmem>> -> memref<1x128x32xf32, #tpu.memory_space<vmem>>
      %gather3A_655 = tpu.memref_squeeze %gather3A_654 : memref<1x128x32xf32, #tpu.memory_space<vmem>> -> memref<128x32xf32, #tpu.memory_space<vmem>>
      %gather3A_656 = tpu.vector_load_idx %gather3A_655[%sub3A_648, %broadcast_in_dim3A_650] : memref<128x32xf32, #tpu.memory_space<vmem>>[vector<16xi32>, vector<16xi32>], vector<16xf32>,
      %mul3A_657 = arith.mulf %gather3A_645, %gather3A_656 : vector<16xf32>
      %add3A_658 = arith.addf %add3A_638, %mul3A_657 : vector<16xf32>
      %mul3A_659 = arith.constant 32 : i32
      %mul3A_660 = vector.broadcast %mul3A_659 : i32 to vector<16xi32>
      %mul3A_661 = arith.muli %add3A_159, %mul3A_660 : vector<16xi32>
      %add3A_662 = arith.constant 25 : i32
      %add3A_663 = vector.broadcast %add3A_662 : i32 to vector<16xi32>
      %add3A_664 = arith.addi %mul3A_661, %add3A_663 : vector<16xi32>
      %gather3A_665 = tpu.vector_load_idx %arg7[%add3A_664] : memref<16384xf32, #tpu.memory_space<vmem>>[vector<16xi32>], vector<16xf32>,
      %sub3A_666 = arith.constant 384 : i32
      %sub3A_667 = vector.broadcast %sub3A_666 : i32 to vector<16xi32>
      %sub3A_668 = arith.subi %add3A_159, %sub3A_667 : vector<16xi32>
      %broadcast_in_dim3A_669 = arith.constant 25 : i32
      %broadcast_in_dim3A_670 = vector.broadcast %broadcast_in_dim3A_669 : i32 to vector<16xi32>
      %gather3A_671 = arith.constant 1 : i32
      %gather3A_672 = arith.constant 0 : i32
      %gather3A_673 = arith.constant 0 : i32
      %gather3A_674 = tpu.memref_slice %arg8[%gather3A_671, %gather3A_672, %gather3A_673] : memref<2x128x32xf32, #tpu.memory_space<vmem>> -> memref<1x128x32xf32, #tpu.memory_space<vmem>>
      %gather3A_675 = tpu.memref_squeeze %gather3A_674 : memref<1x128x32xf32, #tpu.memory_space<vmem>> -> memref<128x32xf32, #tpu.memory_space<vmem>>
      %gather3A_676 = tpu.vector_load_idx %gather3A_675[%sub3A_668, %broadcast_in_dim3A_670] : memref<128x32xf32, #tpu.memory_space<vmem>>[vector<16xi32>, vector<16xi32>], vector<16xf32>,
      %mul3A_677 = arith.mulf %gather3A_665, %gather3A_676 : vector<16xf32>
      %add3A_678 = arith.addf %add3A_658, %mul3A_677 : vector<16xf32>
      %mul3A_679 = arith.constant 32 : i32
      %mul3A_680 = vector.broadcast %mul3A_679 : i32 to vector<16xi32>
      %mul3A_681 = arith.muli %add3A_159, %mul3A_680 : vector<16xi32>
      %add3A_682 = arith.constant 26 : i32
      %add3A_683 = vector.broadcast %add3A_682 : i32 to vector<16xi32>
      %add3A_684 = arith.addi %mul3A_681, %add3A_683 : vector<16xi32>
      %gather3A_685 = tpu.vector_load_idx %arg7[%add3A_684] : memref<16384xf32, #tpu.memory_space<vmem>>[vector<16xi32>], vector<16xf32>,
      %sub3A_686 = arith.constant 384 : i32
      %sub3A_687 = vector.broadcast %sub3A_686 : i32 to vector<16xi32>
      %sub3A_688 = arith.subi %add3A_159, %sub3A_687 : vector<16xi32>
      %broadcast_in_dim3A_689 = arith.constant 26 : i32
      %broadcast_in_dim3A_690 = vector.broadcast %broadcast_in_dim3A_689 : i32 to vector<16xi32>
      %gather3A_691 = arith.constant 1 : i32
      %gather3A_692 = arith.constant 0 : i32
      %gather3A_693 = arith.constant 0 : i32
      %gather3A_694 = tpu.memref_slice %arg8[%gather3A_691, %gather3A_692, %gather3A_693] : memref<2x128x32xf32, #tpu.memory_space<vmem>> -> memref<1x128x32xf32, #tpu.memory_space<vmem>>
      %gather3A_695 = tpu.memref_squeeze %gather3A_694 : memref<1x128x32xf32, #tpu.memory_space<vmem>> -> memref<128x32xf32, #tpu.memory_space<vmem>>
      %gather3A_696 = tpu.vector_load_idx %gather3A_695[%sub3A_688, %broadcast_in_dim3A_690] : memref<128x32xf32, #tpu.memory_space<vmem>>[vector<16xi32>, vector<16xi32>], vector<16xf32>,
      %mul3A_697 = arith.mulf %gather3A_685, %gather3A_696 : vector<16xf32>
      %add3A_698 = arith.addf %add3A_678, %mul3A_697 : vector<16xf32>
      %mul3A_699 = arith.constant 32 : i32
      %mul3A_700 = vector.broadcast %mul3A_699 : i32 to vector<16xi32>
      %mul3A_701 = arith.muli %add3A_159, %mul3A_700 : vector<16xi32>
      %add3A_702 = arith.constant 27 : i32
      %add3A_703 = vector.broadcast %add3A_702 : i32 to vector<16xi32>
      %add3A_704 = arith.addi %mul3A_701, %add3A_703 : vector<16xi32>
      %gather3A_705 = tpu.vector_load_idx %arg7[%add3A_704] : memref<16384xf32, #tpu.memory_space<vmem>>[vector<16xi32>], vector<16xf32>,
      %sub3A_706 = arith.constant 384 : i32
      %sub3A_707 = vector.broadcast %sub3A_706 : i32 to vector<16xi32>
      %sub3A_708 = arith.subi %add3A_159, %sub3A_707 : vector<16xi32>
      %broadcast_in_dim3A_709 = arith.constant 27 : i32
      %broadcast_in_dim3A_710 = vector.broadcast %broadcast_in_dim3A_709 : i32 to vector<16xi32>
      %gather3A_711 = arith.constant 1 : i32
      %gather3A_712 = arith.constant 0 : i32
      %gather3A_713 = arith.constant 0 : i32
      %gather3A_714 = tpu.memref_slice %arg8[%gather3A_711, %gather3A_712, %gather3A_713] : memref<2x128x32xf32, #tpu.memory_space<vmem>> -> memref<1x128x32xf32, #tpu.memory_space<vmem>>
      %gather3A_715 = tpu.memref_squeeze %gather3A_714 : memref<1x128x32xf32, #tpu.memory_space<vmem>> -> memref<128x32xf32, #tpu.memory_space<vmem>>
      %gather3A_716 = tpu.vector_load_idx %gather3A_715[%sub3A_708, %broadcast_in_dim3A_710] : memref<128x32xf32, #tpu.memory_space<vmem>>[vector<16xi32>, vector<16xi32>], vector<16xf32>,
      %mul3A_717 = arith.mulf %gather3A_705, %gather3A_716 : vector<16xf32>
      %add3A_718 = arith.addf %add3A_698, %mul3A_717 : vector<16xf32>
      %mul3A_719 = arith.constant 32 : i32
      %mul3A_720 = vector.broadcast %mul3A_719 : i32 to vector<16xi32>
      %mul3A_721 = arith.muli %add3A_159, %mul3A_720 : vector<16xi32>
      %add3A_722 = arith.constant 28 : i32
      %add3A_723 = vector.broadcast %add3A_722 : i32 to vector<16xi32>
      %add3A_724 = arith.addi %mul3A_721, %add3A_723 : vector<16xi32>
      %gather3A_725 = tpu.vector_load_idx %arg7[%add3A_724] : memref<16384xf32, #tpu.memory_space<vmem>>[vector<16xi32>], vector<16xf32>,
      %sub3A_726 = arith.constant 384 : i32
      %sub3A_727 = vector.broadcast %sub3A_726 : i32 to vector<16xi32>
      %sub3A_728 = arith.subi %add3A_159, %sub3A_727 : vector<16xi32>
      %broadcast_in_dim3A_729 = arith.constant 28 : i32
      %broadcast_in_dim3A_730 = vector.broadcast %broadcast_in_dim3A_729 : i32 to vector<16xi32>
      %gather3A_731 = arith.constant 1 : i32
      %gather3A_732 = arith.constant 0 : i32
      %gather3A_733 = arith.constant 0 : i32
      %gather3A_734 = tpu.memref_slice %arg8[%gather3A_731, %gather3A_732, %gather3A_733] : memref<2x128x32xf32, #tpu.memory_space<vmem>> -> memref<1x128x32xf32, #tpu.memory_space<vmem>>
      %gather3A_735 = tpu.memref_squeeze %gather3A_734 : memref<1x128x32xf32, #tpu.memory_space<vmem>> -> memref<128x32xf32, #tpu.memory_space<vmem>>
      %gather3A_736 = tpu.vector_load_idx %gather3A_735[%sub3A_728, %broadcast_in_dim3A_730] : memref<128x32xf32, #tpu.memory_space<vmem>>[vector<16xi32>, vector<16xi32>], vector<16xf32>,
      %mul3A_737 = arith.mulf %gather3A_725, %gather3A_736 : vector<16xf32>
      %add3A_738 = arith.addf %add3A_718, %mul3A_737 : vector<16xf32>
      %mul3A_739 = arith.constant 32 : i32
      %mul3A_740 = vector.broadcast %mul3A_739 : i32 to vector<16xi32>
      %mul3A_741 = arith.muli %add3A_159, %mul3A_740 : vector<16xi32>
      %add3A_742 = arith.constant 29 : i32
      %add3A_743 = vector.broadcast %add3A_742 : i32 to vector<16xi32>
      %add3A_744 = arith.addi %mul3A_741, %add3A_743 : vector<16xi32>
      %gather3A_745 = tpu.vector_load_idx %arg7[%add3A_744] : memref<16384xf32, #tpu.memory_space<vmem>>[vector<16xi32>], vector<16xf32>,
      %sub3A_746 = arith.constant 384 : i32
      %sub3A_747 = vector.broadcast %sub3A_746 : i32 to vector<16xi32>
      %sub3A_748 = arith.subi %add3A_159, %sub3A_747 : vector<16xi32>
      %broadcast_in_dim3A_749 = arith.constant 29 : i32
      %broadcast_in_dim3A_750 = vector.broadcast %broadcast_in_dim3A_749 : i32 to vector<16xi32>
      %gather3A_751 = arith.constant 1 : i32
      %gather3A_752 = arith.constant 0 : i32
      %gather3A_753 = arith.constant 0 : i32
      %gather3A_754 = tpu.memref_slice %arg8[%gather3A_751, %gather3A_752, %gather3A_753] : memref<2x128x32xf32, #tpu.memory_space<vmem>> -> memref<1x128x32xf32, #tpu.memory_space<vmem>>
      %gather3A_755 = tpu.memref_squeeze %gather3A_754 : memref<1x128x32xf32, #tpu.memory_space<vmem>> -> memref<128x32xf32, #tpu.memory_space<vmem>>
      %gather3A_756 = tpu.vector_load_idx %gather3A_755[%sub3A_748, %broadcast_in_dim3A_750] : memref<128x32xf32, #tpu.memory_space<vmem>>[vector<16xi32>, vector<16xi32>], vector<16xf32>,
      %mul3A_757 = arith.mulf %gather3A_745, %gather3A_756 : vector<16xf32>
      %add3A_758 = arith.addf %add3A_738, %mul3A_757 : vector<16xf32>
      %mul3A_759 = arith.constant 32 : i32
      %mul3A_760 = vector.broadcast %mul3A_759 : i32 to vector<16xi32>
      %mul3A_761 = arith.muli %add3A_159, %mul3A_760 : vector<16xi32>
      %add3A_762 = arith.constant 30 : i32
      %add3A_763 = vector.broadcast %add3A_762 : i32 to vector<16xi32>
      %add3A_764 = arith.addi %mul3A_761, %add3A_763 : vector<16xi32>
      %gather3A_765 = tpu.vector_load_idx %arg7[%add3A_764] : memref<16384xf32, #tpu.memory_space<vmem>>[vector<16xi32>], vector<16xf32>,
      %sub3A_766 = arith.constant 384 : i32
      %sub3A_767 = vector.broadcast %sub3A_766 : i32 to vector<16xi32>
      %sub3A_768 = arith.subi %add3A_159, %sub3A_767 : vector<16xi32>
      %broadcast_in_dim3A_769 = arith.constant 30 : i32
      %broadcast_in_dim3A_770 = vector.broadcast %broadcast_in_dim3A_769 : i32 to vector<16xi32>
      %gather3A_771 = arith.constant 1 : i32
      %gather3A_772 = arith.constant 0 : i32
      %gather3A_773 = arith.constant 0 : i32
      %gather3A_774 = tpu.memref_slice %arg8[%gather3A_771, %gather3A_772, %gather3A_773] : memref<2x128x32xf32, #tpu.memory_space<vmem>> -> memref<1x128x32xf32, #tpu.memory_space<vmem>>
      %gather3A_775 = tpu.memref_squeeze %gather3A_774 : memref<1x128x32xf32, #tpu.memory_space<vmem>> -> memref<128x32xf32, #tpu.memory_space<vmem>>
      %gather3A_776 = tpu.vector_load_idx %gather3A_775[%sub3A_768, %broadcast_in_dim3A_770] : memref<128x32xf32, #tpu.memory_space<vmem>>[vector<16xi32>, vector<16xi32>], vector<16xf32>,
      %mul3A_777 = arith.mulf %gather3A_765, %gather3A_776 : vector<16xf32>
      %add3A_778 = arith.addf %add3A_758, %mul3A_777 : vector<16xf32>
      %mul3A_779 = arith.constant 32 : i32
      %mul3A_780 = vector.broadcast %mul3A_779 : i32 to vector<16xi32>
      %mul3A_781 = arith.muli %add3A_159, %mul3A_780 : vector<16xi32>
      %add3A_782 = arith.constant 31 : i32
      %add3A_783 = vector.broadcast %add3A_782 : i32 to vector<16xi32>
      %add3A_784 = arith.addi %mul3A_781, %add3A_783 : vector<16xi32>
      %gather3A_785 = tpu.vector_load_idx %arg7[%add3A_784] : memref<16384xf32, #tpu.memory_space<vmem>>[vector<16xi32>], vector<16xf32>,
      %sub3A_786 = arith.constant 384 : i32
      %sub3A_787 = vector.broadcast %sub3A_786 : i32 to vector<16xi32>
      %sub3A_788 = arith.subi %add3A_159, %sub3A_787 : vector<16xi32>
      %broadcast_in_dim3A_789 = arith.constant 31 : i32
      %broadcast_in_dim3A_790 = vector.broadcast %broadcast_in_dim3A_789 : i32 to vector<16xi32>
      %gather3A_791 = arith.constant 1 : i32
      %gather3A_792 = arith.constant 0 : i32
      %gather3A_793 = arith.constant 0 : i32
      %gather3A_794 = tpu.memref_slice %arg8[%gather3A_791, %gather3A_792, %gather3A_793] : memref<2x128x32xf32, #tpu.memory_space<vmem>> -> memref<1x128x32xf32, #tpu.memory_space<vmem>>
      %gather3A_795 = tpu.memref_squeeze %gather3A_794 : memref<1x128x32xf32, #tpu.memory_space<vmem>> -> memref<128x32xf32, #tpu.memory_space<vmem>>
      %gather3A_796 = tpu.vector_load_idx %gather3A_795[%sub3A_788, %broadcast_in_dim3A_790] : memref<128x32xf32, #tpu.memory_space<vmem>>[vector<16xi32>, vector<16xi32>], vector<16xf32>,
      %mul3A_797 = arith.mulf %gather3A_785, %gather3A_796 : vector<16xf32>
      %add3A_798 = arith.addf %add3A_778, %mul3A_797 : vector<16xf32>
      %mul3A_799 = arith.constant 16 : i32
      %mul3A_800 = arith.muli %scan3A_152, %mul3A_799 : i32
      %swap3A = arith.constant 3 : i32
      %swap3A_801 = arith.index_cast %swap3A : i32 to index
      %swap3A_802 = arith.index_cast %mul3A_800 : i32 to index
      %swap3A_803 = tpu.vector_load %arg9[%swap3A_801, %swap3A_802] {strides = array<i32>} : memref<4x128xf32, #tpu.memory_space<vmem>>, vector<16xf32>,
      tpu.vector_store %arg9[%swap3A_801, %swap3A_802], %add3A_798 {strides = array<i32>} : memref<4x128xf32, #tpu.memory_space<vmem>>, vector<16xf32>,
      %scan3A_804 = arith.constant 0 : i32
      scf.yield %scan3A_804 : i32
    }
    %scan3A_151 = arith.constant 8 : i32
    "tpu.region"() ({
      %run_scoped3A = tpu.sem_alloc : memref<!tpu.dma_semaphore, #tpu.memory_space<semaphore_mem>>
      %dma_start3A_152 = arith.constant 0 : i32
      %dma_start3A_153 = tpu.memref_slice %arg5[%mul3A_2, %dma_start3A_152] : memref<128x128xf32, #tpu.memory_space<hbm>> -> memref<4x128xf32, #tpu.memory_space<hbm>>
      %dma_start3A_154 = arith.constant 0 : i32
      %dma_start3A_155 = tpu.memref_slice %arg5[%mul3A_2, %dma_start3A_154] : memref<128x128xf32, #tpu.memory_space<hbm>> -> memref<4x128xf32, #tpu.memory_space<hbm>>
      tpu.enqueue_dma source(%arg9 : memref<4x128xf32, #tpu.memory_space<vmem>>) target(%dma_start3A_155 : memref<4x128xf32, #tpu.memory_space<hbm>>) target_semaphore(%run_scoped3A : memref<!tpu.dma_semaphore, #tpu.memory_space<semaphore_mem>>)
      %dma_wait3A_156 = arith.constant 0 : i32
      %dma_wait3A_157 = tpu.memref_slice %arg5[%mul3A_2, %dma_wait3A_156] : memref<128x128xf32, #tpu.memory_space<hbm>> -> memref<4x128xf32, #tpu.memory_space<hbm>>
      %dma_wait3A_158 = arith.constant 0 : i32
      %dma_wait3A_159 = tpu.memref_slice %arg5[%mul3A_2, %dma_wait3A_158] : memref<128x128xf32, #tpu.memory_space<hbm>> -> memref<4x128xf32, #tpu.memory_space<hbm>>
      tpu.wait_dma2 semaphore(%run_scoped3A : memref<!tpu.dma_semaphore, #tpu.memory_space<semaphore_mem>>) src(%arg9 : memref<4x128xf32, #tpu.memory_space<vmem>>) dst(%dma_wait3A_159 : memref<4x128xf32, #tpu.memory_space<hbm>>)
      tpu.yield
    }) : () -> ()
    return
  }
}

</mosaic_0001>

<sc_bundles>
// kernel: kernel.4.cloned.1.call-start
scs
__scs_entry_jumppad:
0x0: {  	(pc) =	sbr.rel $0x88, $3  }
0x1: {  	(tag) =	ssettag $0x0;
	lr =	simm.s32 $0x1  }
0x2: {  	[smem:$0x3F9D] =	sst lr;
	_ =	strace $0xD0000000  }
0x3: {  	_ = 	snop  }
0x4: {  	_ = 	snop  }
0x5: {  	_ = 	snop  }
0x6: {  	_ = 	snop  }
0x7: {  	_ = 	snop  }
__scs_overlays_trampoline_lowered:
0x8: {  	[smem:$0x3FAC] =	sst s0  }
0x9: {  	[smem:$0x3FAD] =	sst s1  }
0xa: {  	[smem:$0x3FAE] =	sst s2  }
0xb: {  	[smem:$0x3FAF] =	sst s3  }
0xc: {  	[smem:$0x3FB0] =	sst s4  }
0xd: {  	[smem:$0x3FB1] =	sst s5  }
0xe: {  	[smem:$0x3FB2] =	sst s6  }
0xf: {  	[smem:$0x3FB3] =	sst s7  }
0x10: {  	[smem:$0x3FB4] =	sst s8  }
0x11: {  	[smem:$0x3FB5] =	sst s9;
	s0 =	simm.s32 @!p0 $0x0  }
0x12: {  	s1 =	sld [smem:$0x3F9B];
	s0 =	simm.s32 @p0 $0x1  }
0x13: {  	[smem:$0x3FB6] =	sst s0;
	s0 =	simm.s32 @!p1 $0x0  }
0x14: {  	s2 =	sld [smem:$0x3F9A];
	s0 =	simm.s32 @p1 $0x1  }
0x15: {  	[smem:$0x3FB7] =	sst s0;
	s0 =	simm.s32 @!p2 $0x0  }
0x16: {  	s3 =	sld [smem:$0x3FDB];
	s0 =	simm.s32 @p2 $0x1  }
0x17: {  	s4 =	simm.s32 $0x1BF5;
	[smem:$0x3FB9] =	sst s0  }
0x18: {  	s0 =	sld [smem:$0x3F9C];
	_ =	swait.ge [sflag:s4], $0x0  }
0x19: {  	s7 =	sld [smem:$0x3F9D]  }
0x1a: {  	s8 =	sadd.s32 $0xFFFFE003, lr  }
0x1b: {  	s9 =	sadd.s32 $0xFFFFFEF7, lr;
	s5 =	simm.s32 $0xFFFFFFFF;
	p2 =	slt.u32 s8, $0xFFFFF086  }
0x1c: {  	p1 =	slt.u32 s9, $0xF7A;
	s5 =	simm.s32 @!p2 $0x0  }
0x1d: {  	s5 =	simm.s32 @p1 $0x1;
	p0 =	seq.s32 s7, s2  }
0x1e: {  	s7 =	smul.u32 @!p0 $0xF7A, s2;
	p2 =	seq.s32 @!p0 s5, $0x0  }
0x1f: {  	s9 =	smul.u32 $0xF7A, s1;
	s8 =	simm.s32 @!p0 $0x1BF5;
	p2 =	por !p2, p0  }
0x20: {  	[sflag:s8] =	ssyncset.s32 @!p0 $0xFFFFF086;
	s6 =	sadd.s32 @!p0 s3, s7;
	s7 =	simm.s32 @!p0 $0x108  }
0x21: {  	s3 =	sadd.s32 s3, s9;
	s6 =	sadd.s32 @!p0 $0x88, s6;
	s7 =	simm.s32 @p2 $0x1082  }
0x22: {  	[simem:s7], [sflag:s8] =	dma.local @!p0 [hbm:s6], $0xF7A  }
0x23: {  	s9 =	sor.u32 $0xD0000000, s2;
	s6 =	simm.s32 $0x108;
	_ =	swait.ge @!p0 [sflag:s8], $0x0  }
0x24: {  	s3 =	sadd.s32 $0x88, s3;
	s6 =	simm.s32 @!p1 $0x1082;
	[sflag:s4] =	ssyncset.s32 $0xFFFFF086  }
0x25: {  	[simem:s6], [sflag:s4] =	dma.local [hbm:s3], $0xF7A  }
0x26: {  	[smem:$0x3F9D] =	sst s1;
	(tag) =	ssettag s2;
	_ =	strace s9  }
0x27: {  	s1 =	sld [smem:$0x3FAD]  }
0x28: {  	s2 =	sld [smem:$0x3FAE]  }
0x29: {  	s4 =	sld [smem:$0x3FB0]  }
0x2a: {  	p0 =	seq.s32 s5, $0x0;
	s5 =	sld [smem:$0x3FB1]  }
0x2b: {  	s6 =	sld [smem:$0x3FB2]  }
0x2c: {  	s7 =	sld [smem:$0x3FB3]  }
0x2d: {  	s3 =	simm.s32 $0x108;
	s8 =	sld [smem:$0x3FB4]  }
0x2e: {  	s3 =	simm.s32 @!p0 $0x1082;
	s9 =	sld [smem:$0x3FB5]  }
0x2f: {  	lr =	sadd.s32 s0, s3;
	s0 =	sld [smem:$0x3FAC]  }
0x30: {  	s3 =	sld [smem:$0x3FAF]  }
0x31: {  	[smem:$0x3FB8] =	sst s10  }
0x32: {  	s10 =	sld [smem:$0x3FB6];
	_ =	sdelay $0x3  }
0x33: {  	p0 =	seq.s32 s10, $0x1;
	s10 =	sld [smem:$0x3FB8];
	_ =	sdelay $0x3  }
0x34: {  	[smem:$0x3FB8] =	sst s10  }
0x35: {  	s10 =	sld [smem:$0x3FB7];
	_ =	sdelay $0x3  }
0x36: {  	p1 =	seq.s32 s10, $0x1;
	s10 =	sld [smem:$0x3FB8];
	_ =	sdelay $0x3  }
0x37: {  	[smem:$0x3FB8] =	sst s10  }
0x38: {  	s10 =	sld [smem:$0x3FB9]  }
0x39: {  	_ = 	snop;
	(pc) =	sbr.ind lr, $3  }
0x3a: {  	_ = 	snop  }
0x3b: {  	_ = 	snop  }
0x3c: {  	p2 =	seq.s32 s10, $0x1;
	s10 =	sld [smem:$0x3FB8]  }
0x3d: {  	_ =	shalt  }
0x3e: {  	_ =	shalt  }
0x3f: {  	_ =	shalt  }
0x40: {  	_ =	shalt  }
0x41: {  	_ =	shalt  }
0x42: {  	_ =	shalt  }
0x43: {  	_ =	shalt  }
0x44: {  	_ =	shalt  }
0x45: {  	_ =	shalt  }
0x46: {  	_ =	shalt  }
0x47: {  	_ =	shalt  }
0x48: {  	_ =	shalt  }
0x49: {  	_ =	shalt  }
0x4a: {  	_ =	shalt  }
0x4b: {  	_ =	shalt  }
0x4c: {  	_ =	shalt  }
0x4d: {  	_ =	shalt  }
0x4e: {  	_ =	shalt  }
0x4f: {  	_ =	shalt  }
0x50: {  	_ =	shalt  }
0x51: {  	_ =	shalt  }
0x52: {  	_ =	shalt  }
0x53: {  	_ =	shalt  }
0x54: {  	_ =	shalt  }
0x55: {  	_ =	shalt  }
0x56: {  	_ =	shalt  }
0x57: {  	_ =	shalt  }
0x58: {  	_ =	shalt  }
0x59: {  	_ =	shalt  }
0x5a: {  	_ =	shalt  }
0x5b: {  	_ =	shalt  }
0x5c: {  	_ =	shalt  }
0x5d: {  	_ =	shalt  }
0x5e: {  	_ =	shalt  }
0x5f: {  	_ =	shalt  }
0x60: {  	_ =	shalt  }
0x61: {  	_ =	shalt  }
0x62: {  	_ =	shalt  }
0x63: {  	_ =	shalt  }
0x64: {  	_ =	shalt  }
0x65: {  	_ =	shalt  }
0x66: {  	_ =	shalt  }
0x67: {  	_ =	shalt  }
0x68: {  	_ =	shalt  }
0x69: {  	_ =	shalt  }
0x6a: {  	_ =	shalt  }
0x6b: {  	_ =	shalt  }
0x6c: {  	_ =	shalt  }
0x6d: {  	_ =	shalt  }
0x6e: {  	_ =	shalt  }
0x6f: {  	_ =	shalt  }
0x70: {  	_ =	shalt  }
0x71: {  	_ =	shalt  }
0x72: {  	_ =	shalt  }
0x73: {  	_ =	shalt  }
0x74: {  	_ =	shalt  }
0x75: {  	_ =	shalt  }
0x76: {  	_ =	shalt  }
0x77: {  	_ =	shalt  }
0x78: {  	_ =	shalt  }
0x79: {  	_ =	shalt  }
0x7a: {  	_ =	shalt  }
0x7b: {  	_ =	shalt  }
0x7c: {  	_ =	shalt  }
0x7d: {  	_ =	shalt  }
0x7e: {  	_ =	shalt  }
0x7f: {  	_ =	shalt  }
0x80: {  	_ =	shalt  }
0x81: {  	_ =	shalt  }
0x82: {  	_ =	shalt  }
0x83: {  	_ =	shalt  }
0x84: {  	_ =	shalt  }
0x85: {  	_ =	shalt  }
0x86: {  	_ =	shalt  }
0x87: {  	_ =	shalt  }
.Lfunc_end0:
.L_simem_size_0:
called_computation_lowered:
.L_overlay_start_0:
0x88: {  	s2 =	sld [smem:$0x3FD9]  }
0x89: {  	s3 =	sld [smem:$0x3FFE];
	_ =	sdelay $0x1  }
0x8a: {  	s1 =	srdreg.scid  }
0x8b: {  	s0 =	sand.u32 $0x1, s1  }
0x8c: {  	s17 =	sshll.u32 s0, $0xA;
	s2 =	sadd.s32 s3, s2  }
0x8d: {  	s2 =	sadd.s32 s2, s17  }
0x8e: {  	[smem:$0x3FC4] =	sst s2  }
0x8f: {  	_ = 	snop  }
0x90: {  	s2 =	sld [smem:$0x3FC9]  }
0x91: {  	s18 =	sld [smem:$0x3FC7];
	(tm) =	ssettm $0x1  }
0x92: {  	s4 =	sld [smem:$0x3FFB];
	_ =	sdelay $0x3  }
0x93: {  	_ =	strace s4  }
0x94: {  	s4 =	sld [smem:$0x3FFC];
	_ =	sdelay $0x3  }
0x95: {  	_ =	strace s4  }
0x96: {  	s4 =	sld [smem:$0x3FFD];
	_ =	sdelay $0x3  }
0x97: {  	_ =	strace s4  }
0x98: {  	_ =	strace $0x8FFFFFFF  }
0x99: {  	s19 =	sld [smem:$0x3FDB];
	_ =	sdelay $0x1  }
0x9a: {  	s5 =	simm.s32 $_scs_section_size  }
0x9b: {  	s6 =	simm.s32 $_size__tile_overlayer_lowered;
	s7 =	simm.s32 $_tile_overlayer_lowered  }
0x9c: {  	s22 =	simm.s32 $0x1BFF;
	s21 =	sshll.u32 s7, $0x1;
	s4 =	sadd.s32 s5, s19  }
0x9d: {  	s8 =	simm.s32 $0x0;
	s20 =	sshll.u32 s6, $0x1;
	s6 =	sadd.s32 s21, s4  }
0x9e: {  	[timem:s8], [sflag:s22] =	dma.local [hbm:s6], s20  }
0x9f: {  	_ =	swait.ge [sflag:s22], s20  }
0xa0: {  	s5 =	ssub.s32 $0x0, s20;
	[sflag:s22] =	ssyncset.done $0x0  }
0xa1: {  	[sflag:s22] =	ssyncadd.s32 s5;
	_ =	sdelay $0x1  }
0xa2: {  	s23 =	simm.s32 $0x1B8B  }
0xa3: {  	_ =	swait.ge [sflag:s23], $0x1  }
0xa4: {  	[sflag:s23] =	ssyncset.done $0x0  }
0xa5: {  	s25 =	simm.s32 $0x1B8E;
	s24 =	sld [smem:$0x3FFE];
	[sflag:s23] =	ssyncadd.s32 $0xFFFFFFFF  }
0xa6: {  	s26 =	simm.s32 $execute0_lowered;
	[smem:$0x3FD2] =	sst s25  }
0xa7: {  	s6 =	sshll.u32 s26, $0x1;
	_ =	strace $0x80000046;
	[dreg:$0x1] =	wrdreg $0xFFFFFFFF  }
0xa8: {  	s28 =	simm.s32 $_size_execute0_lowered;
	s4 =	sadd.s32 s4, s6;
	[dreg:$0x0] =	wrdreg $0x0  }
0xa9: {  	s6 =	sshll.u32 s28, $0x1;
	[dreg:$0x2] =	wrdreg s4  }
0xaa: {  	[dreg:$0x3] =	wrdreg s6  }
0xab: {  	[dreg:$0x4] =	wrdreg $0xC0  }
0xac: {  	_ =	task [dreg:s8], $0x5FFFF  }
0xad: {  	[dreg:$0x1] =	wrdreg $0xFFFFFFFF  }
0xae: {  	[dreg:$0x0] =	wrdreg $0x60  }
0xaf: {  	[dreg:$0x2] =	wrdreg s2  }
0xb0: {  	[dreg:$0x3] =	wrdreg s18  }
0xb1: {  	[dreg:$0x4] =	wrdreg s24  }
0xb2: {  	[dreg:$0x5] =	wrdreg $0x9  }
0xb3: {  	_ =	task.clear_ibuf [dreg:s8], $0x6FFFF;
	_ =	strace $0x90000046  }
0xb4: {  	s29 =	simm.s32 $0x9;
	_ =	strace $0x80000048  }
0xb5: {  	_ =	swait.ge [sflag:s29], $0x1  }
0xb6: {  	[sflag:s29] =	ssyncadd.s32 $0xFFFFFFFF  }
0xb7: {  	_ =	strace $0x90000048  }
0xb8: {  	_ =	sfence  }
0xb9: {  	s30 =	sld [smem:$0x0];
	_ =	sdelay $0x2  }
0xba: {  	s31 =	sshll.u32 s1, $0xD;
	s1 =	sshrl.u32 s1, $0x2  }
0xbb: {  	s3 =	sand.u32 $0x4000, s31;
	s1 =	sadd.s32 s1, s30  }
0xbc: {  	s0 =	sor.u32 s3, s0;
	s1 =	sshll.u32 s1, $0x11  }
0xbd: {  	s0 =	sor.u32 s1, s0  }
0xbe: {  	s0 =	sadd.s32 $0x8F2B, s0  }
0xbf: {  	[sflag:s0] =	ssyncadd.remote.s32 $0x1  }
0xc0: {  	_ =	sfence.sel $0xFFFF  }
0xc1: {  	[dreg:$0x0] =	wrdreg $0xFFFFFFFF;
	(pc) =	sbr.abs _section_cstart, $3  }
0xc2: {  	[dreg:$0x1] =	wrdreg $0xFFFFFFFF  }
0xc3: {  	_ =	task.clear_ibuf [dreg:s8], $0x2FFFF;
	_ =	strace $0x9FFFFFFF  }
0xc4: {  	(tm) =	ssettm $0x7FFFFFFF  }
0xc5: {  	_ =	shalt  }
tec
execute0_lowered:
.L_overlay_start_1:
0x0: {  	(tag) =	ssettag $0x1  }
0x1: {  	s0 =	rddreg [dreg:$0x0]  }
0x2: {  	s1 =	rddreg [dreg:$0x1]  }
0x3: {  	s4 =	rddreg [dreg:$0x2]  }
0x4: {  	s3 =	simm.s32 $0x0;
	s5 =	srdreg.scid;
	s2 =	stileid.u32  }
0x5: {  	s9 =	simm.s32 $0x7A1400;
	s10 =	simm.s32 $0x200;
	s14 =	simm.s32 $0x4200  }
0x6: {  	s15 =	simm.s32 $0x5200;
	s16 =	simm.s32 $0x6200;
	s17 =	simm.s32 $0x7200  }
0x7: {  	s18 =	simm.s32 $0x8200;
	s5 =	sand.u32 $0x1, s5;
	s6 =	sshll.u32 s2, $0x1  }
0x8: {  	s19 =	simm.s32 $0x0;
	[smem:$0x7FF] =	sst s3;
	s6 =	sor.u32 s5, s6  }
0x9: {  	v0 =	vlaneseq.u32;
	_ =	strace $0x80000047;
	s5 =	ssub.s32 $0x2, s5;
	s7 =	sshll.u32 s6, $0xB  }
0xa: {  	v0 =	vmul.u32 $0x80, v0;
	s8 =	sshrl.u32 s5, $0x1;
	s6 =	sshll.u32 s6, $0x6;
	s7 =	sadd.s32 s7, s4  }
0xb: {  	s8 =	ssub.s32 s5, s8;
	s4 =	sadd.s32 s0, s6;
	s5 =	sadd.s32 $0xA00, s7  }
0xc: {  	v1 =	vor.u32 $0x800, v0;
	s6 =	smax.u32 s8, $0x1;
	s7 =	simm.s32 $0x9;
	s8 =	simm.s32 $0x400  }
.LBB2_1:
0xd: {  	[tilespmem:s3], [sflag:$0x9] =	stream.linear.gather [hbm4b:s4+s3], $0x200, $0x38;
	[tilespmem:$0xC200] =	vst v63  }
0xe: {  	_ =	swait.ge [sflag:s7], $0x200  }
0xf: {  	[sflag:s7] =	ssyncset.done $0x0  }
0x10: {  	s21 =	simm.s32 $0x0;
	[sflag:s7] =	ssyncadd.s32 $0xFFFFFE00  }
0x11: {  	v3 =	vld [tilespmem:s21+$0x0];
	_ =	sdelay $0x4  }
0x12: {  	(v2sf) =	vpush v3, $0x0  }
0x13: {  	(v2sf) =	vpush v3, $0x1;
	_ =	sdelay $0x1  }
0x14: {  	(v2sf) =	vpush v3, $0x2  }
0x15: {  	(v2sf) =	vpush v3, $0x3  }
0x16: {  	(v2sf) =	vpush v3, $0x4  }
0x17: {  	(v2sf) =	vpush v3, $0x5  }
0x18: {  	(v2sf) =	vpush v3, $0x6  }
0x19: {  	(v2sf) =	vpush v3, $0x7  }
0x1a: {  	(v2sf) =	vpush v3, $0x8  }
0x1b: {  	(v2sf) =	vpush v3, $0x9  }
0x1c: {  	s20 =	simm.s32 $0x10;
	(v2sf) =	vpush v3, $0xA  }
0x1d: {  	v2 =	vld [tilespmem:s20+$0x0];
	(v2sf) =	vpush v3, $0xB  }
0x1e: {  	(v2sf) =	vpush v3, $0xC  }
0x1f: {  	(v2sf) =	vpush v3, $0xD  }
0x20: {  	(v2sf) =	vpush v3, $0xE;
	s0 =	spop (v2sf)  }
0x21: {  	(v2sf) =	vpush v3, $0xF;
	[smem:s21] =	sst s0;
	s31 =	spop (v2sf)  }
0x22: {  	(v2sf) =	vpush v2, $0x0;
	[smem:$0x1] =	sst s31  }
0x23: {  	s0 =	spop (v2sf)  }
0x24: {  	(v2sf) =	vpush v2, $0x1;
	[smem:$0x2] =	sst s0  }
0x25: {  	s0 =	spop (v2sf)  }
0x26: {  	(v2sf) =	vpush v2, $0x2;
	[smem:$0x3] =	sst s0  }
0x27: {  	s0 =	spop (v2sf)  }
0x28: {  	(v2sf) =	vpush v2, $0x3;
	[smem:$0x4] =	sst s0  }
0x29: {  	s0 =	spop (v2sf)  }
0x2a: {  	(v2sf) =	vpush v2, $0x4;
	[smem:$0x5] =	sst s0  }
0x2b: {  	s0 =	spop (v2sf)  }
0x2c: {  	(v2sf) =	vpush v2, $0x5;
	[smem:$0x6] =	sst s0  }
0x2d: {  	s0 =	spop (v2sf)  }
0x2e: {  	(v2sf) =	vpush v2, $0x6;
	[smem:$0x7] =	sst s0  }
0x2f: {  	s0 =	spop (v2sf)  }
0x30: {  	(v2sf) =	vpush v2, $0x7;
	[smem:$0x8] =	sst s0  }
0x31: {  	s0 =	spop (v2sf)  }
0x32: {  	(v2sf) =	vpush v2, $0x8;
	[smem:$0x9] =	sst s0  }
0x33: {  	s0 =	spop (v2sf)  }
0x34: {  	(v2sf) =	vpush v2, $0x9;
	[smem:$0xA] =	sst s0  }
0x35: {  	s0 =	spop (v2sf)  }
0x36: {  	(v2sf) =	vpush v2, $0xA;
	[smem:$0xB] =	sst s0  }
0x37: {  	s0 =	spop (v2sf)  }
0x38: {  	(v2sf) =	vpush v2, $0xB;
	[smem:$0xC] =	sst s0  }
0x39: {  	s22 =	simm.s32 $0x20;
	s0 =	spop (v2sf)  }
0x3a: {  	v3 =	vld [tilespmem:s22+$0x0];
	(v2sf) =	vpush v2, $0xC;
	[smem:$0xD] =	sst s0  }
0x3b: {  	s0 =	spop (v2sf)  }
0x3c: {  	(v2sf) =	vpush v2, $0xD;
	[smem:$0xE] =	sst s0  }
0x3d: {  	s23 =	simm.s32 $0xC0;
	s0 =	spop (v2sf)  }
.LBB2_2:
0x3e: {  	p0 =	sne.s32 s23, $0x7C0;
	[smem:s21+$0xF] =	sst s0;
	s0 =	smov.u32 s23  }
0x3f: {  	(v2sf) =	vpush v2, $0xE;
	s23 =	sadd.s32 $0x40, s23;
	s21 =	smov.u32 s20;
	s20 =	smov.u32 s22  }
0x40: {  	s22 =	spop (v2sf);
	(v2sf) =	vpush v2, $0xF  }
0x41: {  	[smem:s21] =	sst s22;
	s22 =	spop (v2sf)  }
0x42: {  	(v2sf) =	vpush v3, $0x0;
	[smem:s21+$0x1] =	sst s22;
	s22 =	spop (v2sf);
	v2 =	vmov v3  }
0x43: {  	(v2sf) =	vpush v2, $0x1;
	[smem:s21+$0x2] =	sst s22;
	s22 =	spop (v2sf)  }
0x44: {  	(v2sf) =	vpush v2, $0x2;
	[smem:s21+$0x3] =	sst s22;
	s22 =	spop (v2sf)  }
0x45: {  	(v2sf) =	vpush v2, $0x3;
	[smem:s21+$0x4] =	sst s22;
	s22 =	spop (v2sf)  }
0x46: {  	(v2sf) =	vpush v2, $0x4;
	[smem:s21+$0x5] =	sst s22;
	s22 =	spop (v2sf)  }
0x47: {  	(v2sf) =	vpush v2, $0x5;
	[smem:s21+$0x6] =	sst s22;
	s22 =	spop (v2sf)  }
0x48: {  	(v2sf) =	vpush v2, $0x6;
	[smem:s21+$0x7] =	sst s22;
	s22 =	spop (v2sf)  }
0x49: {  	(v2sf) =	vpush v2, $0x7;
	[smem:s21+$0x8] =	sst s22;
	s22 =	spop (v2sf)  }
0x4a: {  	(v2sf) =	vpush v2, $0x8;
	[smem:s21+$0x9] =	sst s22;
	s22 =	spop (v2sf)  }
0x4b: {  	[smem:s21+$0xA] =	sst s22  }
.Ltmp0:
0x4c: {  	(v2sf) =	vpush v2, $0x9;
	s22 =	spop (v2sf);
	(pc) =	sbr.rel @p0 .LBB2_2-.Ltmp0, $4  }
0x4d: {  	(v2sf) =	vpush v2, $0xA;
	[smem:s21+$0xB] =	sst s22;
	s24 =	spop (v2sf)  }
0x4e: {  	s22 =	sshra.s32 s0, $0x2;
	(v2sf) =	vpush v2, $0xB;
	[smem:s21+$0xC] =	sst s24;
	s0 =	spop (v2sf)  }
0x4f: {  	v3 =	vld [tilespmem:s22+$0x0];
	(v2sf) =	vpush v2, $0xC;
	[smem:s21+$0xD] =	sst s0;
	s0 =	spop (v2sf)  }
0x50: {  	(v2sf) =	vpush v2, $0xD;
	[smem:s21+$0xE] =	sst s0;
	s0 =	spop (v2sf)  }
0x51: {  	_ = 	snop  }
0x52: {  	(v2sf) =	vpush v2, $0xE  }
0x53: {  	[smem:s21+$0xF] =	sst s0;
	s25 =	spop (v2sf);
	(v2sf) =	vpush v2, $0xF  }
0x54: {  	[smem:s20] =	sst s25;
	s26 =	spop (v2sf);
	(v2sf) =	vpush v3, $0x0  }
0x55: {  	[smem:s20+$0x1] =	sst s26;
	s2 =	spop (v2sf);
	(v2sf) =	vpush v3, $0x1  }
0x56: {  	[smem:s20+$0x2] =	sst s2;
	s11 =	spop (v2sf);
	(v2sf) =	vpush v3, $0x2  }
0x57: {  	[smem:s20+$0x3] =	sst s11;
	s12 =	spop (v2sf);
	(v2sf) =	vpush v3, $0x3  }
0x58: {  	[smem:s20+$0x4] =	sst s12;
	s13 =	spop (v2sf);
	(v2sf) =	vpush v3, $0x4  }
0x59: {  	[smem:s20+$0x5] =	sst s13;
	s21 =	spop (v2sf);
	(v2sf) =	vpush v3, $0x5  }
0x5a: {  	[smem:s20+$0x6] =	sst s21;
	s23 =	spop (v2sf);
	(v2sf) =	vpush v3, $0x6  }
0x5b: {  	[smem:s20+$0x7] =	sst s23;
	s24 =	spop (v2sf);
	(v2sf) =	vpush v3, $0x7  }
0x5c: {  	[smem:s20+$0x8] =	sst s24;
	s25 =	spop (v2sf);
	(v2sf) =	vpush v3, $0x8  }
0x5d: {  	[smem:s20+$0x9] =	sst s25;
	s26 =	spop (v2sf);
	(v2sf) =	vpush v3, $0x9  }
0x5e: {  	[smem:s20+$0xA] =	sst s26;
	s2 =	spop (v2sf);
	(v2sf) =	vpush v3, $0xA  }
0x5f: {  	[smem:s20+$0xB] =	sst s2;
	s11 =	spop (v2sf);
	(v2sf) =	vpush v3, $0xB  }
0x60: {  	[smem:s20+$0xC] =	sst s11;
	s12 =	spop (v2sf);
	(v2sf) =	vpush v3, $0xC  }
0x61: {  	[smem:s20+$0xD] =	sst s12;
	s13 =	spop (v2sf);
	(v2sf) =	vpush v3, $0xD  }
0x62: {  	[smem:s20+$0xE] =	sst s13;
	s21 =	spop (v2sf);
	(v2sf) =	vpush v3, $0xE  }
0x63: {  	[smem:s20+$0xF] =	sst s21;
	s23 =	spop (v2sf);
	(v2sf) =	vpush v3, $0xF  }
0x64: {  	[smem:s22] =	sst s23;
	s24 =	spop (v2sf)  }
0x65: {  	[smem:s22+$0x1] =	sst s24;
	s25 =	spop (v2sf)  }
0x66: {  	[smem:s22+$0x2] =	sst s25;
	s26 =	spop (v2sf)  }
0x67: {  	[smem:s22+$0x3] =	sst s26;
	s2 =	spop (v2sf)  }
0x68: {  	[smem:s22+$0x4] =	sst s2;
	s11 =	spop (v2sf)  }
0x69: {  	[smem:s22+$0x5] =	sst s11;
	s12 =	spop (v2sf)  }
0x6a: {  	[smem:s22+$0x6] =	sst s12;
	s13 =	spop (v2sf)  }
0x6b: {  	[smem:s22+$0x7] =	sst s13;
	s20 =	spop (v2sf)  }
0x6c: {  	[smem:s22+$0x8] =	sst s20;
	s21 =	spop (v2sf)  }
0x6d: {  	[smem:s22+$0x9] =	sst s21;
	s23 =	spop (v2sf)  }
0x6e: {  	[smem:s22+$0xA] =	sst s23;
	s24 =	spop (v2sf)  }
0x6f: {  	[smem:s22+$0xB] =	sst s24;
	s25 =	spop (v2sf)  }
0x70: {  	[smem:s22+$0xC] =	sst s25;
	s26 =	spop (v2sf)  }
0x71: {  	[smem:s22+$0xD] =	sst s26;
	s2 =	spop (v2sf)  }
0x72: {  	[smem:s22+$0xE] =	sst s2;
	s11 =	spop (v2sf)  }
0x73: {  	[smem:s22+$0xF] =	sst s11  }
0x74: {  	s0 =	sld [smem:$0x0]  }
0x75: {  	s20 =	sld [smem:$0x1]  }
0x76: {  	s23 =	simm.s32 $0x2200;
	s26 =	simm.s32 $0x3200  }
0x77: {  	s2 =	simm.s32 $0x1200;
	s13 =	sld [smem:$0x2];
	s0 =	sand.u32 $0xFFFFF80, s0  }
0x78: {  	s22 =	sld [smem:$0x3];
	s12 =	sand.u32 $0xFFFFF80, s20;
	s0 =	sadd.s32 s1, s0  }
0x79: {  	[tilespmem:s10], [sflag:$0x1] =	stream.strided.gather [hbm4b:s0+s8], $0x1000, s9, s8, $0x38;
	[tilespmem:$0xC200] =	vst v63  }
0x7a: {  	s25 =	sld [smem:$0x4];
	s21 =	sand.u32 $0xFFFFF80, s13;
	s0 =	sadd.s32 s1, s12  }
0x7b: {  	[tilespmem:s2], [sflag:$0x2] =	stream.strided.gather [hbm4b:s0+s8], $0x1000, s9, s8, $0x38;
	[tilespmem:$0xC200] =	vst v63  }
0x7c: {  	s11 =	sld [smem:$0x5];
	s24 =	sand.u32 $0xFFFFF80, s22;
	s0 =	sadd.s32 s1, s21  }
0x7d: {  	[tilespmem:s23], [sflag:$0x3] =	stream.strided.gather [hbm4b:s0+s8], $0x1000, s9, s8, $0x38;
	[tilespmem:$0xC200] =	vst v63  }
0x7e: {  	s13 =	sld [smem:$0x6];
	s2 =	sand.u32 $0xFFFFF80, s25;
	s0 =	sadd.s32 s1, s24  }
0x7f: {  	[tilespmem:s26], [sflag:$0x4] =	stream.strided.gather [hbm4b:s0+s8], $0x1000, s9, s8, $0x38;
	[tilespmem:$0xC200] =	vst v63  }
0x80: {  	s22 =	sld [smem:$0x7];
	s12 =	sand.u32 $0xFFFFF80, s11;
	s0 =	sadd.s32 s1, s2  }
0x81: {  	[tilespmem:s14], [sflag:$0x5] =	stream.strided.gather [hbm4b:s0+s8], $0x1000, s9, s8, $0x38;
	[tilespmem:$0xC200] =	vst v63  }
0x82: {  	s21 =	sand.u32 $0xFFFFF80, s13;
	s0 =	sadd.s32 s1, s12  }
0x83: {  	[tilespmem:s15], [sflag:$0x6] =	stream.strided.gather [hbm4b:s0+s8], $0x1000, s9, s8, $0x38;
	[tilespmem:$0xC200] =	vst v63  }
0x84: {  	s23 =	sand.u32 $0xFFFFF80, s22;
	s0 =	sadd.s32 s1, s21  }
0x85: {  	[tilespmem:s16], [sflag:$0x7] =	stream.strided.gather [hbm4b:s0+s8], $0x1000, s9, s8, $0x38;
	[tilespmem:$0xC200] =	vst v63  }
0x86: {  	s24 =	simm.s32 $0x0;
	s0 =	sadd.s32 s1, s23  }
0x87: {  	[tilespmem:s17], [sflag:$0x8] =	stream.strided.gather [hbm4b:s0+s8], $0x1000, s9, s8, $0x38;
	[tilespmem:$0xC200] =	vst v63  }
0x88: {  	s0 =	sand.u32 $0x7, s24  }
0x89: {  	s23 =	sadd.s32 $0x1, s0  }
0x8a: {  	_ =	swait.ge [sflag:s23], $0x1000  }
0x8b: {  	[sflag:s23] =	ssyncset.done $0x0  }
0x8c: {  	[sflag:s23] =	ssyncadd.s32 $0xFFFFF000  }
0x8d: {  	s25 =	sld [smem:$0x0];
	_ =	sdelay $0x2  }
0x8e: {  	s26 =	sshll.u32 s0, $0xC;
	s20 =	sand.u32 $0x7F, s25  }
0x8f: {  	s20 =	sor.u32 s26, s20  }
0x90: {  	v2 =	vor.u32 s20, v1  }
0x91: {  	v4 =	vor.u32 s20, v0  }
0x92: {  	p0 =	por $0x0, $0x0  }
0x93: {  	s31 =	simm.s32 $0x8210;
	s28 =	simm.s32 $0x2;
	p1 =	por p0, p0  }
0x94: {  	s30 =	simm.s32 @!p0 $0x7A1400;
	s0 =	sshll.u32 @!p1 s0, $0xC;
	s22 =	sld @!p1 [smem:$0x8]  }
0x95: {  	s24 =	simm.s32 $0x1;
	s29 =	sor.u32 @!p1 $0x200, s0;
	p1 =	por p1, p1;
	v3 =	vld.idx.msk [tilespmem:v2+s10+$0x0], $0xffff  }
0x96: {  	s25 =	simm.s32 $0x9;
	s26 =	simm.s32 @!p0 $0x400;
	p0 =	por $0x0, $0x0;
	v2 =	vld.idx.msk [tilespmem:v4+s10+$0x0], $0xffff  }
0x97: {  	s0 =	sand.u32 @!p1 $0xFFFFF80, s22;
	s22 =	simm.s32 $0x8230;
	s20 =	simm.s32 @!p0 $0x400  }
0x98: {  	s21 =	simm.s32 @!p0 $0x7A1400;
	p0 =	por p0, p0;
	s0 =	sadd.s32 @!p1 s1, s0  }
.LBB2_4:
0x99: {  	p3 =	sgt.u32 s28, $0x1F7  }
0x9a: {  	s2 =	sand.u32 $0x7, s24;
	[tilespmem:s31+$0x0] =	vst v3;
	s24 =	smov.u32 s28;
	s28 =	sadd.s32 $0x1, s28  }
0x9b: {  	s11 =	simm.s32 @!p3 $0x400;
	s12 =	sadd.s32 $0x1, s2;
	s13 =	sshll.u32 @!p0 s2, $0xC;
	[tilespmem:s31+$0xFFFFFFF0] =	vst v2  }
0x9c: {  	[tilespmem:s29], [sflag:s23] =	stream.strided.gather @!p1 [hbm4b:s0+s26], $0x1000, s30, s26, $0x38;
	[tilespmem:$0xC200] =	vst v63  }
0x9d: {  	s0 =	simm.s32 @!p3 $0x7A1400;
	s29 =	sor.u32 @!p0 $0x200, s13;
	_ =	swait.ge [sflag:s12], $0x1000  }
0x9e: {  	p2 =	sne.s32 s28, $0x200;
	s26 =	smov.u32 s20;
	[sflag:s12] =	ssyncset.done $0x0  }
0x9f: {  	s20 =	smov.u32 s11;
	s23 =	smov.u32 s12;
	[sflag:s12] =	ssyncadd.s32 $0xFFFFF000  }
0xa0: {  	s30 =	smov.u32 s21;
	s21 =	smov.u32 s0;
	s11 =	sld [smem:s25+$0xFFFFFFF8]  }
0xa1: {  	s31 =	smov.u32 s22;
	p1 =	por p0, p0;
	s0 =	sld @!p0 [smem:s25+$0x0]  }
0xa2: {  	p0 =	por p3, p3  }
0xa3: {  	s2 =	sshll.u32 s2, $0xC;
	s11 =	sand.u32 $0x7F, s11  }
0xa4: {  	s2 =	sor.u32 s2, s11;
	s0 =	sand.u32 @!p1 $0xFFFFF80, s0  }
0xa5: {  	v2 =	vor.u32 s2, v0;
	v3 =	vor.u32 s2, v1;
	s0 =	sadd.s32 @!p1 s1, s0;
	_ =	sdelay $0x4  }
0xa6: {  	v3 =	vld.idx.msk [tilespmem:v3+s10+$0x0], $0xffff  }
.Ltmp1:
0xa7: {  	v2 =	vld.idx.msk [tilespmem:v2+s10+$0x0], $0xffff;
	(pc) =	sbr.rel @p2 .LBB2_4-.Ltmp1, $2  }
0xa8: {  	_ =	sdelay $0x2  }
0xa9: {  	s22 =	sadd.s32 $0x20, s22;
	s25 =	sadd.s32 $0x1, s25  }
0xaa: {  	s2 =	sand.u32 $0x7, s24;
	[tilespmem:s31+$0x0] =	vst v3  }
0xab: {  	[tilespmem:s31+$0xFFFFFFF0] =	vst v2;
	s11 =	sadd.s32 $0x1, s2  }
0xac: {  	[tilespmem:s29], [sflag:s23] =	stream.strided.gather @!p1 [hbm4b:s0+s26], $0x1000, s30, s26, $0x38;
	[tilespmem:$0xC200] =	vst v63  }
0xad: {  	_ =	swait.ge [sflag:s11], $0x1000  }
0xae: {  	[sflag:s11] =	ssyncset.done $0x0  }
0xaf: {  	[sflag:s11] =	ssyncadd.s32 $0xFFFFF000  }
0xb0: {  	s31 =	sld [smem:s25+$0xFFFFFFF8];
	_ =	sdelay $0x2  }
0xb1: {  	s12 =	sshll.u32 s2, $0xC;
	s0 =	sand.u32 $0x7F, s31  }
0xb2: {  	s0 =	sor.u32 s12, s0  }
0xb3: {  	v2 =	vor.u32 s0, v1  }
0xb4: {  	v3 =	vor.u32 s0, v0;
	_ =	sdelay $0x3  }
0xb5: {  	v2 =	vld.idx.msk [tilespmem:v2+s10+$0x0], $0xffff  }
0xb6: {  	v3 =	vld.idx.msk [tilespmem:v3+s10+$0x0], $0xffff  }
0xb7: {  	s0 =	sld @!p0 [smem:s25+$0x0];
	_ =	sdelay $0x1  }
0xb8: {  	p1 =	por p0, p0  }
0xb9: {  	s19 =	sadd.s32 $0x1, s19;
	s2 =	sshll.u32 @!p0 s2, $0xC;
	s0 =	sand.u32 @!p1 $0xFFFFF80, s0;
	[tilespmem:s22+$0x0] =	vst v2  }
0xba: {  	s2 =	sor.u32 @!p0 $0x200, s2;
	p0 =	sne.s32 s19, s6;
	s0 =	sadd.s32 @!p1 s1, s0;
	[tilespmem:s22+$0xFFFFFFF0] =	vst v3  }
0xbb: {  	[tilespmem:s2], [sflag:s11] =	stream.strided.gather @!p1 [hbm4b:s0+s20], $0x1000, s21, s20, $0x38;
	[tilespmem:$0xC200] =	vst v63  }
.Ltmp2:
0xbc: {  	_ = 	snop;
	(pc) =	sbr.rel @p0 .LBB2_1-.Ltmp2, $4  }
0xbd: {  	[hbm4b:s5+s3] =	stream.linear.scatter [tilespmem:s18], [sflag:$0x9], $0x4000, $0x38;
	[tilespmem:$0xC200] =	vst v63  }
0xbe: {  	_ =	swait.ge [sflag:s7], $0x4000  }
0xbf: {  	[sflag:s7] =	ssyncset.done $0x0  }
0xc0: {  	[sflag:s7] =	ssyncadd.s32 $0xFFFFC000  }
0xc1: {  	_ =	sfence.sel $0x180000  }
0xc2: {  	[bflag:$0x0] =	sbarrier.arrive $0xFFFF  }
0xc3: {  	_ =	strace $0x90000047  }
0xc4: {  	s0 =	stileid.u32;
	[bflag:$0x2] =	sbarrier.arrive $0xFFFF  }
0xc5: {  	p0 =	sne.s32 s0, $0x0;
	s0 =	rddreg [dreg:$0x3]  }
0xc6: {  	s0 =	sadd.s32 @!p0 $0x100000, s0  }
0xc7: {  	[sflag:s0] =	ssyncadd.tile.s32 @!p0 $0x1;
	_ =	shalt  }
.Lfunc_end2:
_tile_overlayer_lowered:
.L_overlay_start_2:
0xc8: {  	(tag) =	ssettag $0x2  }
0xc9: {  	s0 =	rddreg [dreg:$0x0];
	s2 =	stileid.u32  }
0xca: {  	s1 =	rddreg [dreg:$0x1];
	p0 =	sne.s32 s2, $0x0  }
0xcb: {  	s3 =	rddreg [dreg:$0x2];
	[bflag:$0x3] =	sbarrier.arrive $0xFFFF;
	s2 =	simm.s32 @!p0 $0x1C09  }
0xcc: {  	[timem:s3], [sflag:s2] =	dma.local @!p0 [hbm:s0], s1  }
0xcd: {  	s0 =	simm.s32 @!p0 $0x9  }
0xce: {  	_ =	swait.ge @!p0 [sflag:s0], s1  }
0xcf: {  	s1 =	ssub.s32 @!p0 $0x0, s1;
	[sflag:s0] =	ssyncset.done @!p0 $0x0  }
0xd0: {  	[sflag:s0] =	ssyncadd.s32 @!p0 s1  }
0xd1: {  	[bflag:$0x3] =	sbarrier.arrive $0xFFFF  }
0xd2: {  	_ =	shalt  }

// kernel: kernel.7.cloned.1.call-start
scs
__scs_entry_jumppad:
0x0: {  	(pc) =	sbr.rel $0x88, $3  }
0x1: {  	(tag) =	ssettag $0x0;
	lr =	simm.s32 $0x1  }
0x2: {  	[smem:$0x3F9D] =	sst lr;
	_ =	strace $0xD0000000  }
0x3: {  	_ = 	snop  }
0x4: {  	_ = 	snop  }
0x5: {  	_ = 	snop  }
0x6: {  	_ = 	snop  }
0x7: {  	_ = 	snop  }
__scs_overlays_trampoline_lowered:
0x8: {  	[smem:$0x3FAC] =	sst s0  }
0x9: {  	[smem:$0x3FAD] =	sst s1  }
0xa: {  	[smem:$0x3FAE] =	sst s2  }
0xb: {  	[smem:$0x3FAF] =	sst s3  }
0xc: {  	[smem:$0x3FB0] =	sst s4  }
0xd: {  	[smem:$0x3FB1] =	sst s5  }
0xe: {  	[smem:$0x3FB2] =	sst s6  }
0xf: {  	[smem:$0x3FB3] =	sst s7  }
0x10: {  	[smem:$0x3FB4] =	sst s8  }
0x11: {  	[smem:$0x3FB5] =	sst s9;
	s0 =	simm.s32 @!p0 $0x0  }
0x12: {  	s1 =	sld [smem:$0x3F9B];
	s0 =	simm.s32 @p0 $0x1  }
0x13: {  	[smem:$0x3FB6] =	sst s0;
	s0 =	simm.s32 @!p1 $0x0  }
0x14: {  	s2 =	sld [smem:$0x3F9A];
	s0 =	simm.s32 @p1 $0x1  }
0x15: {  	[smem:$0x3FB7] =	sst s0;
	s0 =	simm.s32 @!p2 $0x0  }
0x16: {  	s3 =	sld [smem:$0x3FDB];
	s0 =	simm.s32 @p2 $0x1  }
0x17: {  	s4 =	simm.s32 $0x1BF5;
	[smem:$0x3FB9] =	sst s0  }
0x18: {  	s0 =	sld [smem:$0x3F9C];
	_ =	swait.ge [sflag:s4], $0x0  }
0x19: {  	s7 =	sld [smem:$0x3F9D]  }
0x1a: {  	s8 =	sadd.s32 $0xFFFFE003, lr  }
0x1b: {  	s9 =	sadd.s32 $0xFFFFFEF7, lr;
	s5 =	simm.s32 $0xFFFFFFFF;
	p2 =	slt.u32 s8, $0xFFFFF086  }
0x1c: {  	p1 =	slt.u32 s9, $0xF7A;
	s5 =	simm.s32 @!p2 $0x0  }
0x1d: {  	s5 =	simm.s32 @p1 $0x1;
	p0 =	seq.s32 s7, s2  }
0x1e: {  	s7 =	smul.u32 @!p0 $0xF7A, s2;
	p2 =	seq.s32 @!p0 s5, $0x0  }
0x1f: {  	s9 =	smul.u32 $0xF7A, s1;
	s8 =	simm.s32 @!p0 $0x1BF5;
	p2 =	por !p2, p0  }
0x20: {  	[sflag:s8] =	ssyncset.s32 @!p0 $0xFFFFF086;
	s6 =	sadd.s32 @!p0 s3, s7;
	s7 =	simm.s32 @!p0 $0x108  }
0x21: {  	s3 =	sadd.s32 s3, s9;
	s6 =	sadd.s32 @!p0 $0x88, s6;
	s7 =	simm.s32 @p2 $0x1082  }
0x22: {  	[simem:s7], [sflag:s8] =	dma.local @!p0 [hbm:s6], $0xF7A  }
0x23: {  	s9 =	sor.u32 $0xD0000000, s2;
	s6 =	simm.s32 $0x108;
	_ =	swait.ge @!p0 [sflag:s8], $0x0  }
0x24: {  	s3 =	sadd.s32 $0x88, s3;
	s6 =	simm.s32 @!p1 $0x1082;
	[sflag:s4] =	ssyncset.s32 $0xFFFFF086  }
0x25: {  	[simem:s6], [sflag:s4] =	dma.local [hbm:s3], $0xF7A  }
0x26: {  	[smem:$0x3F9D] =	sst s1;
	(tag) =	ssettag s2;
	_ =	strace s9  }
0x27: {  	s1 =	sld [smem:$0x3FAD]  }
0x28: {  	s2 =	sld [smem:$0x3FAE]  }
0x29: {  	s4 =	sld [smem:$0x3FB0]  }
0x2a: {  	p0 =	seq.s32 s5, $0x0;
	s5 =	sld [smem:$0x3FB1]  }
0x2b: {  	s6 =	sld [smem:$0x3FB2]  }
0x2c: {  	s7 =	sld [smem:$0x3FB3]  }
0x2d: {  	s3 =	simm.s32 $0x108;
	s8 =	sld [smem:$0x3FB4]  }
0x2e: {  	s3 =	simm.s32 @!p0 $0x1082;
	s9 =	sld [smem:$0x3FB5]  }
0x2f: {  	lr =	sadd.s32 s0, s3;
	s0 =	sld [smem:$0x3FAC]  }
0x30: {  	s3 =	sld [smem:$0x3FAF]  }
0x31: {  	[smem:$0x3FB8] =	sst s10  }
0x32: {  	s10 =	sld [smem:$0x3FB6];
	_ =	sdelay $0x3  }
0x33: {  	p0 =	seq.s32 s10, $0x1;
	s10 =	sld [smem:$0x3FB8];
	_ =	sdelay $0x3  }
0x34: {  	[smem:$0x3FB8] =	sst s10  }
0x35: {  	s10 =	sld [smem:$0x3FB7];
	_ =	sdelay $0x3  }
0x36: {  	p1 =	seq.s32 s10, $0x1;
	s10 =	sld [smem:$0x3FB8];
	_ =	sdelay $0x3  }
0x37: {  	[smem:$0x3FB8] =	sst s10  }
0x38: {  	s10 =	sld [smem:$0x3FB9]  }
0x39: {  	_ = 	snop;
	(pc) =	sbr.ind lr, $3  }
0x3a: {  	_ = 	snop  }
0x3b: {  	_ = 	snop  }
0x3c: {  	p2 =	seq.s32 s10, $0x1;
	s10 =	sld [smem:$0x3FB8]  }
0x3d: {  	_ =	shalt  }
0x3e: {  	_ =	shalt  }
0x3f: {  	_ =	shalt  }
0x40: {  	_ =	shalt  }
0x41: {  	_ =	shalt  }
0x42: {  	_ =	shalt  }
0x43: {  	_ =	shalt  }
0x44: {  	_ =	shalt  }
0x45: {  	_ =	shalt  }
0x46: {  	_ =	shalt  }
0x47: {  	_ =	shalt  }
0x48: {  	_ =	shalt  }
0x49: {  	_ =	shalt  }
0x4a: {  	_ =	shalt  }
0x4b: {  	_ =	shalt  }
0x4c: {  	_ =	shalt  }
0x4d: {  	_ =	shalt  }
0x4e: {  	_ =	shalt  }
0x4f: {  	_ =	shalt  }
0x50: {  	_ =	shalt  }
0x51: {  	_ =	shalt  }
0x52: {  	_ =	shalt  }
0x53: {  	_ =	shalt  }
0x54: {  	_ =	shalt  }
0x55: {  	_ =	shalt  }
0x56: {  	_ =	shalt  }
0x57: {  	_ =	shalt  }
0x58: {  	_ =	shalt  }
0x59: {  	_ =	shalt  }
0x5a: {  	_ =	shalt  }
0x5b: {  	_ =	shalt  }
0x5c: {  	_ =	shalt  }
0x5d: {  	_ =	shalt  }
0x5e: {  	_ =	shalt  }
0x5f: {  	_ =	shalt  }
0x60: {  	_ =	shalt  }
0x61: {  	_ =	shalt  }
0x62: {  	_ =	shalt  }
0x63: {  	_ =	shalt  }
0x64: {  	_ =	shalt  }
0x65: {  	_ =	shalt  }
0x66: {  	_ =	shalt  }
0x67: {  	_ =	shalt  }
0x68: {  	_ =	shalt  }
0x69: {  	_ =	shalt  }
0x6a: {  	_ =	shalt  }
0x6b: {  	_ =	shalt  }
0x6c: {  	_ =	shalt  }
0x6d: {  	_ =	shalt  }
0x6e: {  	_ =	shalt  }
0x6f: {  	_ =	shalt  }
0x70: {  	_ =	shalt  }
0x71: {  	_ =	shalt  }
0x72: {  	_ =	shalt  }
0x73: {  	_ =	shalt  }
0x74: {  	_ =	shalt  }
0x75: {  	_ =	shalt  }
0x76: {  	_ =	shalt  }
0x77: {  	_ =	shalt  }
0x78: {  	_ =	shalt  }
0x79: {  	_ =	shalt  }
0x7a: {  	_ =	shalt  }
0x7b: {  	_ =	shalt  }
0x7c: {  	_ =	shalt  }
0x7d: {  	_ =	shalt  }
0x7e: {  	_ =	shalt  }
0x7f: {  	_ =	shalt  }
0x80: {  	_ =	shalt  }
0x81: {  	_ =	shalt  }
0x82: {  	_ =	shalt  }
0x83: {  	_ =	shalt  }
0x84: {  	_ =	shalt  }
0x85: {  	_ =	shalt  }
0x86: {  	_ =	shalt  }
0x87: {  	_ =	shalt  }
.Lfunc_end0:
.L_simem_size_0:
called_computation.1_lowered:
.L_overlay_start_0:
0x88: {  	s2 =	sld [smem:$0x3FD9]  }
0x89: {  	s3 =	sld [smem:$0x3FFE];
	_ =	sdelay $0x1  }
0x8a: {  	s1 =	srdreg.scid  }
0x8b: {  	s0 =	sand.u32 $0x1, s1  }
0x8c: {  	s17 =	sshll.u32 s0, $0xA;
	s2 =	sadd.s32 s3, s2  }
0x8d: {  	s2 =	sadd.s32 s2, s17  }
0x8e: {  	[smem:$0x3FC4] =	sst s2  }
0x8f: {  	_ = 	snop  }
0x90: {  	s2 =	sld [smem:$0x3FC8]  }
0x91: {  	s18 =	sld [smem:$0x3FD0];
	(tm) =	ssettm $0x1  }
0x92: {  	s4 =	sld [smem:$0x3FFB];
	_ =	sdelay $0x3  }
0x93: {  	_ =	strace s4  }
0x94: {  	s4 =	sld [smem:$0x3FFC];
	_ =	sdelay $0x3  }
0x95: {  	_ =	strace s4  }
0x96: {  	s4 =	sld [smem:$0x3FFD];
	_ =	sdelay $0x3  }
0x97: {  	_ =	strace s4  }
0x98: {  	_ =	strace $0x8FFFFFFF  }
0x99: {  	s19 =	sld [smem:$0x3FDB];
	_ =	sdelay $0x1  }
0x9a: {  	s5 =	simm.s32 $_scs_section_size  }
0x9b: {  	s6 =	simm.s32 $_size__tile_overlayer_lowered;
	s7 =	simm.s32 $_tile_overlayer_lowered  }
0x9c: {  	s22 =	simm.s32 $0x1BFF;
	s21 =	sshll.u32 s7, $0x1;
	s4 =	sadd.s32 s5, s19  }
0x9d: {  	s8 =	simm.s32 $0x0;
	s20 =	sshll.u32 s6, $0x1;
	s6 =	sadd.s32 s21, s4  }
0x9e: {  	[timem:s8], [sflag:s22] =	dma.local [hbm:s6], s20  }
0x9f: {  	_ =	swait.ge [sflag:s22], s20  }
0xa0: {  	s5 =	ssub.s32 $0x0, s20;
	[sflag:s22] =	ssyncset.done $0x0  }
0xa1: {  	[sflag:s22] =	ssyncadd.s32 s5;
	_ =	sdelay $0x1  }
0xa2: {  	s23 =	simm.s32 $0x1B8B  }
0xa3: {  	_ =	swait.ge [sflag:s23], $0x1  }
0xa4: {  	[sflag:s23] =	ssyncset.done $0x0  }
0xa5: {  	s25 =	simm.s32 $0x1B8E;
	s24 =	sld [smem:$0x3FFE];
	[sflag:s23] =	ssyncadd.s32 $0xFFFFFFFF  }
0xa6: {  	s26 =	simm.s32 $execute0_lowered;
	[smem:$0x3FD2] =	sst s25  }
0xa7: {  	s6 =	sshll.u32 s26, $0x1;
	_ =	strace $0x80000049;
	[dreg:$0x1] =	wrdreg $0xFFFFFFFF  }
0xa8: {  	s28 =	simm.s32 $_size_execute0_lowered;
	s4 =	sadd.s32 s4, s6;
	[dreg:$0x0] =	wrdreg $0x0  }
0xa9: {  	s6 =	sshll.u32 s28, $0x1;
	[dreg:$0x2] =	wrdreg s4  }
0xaa: {  	[dreg:$0x3] =	wrdreg s6  }
0xab: {  	[dreg:$0x4] =	wrdreg $0xC0  }
0xac: {  	_ =	task [dreg:s8], $0x5FFFF  }
0xad: {  	[dreg:$0x1] =	wrdreg $0xFFFFFFFF  }
0xae: {  	[dreg:$0x0] =	wrdreg $0x60  }
0xaf: {  	[dreg:$0x2] =	wrdreg s2  }
0xb0: {  	[dreg:$0x3] =	wrdreg s24  }
0xb1: {  	[dreg:$0x4] =	wrdreg s18  }
0xb2: {  	[dreg:$0x5] =	wrdreg $0x9  }
0xb3: {  	_ =	task.clear_ibuf [dreg:s8], $0x6FFFF;
	_ =	strace $0x90000049  }
0xb4: {  	s29 =	simm.s32 $0x9;
	_ =	strace $0x8000004B  }
0xb5: {  	_ =	swait.ge [sflag:s29], $0x1  }
0xb6: {  	[sflag:s29] =	ssyncadd.s32 $0xFFFFFFFF  }
0xb7: {  	_ =	strace $0x9000004B  }
0xb8: {  	_ =	sfence  }
0xb9: {  	s30 =	sld [smem:$0x0];
	_ =	sdelay $0x2  }
0xba: {  	s31 =	sshll.u32 s1, $0xD;
	s1 =	sshrl.u32 s1, $0x2  }
0xbb: {  	s3 =	sand.u32 $0x4000, s31;
	s1 =	sadd.s32 s1, s30  }
0xbc: {  	s0 =	sor.u32 s3, s0;
	s1 =	sshll.u32 s1, $0x11  }
0xbd: {  	s0 =	sor.u32 s1, s0  }
0xbe: {  	s0 =	sadd.s32 $0x8F2B, s0  }
0xbf: {  	[sflag:s0] =	ssyncadd.remote.s32 $0x1  }
0xc0: {  	_ =	sfence.sel $0xFFFF  }
0xc1: {  	[dreg:$0x0] =	wrdreg $0xFFFFFFFF;
	(pc) =	sbr.abs _section_cstart, $3  }
0xc2: {  	[dreg:$0x1] =	wrdreg $0xFFFFFFFF  }
0xc3: {  	_ =	task.clear_ibuf [dreg:s8], $0x2FFFF;
	_ =	strace $0x9FFFFFFF  }
0xc4: {  	(tm) =	ssettm $0x7FFFFFFF  }
0xc5: {  	_ =	shalt  }
tec
execute0_lowered:
.L_overlay_start_1:
0x0: {  	(tag) =	ssettag $0x1  }
0x1: {  	s4 =	rddreg [dreg:$0x0]  }
0x2: {  	s5 =	rddreg [dreg:$0x1]  }
0x3: {  	s6 =	rddreg [dreg:$0x2]  }
0x4: {  	s0 =	rddreg [dreg:$0x3]  }
0x5: {  	s2 =	simm.s32 $0x0;
	s3 =	srdreg.scid;
	s1 =	stileid.u32  }
0x6: {  	s11 =	simm.s32 $0x4200;
	s12 =	simm.s32 $0x5200;
	s13 =	simm.s32 $0x1  }
0x7: {  	s14 =	simm.s32 $0x100;
	s15 =	simm.s32 $0x2;
	s16 =	simm.s32 $0x180  }
0x8: {  	s17 =	simm.s32 $0x6200;
	s18 =	simm.s32 $0x0;
	[smem:$0x7FF] =	sst s2  }
0x9: {  	s3 =	sand.u32 $0x1, s3;
	s7 =	sshll.u32 s1, $0x1;
	_ =	strace $0x8000004A  }
0xa: {  	s7 =	sor.u32 s3, s7;
	s8 =	ssub.s32 $0x2, s3;
	s3 =	sadd.s32 $0x197400, s5  }
0xb: {  	v0 =	vlaneseq.u32;
	s9 =	sshll.u32 s7, $0xB;
	s10 =	sshrl.u32 s8, $0x1;
	s7 =	sshll.u32 s7, $0x6  }
0xc: {  	v0 =	vmul.u32 $0x20, v0;
	s5 =	sadd.s32 s9, s5;
	s8 =	ssub.s32 s8, s10;
	s4 =	sadd.s32 s4, s7  }
0xd: {  	s6 =	sadd.s32 s6, s7;
	s9 =	simm.s32 $0x200;
	s10 =	simm.s32 $0x80  }
0xe: {  	v1 =	vor.u32 $0xFFFFF000, v0;
	v2 =	vor.u32 $0xFFFFE000, v0;
	v3 =	vor.u32 $0xFFFFD000, v0;
	s5 =	sadd.s32 $0xA00, s5;
	s7 =	smax.u32 s8, $0x1;
	s8 =	simm.s32 $0x3  }
.LBB2_1:
0xf: {  	[tilespmem:s2], [sflag:$0x3] =	stream.linear.gather [hbm4b:s4+s2], $0x200, $0x38;
	[tilespmem:$0x6400] =	vst v63  }
0x10: {  	_ =	swait.ge [sflag:s8], $0x200  }
0x11: {  	[sflag:s8] =	ssyncset.done $0x0  }
0x12: {  	[sflag:s8] =	ssyncadd.s32 $0xFFFFFE00  }
0x13: {  	[tilespmem:s9], [sflag:$0x3] =	stream.linear.gather [hbm4b:s5+s2], $0x4000, $0x38;
	[tilespmem:$0x6400] =	vst v63  }
0x14: {  	_ =	swait.ge [sflag:s8], $0x4000  }
0x15: {  	[sflag:s8] =	ssyncset.done $0x0  }
0x16: {  	v4 =	vmov s2;
	[sflag:s8] =	ssyncadd.s32 $0xFFFFC000  }
0x17: {  	v4 =	vshll.u32 v4, $0x5;
	[tilespmem:s11], [sflag:$0x1] =	stream.indirect.gather [hbm4b:s3+s10], $0x20, s2, s10, $0xb8;
	[tilespmem:$0x6400] =	vst v63  }
0x18: {  	v4 =	vor.u32 v0, v4  }
0x19: {  	[tilespmem:s12], [sflag:$0x2] =	stream.indirect.gather [hbm4b:s3+s10], $0x20, s10, s10, $0xb8;
	[tilespmem:$0x6400] =	vst v63  }
0x1a: {  	v5 =	vor.u32 $0x1, v4;
	_ =	swait.ge [sflag:s13], $0x1000  }
0x1b: {  	[sflag:s13] =	ssyncset.done $0x0  }
0x1c: {  	v6 =	vor.u32 $0x2, v4;
	[sflag:s13] =	ssyncadd.s32 $0xFFFFF000  }
0x1d: {  	v7 =	vld.idx.msk [tilespmem:v4+s11+$0x0], $0xffff  }
0x1e: {  	v9 =	vor.u32 $0x3, v4;
	v8 =	vld.idx.msk [tilespmem:v4+s9+$0x0], $0xffff  }
0x1f: {  	v10 =	vld.idx.msk [tilespmem:v5+s9+$0x0], $0xffff  }
0x20: {  	v11 =	vor.u32 $0x4, v4;
	v5 =	vld.idx.msk [tilespmem:v5+s11+$0x0], $0xffff  }
0x21: {  	v12 =	vld.idx.msk [tilespmem:v6+s9+$0x0], $0xffff  }
0x22: {  	v13 =	vor.u32 $0x5, v4;
	v6 =	vld.idx.msk [tilespmem:v6+s11+$0x0], $0xffff  }
0x23: {  	v14 =	vld.idx.msk [tilespmem:v9+s9+$0x0], $0xffff;
	v7 =	vmul.f32 v7, v8  }
0x24: {  	v8 =	vld.idx.msk [tilespmem:v9+s11+$0x0], $0xffff;
	v9 =	vor.u32 $0x6, v4  }
0x25: {  	v15 =	vld.idx.msk [tilespmem:v11+s9+$0x0], $0xffff;
	v5 =	vmul.f32 v5, v10;
	v7 =	vadd.f32 $0.0e+00, v7  }
0x26: {  	v10 =	vld.idx.msk [tilespmem:v11+s11+$0x0], $0xffff;
	v11 =	vor.u32 $0x7, v4  }
0x27: {  	v16 =	vld.idx.msk [tilespmem:v13+s9+$0x0], $0xffff;
	v6 =	vmul.f32 v6, v12;
	v5 =	vadd.f32 v5, v7  }
0x28: {  	v39 =	vor.u32 $0x8, v4;
	v7 =	vld.idx.msk [tilespmem:v13+s11+$0x0], $0xffff  }
0x29: {  	v40 =	vld.idx.msk [tilespmem:v9+s9+$0x0], $0xffff;
	v5 =	vadd.f32 v6, v5;
	v6 =	vmul.f32 v8, v14  }
0x2a: {  	v8 =	vld.idx.msk [tilespmem:v9+s11+$0x0], $0xffff;
	v9 =	vor.u32 $0x9, v4  }
0x2b: {  	v41 =	vld.idx.msk [tilespmem:v11+s9+$0x0], $0xffff;
	v5 =	vadd.f32 v6, v5;
	v6 =	vmul.f32 v10, v15  }
0x2c: {  	v10 =	vld.idx.msk [tilespmem:v11+s11+$0x0], $0xffff;
	v11 =	vor.u32 $0xA, v4  }
0x2d: {  	v42 =	vld.idx.msk [tilespmem:v39+s9+$0x0], $0xffff;
	v5 =	vadd.f32 v6, v5;
	v6 =	vmul.f32 v7, v16  }
0x2e: {  	v43 =	vor.u32 $0xB, v4;
	v7 =	vld.idx.msk [tilespmem:v39+s11+$0x0], $0xffff  }
0x2f: {  	v44 =	vld.idx.msk [tilespmem:v9+s9+$0x0], $0xffff;
	v5 =	vadd.f32 v6, v5;
	v6 =	vmul.f32 v8, v40  }
0x30: {  	v8 =	vld.idx.msk [tilespmem:v9+s11+$0x0], $0xffff;
	v9 =	vor.u32 $0xC, v4  }
0x31: {  	v45 =	vld.idx.msk [tilespmem:v11+s9+$0x0], $0xffff;
	v5 =	vadd.f32 v6, v5;
	v6 =	vmul.f32 v10, v41  }
0x32: {  	v10 =	vld.idx.msk [tilespmem:v11+s11+$0x0], $0xffff;
	v11 =	vor.u32 $0xD, v4  }
0x33: {  	v46 =	vld.idx.msk [tilespmem:v43+s9+$0x0], $0xffff;
	v5 =	vadd.f32 v6, v5;
	v6 =	vmul.f32 v7, v42  }
0x34: {  	v47 =	vor.u32 $0xE, v4;
	v7 =	vld.idx.msk [tilespmem:v43+s11+$0x0], $0xffff  }
0x35: {  	v48 =	vld.idx.msk [tilespmem:v9+s9+$0x0], $0xffff;
	v5 =	vadd.f32 v6, v5;
	v6 =	vmul.f32 v8, v44  }
0x36: {  	v8 =	vld.idx.msk [tilespmem:v9+s11+$0x0], $0xffff;
	v9 =	vor.u32 $0xF, v4  }
0x37: {  	v49 =	vld.idx.msk [tilespmem:v11+s9+$0x0], $0xffff;
	v5 =	vadd.f32 v6, v5;
	v6 =	vmul.f32 v10, v45  }
0x38: {  	v10 =	vld.idx.msk [tilespmem:v11+s11+$0x0], $0xffff;
	v11 =	vor.u32 $0x10, v4  }
0x39: {  	v50 =	vld.idx.msk [tilespmem:v47+s9+$0x0], $0xffff;
	v5 =	vadd.f32 v6, v5;
	v6 =	vmul.f32 v7, v46  }
0x3a: {  	v51 =	vor.u32 $0x11, v4;
	v7 =	vld.idx.msk [tilespmem:v47+s11+$0x0], $0xffff  }
0x3b: {  	v52 =	vld.idx.msk [tilespmem:v9+s9+$0x0], $0xffff;
	v5 =	vadd.f32 v6, v5;
	v6 =	vmul.f32 v8, v48  }
0x3c: {  	v8 =	vld.idx.msk [tilespmem:v9+s11+$0x0], $0xffff;
	v9 =	vor.u32 $0x12, v4  }
0x3d: {  	v53 =	vld.idx.msk [tilespmem:v11+s9+$0x0], $0xffff;
	v5 =	vadd.f32 v6, v5;
	v6 =	vmul.f32 v10, v49  }
0x3e: {  	v10 =	vld.idx.msk [tilespmem:v11+s11+$0x0], $0xffff;
	v11 =	vor.u32 $0x13, v4  }
0x3f: {  	v54 =	vld.idx.msk [tilespmem:v51+s9+$0x0], $0xffff;
	v5 =	vadd.f32 v6, v5;
	v6 =	vmul.f32 v7, v50  }
0x40: {  	v55 =	vor.u32 $0x14, v4;
	v7 =	vld.idx.msk [tilespmem:v51+s11+$0x0], $0xffff  }
0x41: {  	v56 =	vld.idx.msk [tilespmem:v9+s9+$0x0], $0xffff;
	v5 =	vadd.f32 v6, v5;
	v6 =	vmul.f32 v8, v52  }
0x42: {  	v8 =	vld.idx.msk [tilespmem:v9+s11+$0x0], $0xffff;
	v9 =	vor.u32 $0x15, v4  }
0x43: {  	v57 =	vld.idx.msk [tilespmem:v11+s9+$0x0], $0xffff;
	v5 =	vadd.f32 v6, v5;
	v6 =	vmul.f32 v10, v53  }
0x44: {  	v10 =	vld.idx.msk [tilespmem:v11+s11+$0x0], $0xffff;
	v11 =	vor.u32 $0x16, v4  }
0x45: {  	v58 =	vld.idx.msk [tilespmem:v55+s9+$0x0], $0xffff;
	v5 =	vadd.f32 v6, v5;
	v6 =	vmul.f32 v7, v54  }
0x46: {  	v59 =	vor.u32 $0x17, v4;
	v7 =	vld.idx.msk [tilespmem:v55+s11+$0x0], $0xffff  }
0x47: {  	v60 =	vld.idx.msk [tilespmem:v9+s9+$0x0], $0xffff;
	v5 =	vadd.f32 v6, v5;
	v6 =	vmul.f32 v8, v56  }
0x48: {  	v8 =	vld.idx.msk [tilespmem:v9+s11+$0x0], $0xffff;
	v9 =	vor.u32 $0x18, v4  }
0x49: {  	v61 =	vld.idx.msk [tilespmem:v11+s9+$0x0], $0xffff;
	v5 =	vadd.f32 v6, v5;
	v6 =	vmul.f32 v10, v57  }
0x4a: {  	v10 =	vld.idx.msk [tilespmem:v11+s11+$0x0], $0xffff;
	v11 =	vor.u32 $0x19, v4  }
0x4b: {  	v62 =	vld.idx.msk [tilespmem:v59+s9+$0x0], $0xffff;
	v5 =	vadd.f32 v6, v5;
	v6 =	vmul.f32 v7, v58  }
0x4c: {  	v63 =	vor.u32 $0x1A, v4;
	v7 =	vld.idx.msk [tilespmem:v59+s11+$0x0], $0xffff  }
0x4d: {  	v20 =	vld.idx.msk [tilespmem:v9+s9+$0x0], $0xffff;
	v5 =	vadd.f32 v6, v5;
	v6 =	vmul.f32 v8, v60  }
0x4e: {  	v8 =	vld.idx.msk [tilespmem:v9+s11+$0x0], $0xffff;
	v9 =	vor.u32 $0x1B, v4  }
0x4f: {  	v21 =	vld.idx.msk [tilespmem:v11+s9+$0x0], $0xffff;
	v5 =	vadd.f32 v6, v5;
	v6 =	vmul.f32 v10, v61  }
0x50: {  	v10 =	vld.idx.msk [tilespmem:v11+s11+$0x0], $0xffff;
	v11 =	vor.u32 $0x1C, v4  }
0x51: {  	v22 =	vld.idx.msk [tilespmem:v63+s9+$0x0], $0xffff;
	v5 =	vadd.f32 v6, v5;
	v6 =	vmul.f32 v7, v62  }
0x52: {  	v23 =	vor.u32 $0x1D, v4;
	v7 =	vld.idx.msk [tilespmem:v63+s11+$0x0], $0xffff  }
0x53: {  	v24 =	vld.idx.msk [tilespmem:v9+s9+$0x0], $0xffff;
	v5 =	vadd.f32 v6, v5;
	v6 =	vmul.f32 v8, v20  }
0x54: {  	v8 =	vld.idx.msk [tilespmem:v9+s11+$0x0], $0xffff;
	v9 =	vor.u32 $0x1E, v4  }
0x55: {  	v25 =	vld.idx.msk [tilespmem:v11+s9+$0x0], $0xffff;
	v5 =	vadd.f32 v6, v5;
	v6 =	vmul.f32 v10, v21  }
0x56: {  	v4 =	vor.u32 $0x1F, v4;
	v10 =	vld.idx.msk [tilespmem:v11+s11+$0x0], $0xffff  }
0x57: {  	v11 =	vld.idx.msk [tilespmem:v23+s9+$0x0], $0xffff;
	v5 =	vadd.f32 v6, v5;
	v6 =	vmul.f32 v7, v22  }
0x58: {  	v7 =	vld.idx.msk [tilespmem:v23+s11+$0x0], $0xffff  }
0x59: {  	v26 =	vld.idx.msk [tilespmem:v9+s9+$0x0], $0xffff;
	v5 =	vadd.f32 v6, v5;
	v6 =	vmul.f32 v8, v24  }
0x5a: {  	v8 =	vld.idx.msk [tilespmem:v9+s11+$0x0], $0xffff  }
0x5b: {  	v9 =	vld.idx.msk [tilespmem:v4+s9+$0x0], $0xffff;
	v5 =	vadd.f32 v6, v5;
	v6 =	vmul.f32 v10, v25  }
0x5c: {  	v10 =	vld.idx.msk [tilespmem:v4+s11+$0x0], $0xffff  }
0x5d: {  	v4 =	vadd.f32 v6, v5;
	v5 =	vmul.f32 v7, v11  }
0x5e: {  	s19 =	simm.s32 $0x10  }
0x5f: {  	v6 =	vmov s19;
	v7 =	vmul.f32 v8, v26;
	v5 =	vadd.f32 v5, v4  }
0x60: {  	v4 =	vshll.u32 v6, $0x5  }
0x61: {  	v4 =	vor.u32 v0, v4;
	v6 =	vmul.f32 v10, v9;
	v5 =	vadd.f32 v7, v5;
	_ =	sdelay $0x1  }
0x62: {  	v7 =	vor.u32 $0x1, v4;
	v5 =	vadd.f32 v6, v5;
	_ =	sdelay $0x1  }
0x63: {  	v6 =	vor.u32 $0x2, v4;
	[tilespmem:s17+$0x0] =	vst v5  }
0x64: {  	v5 =	vld.idx.msk [tilespmem:v4+s11+$0x0], $0xffff  }
0x65: {  	v9 =	vor.u32 $0x3, v4;
	v8 =	vld.idx.msk [tilespmem:v4+s9+$0x0], $0xffff  }
0x66: {  	v10 =	vld.idx.msk [tilespmem:v7+s9+$0x0], $0xffff  }
0x67: {  	v11 =	vor.u32 $0x4, v4;
	v7 =	vld.idx.msk [tilespmem:v7+s11+$0x0], $0xffff  }
0x68: {  	v27 =	vld.idx.msk [tilespmem:v6+s9+$0x0], $0xffff  }
0x69: {  	v28 =	vor.u32 $0x5, v4;
	v6 =	vld.idx.msk [tilespmem:v6+s11+$0x0], $0xffff  }
0x6a: {  	v29 =	vld.idx.msk [tilespmem:v9+s9+$0x0], $0xffff;
	v5 =	vmul.f32 v5, v8  }
0x6b: {  	v8 =	vld.idx.msk [tilespmem:v9+s11+$0x0], $0xffff;
	v9 =	vor.u32 $0x6, v4  }
0x6c: {  	v30 =	vld.idx.msk [tilespmem:v11+s9+$0x0], $0xffff;
	v7 =	vmul.f32 v7, v10;
	v5 =	vadd.f32 $0.0e+00, v5  }
0x6d: {  	v10 =	vld.idx.msk [tilespmem:v11+s11+$0x0], $0xffff;
	v11 =	vor.u32 $0x7, v4  }
0x6e: {  	v31 =	vld.idx.msk [tilespmem:v28+s9+$0x0], $0xffff;
	v6 =	vmul.f32 v6, v27;
	v5 =	vadd.f32 v7, v5  }
0x6f: {  	v32 =	vor.u32 $0x8, v4;
	v7 =	vld.idx.msk [tilespmem:v28+s11+$0x0], $0xffff  }
0x70: {  	v33 =	vld.idx.msk [tilespmem:v9+s9+$0x0], $0xffff;
	v5 =	vadd.f32 v6, v5;
	v6 =	vmul.f32 v8, v29  }
0x71: {  	v8 =	vld.idx.msk [tilespmem:v9+s11+$0x0], $0xffff;
	v9 =	vor.u32 $0x9, v4  }
0x72: {  	v34 =	vld.idx.msk [tilespmem:v11+s9+$0x0], $0xffff;
	v5 =	vadd.f32 v6, v5;
	v6 =	vmul.f32 v10, v30  }
0x73: {  	v10 =	vld.idx.msk [tilespmem:v11+s11+$0x0], $0xffff;
	v11 =	vor.u32 $0xA, v4  }
0x74: {  	v35 =	vld.idx.msk [tilespmem:v32+s9+$0x0], $0xffff;
	v5 =	vadd.f32 v6, v5;
	v6 =	vmul.f32 v7, v31  }
0x75: {  	v36 =	vor.u32 $0xB, v4;
	v7 =	vld.idx.msk [tilespmem:v32+s11+$0x0], $0xffff  }
0x76: {  	v37 =	vld.idx.msk [tilespmem:v9+s9+$0x0], $0xffff;
	v5 =	vadd.f32 v6, v5;
	v6 =	vmul.f32 v8, v33  }
0x77: {  	v8 =	vld.idx.msk [tilespmem:v9+s11+$0x0], $0xffff;
	v9 =	vor.u32 $0xC, v4  }
0x78: {  	v38 =	vld.idx.msk [tilespmem:v11+s9+$0x0], $0xffff;
	v5 =	vadd.f32 v6, v5;
	v6 =	vmul.f32 v10, v34  }
0x79: {  	v10 =	vld.idx.msk [tilespmem:v11+s11+$0x0], $0xffff;
	v11 =	vor.u32 $0xD, v4  }
0x7a: {  	v39 =	vld.idx.msk [tilespmem:v36+s9+$0x0], $0xffff;
	v5 =	vadd.f32 v6, v5;
	v6 =	vmul.f32 v7, v35  }
0x7b: {  	v40 =	vor.u32 $0xE, v4;
	v7 =	vld.idx.msk [tilespmem:v36+s11+$0x0], $0xffff  }
0x7c: {  	v41 =	vld.idx.msk [tilespmem:v9+s9+$0x0], $0xffff;
	v5 =	vadd.f32 v6, v5;
	v6 =	vmul.f32 v8, v37  }
0x7d: {  	v8 =	vld.idx.msk [tilespmem:v9+s11+$0x0], $0xffff;
	v9 =	vor.u32 $0xF, v4  }
0x7e: {  	v42 =	vld.idx.msk [tilespmem:v11+s9+$0x0], $0xffff;
	v5 =	vadd.f32 v6, v5;
	v6 =	vmul.f32 v10, v38  }
0x7f: {  	v10 =	vld.idx.msk [tilespmem:v11+s11+$0x0], $0xffff;
	v11 =	vor.u32 $0x10, v4  }
0x80: {  	v43 =	vld.idx.msk [tilespmem:v40+s9+$0x0], $0xffff;
	v5 =	vadd.f32 v6, v5;
	v6 =	vmul.f32 v7, v39  }
0x81: {  	v44 =	vor.u32 $0x11, v4;
	v7 =	vld.idx.msk [tilespmem:v40+s11+$0x0], $0xffff  }
0x82: {  	v45 =	vld.idx.msk [tilespmem:v9+s9+$0x0], $0xffff;
	v5 =	vadd.f32 v6, v5;
	v6 =	vmul.f32 v8, v41  }
0x83: {  	v8 =	vld.idx.msk [tilespmem:v9+s11+$0x0], $0xffff;
	v9 =	vor.u32 $0x12, v4  }
0x84: {  	v46 =	vld.idx.msk [tilespmem:v11+s9+$0x0], $0xffff;
	v5 =	vadd.f32 v6, v5;
	v6 =	vmul.f32 v10, v42  }
0x85: {  	v10 =	vld.idx.msk [tilespmem:v11+s11+$0x0], $0xffff;
	v11 =	vor.u32 $0x13, v4  }
0x86: {  	v47 =	vld.idx.msk [tilespmem:v44+s9+$0x0], $0xffff;
	v5 =	vadd.f32 v6, v5;
	v6 =	vmul.f32 v7, v43  }
0x87: {  	v48 =	vor.u32 $0x14, v4;
	v7 =	vld.idx.msk [tilespmem:v44+s11+$0x0], $0xffff  }
0x88: {  	v49 =	vld.idx.msk [tilespmem:v9+s9+$0x0], $0xffff;
	v5 =	vadd.f32 v6, v5;
	v6 =	vmul.f32 v8, v45  }
0x89: {  	v8 =	vld.idx.msk [tilespmem:v9+s11+$0x0], $0xffff;
	v9 =	vor.u32 $0x15, v4  }
0x8a: {  	v50 =	vld.idx.msk [tilespmem:v11+s9+$0x0], $0xffff;
	v5 =	vadd.f32 v6, v5;
	v6 =	vmul.f32 v10, v46  }
0x8b: {  	v10 =	vld.idx.msk [tilespmem:v11+s11+$0x0], $0xffff;
	v11 =	vor.u32 $0x16, v4  }
0x8c: {  	v51 =	vld.idx.msk [tilespmem:v48+s9+$0x0], $0xffff;
	v5 =	vadd.f32 v6, v5;
	v6 =	vmul.f32 v7, v47  }
0x8d: {  	v52 =	vor.u32 $0x17, v4;
	v7 =	vld.idx.msk [tilespmem:v48+s11+$0x0], $0xffff  }
0x8e: {  	v53 =	vld.idx.msk [tilespmem:v9+s9+$0x0], $0xffff;
	v5 =	vadd.f32 v6, v5;
	v6 =	vmul.f32 v8, v49  }
0x8f: {  	v8 =	vld.idx.msk [tilespmem:v9+s11+$0x0], $0xffff;
	v9 =	vor.u32 $0x18, v4  }
0x90: {  	v54 =	vld.idx.msk [tilespmem:v11+s9+$0x0], $0xffff;
	v5 =	vadd.f32 v6, v5;
	v6 =	vmul.f32 v10, v50  }
0x91: {  	v10 =	vld.idx.msk [tilespmem:v11+s11+$0x0], $0xffff;
	v11 =	vor.u32 $0x19, v4  }
0x92: {  	v55 =	vld.idx.msk [tilespmem:v52+s9+$0x0], $0xffff;
	v5 =	vadd.f32 v6, v5;
	v6 =	vmul.f32 v7, v51  }
0x93: {  	v56 =	vor.u32 $0x1A, v4;
	v7 =	vld.idx.msk [tilespmem:v52+s11+$0x0], $0xffff  }
0x94: {  	v57 =	vld.idx.msk [tilespmem:v9+s9+$0x0], $0xffff;
	v5 =	vadd.f32 v6, v5;
	v6 =	vmul.f32 v8, v53  }
0x95: {  	v8 =	vld.idx.msk [tilespmem:v9+s11+$0x0], $0xffff;
	v9 =	vor.u32 $0x1B, v4  }
0x96: {  	v58 =	vld.idx.msk [tilespmem:v11+s9+$0x0], $0xffff;
	v5 =	vadd.f32 v6, v5;
	v6 =	vmul.f32 v10, v54  }
0x97: {  	v10 =	vld.idx.msk [tilespmem:v11+s11+$0x0], $0xffff;
	v11 =	vor.u32 $0x1C, v4  }
0x98: {  	v59 =	vld.idx.msk [tilespmem:v56+s9+$0x0], $0xffff;
	v5 =	vadd.f32 v6, v5;
	v6 =	vmul.f32 v7, v55  }
0x99: {  	v7 =	vld.idx.msk [tilespmem:v56+s11+$0x0], $0xffff  }
0x9a: {  	v61 =	vld.idx.msk [tilespmem:v9+s9+$0x0], $0xffff;
	v5 =	vadd.f32 v6, v5;
	v6 =	vmul.f32 v8, v57  }
0x9b: {  	v60 =	vor.u32 $0x1D, v4;
	v8 =	vld.idx.msk [tilespmem:v9+s11+$0x0], $0xffff  }
0x9c: {  	v62 =	vld.idx.msk [tilespmem:v11+s9+$0x0], $0xffff;
	v5 =	vadd.f32 v6, v5;
	v6 =	vmul.f32 v10, v58  }
0x9d: {  	v9 =	vor.u32 $0x1E, v4;
	v10 =	vld.idx.msk [tilespmem:v11+s11+$0x0], $0xffff  }
0x9e: {  	v5 =	vadd.f32 v6, v5;
	v6 =	vmul.f32 v7, v59  }
0x9f: {  	v4 =	vor.u32 $0x1F, v4  }
0xa0: {  	v11 =	vld.idx.msk [tilespmem:v60+s9+$0x0], $0xffff;
	v5 =	vadd.f32 v6, v5;
	v6 =	vmul.f32 v8, v61  }
0xa1: {  	v7 =	vld.idx.msk [tilespmem:v60+s11+$0x0], $0xffff  }
0xa2: {  	v63 =	vld.idx.msk [tilespmem:v9+s9+$0x0], $0xffff;
	v5 =	vadd.f32 v6, v5;
	v6 =	vmul.f32 v10, v62  }
0xa3: {  	v8 =	vld.idx.msk [tilespmem:v9+s11+$0x0], $0xffff  }
0xa4: {  	v9 =	vadd.f32 v6, v5;
	v5 =	vld.idx.msk [tilespmem:v4+s9+$0x0], $0xffff  }
0xa5: {  	v6 =	vld.idx.msk [tilespmem:v4+s11+$0x0], $0xffff  }
0xa6: {  	v7 =	vmul.f32 v7, v11  }
0xa7: {  	s31 =	simm.s32 $0x20  }
0xa8: {  	v10 =	vmov s31;
	v8 =	vmul.f32 v8, v63;
	v7 =	vadd.f32 v7, v9  }
0xa9: {  	s20 =	simm.s32 $0x30;
	s19 =	simm.s32 $0x6200;
	v4 =	vshll.u32 v10, $0x5  }
.LBB2_2:
0xaa: {  	p0 =	sne.s32 s20, $0x70;
	v4 =	vor.u32 v0, v4;
	v7 =	vadd.f32 v8, v7;
	v5 =	vmul.f32 v6, v5;
	_ =	sdelay $0x1  }
0xab: {  	v6 =	vor.u32 $0x1, v4;
	v5 =	vadd.f32 v5, v7  }
0xac: {  	s19 =	sadd.s32 $0x10, s19  }
0xad: {  	v7 =	vor.u32 $0x2, v4;
	[tilespmem:s19+$0x0] =	vst v5  }
0xae: {  	v5 =	vld.idx.msk [tilespmem:v4+s11+$0x0], $0xffff  }
0xaf: {  	v9 =	vor.u32 $0x3, v4;
	v8 =	vld.idx.msk [tilespmem:v4+s9+$0x0], $0xffff  }
0xb0: {  	v10 =	vld.idx.msk [tilespmem:v6+s9+$0x0], $0xffff  }
0xb1: {  	v11 =	vor.u32 $0x4, v4;
	v6 =	vld.idx.msk [tilespmem:v6+s11+$0x0], $0xffff  }
0xb2: {  	v12 =	vld.idx.msk [tilespmem:v7+s9+$0x0], $0xffff  }
0xb3: {  	v13 =	vor.u32 $0x5, v4;
	v7 =	vld.idx.msk [tilespmem:v7+s11+$0x0], $0xffff  }
0xb4: {  	v14 =	vld.idx.msk [tilespmem:v9+s9+$0x0], $0xffff  }
0xb5: {  	v5 =	vmul.f32 v5, v8;
	v8 =	vld.idx.msk [tilespmem:v9+s11+$0x0], $0xffff;
	v9 =	vor.u32 $0x6, v4  }
0xb6: {  	v15 =	vld.idx.msk [tilespmem:v11+s9+$0x0], $0xffff  }
0xb7: {  	v5 =	vadd.f32 $0.0e+00, v5;
	v6 =	vmul.f32 v6, v10;
	v10 =	vld.idx.msk [tilespmem:v11+s11+$0x0], $0xffff;
	v11 =	vor.u32 $0x7, v4  }
0xb8: {  	v16 =	vld.idx.msk [tilespmem:v13+s9+$0x0], $0xffff  }
0xb9: {  	v5 =	vadd.f32 v6, v5;
	v6 =	vmul.f32 v7, v12;
	v12 =	vor.u32 $0x8, v4;
	v7 =	vld.idx.msk [tilespmem:v13+s11+$0x0], $0xffff  }
0xba: {  	v13 =	vld.idx.msk [tilespmem:v9+s9+$0x0], $0xffff  }
0xbb: {  	v5 =	vadd.f32 v6, v5;
	v6 =	vmul.f32 v8, v14;
	v8 =	vld.idx.msk [tilespmem:v9+s11+$0x0], $0xffff;
	v9 =	vor.u32 $0x9, v4  }
0xbc: {  	v14 =	vld.idx.msk [tilespmem:v11+s9+$0x0], $0xffff  }
0xbd: {  	v5 =	vadd.f32 v6, v5;
	v6 =	vmul.f32 v10, v15;
	v10 =	vld.idx.msk [tilespmem:v11+s11+$0x0], $0xffff;
	v11 =	vor.u32 $0xA, v4  }
0xbe: {  	v15 =	vld.idx.msk [tilespmem:v12+s9+$0x0], $0xffff  }
0xbf: {  	v5 =	vadd.f32 v6, v5;
	v6 =	vmul.f32 v7, v16;
	v7 =	vld.idx.msk [tilespmem:v12+s11+$0x0], $0xffff;
	v12 =	vor.u32 $0xB, v4  }
0xc0: {  	v16 =	vld.idx.msk [tilespmem:v9+s9+$0x0], $0xffff  }
0xc1: {  	v5 =	vadd.f32 v6, v5;
	v6 =	vmul.f32 v8, v13;
	v8 =	vld.idx.msk [tilespmem:v9+s11+$0x0], $0xffff;
	v9 =	vor.u32 $0xC, v4  }
0xc2: {  	v13 =	vld.idx.msk [tilespmem:v11+s9+$0x0], $0xffff  }
0xc3: {  	v5 =	vadd.f32 v6, v5;
	v6 =	vmul.f32 v10, v14;
	v10 =	vld.idx.msk [tilespmem:v11+s11+$0x0], $0xffff;
	v11 =	vor.u32 $0xD, v4  }
0xc4: {  	v14 =	vld.idx.msk [tilespmem:v12+s9+$0x0], $0xffff  }
0xc5: {  	v5 =	vadd.f32 v6, v5;
	v6 =	vmul.f32 v7, v15;
	v7 =	vld.idx.msk [tilespmem:v12+s11+$0x0], $0xffff;
	v12 =	vor.u32 $0xE, v4  }
0xc6: {  	v15 =	vld.idx.msk [tilespmem:v9+s9+$0x0], $0xffff  }
0xc7: {  	v5 =	vadd.f32 v6, v5;
	v6 =	vmul.f32 v8, v16;
	v8 =	vld.idx.msk [tilespmem:v9+s11+$0x0], $0xffff;
	v9 =	vor.u32 $0xF, v4  }
0xc8: {  	v16 =	vld.idx.msk [tilespmem:v11+s9+$0x0], $0xffff  }
0xc9: {  	v5 =	vadd.f32 v6, v5;
	v6 =	vmul.f32 v10, v13;
	v10 =	vld.idx.msk [tilespmem:v11+s11+$0x0], $0xffff;
	v11 =	vor.u32 $0x10, v4  }
0xca: {  	v13 =	vld.idx.msk [tilespmem:v12+s9+$0x0], $0xffff  }
0xcb: {  	v5 =	vadd.f32 v6, v5;
	v6 =	vmul.f32 v7, v14;
	v7 =	vld.idx.msk [tilespmem:v12+s11+$0x0], $0xffff;
	v12 =	vor.u32 $0x11, v4  }
0xcc: {  	v14 =	vld.idx.msk [tilespmem:v9+s9+$0x0], $0xffff  }
0xcd: {  	v5 =	vadd.f32 v6, v5;
	v6 =	vmul.f32 v8, v15;
	v8 =	vld.idx.msk [tilespmem:v9+s11+$0x0], $0xffff;
	v9 =	vor.u32 $0x12, v4  }
0xce: {  	v15 =	vld.idx.msk [tilespmem:v11+s9+$0x0], $0xffff  }
0xcf: {  	v5 =	vadd.f32 v6, v5;
	v6 =	vmul.f32 v10, v16;
	v10 =	vld.idx.msk [tilespmem:v11+s11+$0x0], $0xffff;
	v11 =	vor.u32 $0x13, v4  }
0xd0: {  	v16 =	vld.idx.msk [tilespmem:v12+s9+$0x0], $0xffff  }
0xd1: {  	v5 =	vadd.f32 v6, v5;
	v6 =	vmul.f32 v7, v13;
	v7 =	vld.idx.msk [tilespmem:v12+s11+$0x0], $0xffff;
	v12 =	vor.u32 $0x14, v4  }
0xd2: {  	v13 =	vld.idx.msk [tilespmem:v9+s9+$0x0], $0xffff  }
0xd3: {  	v5 =	vadd.f32 v6, v5;
	v6 =	vmul.f32 v8, v14;
	v8 =	vld.idx.msk [tilespmem:v9+s11+$0x0], $0xffff;
	v9 =	vor.u32 $0x15, v4  }
0xd4: {  	v14 =	vld.idx.msk [tilespmem:v11+s9+$0x0], $0xffff  }
0xd5: {  	v5 =	vadd.f32 v6, v5;
	v6 =	vmul.f32 v10, v15;
	v10 =	vld.idx.msk [tilespmem:v11+s11+$0x0], $0xffff;
	v11 =	vor.u32 $0x16, v4  }
0xd6: {  	v15 =	vld.idx.msk [tilespmem:v12+s9+$0x0], $0xffff  }
0xd7: {  	v5 =	vadd.f32 v6, v5;
	v6 =	vmul.f32 v7, v16;
	v7 =	vld.idx.msk [tilespmem:v12+s11+$0x0], $0xffff;
	v12 =	vor.u32 $0x17, v4  }
0xd8: {  	v16 =	vld.idx.msk [tilespmem:v9+s9+$0x0], $0xffff  }
0xd9: {  	v5 =	vadd.f32 v6, v5;
	v6 =	vmul.f32 v8, v13;
	v8 =	vld.idx.msk [tilespmem:v9+s11+$0x0], $0xffff;
	v9 =	vor.u32 $0x18, v4  }
0xda: {  	v13 =	vld.idx.msk [tilespmem:v11+s9+$0x0], $0xffff  }
0xdb: {  	v5 =	vadd.f32 v6, v5;
	v6 =	vmul.f32 v10, v14;
	v10 =	vld.idx.msk [tilespmem:v11+s11+$0x0], $0xffff;
	v11 =	vor.u32 $0x19, v4  }
0xdc: {  	v14 =	vld.idx.msk [tilespmem:v12+s9+$0x0], $0xffff  }
0xdd: {  	v5 =	vadd.f32 v6, v5;
	v6 =	vmul.f32 v7, v15;
	v7 =	vld.idx.msk [tilespmem:v12+s11+$0x0], $0xffff;
	v12 =	vor.u32 $0x1A, v4  }
0xde: {  	v15 =	vld.idx.msk [tilespmem:v9+s9+$0x0], $0xffff  }
0xdf: {  	v5 =	vadd.f32 v6, v5;
	v6 =	vmul.f32 v8, v16;
	v8 =	vld.idx.msk [tilespmem:v9+s11+$0x0], $0xffff;
	v9 =	vor.u32 $0x1B, v4  }
0xe0: {  	v16 =	vld.idx.msk [tilespmem:v11+s9+$0x0], $0xffff  }
0xe1: {  	v5 =	vadd.f32 v6, v5;
	v6 =	vmul.f32 v10, v13;
	v10 =	vld.idx.msk [tilespmem:v11+s11+$0x0], $0xffff;
	v11 =	vor.u32 $0x1C, v4  }
0xe2: {  	v13 =	vld.idx.msk [tilespmem:v12+s9+$0x0], $0xffff  }
0xe3: {  	v5 =	vadd.f32 v6, v5;
	v6 =	vmul.f32 v7, v14;
	v7 =	vld.idx.msk [tilespmem:v12+s11+$0x0], $0xffff;
	v12 =	vor.u32 $0x1D, v4  }
0xe4: {  	v14 =	vld.idx.msk [tilespmem:v9+s9+$0x0], $0xffff  }
0xe5: {  	v5 =	vadd.f32 v6, v5;
	v6 =	vmul.f32 v8, v15;
	v8 =	vld.idx.msk [tilespmem:v9+s11+$0x0], $0xffff;
	v9 =	vor.u32 $0x1E, v4  }
0xe6: {  	v15 =	vld.idx.msk [tilespmem:v11+s9+$0x0], $0xffff  }
0xe7: {  	v4 =	vor.u32 $0x1F, v4;
	v5 =	vadd.f32 v6, v5;
	v6 =	vmul.f32 v10, v16;
	v10 =	vld.idx.msk [tilespmem:v11+s11+$0x0], $0xffff  }
0xe8: {  	v11 =	vld.idx.msk [tilespmem:v12+s9+$0x0], $0xffff  }
0xe9: {  	v5 =	vadd.f32 v6, v5;
	v6 =	vmul.f32 v7, v13;
	v7 =	vld.idx.msk [tilespmem:v12+s11+$0x0], $0xffff  }
0xea: {  	v12 =	vld.idx.msk [tilespmem:v9+s9+$0x0], $0xffff  }
0xeb: {  	v6 =	vadd.f32 v6, v5;
	v8 =	vmul.f32 v8, v14;
	v9 =	vld.idx.msk [tilespmem:v9+s11+$0x0], $0xffff  }
0xec: {  	v5 =	vld.idx.msk [tilespmem:v4+s9+$0x0], $0xffff  }
0xed: {  	v8 =	vadd.f32 v8, v6;
	v10 =	vmul.f32 v10, v15;
	v6 =	vld.idx.msk [tilespmem:v4+s11+$0x0], $0xffff  }
.Ltmp0:
0xee: {  	(pc) =	sbr.rel @p0 .LBB2_2-.Ltmp0, $3  }
0xef: {  	v4 =	vadd.f32 v10, v8;
	v7 =	vmul.f32 v7, v11;
	_ =	sdelay $0x1  }
0xf0: {  	v10 =	vmov s20;
	v7 =	vadd.f32 v7, v4;
	v8 =	vmul.f32 v9, v12  }
0xf1: {  	s20 =	sadd.s32 $0x10, s20;
	v4 =	vshll.u32 v10, $0x5  }
0xf2: {  	v4 =	vor.u32 v0, v4;
	v7 =	vadd.f32 v8, v7;
	v5 =	vmul.f32 v6, v5;
	_ =	sdelay $0x1  }
0xf3: {  	v6 =	vor.u32 $0x1, v4;
	v5 =	vadd.f32 v5, v7  }
0xf4: {  	s19 =	sadd.s32 $0x10, s19  }
0xf5: {  	v7 =	vor.u32 $0x2, v4;
	[tilespmem:s19+$0x0] =	vst v5  }
0xf6: {  	v5 =	vld.idx.msk [tilespmem:v4+s11+$0x0], $0xffff  }
0xf7: {  	v9 =	vor.u32 $0x3, v4;
	v8 =	vld.idx.msk [tilespmem:v4+s9+$0x0], $0xffff  }
0xf8: {  	v10 =	vld.idx.msk [tilespmem:v6+s9+$0x0], $0xffff  }
0xf9: {  	v11 =	vor.u32 $0x4, v4;
	v6 =	vld.idx.msk [tilespmem:v6+s11+$0x0], $0xffff  }
0xfa: {  	v12 =	vld.idx.msk [tilespmem:v7+s9+$0x0], $0xffff  }
0xfb: {  	v13 =	vor.u32 $0x5, v4;
	v7 =	vld.idx.msk [tilespmem:v7+s11+$0x0], $0xffff  }
0xfc: {  	v14 =	vld.idx.msk [tilespmem:v9+s9+$0x0], $0xffff;
	v5 =	vmul.f32 v5, v8  }
0xfd: {  	v8 =	vld.idx.msk [tilespmem:v9+s11+$0x0], $0xffff;
	v9 =	vor.u32 $0x6, v4  }
0xfe: {  	v15 =	vld.idx.msk [tilespmem:v11+s9+$0x0], $0xffff;
	v6 =	vmul.f32 v6, v10;
	v5 =	vadd.f32 $0.0e+00, v5  }
0xff: {  	v10 =	vld.idx.msk [tilespmem:v11+s11+$0x0], $0xffff;
	v11 =	vor.u32 $0x7, v4  }
0x100: {  	v16 =	vld.idx.msk [tilespmem:v13+s9+$0x0], $0xffff;
	v5 =	vadd.f32 v6, v5;
	v6 =	vmul.f32 v7, v12  }
0x101: {  	v58 =	vor.u32 $0x8, v4;
	v7 =	vld.idx.msk [tilespmem:v13+s11+$0x0], $0xffff  }
0x102: {  	v59 =	vld.idx.msk [tilespmem:v9+s9+$0x0], $0xffff;
	v5 =	vadd.f32 v6, v5;
	v6 =	vmul.f32 v8, v14  }
0x103: {  	v8 =	vld.idx.msk [tilespmem:v9+s11+$0x0], $0xffff;
	v9 =	vor.u32 $0x9, v4  }
0x104: {  	v60 =	vld.idx.msk [tilespmem:v11+s9+$0x0], $0xffff;
	v5 =	vadd.f32 v6, v5;
	v6 =	vmul.f32 v10, v15  }
0x105: {  	v10 =	vld.idx.msk [tilespmem:v11+s11+$0x0], $0xffff;
	v11 =	vor.u32 $0xA, v4  }
0x106: {  	v61 =	vld.idx.msk [tilespmem:v58+s9+$0x0], $0xffff;
	v5 =	vadd.f32 v6, v5;
	v6 =	vmul.f32 v7, v16  }
0x107: {  	v62 =	vor.u32 $0xB, v4;
	v7 =	vld.idx.msk [tilespmem:v58+s11+$0x0], $0xffff  }
0x108: {  	v63 =	vld.idx.msk [tilespmem:v9+s9+$0x0], $0xffff;
	v5 =	vadd.f32 v6, v5;
	v6 =	vmul.f32 v8, v59  }
0x109: {  	v8 =	vld.idx.msk [tilespmem:v9+s11+$0x0], $0xffff;
	v9 =	vor.u32 $0xC, v4  }
0x10a: {  	v20 =	vld.idx.msk [tilespmem:v11+s9+$0x0], $0xffff;
	v5 =	vadd.f32 v6, v5;
	v6 =	vmul.f32 v10, v60  }
0x10b: {  	v10 =	vld.idx.msk [tilespmem:v11+s11+$0x0], $0xffff;
	v11 =	vor.u32 $0xD, v4  }
0x10c: {  	v21 =	vld.idx.msk [tilespmem:v62+s9+$0x0], $0xffff;
	v5 =	vadd.f32 v6, v5;
	v6 =	vmul.f32 v7, v61  }
0x10d: {  	v22 =	vor.u32 $0xE, v4;
	v7 =	vld.idx.msk [tilespmem:v62+s11+$0x0], $0xffff  }
0x10e: {  	v23 =	vld.idx.msk [tilespmem:v9+s9+$0x0], $0xffff;
	v5 =	vadd.f32 v6, v5;
	v6 =	vmul.f32 v8, v63  }
0x10f: {  	v8 =	vld.idx.msk [tilespmem:v9+s11+$0x0], $0xffff;
	v9 =	vor.u32 $0xF, v4  }
0x110: {  	v24 =	vld.idx.msk [tilespmem:v11+s9+$0x0], $0xffff;
	v5 =	vadd.f32 v6, v5;
	v6 =	vmul.f32 v10, v20  }
0x111: {  	v10 =	vld.idx.msk [tilespmem:v11+s11+$0x0], $0xffff;
	v11 =	vor.u32 $0x10, v4  }
0x112: {  	v25 =	vld.idx.msk [tilespmem:v22+s9+$0x0], $0xffff;
	v5 =	vadd.f32 v6, v5;
	v6 =	vmul.f32 v7, v21  }
0x113: {  	v26 =	vor.u32 $0x11, v4;
	v7 =	vld.idx.msk [tilespmem:v22+s11+$0x0], $0xffff  }
0x114: {  	v27 =	vld.idx.msk [tilespmem:v9+s9+$0x0], $0xffff;
	v5 =	vadd.f32 v6, v5;
	v6 =	vmul.f32 v8, v23  }
0x115: {  	v8 =	vld.idx.msk [tilespmem:v9+s11+$0x0], $0xffff;
	v9 =	vor.u32 $0x12, v4  }
0x116: {  	v28 =	vld.idx.msk [tilespmem:v11+s9+$0x0], $0xffff;
	v5 =	vadd.f32 v6, v5;
	v6 =	vmul.f32 v10, v24  }
0x117: {  	v10 =	vld.idx.msk [tilespmem:v11+s11+$0x0], $0xffff;
	v11 =	vor.u32 $0x13, v4  }
0x118: {  	v29 =	vld.idx.msk [tilespmem:v26+s9+$0x0], $0xffff;
	v5 =	vadd.f32 v6, v5;
	v6 =	vmul.f32 v7, v25  }
0x119: {  	v30 =	vor.u32 $0x14, v4;
	v7 =	vld.idx.msk [tilespmem:v26+s11+$0x0], $0xffff  }
0x11a: {  	v31 =	vld.idx.msk [tilespmem:v9+s9+$0x0], $0xffff;
	v5 =	vadd.f32 v6, v5;
	v6 =	vmul.f32 v8, v27  }
0x11b: {  	v8 =	vld.idx.msk [tilespmem:v9+s11+$0x0], $0xffff;
	v9 =	vor.u32 $0x15, v4  }
0x11c: {  	v32 =	vld.idx.msk [tilespmem:v11+s9+$0x0], $0xffff;
	v5 =	vadd.f32 v6, v5;
	v6 =	vmul.f32 v10, v28  }
0x11d: {  	v10 =	vld.idx.msk [tilespmem:v11+s11+$0x0], $0xffff;
	v11 =	vor.u32 $0x16, v4  }
0x11e: {  	v33 =	vld.idx.msk [tilespmem:v30+s9+$0x0], $0xffff;
	v5 =	vadd.f32 v6, v5;
	v6 =	vmul.f32 v7, v29  }
0x11f: {  	v34 =	vor.u32 $0x17, v4;
	v7 =	vld.idx.msk [tilespmem:v30+s11+$0x0], $0xffff  }
0x120: {  	v35 =	vld.idx.msk [tilespmem:v9+s9+$0x0], $0xffff;
	v5 =	vadd.f32 v6, v5;
	v6 =	vmul.f32 v8, v31  }
0x121: {  	v8 =	vld.idx.msk [tilespmem:v9+s11+$0x0], $0xffff;
	v9 =	vor.u32 $0x18, v4  }
0x122: {  	v36 =	vld.idx.msk [tilespmem:v11+s9+$0x0], $0xffff;
	v5 =	vadd.f32 v6, v5;
	v6 =	vmul.f32 v10, v32  }
0x123: {  	v10 =	vld.idx.msk [tilespmem:v11+s11+$0x0], $0xffff;
	v11 =	vor.u32 $0x19, v4  }
0x124: {  	v37 =	vld.idx.msk [tilespmem:v34+s9+$0x0], $0xffff;
	v5 =	vadd.f32 v6, v5;
	v6 =	vmul.f32 v7, v33  }
0x125: {  	v38 =	vor.u32 $0x1A, v4;
	v7 =	vld.idx.msk [tilespmem:v34+s11+$0x0], $0xffff  }
0x126: {  	v39 =	vld.idx.msk [tilespmem:v9+s9+$0x0], $0xffff;
	v5 =	vadd.f32 v6, v5;
	v6 =	vmul.f32 v8, v35  }
0x127: {  	v8 =	vld.idx.msk [tilespmem:v9+s11+$0x0], $0xffff;
	v9 =	vor.u32 $0x1B, v4  }
0x128: {  	v40 =	vld.idx.msk [tilespmem:v11+s9+$0x0], $0xffff;
	v5 =	vadd.f32 v6, v5;
	v6 =	vmul.f32 v10, v36  }
0x129: {  	v10 =	vld.idx.msk [tilespmem:v11+s11+$0x0], $0xffff;
	v11 =	vor.u32 $0x1C, v4  }
0x12a: {  	v41 =	vld.idx.msk [tilespmem:v38+s9+$0x0], $0xffff;
	v5 =	vadd.f32 v6, v5;
	v6 =	vmul.f32 v7, v37  }
0x12b: {  	v42 =	vor.u32 $0x1D, v4;
	v7 =	vld.idx.msk [tilespmem:v38+s11+$0x0], $0xffff  }
0x12c: {  	v43 =	vld.idx.msk [tilespmem:v9+s9+$0x0], $0xffff;
	v5 =	vadd.f32 v6, v5;
	v6 =	vmul.f32 v8, v39  }
0x12d: {  	v8 =	vld.idx.msk [tilespmem:v9+s11+$0x0], $0xffff;
	v9 =	vor.u32 $0x1E, v4  }
0x12e: {  	v44 =	vld.idx.msk [tilespmem:v11+s9+$0x0], $0xffff;
	v5 =	vadd.f32 v6, v5;
	v6 =	vmul.f32 v10, v40  }
0x12f: {  	v4 =	vor.u32 $0x1F, v4;
	v10 =	vld.idx.msk [tilespmem:v11+s11+$0x0], $0xffff  }
0x130: {  	v11 =	vld.idx.msk [tilespmem:v42+s9+$0x0], $0xffff;
	v5 =	vadd.f32 v6, v5;
	v6 =	vmul.f32 v7, v41  }
0x131: {  	v7 =	vld.idx.msk [tilespmem:v42+s11+$0x0], $0xffff  }
0x132: {  	v45 =	vld.idx.msk [tilespmem:v9+s9+$0x0], $0xffff;
	v5 =	vadd.f32 v6, v5;
	v6 =	vmul.f32 v8, v43  }
0x133: {  	v8 =	vld.idx.msk [tilespmem:v9+s11+$0x0], $0xffff  }
0x134: {  	v9 =	vld.idx.msk [tilespmem:v4+s9+$0x0], $0xffff;
	v5 =	vadd.f32 v6, v5;
	v6 =	vmul.f32 v10, v44  }
0x135: {  	v4 =	vld.idx.msk [tilespmem:v4+s11+$0x0], $0xffff  }
0x136: {  	v5 =	vadd.f32 v6, v5;
	v6 =	vmul.f32 v7, v11;
	_ =	sdelay $0x1  }
0x137: {  	v5 =	vadd.f32 v6, v5;
	v6 =	vmul.f32 v8, v45;
	_ =	sdelay $0x1  }
0x138: {  	v4 =	vmul.f32 v4, v9;
	v5 =	vadd.f32 v6, v5  }
0x139: {  	s20 =	simm.s32 $0x80  }
0x13a: {  	v4 =	vadd.f32 v4, v5;
	v5 =	vmov s20  }
0x13b: {  	s19 =	sadd.s32 $0x10, s19;
	v5 =	vshll.u32 v5, $0x5  }
0x13c: {  	[tilespmem:s19+$0x0] =	vst v4;
	v4 =	vadd.s32 v1, v5  }
0x13d: {  	v5 =	vor.u32 v0, v5;
	[tilespmem:s11], [sflag:$0x1] =	stream.indirect.gather [hbm4b:s3+s20], $0x20, s14, s20, $0xb8;
	[tilespmem:$0x6400] =	vst v63  }
0x13e: {  	v6 =	vor.u32 $0x1, v5;
	_ =	swait.ge [sflag:s15], $0x1000  }
0x13f: {  	v7 =	vor.u32 $0x1, v4;
	[sflag:s15] =	ssyncset.done $0x0  }
0x140: {  	v8 =	vor.u32 $0x2, v5;
	[sflag:s15] =	ssyncadd.s32 $0xFFFFF000  }
0x141: {  	v10 =	vor.u32 $0x2, v4;
	v9 =	vld.idx.msk [tilespmem:v4+s12+$0x0], $0xffff  }
0x142: {  	v46 =	vor.u32 $0x3, v5;
	v11 =	vld.idx.msk [tilespmem:v5+s9+$0x0], $0xffff  }
0x143: {  	v47 =	vor.u32 $0x3, v4;
	v6 =	vld.idx.msk [tilespmem:v6+s9+$0x0], $0xffff  }
0x144: {  	v48 =	vor.u32 $0x4, v5;
	v7 =	vld.idx.msk [tilespmem:v7+s12+$0x0], $0xffff  }
0x145: {  	v49 =	vor.u32 $0x4, v4;
	v8 =	vld.idx.msk [tilespmem:v8+s9+$0x0], $0xffff  }
0x146: {  	v50 =	vor.u32 $0x5, v5;
	v10 =	vld.idx.msk [tilespmem:v10+s12+$0x0], $0xffff  }
0x147: {  	v17 =	vor.u32 $0x5, v4;
	v12 =	vld.idx.msk [tilespmem:v46+s9+$0x0], $0xffff;
	v9 =	vmul.f32 v9, v11  }
0x148: {  	v51 =	vor.u32 $0x6, v5;
	v11 =	vld.idx.msk [tilespmem:v47+s12+$0x0], $0xffff  }
0x149: {  	v18 =	vor.u32 $0x6, v4;
	v14 =	vld.idx.msk [tilespmem:v48+s9+$0x0], $0xffff;
	v6 =	vmul.f32 v7, v6;
	v9 =	vadd.f32 $0.0e+00, v9  }
0x14a: {  	v52 =	vor.u32 $0x7, v5;
	v7 =	vld.idx.msk [tilespmem:v49+s12+$0x0], $0xffff  }
0x14b: {  	v19 =	vor.u32 $0x7, v4;
	v16 =	vld.idx.msk [tilespmem:v50+s9+$0x0], $0xffff;
	v8 =	vmul.f32 v10, v8;
	v6 =	vadd.f32 v6, v9  }
0x14c: {  	v10 =	vor.u32 $0x8, v5;
	v9 =	vld.idx.msk [tilespmem:v17+s12+$0x0], $0xffff  }
0x14d: {  	v53 =	vor.u32 $0x8, v4;
	v13 =	vld.idx.msk [tilespmem:v51+s9+$0x0], $0xffff;
	v6 =	vadd.f32 v8, v6;
	v8 =	vmul.f32 v11, v12  }
0x14e: {  	v54 =	vor.u32 $0x9, v5;
	v11 =	vld.idx.msk [tilespmem:v18+s12+$0x0], $0xffff  }
0x14f: {  	v55 =	vor.u32 $0x9, v4;
	v15 =	vld.idx.msk [tilespmem:v52+s9+$0x0], $0xffff;
	v7 =	vmul.f32 v7, v14;
	v6 =	vadd.f32 v8, v6  }
0x150: {  	v56 =	vor.u32 $0xA, v5;
	v8 =	vld.idx.msk [tilespmem:v19+s12+$0x0], $0xffff  }
0x151: {  	v57 =	vor.u32 $0xA, v4;
	v10 =	vld.idx.msk [tilespmem:v10+s9+$0x0], $0xffff;
	v6 =	vadd.f32 v7, v6;
	v7 =	vmul.f32 v9, v16  }
0x152: {  	v58 =	vor.u32 $0xB, v5;
	v9 =	vld.idx.msk [tilespmem:v53+s12+$0x0], $0xffff  }
0x153: {  	v59 =	vor.u32 $0xB, v4;
	v12 =	vld.idx.msk [tilespmem:v54+s9+$0x0], $0xffff;
	v6 =	vadd.f32 v7, v6;
	v7 =	vmul.f32 v11, v13  }
0x154: {  	v60 =	vor.u32 $0xC, v5;
	v11 =	vld.idx.msk [tilespmem:v55+s12+$0x0], $0xffff  }
0x155: {  	v61 =	vor.u32 $0xC, v4;
	v14 =	vld.idx.msk [tilespmem:v56+s9+$0x0], $0xffff;
	v6 =	vadd.f32 v7, v6;
	v7 =	vmul.f32 v8, v15  }
0x156: {  	v62 =	vor.u32 $0xD, v5;
	v8 =	vld.idx.msk [tilespmem:v57+s12+$0x0], $0xffff  }
0x157: {  	v63 =	vor.u32 $0xD, v4;
	v16 =	vld.idx.msk [tilespmem:v58+s9+$0x0], $0xffff;
	v6 =	vadd.f32 v7, v6;
	v7 =	vmul.f32 v9, v10  }
0x158: {  	v9 =	vld.idx.msk [tilespmem:v59+s12+$0x0], $0xffff;
	v10 =	vor.u32 $0xE, v5  }
0x159: {  	v21 =	vor.u32 $0xE, v4;
	v13 =	vld.idx.msk [tilespmem:v60+s9+$0x0], $0xffff;
	v6 =	vadd.f32 v7, v6;
	v7 =	vmul.f32 v11, v12  }
0x15a: {  	v22 =	vor.u32 $0xF, v5;
	v11 =	vld.idx.msk [tilespmem:v61+s12+$0x0], $0xffff  }
0x15b: {  	v23 =	vor.u32 $0xF, v4;
	v15 =	vld.idx.msk [tilespmem:v62+s9+$0x0], $0xffff;
	v6 =	vadd.f32 v7, v6;
	v7 =	vmul.f32 v8, v14  }
0x15c: {  	v24 =	vor.u32 $0x10, v5;
	v8 =	vld.idx.msk [tilespmem:v63+s12+$0x0], $0xffff  }
0x15d: {  	v25 =	vor.u32 $0x10, v4;
	v10 =	vld.idx.msk [tilespmem:v10+s9+$0x0], $0xffff;
	v6 =	vadd.f32 v7, v6;
	v7 =	vmul.f32 v9, v16  }
0x15e: {  	v26 =	vor.u32 $0x11, v5;
	v9 =	vld.idx.msk [tilespmem:v21+s12+$0x0], $0xffff  }
0x15f: {  	v27 =	vor.u32 $0x11, v4;
	v12 =	vld.idx.msk [tilespmem:v22+s9+$0x0], $0xffff;
	v6 =	vadd.f32 v7, v6;
	v7 =	vmul.f32 v11, v13  }
0x160: {  	v28 =	vor.u32 $0x12, v5;
	v11 =	vld.idx.msk [tilespmem:v23+s12+$0x0], $0xffff  }
0x161: {  	v29 =	vor.u32 $0x12, v4;
	v14 =	vld.idx.msk [tilespmem:v24+s9+$0x0], $0xffff;
	v6 =	vadd.f32 v7, v6;
	v7 =	vmul.f32 v8, v15  }
0x162: {  	v30 =	vor.u32 $0x13, v5;
	v8 =	vld.idx.msk [tilespmem:v25+s12+$0x0], $0xffff  }
0x163: {  	v31 =	vor.u32 $0x13, v4;
	v16 =	vld.idx.msk [tilespmem:v26+s9+$0x0], $0xffff;
	v6 =	vadd.f32 v7, v6;
	v7 =	vmul.f32 v9, v10  }
0x164: {  	v9 =	vld.idx.msk [tilespmem:v27+s12+$0x0], $0xffff;
	v10 =	vor.u32 $0x14, v5  }
0x165: {  	v32 =	vor.u32 $0x14, v4;
	v13 =	vld.idx.msk [tilespmem:v28+s9+$0x0], $0xffff;
	v6 =	vadd.f32 v7, v6;
	v7 =	vmul.f32 v11, v12  }
0x166: {  	v33 =	vor.u32 $0x15, v5;
	v11 =	vld.idx.msk [tilespmem:v29+s12+$0x0], $0xffff  }
0x167: {  	v34 =	vor.u32 $0x15, v4;
	v15 =	vld.idx.msk [tilespmem:v30+s9+$0x0], $0xffff;
	v6 =	vadd.f32 v7, v6;
	v7 =	vmul.f32 v8, v14  }
0x168: {  	v35 =	vor.u32 $0x16, v5;
	v8 =	vld.idx.msk [tilespmem:v31+s12+$0x0], $0xffff  }
0x169: {  	v36 =	vor.u32 $0x16, v4;
	v10 =	vld.idx.msk [tilespmem:v10+s9+$0x0], $0xffff;
	v6 =	vadd.f32 v7, v6;
	v7 =	vmul.f32 v9, v16  }
0x16a: {  	v37 =	vor.u32 $0x17, v5;
	v9 =	vld.idx.msk [tilespmem:v32+s12+$0x0], $0xffff  }
0x16b: {  	v38 =	vor.u32 $0x17, v4;
	v12 =	vld.idx.msk [tilespmem:v33+s9+$0x0], $0xffff;
	v6 =	vadd.f32 v7, v6;
	v7 =	vmul.f32 v11, v13  }
0x16c: {  	v39 =	vor.u32 $0x18, v5;
	v11 =	vld.idx.msk [tilespmem:v34+s12+$0x0], $0xffff  }
0x16d: {  	v40 =	vor.u32 $0x18, v4;
	v14 =	vld.idx.msk [tilespmem:v35+s9+$0x0], $0xffff;
	v6 =	vadd.f32 v7, v6;
	v7 =	vmul.f32 v8, v15  }
0x16e: {  	v41 =	vor.u32 $0x19, v5;
	v8 =	vld.idx.msk [tilespmem:v36+s12+$0x0], $0xffff  }
0x16f: {  	v42 =	vor.u32 $0x19, v4;
	v16 =	vld.idx.msk [tilespmem:v37+s9+$0x0], $0xffff;
	v6 =	vadd.f32 v7, v6;
	v7 =	vmul.f32 v9, v10  }
0x170: {  	v9 =	vld.idx.msk [tilespmem:v38+s12+$0x0], $0xffff;
	v10 =	vor.u32 $0x1A, v5  }
0x171: {  	v43 =	vor.u32 $0x1A, v4;
	v13 =	vld.idx.msk [tilespmem:v39+s9+$0x0], $0xffff;
	v6 =	vadd.f32 v7, v6;
	v7 =	vmul.f32 v11, v12  }
0x172: {  	v44 =	vor.u32 $0x1B, v5;
	v11 =	vld.idx.msk [tilespmem:v40+s12+$0x0], $0xffff  }
0x173: {  	v45 =	vor.u32 $0x1B, v4;
	v15 =	vld.idx.msk [tilespmem:v41+s9+$0x0], $0xffff;
	v6 =	vadd.f32 v7, v6;
	v7 =	vmul.f32 v8, v14  }
0x174: {  	v46 =	vor.u32 $0x1C, v5;
	v8 =	vld.idx.msk [tilespmem:v42+s12+$0x0], $0xffff  }
0x175: {  	v47 =	vor.u32 $0x1C, v4;
	v10 =	vld.idx.msk [tilespmem:v10+s9+$0x0], $0xffff;
	v6 =	vadd.f32 v7, v6;
	v7 =	vmul.f32 v9, v16  }
0x176: {  	v48 =	vor.u32 $0x1D, v5;
	v9 =	vld.idx.msk [tilespmem:v43+s12+$0x0], $0xffff  }
0x177: {  	v49 =	vor.u32 $0x1D, v4;
	v12 =	vld.idx.msk [tilespmem:v44+s9+$0x0], $0xffff;
	v6 =	vadd.f32 v7, v6;
	v7 =	vmul.f32 v11, v13  }
0x178: {  	v50 =	vor.u32 $0x1E, v5;
	v11 =	vld.idx.msk [tilespmem:v45+s12+$0x0], $0xffff  }
0x179: {  	v51 =	vor.u32 $0x1E, v4;
	v14 =	vld.idx.msk [tilespmem:v46+s9+$0x0], $0xffff;
	v6 =	vadd.f32 v7, v6;
	v7 =	vmul.f32 v8, v15  }
0x17a: {  	v5 =	vor.u32 $0x1F, v5;
	v8 =	vld.idx.msk [tilespmem:v47+s12+$0x0], $0xffff  }
0x17b: {  	v52 =	vld.idx.msk [tilespmem:v48+s9+$0x0], $0xffff;
	v4 =	vor.u32 $0x1F, v4;
	v6 =	vadd.f32 v7, v6;
	v7 =	vmul.f32 v9, v10  }
0x17c: {  	v9 =	vld.idx.msk [tilespmem:v49+s12+$0x0], $0xffff  }
0x17d: {  	v10 =	vld.idx.msk [tilespmem:v50+s9+$0x0], $0xffff;
	v6 =	vadd.f32 v7, v6;
	v7 =	vmul.f32 v11, v12  }
0x17e: {  	v11 =	vld.idx.msk [tilespmem:v51+s12+$0x0], $0xffff  }
0x17f: {  	v5 =	vld.idx.msk [tilespmem:v5+s9+$0x0], $0xffff;
	v6 =	vadd.f32 v7, v6;
	v7 =	vmul.f32 v8, v14  }
0x180: {  	v8 =	vld.idx.msk [tilespmem:v4+s12+$0x0], $0xffff  }
0x181: {  	v4 =	vadd.f32 v7, v6;
	v6 =	vmul.f32 v9, v52  }
0x182: {  	s30 =	simm.s32 $0x90  }
0x183: {  	v7 =	vmov s30;
	v9 =	vmul.f32 v11, v10;
	v6 =	vadd.f32 v6, v4  }
0x184: {  	v7 =	vshll.u32 v7, $0x5  }
0x185: {  	v4 =	vadd.s32 v1, v7;
	v8 =	vmul.f32 v8, v5;
	v6 =	vadd.f32 v9, v6  }
0x186: {  	v5 =	vor.u32 v0, v7  }
0x187: {  	v7 =	vor.u32 $0x1, v5;
	v6 =	vadd.f32 v8, v6  }
0x188: {  	s19 =	simm.s32 $0x6280;
	v8 =	vor.u32 $0x1, v4  }
0x189: {  	v9 =	vor.u32 $0x2, v5;
	[tilespmem:s19+$0x0] =	vst v6  }
0x18a: {  	v10 =	vor.u32 $0x2, v4;
	v6 =	vld.idx.msk [tilespmem:v4+s12+$0x0], $0xffff  }
0x18b: {  	v53 =	vor.u32 $0x3, v5;
	v11 =	vld.idx.msk [tilespmem:v5+s9+$0x0], $0xffff  }
0x18c: {  	v54 =	vor.u32 $0x3, v4;
	v7 =	vld.idx.msk [tilespmem:v7+s9+$0x0], $0xffff  }
0x18d: {  	v55 =	vor.u32 $0x4, v5;
	v8 =	vld.idx.msk [tilespmem:v8+s12+$0x0], $0xffff  }
0x18e: {  	v56 =	vor.u32 $0x4, v4;
	v9 =	vld.idx.msk [tilespmem:v9+s9+$0x0], $0xffff  }
0x18f: {  	v57 =	vor.u32 $0x5, v5;
	v10 =	vld.idx.msk [tilespmem:v10+s12+$0x0], $0xffff  }
0x190: {  	v58 =	vor.u32 $0x5, v4;
	v12 =	vld.idx.msk [tilespmem:v53+s9+$0x0], $0xffff;
	v6 =	vmul.f32 v6, v11  }
0x191: {  	v59 =	vor.u32 $0x6, v5;
	v11 =	vld.idx.msk [tilespmem:v54+s12+$0x0], $0xffff  }
0x192: {  	v60 =	vor.u32 $0x6, v4;
	v14 =	vld.idx.msk [tilespmem:v55+s9+$0x0], $0xffff;
	v6 =	vadd.f32 $0.0e+00, v6;
	v7 =	vmul.f32 v8, v7  }
0x193: {  	v61 =	vor.u32 $0x7, v5;
	v8 =	vld.idx.msk [tilespmem:v56+s12+$0x0], $0xffff  }
0x194: {  	v62 =	vor.u32 $0x7, v4;
	v16 =	vld.idx.msk [tilespmem:v57+s9+$0x0], $0xffff;
	v6 =	vadd.f32 v7, v6;
	v7 =	vmul.f32 v10, v9  }
0x195: {  	v9 =	vld.idx.msk [tilespmem:v58+s12+$0x0], $0xffff;
	v10 =	vor.u32 $0x8, v5  }
0x196: {  	v63 =	vor.u32 $0x8, v4;
	v13 =	vld.idx.msk [tilespmem:v59+s9+$0x0], $0xffff;
	v6 =	vadd.f32 v7, v6;
	v7 =	vmul.f32 v11, v12  }
0x197: {  	v21 =	vor.u32 $0x9, v5;
	v11 =	vld.idx.msk [tilespmem:v60+s12+$0x0], $0xffff  }
0x198: {  	v22 =	vor.u32 $0x9, v4;
	v15 =	vld.idx.msk [tilespmem:v61+s9+$0x0], $0xffff;
	v6 =	vadd.f32 v7, v6;
	v7 =	vmul.f32 v8, v14  }
0x199: {  	v23 =	vor.u32 $0xA, v5;
	v8 =	vld.idx.msk [tilespmem:v62+s12+$0x0], $0xffff  }
0x19a: {  	v24 =	vor.u32 $0xA, v4;
	v10 =	vld.idx.msk [tilespmem:v10+s9+$0x0], $0xffff;
	v6 =	vadd.f32 v7, v6;
	v7 =	vmul.f32 v9, v16  }
0x19b: {  	v25 =	vor.u32 $0xB, v5;
	v9 =	vld.idx.msk [tilespmem:v63+s12+$0x0], $0xffff  }
0x19c: {  	v26 =	vor.u32 $0xB, v4;
	v12 =	vld.idx.msk [tilespmem:v21+s9+$0x0], $0xffff;
	v6 =	vadd.f32 v7, v6;
	v7 =	vmul.f32 v11, v13  }
0x19d: {  	v27 =	vor.u32 $0xC, v5;
	v11 =	vld.idx.msk [tilespmem:v22+s12+$0x0], $0xffff  }
0x19e: {  	v28 =	vor.u32 $0xC, v4;
	v14 =	vld.idx.msk [tilespmem:v23+s9+$0x0], $0xffff;
	v6 =	vadd.f32 v7, v6;
	v7 =	vmul.f32 v8, v15  }
0x19f: {  	v29 =	vor.u32 $0xD, v5;
	v8 =	vld.idx.msk [tilespmem:v24+s12+$0x0], $0xffff  }
0x1a0: {  	v30 =	vor.u32 $0xD, v4;
	v16 =	vld.idx.msk [tilespmem:v25+s9+$0x0], $0xffff;
	v6 =	vadd.f32 v7, v6;
	v7 =	vmul.f32 v9, v10  }
0x1a1: {  	v9 =	vld.idx.msk [tilespmem:v26+s12+$0x0], $0xffff;
	v10 =	vor.u32 $0xE, v5  }
0x1a2: {  	v31 =	vor.u32 $0xE, v4;
	v13 =	vld.idx.msk [tilespmem:v27+s9+$0x0], $0xffff;
	v6 =	vadd.f32 v7, v6;
	v7 =	vmul.f32 v11, v12  }
0x1a3: {  	v32 =	vor.u32 $0xF, v5;
	v11 =	vld.idx.msk [tilespmem:v28+s12+$0x0], $0xffff  }
0x1a4: {  	v33 =	vor.u32 $0xF, v4;
	v15 =	vld.idx.msk [tilespmem:v29+s9+$0x0], $0xffff;
	v6 =	vadd.f32 v7, v6;
	v7 =	vmul.f32 v8, v14  }
0x1a5: {  	v34 =	vor.u32 $0x10, v5;
	v8 =	vld.idx.msk [tilespmem:v30+s12+$0x0], $0xffff  }
0x1a6: {  	v35 =	vor.u32 $0x10, v4;
	v10 =	vld.idx.msk [tilespmem:v10+s9+$0x0], $0xffff;
	v6 =	vadd.f32 v7, v6;
	v7 =	vmul.f32 v9, v16  }
0x1a7: {  	v36 =	vor.u32 $0x11, v5;
	v9 =	vld.idx.msk [tilespmem:v31+s12+$0x0], $0xffff  }
0x1a8: {  	v37 =	vor.u32 $0x11, v4;
	v12 =	vld.idx.msk [tilespmem:v32+s9+$0x0], $0xffff;
	v6 =	vadd.f32 v7, v6;
	v7 =	vmul.f32 v11, v13  }
0x1a9: {  	v38 =	vor.u32 $0x12, v5;
	v11 =	vld.idx.msk [tilespmem:v33+s12+$0x0], $0xffff  }
0x1aa: {  	v39 =	vor.u32 $0x12, v4;
	v14 =	vld.idx.msk [tilespmem:v34+s9+$0x0], $0xffff;
	v6 =	vadd.f32 v7, v6;
	v7 =	vmul.f32 v8, v15  }
0x1ab: {  	v40 =	vor.u32 $0x13, v5;
	v8 =	vld.idx.msk [tilespmem:v35+s12+$0x0], $0xffff  }
0x1ac: {  	v41 =	vor.u32 $0x13, v4;
	v16 =	vld.idx.msk [tilespmem:v36+s9+$0x0], $0xffff;
	v6 =	vadd.f32 v7, v6;
	v7 =	vmul.f32 v9, v10  }
0x1ad: {  	v9 =	vld.idx.msk [tilespmem:v37+s12+$0x0], $0xffff;
	v10 =	vor.u32 $0x14, v5  }
0x1ae: {  	v42 =	vor.u32 $0x14, v4;
	v13 =	vld.idx.msk [tilespmem:v38+s9+$0x0], $0xffff;
	v6 =	vadd.f32 v7, v6;
	v7 =	vmul.f32 v11, v12  }
0x1af: {  	v43 =	vor.u32 $0x15, v5;
	v11 =	vld.idx.msk [tilespmem:v39+s12+$0x0], $0xffff  }
0x1b0: {  	v44 =	vor.u32 $0x15, v4;
	v15 =	vld.idx.msk [tilespmem:v40+s9+$0x0], $0xffff;
	v6 =	vadd.f32 v7, v6;
	v7 =	vmul.f32 v8, v14  }
0x1b1: {  	v45 =	vor.u32 $0x16, v5;
	v8 =	vld.idx.msk [tilespmem:v41+s12+$0x0], $0xffff  }
0x1b2: {  	v46 =	vor.u32 $0x16, v4;
	v10 =	vld.idx.msk [tilespmem:v10+s9+$0x0], $0xffff;
	v6 =	vadd.f32 v7, v6;
	v7 =	vmul.f32 v9, v16  }
0x1b3: {  	v47 =	vor.u32 $0x17, v5;
	v9 =	vld.idx.msk [tilespmem:v42+s12+$0x0], $0xffff  }
0x1b4: {  	v48 =	vor.u32 $0x17, v4;
	v12 =	vld.idx.msk [tilespmem:v43+s9+$0x0], $0xffff;
	v6 =	vadd.f32 v7, v6;
	v7 =	vmul.f32 v11, v13  }
0x1b5: {  	v49 =	vor.u32 $0x18, v5;
	v11 =	vld.idx.msk [tilespmem:v44+s12+$0x0], $0xffff  }
0x1b6: {  	v50 =	vor.u32 $0x18, v4;
	v14 =	vld.idx.msk [tilespmem:v45+s9+$0x0], $0xffff;
	v6 =	vadd.f32 v7, v6;
	v7 =	vmul.f32 v8, v15  }
0x1b7: {  	v51 =	vor.u32 $0x19, v5;
	v8 =	vld.idx.msk [tilespmem:v46+s12+$0x0], $0xffff  }
0x1b8: {  	v52 =	vor.u32 $0x19, v4;
	v16 =	vld.idx.msk [tilespmem:v47+s9+$0x0], $0xffff;
	v6 =	vadd.f32 v7, v6;
	v7 =	vmul.f32 v9, v10  }
0x1b9: {  	v9 =	vld.idx.msk [tilespmem:v48+s12+$0x0], $0xffff;
	v10 =	vor.u32 $0x1A, v5  }
0x1ba: {  	v53 =	vor.u32 $0x1A, v4;
	v13 =	vld.idx.msk [tilespmem:v49+s9+$0x0], $0xffff;
	v6 =	vadd.f32 v7, v6;
	v7 =	vmul.f32 v11, v12  }
0x1bb: {  	v54 =	vor.u32 $0x1B, v5;
	v11 =	vld.idx.msk [tilespmem:v50+s12+$0x0], $0xffff  }
0x1bc: {  	v55 =	vor.u32 $0x1B, v4;
	v15 =	vld.idx.msk [tilespmem:v51+s9+$0x0], $0xffff;
	v6 =	vadd.f32 v7, v6;
	v7 =	vmul.f32 v8, v14  }
0x1bd: {  	v56 =	vor.u32 $0x1C, v5;
	v8 =	vld.idx.msk [tilespmem:v52+s12+$0x0], $0xffff  }
0x1be: {  	v57 =	vor.u32 $0x1C, v4;
	v10 =	vld.idx.msk [tilespmem:v10+s9+$0x0], $0xffff;
	v6 =	vadd.f32 v7, v6;
	v7 =	vmul.f32 v9, v16  }
0x1bf: {  	v9 =	vld.idx.msk [tilespmem:v53+s12+$0x0], $0xffff  }
0x1c0: {  	v58 =	vor.u32 $0x1D, v5;
	v12 =	vld.idx.msk [tilespmem:v54+s9+$0x0], $0xffff;
	v6 =	vadd.f32 v7, v6;
	v7 =	vmul.f32 v11, v13  }
0x1c1: {  	v59 =	vor.u32 $0x1D, v4;
	v11 =	vld.idx.msk [tilespmem:v55+s12+$0x0], $0xffff  }
0x1c2: {  	v60 =	vor.u32 $0x1E, v5;
	v14 =	vld.idx.msk [tilespmem:v56+s9+$0x0], $0xffff;
	v6 =	vadd.f32 v7, v6;
	v7 =	vmul.f32 v8, v15  }
0x1c3: {  	v61 =	vor.u32 $0x1E, v4;
	v8 =	vld.idx.msk [tilespmem:v57+s12+$0x0], $0xffff  }
0x1c4: {  	v5 =	vor.u32 $0x1F, v5;
	v6 =	vadd.f32 v7, v6;
	v7 =	vmul.f32 v9, v10  }
0x1c5: {  	v4 =	vor.u32 $0x1F, v4;
	v62 =	vld.idx.msk [tilespmem:v58+s9+$0x0], $0xffff  }
0x1c6: {  	v9 =	vld.idx.msk [tilespmem:v59+s12+$0x0], $0xffff;
	v6 =	vadd.f32 v7, v6;
	v7 =	vmul.f32 v11, v12  }
0x1c7: {  	v10 =	vld.idx.msk [tilespmem:v60+s9+$0x0], $0xffff  }
0x1c8: {  	v11 =	vld.idx.msk [tilespmem:v61+s12+$0x0], $0xffff;
	v6 =	vadd.f32 v7, v6;
	v7 =	vmul.f32 v8, v14  }
0x1c9: {  	v5 =	vld.idx.msk [tilespmem:v5+s9+$0x0], $0xffff  }
0x1ca: {  	v7 =	vadd.f32 v7, v6;
	v6 =	vld.idx.msk [tilespmem:v4+s12+$0x0], $0xffff  }
0x1cb: {  	v8 =	vmul.f32 v9, v62  }
0x1cc: {  	s31 =	simm.s32 $0xA0  }
0x1cd: {  	v63 =	vmov s31;
	v9 =	vmul.f32 v11, v10;
	v8 =	vadd.f32 v8, v7  }
0x1ce: {  	s20 =	simm.s32 $0xB0;
	v7 =	vshll.u32 v63, $0x5  }
.LBB2_4:
0x1cf: {  	p0 =	sne.s32 s20, $0xF0;
	v4 =	vadd.s32 v1, v7;
	v8 =	vadd.f32 v9, v8;
	v6 =	vmul.f32 v6, v5  }
0x1d0: {  	v5 =	vor.u32 v0, v7  }
0x1d1: {  	v7 =	vor.u32 $0x1, v5;
	v6 =	vadd.f32 v6, v8  }
0x1d2: {  	s19 =	sadd.s32 $0x10, s19;
	v8 =	vor.u32 $0x1, v4  }
0x1d3: {  	v9 =	vor.u32 $0x2, v5;
	[tilespmem:s19+$0x0] =	vst v6  }
0x1d4: {  	v10 =	vor.u32 $0x2, v4;
	v6 =	vld.idx.msk [tilespmem:v4+s12+$0x0], $0xffff  }
0x1d5: {  	v12 =	vor.u32 $0x3, v5;
	v11 =	vld.idx.msk [tilespmem:v5+s9+$0x0], $0xffff  }
0x1d6: {  	v13 =	vor.u32 $0x3, v4;
	v7 =	vld.idx.msk [tilespmem:v7+s9+$0x0], $0xffff  }
0x1d7: {  	v14 =	vor.u32 $0x4, v5;
	v8 =	vld.idx.msk [tilespmem:v8+s12+$0x0], $0xffff  }
0x1d8: {  	v15 =	vor.u32 $0x4, v4;
	v9 =	vld.idx.msk [tilespmem:v9+s9+$0x0], $0xffff  }
0x1d9: {  	v16 =	vor.u32 $0x5, v5;
	v10 =	vld.idx.msk [tilespmem:v10+s12+$0x0], $0xffff  }
0x1da: {  	v17 =	vor.u32 $0x5, v4;
	v12 =	vld.idx.msk [tilespmem:v12+s9+$0x0], $0xffff  }
0x1db: {  	v6 =	vmul.f32 v6, v11;
	v11 =	vld.idx.msk [tilespmem:v13+s12+$0x0], $0xffff;
	v13 =	vor.u32 $0x6, v5  }
0x1dc: {  	v18 =	vor.u32 $0x6, v4;
	v14 =	vld.idx.msk [tilespmem:v14+s9+$0x0], $0xffff  }
0x1dd: {  	v6 =	vadd.f32 $0.0e+00, v6;
	v7 =	vmul.f32 v8, v7;
	v8 =	vld.idx.msk [tilespmem:v15+s12+$0x0], $0xffff;
	v15 =	vor.u32 $0x7, v5  }
0x1de: {  	v19 =	vor.u32 $0x7, v4;
	v16 =	vld.idx.msk [tilespmem:v16+s9+$0x0], $0xffff  }
0x1df: {  	v6 =	vadd.f32 v7, v6;
	v7 =	vmul.f32 v10, v9;
	v10 =	vor.u32 $0x8, v5;
	v9 =	vld.idx.msk [tilespmem:v17+s12+$0x0], $0xffff  }
0x1e0: {  	v17 =	vor.u32 $0x8, v4;
	v13 =	vld.idx.msk [tilespmem:v13+s9+$0x0], $0xffff  }
0x1e1: {  	v6 =	vadd.f32 v7, v6;
	v7 =	vmul.f32 v11, v12;
	v12 =	vor.u32 $0x9, v5;
	v11 =	vld.idx.msk [tilespmem:v18+s12+$0x0], $0xffff  }
0x1e2: {  	v18 =	vor.u32 $0x9, v4;
	v15 =	vld.idx.msk [tilespmem:v15+s9+$0x0], $0xffff  }
0x1e3: {  	v6 =	vadd.f32 v7, v6;
	v7 =	vmul.f32 v8, v14;
	v14 =	vor.u32 $0xA, v5;
	v8 =	vld.idx.msk [tilespmem:v19+s12+$0x0], $0xffff  }
0x1e4: {  	v19 =	vor.u32 $0xA, v4;
	v10 =	vld.idx.msk [tilespmem:v10+s9+$0x0], $0xffff  }
0x1e5: {  	v6 =	vadd.f32 v7, v6;
	v7 =	vmul.f32 v9, v16;
	v16 =	vor.u32 $0xB, v5;
	v9 =	vld.idx.msk [tilespmem:v17+s12+$0x0], $0xffff  }
0x1e6: {  	v17 =	vor.u32 $0xB, v4;
	v12 =	vld.idx.msk [tilespmem:v12+s9+$0x0], $0xffff  }
0x1e7: {  	v6 =	vadd.f32 v7, v6;
	v7 =	vmul.f32 v11, v13;
	v13 =	vor.u32 $0xC, v5;
	v11 =	vld.idx.msk [tilespmem:v18+s12+$0x0], $0xffff  }
0x1e8: {  	v18 =	vor.u32 $0xC, v4;
	v14 =	vld.idx.msk [tilespmem:v14+s9+$0x0], $0xffff  }
0x1e9: {  	v6 =	vadd.f32 v7, v6;
	v7 =	vmul.f32 v8, v15;
	v15 =	vor.u32 $0xD, v5;
	v8 =	vld.idx.msk [tilespmem:v19+s12+$0x0], $0xffff  }
0x1ea: {  	v19 =	vor.u32 $0xD, v4;
	v16 =	vld.idx.msk [tilespmem:v16+s9+$0x0], $0xffff  }
0x1eb: {  	v6 =	vadd.f32 v7, v6;
	v7 =	vmul.f32 v9, v10;
	v10 =	vor.u32 $0xE, v5;
	v9 =	vld.idx.msk [tilespmem:v17+s12+$0x0], $0xffff  }
0x1ec: {  	v17 =	vor.u32 $0xE, v4;
	v13 =	vld.idx.msk [tilespmem:v13+s9+$0x0], $0xffff  }
0x1ed: {  	v6 =	vadd.f32 v7, v6;
	v7 =	vmul.f32 v11, v12;
	v12 =	vor.u32 $0xF, v5;
	v11 =	vld.idx.msk [tilespmem:v18+s12+$0x0], $0xffff  }
0x1ee: {  	v18 =	vor.u32 $0xF, v4;
	v15 =	vld.idx.msk [tilespmem:v15+s9+$0x0], $0xffff  }
0x1ef: {  	v6 =	vadd.f32 v7, v6;
	v7 =	vmul.f32 v8, v14;
	v14 =	vor.u32 $0x10, v5;
	v8 =	vld.idx.msk [tilespmem:v19+s12+$0x0], $0xffff  }
0x1f0: {  	v19 =	vor.u32 $0x10, v4;
	v10 =	vld.idx.msk [tilespmem:v10+s9+$0x0], $0xffff  }
0x1f1: {  	v6 =	vadd.f32 v7, v6;
	v7 =	vmul.f32 v9, v16;
	v16 =	vor.u32 $0x11, v5;
	v9 =	vld.idx.msk [tilespmem:v17+s12+$0x0], $0xffff  }
0x1f2: {  	v17 =	vor.u32 $0x11, v4;
	v12 =	vld.idx.msk [tilespmem:v12+s9+$0x0], $0xffff  }
0x1f3: {  	v6 =	vadd.f32 v7, v6;
	v7 =	vmul.f32 v11, v13;
	v13 =	vor.u32 $0x12, v5;
	v11 =	vld.idx.msk [tilespmem:v18+s12+$0x0], $0xffff  }
0x1f4: {  	v18 =	vor.u32 $0x12, v4;
	v14 =	vld.idx.msk [tilespmem:v14+s9+$0x0], $0xffff  }
0x1f5: {  	v6 =	vadd.f32 v7, v6;
	v7 =	vmul.f32 v8, v15;
	v15 =	vor.u32 $0x13, v5;
	v8 =	vld.idx.msk [tilespmem:v19+s12+$0x0], $0xffff  }
0x1f6: {  	v19 =	vor.u32 $0x13, v4;
	v16 =	vld.idx.msk [tilespmem:v16+s9+$0x0], $0xffff  }
0x1f7: {  	v6 =	vadd.f32 v7, v6;
	v7 =	vmul.f32 v9, v10;
	v10 =	vor.u32 $0x14, v5;
	v9 =	vld.idx.msk [tilespmem:v17+s12+$0x0], $0xffff  }
0x1f8: {  	v17 =	vor.u32 $0x14, v4;
	v13 =	vld.idx.msk [tilespmem:v13+s9+$0x0], $0xffff  }
0x1f9: {  	v6 =	vadd.f32 v7, v6;
	v7 =	vmul.f32 v11, v12;
	v12 =	vor.u32 $0x15, v5;
	v11 =	vld.idx.msk [tilespmem:v18+s12+$0x0], $0xffff  }
0x1fa: {  	v18 =	vor.u32 $0x15, v4;
	v15 =	vld.idx.msk [tilespmem:v15+s9+$0x0], $0xffff  }
0x1fb: {  	v6 =	vadd.f32 v7, v6;
	v7 =	vmul.f32 v8, v14;
	v14 =	vor.u32 $0x16, v5;
	v8 =	vld.idx.msk [tilespmem:v19+s12+$0x0], $0xffff  }
0x1fc: {  	v19 =	vor.u32 $0x16, v4;
	v10 =	vld.idx.msk [tilespmem:v10+s9+$0x0], $0xffff  }
0x1fd: {  	v6 =	vadd.f32 v7, v6;
	v7 =	vmul.f32 v9, v16;
	v16 =	vor.u32 $0x17, v5;
	v9 =	vld.idx.msk [tilespmem:v17+s12+$0x0], $0xffff  }
0x1fe: {  	v17 =	vor.u32 $0x17, v4;
	v12 =	vld.idx.msk [tilespmem:v12+s9+$0x0], $0xffff  }
0x1ff: {  	v6 =	vadd.f32 v7, v6;
	v7 =	vmul.f32 v11, v13;
	v13 =	vor.u32 $0x18, v5;
	v11 =	vld.idx.msk [tilespmem:v18+s12+$0x0], $0xffff  }
0x200: {  	v18 =	vor.u32 $0x18, v4;
	v14 =	vld.idx.msk [tilespmem:v14+s9+$0x0], $0xffff  }
0x201: {  	v6 =	vadd.f32 v7, v6;
	v7 =	vmul.f32 v8, v15;
	v15 =	vor.u32 $0x19, v5;
	v8 =	vld.idx.msk [tilespmem:v19+s12+$0x0], $0xffff  }
0x202: {  	v19 =	vor.u32 $0x19, v4;
	v16 =	vld.idx.msk [tilespmem:v16+s9+$0x0], $0xffff  }
0x203: {  	v6 =	vadd.f32 v7, v6;
	v7 =	vmul.f32 v9, v10;
	v10 =	vor.u32 $0x1A, v5;
	v9 =	vld.idx.msk [tilespmem:v17+s12+$0x0], $0xffff  }
0x204: {  	v17 =	vor.u32 $0x1A, v4;
	v13 =	vld.idx.msk [tilespmem:v13+s9+$0x0], $0xffff  }
0x205: {  	v6 =	vadd.f32 v7, v6;
	v7 =	vmul.f32 v11, v12;
	v12 =	vor.u32 $0x1B, v5;
	v11 =	vld.idx.msk [tilespmem:v18+s12+$0x0], $0xffff  }
0x206: {  	v18 =	vor.u32 $0x1B, v4;
	v15 =	vld.idx.msk [tilespmem:v15+s9+$0x0], $0xffff  }
0x207: {  	v6 =	vadd.f32 v7, v6;
	v7 =	vmul.f32 v8, v14;
	v14 =	vor.u32 $0x1C, v5;
	v8 =	vld.idx.msk [tilespmem:v19+s12+$0x0], $0xffff  }
0x208: {  	v19 =	vor.u32 $0x1C, v4;
	v10 =	vld.idx.msk [tilespmem:v10+s9+$0x0], $0xffff  }
0x209: {  	v6 =	vadd.f32 v7, v6;
	v7 =	vmul.f32 v9, v16;
	v16 =	vor.u32 $0x1D, v5;
	v9 =	vld.idx.msk [tilespmem:v17+s12+$0x0], $0xffff  }
0x20a: {  	v17 =	vor.u32 $0x1D, v4;
	v12 =	vld.idx.msk [tilespmem:v12+s9+$0x0], $0xffff  }
0x20b: {  	v6 =	vadd.f32 v7, v6;
	v7 =	vmul.f32 v11, v13;
	v13 =	vor.u32 $0x1E, v5;
	v11 =	vld.idx.msk [tilespmem:v18+s12+$0x0], $0xffff  }
0x20c: {  	v18 =	vor.u32 $0x1E, v4;
	v14 =	vld.idx.msk [tilespmem:v14+s9+$0x0], $0xffff  }
0x20d: {  	v5 =	vor.u32 $0x1F, v5;
	v6 =	vadd.f32 v7, v6;
	v7 =	vmul.f32 v8, v15;
	v8 =	vld.idx.msk [tilespmem:v19+s12+$0x0], $0xffff  }
0x20e: {  	v4 =	vor.u32 $0x1F, v4;
	v15 =	vld.idx.msk [tilespmem:v16+s9+$0x0], $0xffff  }
0x20f: {  	v6 =	vadd.f32 v7, v6;
	v7 =	vmul.f32 v9, v10;
	v9 =	vld.idx.msk [tilespmem:v17+s12+$0x0], $0xffff  }
0x210: {  	v10 =	vld.idx.msk [tilespmem:v13+s9+$0x0], $0xffff  }
0x211: {  	v6 =	vadd.f32 v7, v6;
	v7 =	vmul.f32 v11, v12;
	v11 =	vld.idx.msk [tilespmem:v18+s12+$0x0], $0xffff  }
0x212: {  	v5 =	vld.idx.msk [tilespmem:v5+s9+$0x0], $0xffff  }
0x213: {  	v7 =	vadd.f32 v7, v6;
	v8 =	vmul.f32 v8, v14;
	v6 =	vld.idx.msk [tilespmem:v4+s12+$0x0], $0xffff  }
.Ltmp1:
0x214: {  	(pc) =	sbr.rel @p0 .LBB2_4-.Ltmp1, $3  }
0x215: {  	v4 =	vadd.f32 v8, v7;
	v7 =	vmul.f32 v9, v15;
	_ =	sdelay $0x1  }
0x216: {  	v12 =	vmov s20;
	v8 =	vadd.f32 v7, v4;
	v9 =	vmul.f32 v11, v10  }
0x217: {  	s20 =	sadd.s32 $0x10, s20;
	v7 =	vshll.u32 v12, $0x5  }
0x218: {  	v4 =	vadd.s32 v1, v7;
	v8 =	vadd.f32 v9, v8;
	v6 =	vmul.f32 v6, v5  }
0x219: {  	v5 =	vor.u32 v0, v7  }
0x21a: {  	v7 =	vor.u32 $0x1, v5;
	v6 =	vadd.f32 v6, v8  }
0x21b: {  	s19 =	sadd.s32 $0x10, s19;
	v8 =	vor.u32 $0x1, v4  }
0x21c: {  	v9 =	vor.u32 $0x2, v5;
	[tilespmem:s19+$0x0] =	vst v6  }
0x21d: {  	v10 =	vor.u32 $0x2, v4;
	v6 =	vld.idx.msk [tilespmem:v4+s12+$0x0], $0xffff  }
0x21e: {  	v12 =	vor.u32 $0x3, v5;
	v11 =	vld.idx.msk [tilespmem:v5+s9+$0x0], $0xffff  }
0x21f: {  	v13 =	vor.u32 $0x3, v4;
	v7 =	vld.idx.msk [tilespmem:v7+s9+$0x0], $0xffff  }
0x220: {  	v14 =	vor.u32 $0x4, v5;
	v8 =	vld.idx.msk [tilespmem:v8+s12+$0x0], $0xffff  }
0x221: {  	v15 =	vor.u32 $0x4, v4;
	v9 =	vld.idx.msk [tilespmem:v9+s9+$0x0], $0xffff  }
0x222: {  	v16 =	vor.u32 $0x5, v5;
	v10 =	vld.idx.msk [tilespmem:v10+s12+$0x0], $0xffff  }
0x223: {  	v17 =	vor.u32 $0x5, v4;
	v12 =	vld.idx.msk [tilespmem:v12+s9+$0x0], $0xffff;
	v6 =	vmul.f32 v6, v11  }
0x224: {  	v41 =	vor.u32 $0x6, v5;
	v11 =	vld.idx.msk [tilespmem:v13+s12+$0x0], $0xffff  }
0x225: {  	v18 =	vor.u32 $0x6, v4;
	v14 =	vld.idx.msk [tilespmem:v14+s9+$0x0], $0xffff;
	v6 =	vadd.f32 $0.0e+00, v6;
	v7 =	vmul.f32 v8, v7  }
0x226: {  	v42 =	vor.u32 $0x7, v5;
	v8 =	vld.idx.msk [tilespmem:v15+s12+$0x0], $0xffff  }
0x227: {  	v19 =	vor.u32 $0x7, v4;
	v16 =	vld.idx.msk [tilespmem:v16+s9+$0x0], $0xffff;
	v6 =	vadd.f32 v7, v6;
	v7 =	vmul.f32 v10, v9  }
0x228: {  	v9 =	vld.idx.msk [tilespmem:v17+s12+$0x0], $0xffff;
	v10 =	vor.u32 $0x8, v5  }
0x229: {  	v43 =	vor.u32 $0x8, v4;
	v13 =	vld.idx.msk [tilespmem:v41+s9+$0x0], $0xffff;
	v6 =	vadd.f32 v7, v6;
	v7 =	vmul.f32 v11, v12  }
0x22a: {  	v44 =	vor.u32 $0x9, v5;
	v11 =	vld.idx.msk [tilespmem:v18+s12+$0x0], $0xffff  }
0x22b: {  	v45 =	vor.u32 $0x9, v4;
	v15 =	vld.idx.msk [tilespmem:v42+s9+$0x0], $0xffff;
	v6 =	vadd.f32 v7, v6;
	v7 =	vmul.f32 v8, v14  }
0x22c: {  	v46 =	vor.u32 $0xA, v5;
	v8 =	vld.idx.msk [tilespmem:v19+s12+$0x0], $0xffff  }
0x22d: {  	v47 =	vor.u32 $0xA, v4;
	v10 =	vld.idx.msk [tilespmem:v10+s9+$0x0], $0xffff;
	v6 =	vadd.f32 v7, v6;
	v7 =	vmul.f32 v9, v16  }
0x22e: {  	v48 =	vor.u32 $0xB, v5;
	v9 =	vld.idx.msk [tilespmem:v43+s12+$0x0], $0xffff  }
0x22f: {  	v49 =	vor.u32 $0xB, v4;
	v12 =	vld.idx.msk [tilespmem:v44+s9+$0x0], $0xffff;
	v6 =	vadd.f32 v7, v6;
	v7 =	vmul.f32 v11, v13  }
0x230: {  	v50 =	vor.u32 $0xC, v5;
	v11 =	vld.idx.msk [tilespmem:v45+s12+$0x0], $0xffff  }
0x231: {  	v51 =	vor.u32 $0xC, v4;
	v14 =	vld.idx.msk [tilespmem:v46+s9+$0x0], $0xffff;
	v6 =	vadd.f32 v7, v6;
	v7 =	vmul.f32 v8, v15  }
0x232: {  	v52 =	vor.u32 $0xD, v5;
	v8 =	vld.idx.msk [tilespmem:v47+s12+$0x0], $0xffff  }
0x233: {  	v53 =	vor.u32 $0xD, v4;
	v16 =	vld.idx.msk [tilespmem:v48+s9+$0x0], $0xffff;
	v6 =	vadd.f32 v7, v6;
	v7 =	vmul.f32 v9, v10  }
0x234: {  	v9 =	vld.idx.msk [tilespmem:v49+s12+$0x0], $0xffff;
	v10 =	vor.u32 $0xE, v5  }
0x235: {  	v54 =	vor.u32 $0xE, v4;
	v13 =	vld.idx.msk [tilespmem:v50+s9+$0x0], $0xffff;
	v6 =	vadd.f32 v7, v6;
	v7 =	vmul.f32 v11, v12  }
0x236: {  	v55 =	vor.u32 $0xF, v5;
	v11 =	vld.idx.msk [tilespmem:v51+s12+$0x0], $0xffff  }
0x237: {  	v56 =	vor.u32 $0xF, v4;
	v15 =	vld.idx.msk [tilespmem:v52+s9+$0x0], $0xffff;
	v6 =	vadd.f32 v7, v6;
	v7 =	vmul.f32 v8, v14  }
0x238: {  	v57 =	vor.u32 $0x10, v5;
	v8 =	vld.idx.msk [tilespmem:v53+s12+$0x0], $0xffff  }
0x239: {  	v58 =	vor.u32 $0x10, v4;
	v10 =	vld.idx.msk [tilespmem:v10+s9+$0x0], $0xffff;
	v6 =	vadd.f32 v7, v6;
	v7 =	vmul.f32 v9, v16  }
0x23a: {  	v59 =	vor.u32 $0x11, v5;
	v9 =	vld.idx.msk [tilespmem:v54+s12+$0x0], $0xffff  }
0x23b: {  	v60 =	vor.u32 $0x11, v4;
	v12 =	vld.idx.msk [tilespmem:v55+s9+$0x0], $0xffff;
	v6 =	vadd.f32 v7, v6;
	v7 =	vmul.f32 v11, v13  }
0x23c: {  	v61 =	vor.u32 $0x12, v5;
	v11 =	vld.idx.msk [tilespmem:v56+s12+$0x0], $0xffff  }
0x23d: {  	v62 =	vor.u32 $0x12, v4;
	v14 =	vld.idx.msk [tilespmem:v57+s9+$0x0], $0xffff;
	v6 =	vadd.f32 v7, v6;
	v7 =	vmul.f32 v8, v15  }
0x23e: {  	v63 =	vor.u32 $0x13, v5;
	v8 =	vld.idx.msk [tilespmem:v58+s12+$0x0], $0xffff  }
0x23f: {  	v21 =	vor.u32 $0x13, v4;
	v16 =	vld.idx.msk [tilespmem:v59+s9+$0x0], $0xffff;
	v6 =	vadd.f32 v7, v6;
	v7 =	vmul.f32 v9, v10  }
0x240: {  	v9 =	vld.idx.msk [tilespmem:v60+s12+$0x0], $0xffff;
	v10 =	vor.u32 $0x14, v5  }
0x241: {  	v22 =	vor.u32 $0x14, v4;
	v13 =	vld.idx.msk [tilespmem:v61+s9+$0x0], $0xffff;
	v6 =	vadd.f32 v7, v6;
	v7 =	vmul.f32 v11, v12  }
0x242: {  	v23 =	vor.u32 $0x15, v5;
	v11 =	vld.idx.msk [tilespmem:v62+s12+$0x0], $0xffff  }
0x243: {  	v24 =	vor.u32 $0x15, v4;
	v15 =	vld.idx.msk [tilespmem:v63+s9+$0x0], $0xffff;
	v6 =	vadd.f32 v7, v6;
	v7 =	vmul.f32 v8, v14  }
0x244: {  	v25 =	vor.u32 $0x16, v5;
	v8 =	vld.idx.msk [tilespmem:v21+s12+$0x0], $0xffff  }
0x245: {  	v26 =	vor.u32 $0x16, v4;
	v10 =	vld.idx.msk [tilespmem:v10+s9+$0x0], $0xffff;
	v6 =	vadd.f32 v7, v6;
	v7 =	vmul.f32 v9, v16  }
0x246: {  	v27 =	vor.u32 $0x17, v5;
	v9 =	vld.idx.msk [tilespmem:v22+s12+$0x0], $0xffff  }
0x247: {  	v28 =	vor.u32 $0x17, v4;
	v12 =	vld.idx.msk [tilespmem:v23+s9+$0x0], $0xffff;
	v6 =	vadd.f32 v7, v6;
	v7 =	vmul.f32 v11, v13  }
0x248: {  	v29 =	vor.u32 $0x18, v5;
	v11 =	vld.idx.msk [tilespmem:v24+s12+$0x0], $0xffff  }
0x249: {  	v30 =	vor.u32 $0x18, v4;
	v14 =	vld.idx.msk [tilespmem:v25+s9+$0x0], $0xffff;
	v6 =	vadd.f32 v7, v6;
	v7 =	vmul.f32 v8, v15  }
0x24a: {  	v31 =	vor.u32 $0x19, v5;
	v8 =	vld.idx.msk [tilespmem:v26+s12+$0x0], $0xffff  }
0x24b: {  	v32 =	vor.u32 $0x19, v4;
	v16 =	vld.idx.msk [tilespmem:v27+s9+$0x0], $0xffff;
	v6 =	vadd.f32 v7, v6;
	v7 =	vmul.f32 v9, v10  }
0x24c: {  	v9 =	vld.idx.msk [tilespmem:v28+s12+$0x0], $0xffff;
	v10 =	vor.u32 $0x1A, v5  }
0x24d: {  	v33 =	vor.u32 $0x1A, v4;
	v13 =	vld.idx.msk [tilespmem:v29+s9+$0x0], $0xffff;
	v6 =	vadd.f32 v7, v6;
	v7 =	vmul.f32 v11, v12  }
0x24e: {  	v34 =	vor.u32 $0x1B, v5;
	v11 =	vld.idx.msk [tilespmem:v30+s12+$0x0], $0xffff  }
0x24f: {  	v35 =	vor.u32 $0x1B, v4;
	v15 =	vld.idx.msk [tilespmem:v31+s9+$0x0], $0xffff;
	v6 =	vadd.f32 v7, v6;
	v7 =	vmul.f32 v8, v14  }
0x250: {  	v36 =	vor.u32 $0x1C, v5;
	v8 =	vld.idx.msk [tilespmem:v32+s12+$0x0], $0xffff  }
0x251: {  	v37 =	vor.u32 $0x1C, v4;
	v10 =	vld.idx.msk [tilespmem:v10+s9+$0x0], $0xffff;
	v6 =	vadd.f32 v7, v6;
	v7 =	vmul.f32 v9, v16  }
0x252: {  	v38 =	vor.u32 $0x1D, v5;
	v9 =	vld.idx.msk [tilespmem:v33+s12+$0x0], $0xffff  }
0x253: {  	v39 =	vor.u32 $0x1D, v4;
	v12 =	vld.idx.msk [tilespmem:v34+s9+$0x0], $0xffff;
	v6 =	vadd.f32 v7, v6;
	v7 =	vmul.f32 v11, v13  }
0x254: {  	v40 =	vor.u32 $0x1E, v5;
	v11 =	vld.idx.msk [tilespmem:v35+s12+$0x0], $0xffff  }
0x255: {  	v41 =	vor.u32 $0x1E, v4;
	v14 =	vld.idx.msk [tilespmem:v36+s9+$0x0], $0xffff;
	v6 =	vadd.f32 v7, v6;
	v7 =	vmul.f32 v8, v15  }
0x256: {  	v4 =	vor.u32 $0x1F, v4;
	v8 =	vld.idx.msk [tilespmem:v37+s12+$0x0], $0xffff  }
0x257: {  	v42 =	vld.idx.msk [tilespmem:v38+s9+$0x0], $0xffff;
	v5 =	vor.u32 $0x1F, v5;
	v6 =	vadd.f32 v7, v6;
	v7 =	vmul.f32 v9, v10  }
0x258: {  	v9 =	vld.idx.msk [tilespmem:v39+s12+$0x0], $0xffff  }
0x259: {  	v10 =	vld.idx.msk [tilespmem:v40+s9+$0x0], $0xffff;
	v6 =	vadd.f32 v7, v6;
	v7 =	vmul.f32 v11, v12  }
0x25a: {  	v11 =	vld.idx.msk [tilespmem:v41+s12+$0x0], $0xffff  }
0x25b: {  	v4 =	vld.idx.msk [tilespmem:v4+s12+$0x0], $0xffff;
	v6 =	vadd.f32 v7, v6;
	v7 =	vmul.f32 v8, v14  }
0x25c: {  	v5 =	vld.idx.msk [tilespmem:v5+s9+$0x0], $0xffff  }
0x25d: {  	v6 =	vadd.f32 v7, v6;
	v7 =	vmul.f32 v9, v42;
	_ =	sdelay $0x1  }
0x25e: {  	v6 =	vadd.f32 v7, v6;
	v7 =	vmul.f32 v11, v10;
	_ =	sdelay $0x1  }
0x25f: {  	v4 =	vmul.f32 v4, v5;
	v6 =	vadd.f32 v7, v6  }
0x260: {  	s20 =	simm.s32 $0x100  }
0x261: {  	v5 =	vmov s20;
	v4 =	vadd.f32 v4, v6  }
0x262: {  	s19 =	sadd.s32 $0x10, s19;
	v5 =	vshll.u32 v5, $0x5  }
0x263: {  	[tilespmem:s19+$0x0] =	vst v4;
	v4 =	vadd.s32 v2, v5  }
0x264: {  	v5 =	vor.u32 v0, v5;
	[tilespmem:s12], [sflag:$0x2] =	stream.indirect.gather [hbm4b:s3+s10], $0x20, s16, s10, $0xb8;
	[tilespmem:$0x6400] =	vst v63  }
0x265: {  	v6 =	vor.u32 $0x1, v5;
	_ =	swait.ge [sflag:s13], $0x1000  }
0x266: {  	v7 =	vor.u32 $0x1, v4;
	[sflag:s13] =	ssyncset.done $0x0  }
0x267: {  	v8 =	vor.u32 $0x2, v5;
	[sflag:s13] =	ssyncadd.s32 $0xFFFFF000  }
0x268: {  	v10 =	vor.u32 $0x2, v4;
	v9 =	vld.idx.msk [tilespmem:v4+s11+$0x0], $0xffff  }
0x269: {  	v43 =	vor.u32 $0x3, v5;
	v11 =	vld.idx.msk [tilespmem:v5+s9+$0x0], $0xffff  }
0x26a: {  	v44 =	vor.u32 $0x3, v4;
	v6 =	vld.idx.msk [tilespmem:v6+s9+$0x0], $0xffff  }
0x26b: {  	v45 =	vor.u32 $0x4, v5;
	v7 =	vld.idx.msk [tilespmem:v7+s11+$0x0], $0xffff  }
0x26c: {  	v46 =	vor.u32 $0x4, v4;
	v8 =	vld.idx.msk [tilespmem:v8+s9+$0x0], $0xffff  }
0x26d: {  	v47 =	vor.u32 $0x5, v5;
	v10 =	vld.idx.msk [tilespmem:v10+s11+$0x0], $0xffff  }
0x26e: {  	v48 =	vor.u32 $0x5, v4;
	v12 =	vld.idx.msk [tilespmem:v43+s9+$0x0], $0xffff;
	v9 =	vmul.f32 v9, v11  }
0x26f: {  	v49 =	vor.u32 $0x6, v5;
	v11 =	vld.idx.msk [tilespmem:v44+s11+$0x0], $0xffff  }
0x270: {  	v50 =	vor.u32 $0x6, v4;
	v14 =	vld.idx.msk [tilespmem:v45+s9+$0x0], $0xffff;
	v6 =	vmul.f32 v7, v6;
	v9 =	vadd.f32 $0.0e+00, v9  }
0x271: {  	v51 =	vor.u32 $0x7, v5;
	v7 =	vld.idx.msk [tilespmem:v46+s11+$0x0], $0xffff  }
0x272: {  	v52 =	vor.u32 $0x7, v4;
	v16 =	vld.idx.msk [tilespmem:v47+s9+$0x0], $0xffff;
	v8 =	vmul.f32 v10, v8;
	v6 =	vadd.f32 v6, v9  }
0x273: {  	v10 =	vor.u32 $0x8, v5;
	v9 =	vld.idx.msk [tilespmem:v48+s11+$0x0], $0xffff  }
0x274: {  	v53 =	vor.u32 $0x8, v4;
	v13 =	vld.idx.msk [tilespmem:v49+s9+$0x0], $0xffff;
	v6 =	vadd.f32 v8, v6;
	v8 =	vmul.f32 v11, v12  }
0x275: {  	v54 =	vor.u32 $0x9, v5;
	v11 =	vld.idx.msk [tilespmem:v50+s11+$0x0], $0xffff  }
0x276: {  	v55 =	vor.u32 $0x9, v4;
	v15 =	vld.idx.msk [tilespmem:v51+s9+$0x0], $0xffff;
	v7 =	vmul.f32 v7, v14;
	v6 =	vadd.f32 v8, v6  }
0x277: {  	v56 =	vor.u32 $0xA, v5;
	v8 =	vld.idx.msk [tilespmem:v52+s11+$0x0], $0xffff  }
0x278: {  	v57 =	vor.u32 $0xA, v4;
	v10 =	vld.idx.msk [tilespmem:v10+s9+$0x0], $0xffff;
	v6 =	vadd.f32 v7, v6;
	v7 =	vmul.f32 v9, v16  }
0x279: {  	v58 =	vor.u32 $0xB, v5;
	v9 =	vld.idx.msk [tilespmem:v53+s11+$0x0], $0xffff  }
0x27a: {  	v59 =	vor.u32 $0xB, v4;
	v12 =	vld.idx.msk [tilespmem:v54+s9+$0x0], $0xffff;
	v6 =	vadd.f32 v7, v6;
	v7 =	vmul.f32 v11, v13  }
0x27b: {  	v60 =	vor.u32 $0xC, v5;
	v11 =	vld.idx.msk [tilespmem:v55+s11+$0x0], $0xffff  }
0x27c: {  	v61 =	vor.u32 $0xC, v4;
	v14 =	vld.idx.msk [tilespmem:v56+s9+$0x0], $0xffff;
	v6 =	vadd.f32 v7, v6;
	v7 =	vmul.f32 v8, v15  }
0x27d: {  	v62 =	vor.u32 $0xD, v5;
	v8 =	vld.idx.msk [tilespmem:v57+s11+$0x0], $0xffff  }
0x27e: {  	v63 =	vor.u32 $0xD, v4;
	v16 =	vld.idx.msk [tilespmem:v58+s9+$0x0], $0xffff;
	v6 =	vadd.f32 v7, v6;
	v7 =	vmul.f32 v9, v10  }
0x27f: {  	v9 =	vld.idx.msk [tilespmem:v59+s11+$0x0], $0xffff;
	v10 =	vor.u32 $0xE, v5  }
0x280: {  	v21 =	vor.u32 $0xE, v4;
	v13 =	vld.idx.msk [tilespmem:v60+s9+$0x0], $0xffff;
	v6 =	vadd.f32 v7, v6;
	v7 =	vmul.f32 v11, v12  }
0x281: {  	v22 =	vor.u32 $0xF, v5;
	v11 =	vld.idx.msk [tilespmem:v61+s11+$0x0], $0xffff  }
0x282: {  	v23 =	vor.u32 $0xF, v4;
	v15 =	vld.idx.msk [tilespmem:v62+s9+$0x0], $0xffff;
	v6 =	vadd.f32 v7, v6;
	v7 =	vmul.f32 v8, v14  }
0x283: {  	v24 =	vor.u32 $0x10, v5;
	v8 =	vld.idx.msk [tilespmem:v63+s11+$0x0], $0xffff  }
0x284: {  	v25 =	vor.u32 $0x10, v4;
	v10 =	vld.idx.msk [tilespmem:v10+s9+$0x0], $0xffff;
	v6 =	vadd.f32 v7, v6;
	v7 =	vmul.f32 v9, v16  }
0x285: {  	v26 =	vor.u32 $0x11, v5;
	v9 =	vld.idx.msk [tilespmem:v21+s11+$0x0], $0xffff  }
0x286: {  	v27 =	vor.u32 $0x11, v4;
	v12 =	vld.idx.msk [tilespmem:v22+s9+$0x0], $0xffff;
	v6 =	vadd.f32 v7, v6;
	v7 =	vmul.f32 v11, v13  }
0x287: {  	v28 =	vor.u32 $0x12, v5;
	v11 =	vld.idx.msk [tilespmem:v23+s11+$0x0], $0xffff  }
0x288: {  	v29 =	vor.u32 $0x12, v4;
	v14 =	vld.idx.msk [tilespmem:v24+s9+$0x0], $0xffff;
	v6 =	vadd.f32 v7, v6;
	v7 =	vmul.f32 v8, v15  }
0x289: {  	v30 =	vor.u32 $0x13, v5;
	v8 =	vld.idx.msk [tilespmem:v25+s11+$0x0], $0xffff  }
0x28a: {  	v31 =	vor.u32 $0x13, v4;
	v16 =	vld.idx.msk [tilespmem:v26+s9+$0x0], $0xffff;
	v6 =	vadd.f32 v7, v6;
	v7 =	vmul.f32 v9, v10  }
0x28b: {  	v9 =	vld.idx.msk [tilespmem:v27+s11+$0x0], $0xffff;
	v10 =	vor.u32 $0x14, v5  }
0x28c: {  	v32 =	vor.u32 $0x14, v4;
	v13 =	vld.idx.msk [tilespmem:v28+s9+$0x0], $0xffff;
	v6 =	vadd.f32 v7, v6;
	v7 =	vmul.f32 v11, v12  }
0x28d: {  	v33 =	vor.u32 $0x15, v5;
	v11 =	vld.idx.msk [tilespmem:v29+s11+$0x0], $0xffff  }
0x28e: {  	v34 =	vor.u32 $0x15, v4;
	v15 =	vld.idx.msk [tilespmem:v30+s9+$0x0], $0xffff;
	v6 =	vadd.f32 v7, v6;
	v7 =	vmul.f32 v8, v14  }
0x28f: {  	v35 =	vor.u32 $0x16, v5;
	v8 =	vld.idx.msk [tilespmem:v31+s11+$0x0], $0xffff  }
0x290: {  	v36 =	vor.u32 $0x16, v4;
	v10 =	vld.idx.msk [tilespmem:v10+s9+$0x0], $0xffff;
	v6 =	vadd.f32 v7, v6;
	v7 =	vmul.f32 v9, v16  }
0x291: {  	v37 =	vor.u32 $0x17, v5;
	v9 =	vld.idx.msk [tilespmem:v32+s11+$0x0], $0xffff  }
0x292: {  	v38 =	vor.u32 $0x17, v4;
	v12 =	vld.idx.msk [tilespmem:v33+s9+$0x0], $0xffff;
	v6 =	vadd.f32 v7, v6;
	v7 =	vmul.f32 v11, v13  }
0x293: {  	v39 =	vor.u32 $0x18, v5;
	v11 =	vld.idx.msk [tilespmem:v34+s11+$0x0], $0xffff  }
0x294: {  	v40 =	vor.u32 $0x18, v4;
	v14 =	vld.idx.msk [tilespmem:v35+s9+$0x0], $0xffff;
	v6 =	vadd.f32 v7, v6;
	v7 =	vmul.f32 v8, v15  }
0x295: {  	v41 =	vor.u32 $0x19, v5;
	v8 =	vld.idx.msk [tilespmem:v36+s11+$0x0], $0xffff  }
0x296: {  	v42 =	vor.u32 $0x19, v4;
	v16 =	vld.idx.msk [tilespmem:v37+s9+$0x0], $0xffff;
	v6 =	vadd.f32 v7, v6;
	v7 =	vmul.f32 v9, v10  }
0x297: {  	v9 =	vld.idx.msk [tilespmem:v38+s11+$0x0], $0xffff;
	v10 =	vor.u32 $0x1A, v5  }
0x298: {  	v43 =	vor.u32 $0x1A, v4;
	v13 =	vld.idx.msk [tilespmem:v39+s9+$0x0], $0xffff;
	v6 =	vadd.f32 v7, v6;
	v7 =	vmul.f32 v11, v12  }
0x299: {  	v44 =	vor.u32 $0x1B, v5;
	v11 =	vld.idx.msk [tilespmem:v40+s11+$0x0], $0xffff  }
0x29a: {  	v45 =	vor.u32 $0x1B, v4;
	v15 =	vld.idx.msk [tilespmem:v41+s9+$0x0], $0xffff;
	v6 =	vadd.f32 v7, v6;
	v7 =	vmul.f32 v8, v14  }
0x29b: {  	v46 =	vor.u32 $0x1C, v5;
	v8 =	vld.idx.msk [tilespmem:v42+s11+$0x0], $0xffff  }
0x29c: {  	v47 =	vor.u32 $0x1C, v4;
	v10 =	vld.idx.msk [tilespmem:v10+s9+$0x0], $0xffff;
	v6 =	vadd.f32 v7, v6;
	v7 =	vmul.f32 v9, v16  }
0x29d: {  	v48 =	vor.u32 $0x1D, v5;
	v9 =	vld.idx.msk [tilespmem:v43+s11+$0x0], $0xffff  }
0x29e: {  	v49 =	vor.u32 $0x1D, v4;
	v12 =	vld.idx.msk [tilespmem:v44+s9+$0x0], $0xffff;
	v6 =	vadd.f32 v7, v6;
	v7 =	vmul.f32 v11, v13  }
0x29f: {  	v50 =	vor.u32 $0x1E, v5;
	v11 =	vld.idx.msk [tilespmem:v45+s11+$0x0], $0xffff  }
0x2a0: {  	v51 =	vor.u32 $0x1E, v4;
	v14 =	vld.idx.msk [tilespmem:v46+s9+$0x0], $0xffff;
	v6 =	vadd.f32 v7, v6;
	v7 =	vmul.f32 v8, v15  }
0x2a1: {  	v5 =	vor.u32 $0x1F, v5;
	v8 =	vld.idx.msk [tilespmem:v47+s11+$0x0], $0xffff  }
0x2a2: {  	v4 =	vor.u32 $0x1F, v4;
	v52 =	vld.idx.msk [tilespmem:v48+s9+$0x0], $0xffff;
	v6 =	vadd.f32 v7, v6;
	v7 =	vmul.f32 v9, v10  }
0x2a3: {  	v9 =	vld.idx.msk [tilespmem:v49+s11+$0x0], $0xffff  }
0x2a4: {  	v10 =	vld.idx.msk [tilespmem:v50+s9+$0x0], $0xffff;
	v6 =	vadd.f32 v7, v6;
	v7 =	vmul.f32 v11, v12  }
0x2a5: {  	v11 =	vld.idx.msk [tilespmem:v51+s11+$0x0], $0xffff  }
0x2a6: {  	v5 =	vld.idx.msk [tilespmem:v5+s9+$0x0], $0xffff;
	v6 =	vadd.f32 v7, v6;
	v7 =	vmul.f32 v8, v14  }
0x2a7: {  	v8 =	vld.idx.msk [tilespmem:v4+s11+$0x0], $0xffff  }
0x2a8: {  	v4 =	vadd.f32 v7, v6;
	v6 =	vmul.f32 v9, v52  }
0x2a9: {  	s30 =	simm.s32 $0x110  }
0x2aa: {  	v7 =	vmov s30;
	v9 =	vmul.f32 v11, v10;
	v6 =	vadd.f32 v6, v4  }
0x2ab: {  	v7 =	vshll.u32 v7, $0x5  }
0x2ac: {  	v4 =	vadd.s32 v2, v7;
	v8 =	vmul.f32 v8, v5;
	v6 =	vadd.f32 v9, v6  }
0x2ad: {  	v5 =	vor.u32 v0, v7  }
0x2ae: {  	v7 =	vor.u32 $0x1, v5;
	v6 =	vadd.f32 v8, v6  }
0x2af: {  	s19 =	simm.s32 $0x6300;
	v8 =	vor.u32 $0x1, v4  }
0x2b0: {  	v9 =	vor.u32 $0x2, v5;
	[tilespmem:s19+$0x0] =	vst v6  }
0x2b1: {  	v10 =	vor.u32 $0x2, v4;
	v6 =	vld.idx.msk [tilespmem:v4+s11+$0x0], $0xffff  }
0x2b2: {  	v53 =	vor.u32 $0x3, v5;
	v11 =	vld.idx.msk [tilespmem:v5+s9+$0x0], $0xffff  }
0x2b3: {  	v54 =	vor.u32 $0x3, v4;
	v7 =	vld.idx.msk [tilespmem:v7+s9+$0x0], $0xffff  }
0x2b4: {  	v55 =	vor.u32 $0x4, v5;
	v8 =	vld.idx.msk [tilespmem:v8+s11+$0x0], $0xffff  }
0x2b5: {  	v56 =	vor.u32 $0x4, v4;
	v9 =	vld.idx.msk [tilespmem:v9+s9+$0x0], $0xffff  }
0x2b6: {  	v57 =	vor.u32 $0x5, v5;
	v10 =	vld.idx.msk [tilespmem:v10+s11+$0x0], $0xffff  }
0x2b7: {  	v58 =	vor.u32 $0x5, v4;
	v12 =	vld.idx.msk [tilespmem:v53+s9+$0x0], $0xffff;
	v6 =	vmul.f32 v6, v11  }
0x2b8: {  	v59 =	vor.u32 $0x6, v5;
	v11 =	vld.idx.msk [tilespmem:v54+s11+$0x0], $0xffff  }
0x2b9: {  	v60 =	vor.u32 $0x6, v4;
	v14 =	vld.idx.msk [tilespmem:v55+s9+$0x0], $0xffff;
	v6 =	vadd.f32 $0.0e+00, v6;
	v7 =	vmul.f32 v8, v7  }
0x2ba: {  	v61 =	vor.u32 $0x7, v5;
	v8 =	vld.idx.msk [tilespmem:v56+s11+$0x0], $0xffff  }
0x2bb: {  	v62 =	vor.u32 $0x7, v4;
	v16 =	vld.idx.msk [tilespmem:v57+s9+$0x0], $0xffff;
	v6 =	vadd.f32 v7, v6;
	v7 =	vmul.f32 v10, v9  }
0x2bc: {  	v9 =	vld.idx.msk [tilespmem:v58+s11+$0x0], $0xffff;
	v10 =	vor.u32 $0x8, v5  }
0x2bd: {  	v63 =	vor.u32 $0x8, v4;
	v13 =	vld.idx.msk [tilespmem:v59+s9+$0x0], $0xffff;
	v6 =	vadd.f32 v7, v6;
	v7 =	vmul.f32 v11, v12  }
0x2be: {  	v21 =	vor.u32 $0x9, v5;
	v11 =	vld.idx.msk [tilespmem:v60+s11+$0x0], $0xffff  }
0x2bf: {  	v22 =	vor.u32 $0x9, v4;
	v15 =	vld.idx.msk [tilespmem:v61+s9+$0x0], $0xffff;
	v6 =	vadd.f32 v7, v6;
	v7 =	vmul.f32 v8, v14  }
0x2c0: {  	v23 =	vor.u32 $0xA, v5;
	v8 =	vld.idx.msk [tilespmem:v62+s11+$0x0], $0xffff  }
0x2c1: {  	v24 =	vor.u32 $0xA, v4;
	v10 =	vld.idx.msk [tilespmem:v10+s9+$0x0], $0xffff;
	v6 =	vadd.f32 v7, v6;
	v7 =	vmul.f32 v9, v16  }
0x2c2: {  	v25 =	vor.u32 $0xB, v5;
	v9 =	vld.idx.msk [tilespmem:v63+s11+$0x0], $0xffff  }
0x2c3: {  	v26 =	vor.u32 $0xB, v4;
	v12 =	vld.idx.msk [tilespmem:v21+s9+$0x0], $0xffff;
	v6 =	vadd.f32 v7, v6;
	v7 =	vmul.f32 v11, v13  }
0x2c4: {  	v27 =	vor.u32 $0xC, v5;
	v11 =	vld.idx.msk [tilespmem:v22+s11+$0x0], $0xffff  }
0x2c5: {  	v28 =	vor.u32 $0xC, v4;
	v14 =	vld.idx.msk [tilespmem:v23+s9+$0x0], $0xffff;
	v6 =	vadd.f32 v7, v6;
	v7 =	vmul.f32 v8, v15  }
0x2c6: {  	v29 =	vor.u32 $0xD, v5;
	v8 =	vld.idx.msk [tilespmem:v24+s11+$0x0], $0xffff  }
0x2c7: {  	v30 =	vor.u32 $0xD, v4;
	v16 =	vld.idx.msk [tilespmem:v25+s9+$0x0], $0xffff;
	v6 =	vadd.f32 v7, v6;
	v7 =	vmul.f32 v9, v10  }
0x2c8: {  	v9 =	vld.idx.msk [tilespmem:v26+s11+$0x0], $0xffff;
	v10 =	vor.u32 $0xE, v5  }
0x2c9: {  	v31 =	vor.u32 $0xE, v4;
	v13 =	vld.idx.msk [tilespmem:v27+s9+$0x0], $0xffff;
	v6 =	vadd.f32 v7, v6;
	v7 =	vmul.f32 v11, v12  }
0x2ca: {  	v32 =	vor.u32 $0xF, v5;
	v11 =	vld.idx.msk [tilespmem:v28+s11+$0x0], $0xffff  }
0x2cb: {  	v33 =	vor.u32 $0xF, v4;
	v15 =	vld.idx.msk [tilespmem:v29+s9+$0x0], $0xffff;
	v6 =	vadd.f32 v7, v6;
	v7 =	vmul.f32 v8, v14  }
0x2cc: {  	v34 =	vor.u32 $0x10, v5;
	v8 =	vld.idx.msk [tilespmem:v30+s11+$0x0], $0xffff  }
0x2cd: {  	v35 =	vor.u32 $0x10, v4;
	v10 =	vld.idx.msk [tilespmem:v10+s9+$0x0], $0xffff;
	v6 =	vadd.f32 v7, v6;
	v7 =	vmul.f32 v9, v16  }
0x2ce: {  	v36 =	vor.u32 $0x11, v5;
	v9 =	vld.idx.msk [tilespmem:v31+s11+$0x0], $0xffff  }
0x2cf: {  	v37 =	vor.u32 $0x11, v4;
	v12 =	vld.idx.msk [tilespmem:v32+s9+$0x0], $0xffff;
	v6 =	vadd.f32 v7, v6;
	v7 =	vmul.f32 v11, v13  }
0x2d0: {  	v38 =	vor.u32 $0x12, v5;
	v11 =	vld.idx.msk [tilespmem:v33+s11+$0x0], $0xffff  }
0x2d1: {  	v39 =	vor.u32 $0x12, v4;
	v14 =	vld.idx.msk [tilespmem:v34+s9+$0x0], $0xffff;
	v6 =	vadd.f32 v7, v6;
	v7 =	vmul.f32 v8, v15  }
0x2d2: {  	v40 =	vor.u32 $0x13, v5;
	v8 =	vld.idx.msk [tilespmem:v35+s11+$0x0], $0xffff  }
0x2d3: {  	v41 =	vor.u32 $0x13, v4;
	v16 =	vld.idx.msk [tilespmem:v36+s9+$0x0], $0xffff;
	v6 =	vadd.f32 v7, v6;
	v7 =	vmul.f32 v9, v10  }
0x2d4: {  	v9 =	vld.idx.msk [tilespmem:v37+s11+$0x0], $0xffff;
	v10 =	vor.u32 $0x14, v5  }
0x2d5: {  	v42 =	vor.u32 $0x14, v4;
	v13 =	vld.idx.msk [tilespmem:v38+s9+$0x0], $0xffff;
	v6 =	vadd.f32 v7, v6;
	v7 =	vmul.f32 v11, v12  }
0x2d6: {  	v43 =	vor.u32 $0x15, v5;
	v11 =	vld.idx.msk [tilespmem:v39+s11+$0x0], $0xffff  }
0x2d7: {  	v44 =	vor.u32 $0x15, v4;
	v15 =	vld.idx.msk [tilespmem:v40+s9+$0x0], $0xffff;
	v6 =	vadd.f32 v7, v6;
	v7 =	vmul.f32 v8, v14  }
0x2d8: {  	v45 =	vor.u32 $0x16, v5;
	v8 =	vld.idx.msk [tilespmem:v41+s11+$0x0], $0xffff  }
0x2d9: {  	v46 =	vor.u32 $0x16, v4;
	v10 =	vld.idx.msk [tilespmem:v10+s9+$0x0], $0xffff;
	v6 =	vadd.f32 v7, v6;
	v7 =	vmul.f32 v9, v16  }
0x2da: {  	v47 =	vor.u32 $0x17, v5;
	v9 =	vld.idx.msk [tilespmem:v42+s11+$0x0], $0xffff  }
0x2db: {  	v48 =	vor.u32 $0x17, v4;
	v12 =	vld.idx.msk [tilespmem:v43+s9+$0x0], $0xffff;
	v6 =	vadd.f32 v7, v6;
	v7 =	vmul.f32 v11, v13  }
0x2dc: {  	v49 =	vor.u32 $0x18, v5;
	v11 =	vld.idx.msk [tilespmem:v44+s11+$0x0], $0xffff  }
0x2dd: {  	v50 =	vor.u32 $0x18, v4;
	v14 =	vld.idx.msk [tilespmem:v45+s9+$0x0], $0xffff;
	v6 =	vadd.f32 v7, v6;
	v7 =	vmul.f32 v8, v15  }
0x2de: {  	v51 =	vor.u32 $0x19, v5;
	v8 =	vld.idx.msk [tilespmem:v46+s11+$0x0], $0xffff  }
0x2df: {  	v52 =	vor.u32 $0x19, v4;
	v16 =	vld.idx.msk [tilespmem:v47+s9+$0x0], $0xffff;
	v6 =	vadd.f32 v7, v6;
	v7 =	vmul.f32 v9, v10  }
0x2e0: {  	v9 =	vld.idx.msk [tilespmem:v48+s11+$0x0], $0xffff;
	v10 =	vor.u32 $0x1A, v5  }
0x2e1: {  	v53 =	vor.u32 $0x1A, v4;
	v13 =	vld.idx.msk [tilespmem:v49+s9+$0x0], $0xffff;
	v6 =	vadd.f32 v7, v6;
	v7 =	vmul.f32 v11, v12  }
0x2e2: {  	v54 =	vor.u32 $0x1B, v5;
	v11 =	vld.idx.msk [tilespmem:v50+s11+$0x0], $0xffff  }
0x2e3: {  	v55 =	vor.u32 $0x1B, v4;
	v15 =	vld.idx.msk [tilespmem:v51+s9+$0x0], $0xffff;
	v6 =	vadd.f32 v7, v6;
	v7 =	vmul.f32 v8, v14  }
0x2e4: {  	v56 =	vor.u32 $0x1C, v5;
	v8 =	vld.idx.msk [tilespmem:v52+s11+$0x0], $0xffff  }
0x2e5: {  	v57 =	vor.u32 $0x1C, v4;
	v10 =	vld.idx.msk [tilespmem:v10+s9+$0x0], $0xffff;
	v6 =	vadd.f32 v7, v6;
	v7 =	vmul.f32 v9, v16  }
0x2e6: {  	v9 =	vld.idx.msk [tilespmem:v53+s11+$0x0], $0xffff  }
0x2e7: {  	v58 =	vor.u32 $0x1D, v5;
	v12 =	vld.idx.msk [tilespmem:v54+s9+$0x0], $0xffff;
	v6 =	vadd.f32 v7, v6;
	v7 =	vmul.f32 v11, v13  }
0x2e8: {  	v59 =	vor.u32 $0x1D, v4;
	v11 =	vld.idx.msk [tilespmem:v55+s11+$0x0], $0xffff  }
0x2e9: {  	v60 =	vor.u32 $0x1E, v5;
	v14 =	vld.idx.msk [tilespmem:v56+s9+$0x0], $0xffff;
	v6 =	vadd.f32 v7, v6;
	v7 =	vmul.f32 v8, v15  }
0x2ea: {  	v61 =	vor.u32 $0x1E, v4;
	v8 =	vld.idx.msk [tilespmem:v57+s11+$0x0], $0xffff  }
0x2eb: {  	v5 =	vor.u32 $0x1F, v5;
	v6 =	vadd.f32 v7, v6;
	v7 =	vmul.f32 v9, v10  }
0x2ec: {  	v4 =	vor.u32 $0x1F, v4;
	v62 =	vld.idx.msk [tilespmem:v58+s9+$0x0], $0xffff  }
0x2ed: {  	v9 =	vld.idx.msk [tilespmem:v59+s11+$0x0], $0xffff;
	v6 =	vadd.f32 v7, v6;
	v7 =	vmul.f32 v11, v12  }
0x2ee: {  	v10 =	vld.idx.msk [tilespmem:v60+s9+$0x0], $0xffff  }
0x2ef: {  	v11 =	vld.idx.msk [tilespmem:v61+s11+$0x0], $0xffff;
	v6 =	vadd.f32 v7, v6;
	v7 =	vmul.f32 v8, v14  }
0x2f0: {  	v5 =	vld.idx.msk [tilespmem:v5+s9+$0x0], $0xffff  }
0x2f1: {  	v7 =	vadd.f32 v7, v6;
	v6 =	vld.idx.msk [tilespmem:v4+s11+$0x0], $0xffff  }
0x2f2: {  	v8 =	vmul.f32 v9, v62  }
0x2f3: {  	s31 =	simm.s32 $0x120  }
0x2f4: {  	v63 =	vmov s31;
	v9 =	vmul.f32 v11, v10;
	v8 =	vadd.f32 v8, v7  }
0x2f5: {  	s20 =	simm.s32 $0x130;
	v7 =	vshll.u32 v63, $0x5  }
.LBB2_6:
0x2f6: {  	p0 =	sne.s32 s20, $0x170;
	v4 =	vadd.s32 v2, v7;
	v8 =	vadd.f32 v9, v8;
	v6 =	vmul.f32 v6, v5  }
0x2f7: {  	v5 =	vor.u32 v0, v7  }
0x2f8: {  	v7 =	vor.u32 $0x1, v5;
	v6 =	vadd.f32 v6, v8  }
0x2f9: {  	s19 =	sadd.s32 $0x10, s19;
	v8 =	vor.u32 $0x1, v4  }
0x2fa: {  	v9 =	vor.u32 $0x2, v5;
	[tilespmem:s19+$0x0] =	vst v6  }
0x2fb: {  	v10 =	vor.u32 $0x2, v4;
	v6 =	vld.idx.msk [tilespmem:v4+s11+$0x0], $0xffff  }
0x2fc: {  	v12 =	vor.u32 $0x3, v5;
	v11 =	vld.idx.msk [tilespmem:v5+s9+$0x0], $0xffff  }
0x2fd: {  	v13 =	vor.u32 $0x3, v4;
	v7 =	vld.idx.msk [tilespmem:v7+s9+$0x0], $0xffff  }
0x2fe: {  	v14 =	vor.u32 $0x4, v5;
	v8 =	vld.idx.msk [tilespmem:v8+s11+$0x0], $0xffff  }
0x2ff: {  	v15 =	vor.u32 $0x4, v4;
	v9 =	vld.idx.msk [tilespmem:v9+s9+$0x0], $0xffff  }
0x300: {  	v16 =	vor.u32 $0x5, v5;
	v10 =	vld.idx.msk [tilespmem:v10+s11+$0x0], $0xffff  }
0x301: {  	v17 =	vor.u32 $0x5, v4;
	v12 =	vld.idx.msk [tilespmem:v12+s9+$0x0], $0xffff  }
0x302: {  	v6 =	vmul.f32 v6, v11;
	v11 =	vld.idx.msk [tilespmem:v13+s11+$0x0], $0xffff;
	v13 =	vor.u32 $0x6, v5  }
0x303: {  	v18 =	vor.u32 $0x6, v4;
	v14 =	vld.idx.msk [tilespmem:v14+s9+$0x0], $0xffff  }
0x304: {  	v6 =	vadd.f32 $0.0e+00, v6;
	v7 =	vmul.f32 v8, v7;
	v8 =	vld.idx.msk [tilespmem:v15+s11+$0x0], $0xffff;
	v15 =	vor.u32 $0x7, v5  }
0x305: {  	v19 =	vor.u32 $0x7, v4;
	v16 =	vld.idx.msk [tilespmem:v16+s9+$0x0], $0xffff  }
0x306: {  	v6 =	vadd.f32 v7, v6;
	v7 =	vmul.f32 v10, v9;
	v10 =	vor.u32 $0x8, v5;
	v9 =	vld.idx.msk [tilespmem:v17+s11+$0x0], $0xffff  }
0x307: {  	v17 =	vor.u32 $0x8, v4;
	v13 =	vld.idx.msk [tilespmem:v13+s9+$0x0], $0xffff  }
0x308: {  	v6 =	vadd.f32 v7, v6;
	v7 =	vmul.f32 v11, v12;
	v12 =	vor.u32 $0x9, v5;
	v11 =	vld.idx.msk [tilespmem:v18+s11+$0x0], $0xffff  }
0x309: {  	v18 =	vor.u32 $0x9, v4;
	v15 =	vld.idx.msk [tilespmem:v15+s9+$0x0], $0xffff  }
0x30a: {  	v6 =	vadd.f32 v7, v6;
	v7 =	vmul.f32 v8, v14;
	v14 =	vor.u32 $0xA, v5;
	v8 =	vld.idx.msk [tilespmem:v19+s11+$0x0], $0xffff  }
0x30b: {  	v19 =	vor.u32 $0xA, v4;
	v10 =	vld.idx.msk [tilespmem:v10+s9+$0x0], $0xffff  }
0x30c: {  	v6 =	vadd.f32 v7, v6;
	v7 =	vmul.f32 v9, v16;
	v16 =	vor.u32 $0xB, v5;
	v9 =	vld.idx.msk [tilespmem:v17+s11+$0x0], $0xffff  }
0x30d: {  	v17 =	vor.u32 $0xB, v4;
	v12 =	vld.idx.msk [tilespmem:v12+s9+$0x0], $0xffff  }
0x30e: {  	v6 =	vadd.f32 v7, v6;
	v7 =	vmul.f32 v11, v13;
	v13 =	vor.u32 $0xC, v5;
	v11 =	vld.idx.msk [tilespmem:v18+s11+$0x0], $0xffff  }
0x30f: {  	v18 =	vor.u32 $0xC, v4;
	v14 =	vld.idx.msk [tilespmem:v14+s9+$0x0], $0xffff  }
0x310: {  	v6 =	vadd.f32 v7, v6;
	v7 =	vmul.f32 v8, v15;
	v15 =	vor.u32 $0xD, v5;
	v8 =	vld.idx.msk [tilespmem:v19+s11+$0x0], $0xffff  }
0x311: {  	v19 =	vor.u32 $0xD, v4;
	v16 =	vld.idx.msk [tilespmem:v16+s9+$0x0], $0xffff  }
0x312: {  	v6 =	vadd.f32 v7, v6;
	v7 =	vmul.f32 v9, v10;
	v10 =	vor.u32 $0xE, v5;
	v9 =	vld.idx.msk [tilespmem:v17+s11+$0x0], $0xffff  }
0x313: {  	v17 =	vor.u32 $0xE, v4;
	v13 =	vld.idx.msk [tilespmem:v13+s9+$0x0], $0xffff  }
0x314: {  	v6 =	vadd.f32 v7, v6;
	v7 =	vmul.f32 v11, v12;
	v12 =	vor.u32 $0xF, v5;
	v11 =	vld.idx.msk [tilespmem:v18+s11+$0x0], $0xffff  }
0x315: {  	v18 =	vor.u32 $0xF, v4;
	v15 =	vld.idx.msk [tilespmem:v15+s9+$0x0], $0xffff  }
0x316: {  	v6 =	vadd.f32 v7, v6;
	v7 =	vmul.f32 v8, v14;
	v14 =	vor.u32 $0x10, v5;
	v8 =	vld.idx.msk [tilespmem:v19+s11+$0x0], $0xffff  }
0x317: {  	v19 =	vor.u32 $0x10, v4;
	v10 =	vld.idx.msk [tilespmem:v10+s9+$0x0], $0xffff  }
0x318: {  	v6 =	vadd.f32 v7, v6;
	v7 =	vmul.f32 v9, v16;
	v16 =	vor.u32 $0x11, v5;
	v9 =	vld.idx.msk [tilespmem:v17+s11+$0x0], $0xffff  }
0x319: {  	v17 =	vor.u32 $0x11, v4;
	v12 =	vld.idx.msk [tilespmem:v12+s9+$0x0], $0xffff  }
0x31a: {  	v6 =	vadd.f32 v7, v6;
	v7 =	vmul.f32 v11, v13;
	v13 =	vor.u32 $0x12, v5;
	v11 =	vld.idx.msk [tilespmem:v18+s11+$0x0], $0xffff  }
0x31b: {  	v18 =	vor.u32 $0x12, v4;
	v14 =	vld.idx.msk [tilespmem:v14+s9+$0x0], $0xffff  }
0x31c: {  	v6 =	vadd.f32 v7, v6;
	v7 =	vmul.f32 v8, v15;
	v15 =	vor.u32 $0x13, v5;
	v8 =	vld.idx.msk [tilespmem:v19+s11+$0x0], $0xffff  }
0x31d: {  	v19 =	vor.u32 $0x13, v4;
	v16 =	vld.idx.msk [tilespmem:v16+s9+$0x0], $0xffff  }
0x31e: {  	v6 =	vadd.f32 v7, v6;
	v7 =	vmul.f32 v9, v10;
	v10 =	vor.u32 $0x14, v5;
	v9 =	vld.idx.msk [tilespmem:v17+s11+$0x0], $0xffff  }
0x31f: {  	v17 =	vor.u32 $0x14, v4;
	v13 =	vld.idx.msk [tilespmem:v13+s9+$0x0], $0xffff  }
0x320: {  	v6 =	vadd.f32 v7, v6;
	v7 =	vmul.f32 v11, v12;
	v12 =	vor.u32 $0x15, v5;
	v11 =	vld.idx.msk [tilespmem:v18+s11+$0x0], $0xffff  }
0x321: {  	v18 =	vor.u32 $0x15, v4;
	v15 =	vld.idx.msk [tilespmem:v15+s9+$0x0], $0xffff  }
0x322: {  	v6 =	vadd.f32 v7, v6;
	v7 =	vmul.f32 v8, v14;
	v14 =	vor.u32 $0x16, v5;
	v8 =	vld.idx.msk [tilespmem:v19+s11+$0x0], $0xffff  }
0x323: {  	v19 =	vor.u32 $0x16, v4;
	v10 =	vld.idx.msk [tilespmem:v10+s9+$0x0], $0xffff  }
0x324: {  	v6 =	vadd.f32 v7, v6;
	v7 =	vmul.f32 v9, v16;
	v16 =	vor.u32 $0x17, v5;
	v9 =	vld.idx.msk [tilespmem:v17+s11+$0x0], $0xffff  }
0x325: {  	v17 =	vor.u32 $0x17, v4;
	v12 =	vld.idx.msk [tilespmem:v12+s9+$0x0], $0xffff  }
0x326: {  	v6 =	vadd.f32 v7, v6;
	v7 =	vmul.f32 v11, v13;
	v13 =	vor.u32 $0x18, v5;
	v11 =	vld.idx.msk [tilespmem:v18+s11+$0x0], $0xffff  }
0x327: {  	v18 =	vor.u32 $0x18, v4;
	v14 =	vld.idx.msk [tilespmem:v14+s9+$0x0], $0xffff  }
0x328: {  	v6 =	vadd.f32 v7, v6;
	v7 =	vmul.f32 v8, v15;
	v15 =	vor.u32 $0x19, v5;
	v8 =	vld.idx.msk [tilespmem:v19+s11+$0x0], $0xffff  }
0x329: {  	v19 =	vor.u32 $0x19, v4;
	v16 =	vld.idx.msk [tilespmem:v16+s9+$0x0], $0xffff  }
0x32a: {  	v6 =	vadd.f32 v7, v6;
	v7 =	vmul.f32 v9, v10;
	v10 =	vor.u32 $0x1A, v5;
	v9 =	vld.idx.msk [tilespmem:v17+s11+$0x0], $0xffff  }
0x32b: {  	v17 =	vor.u32 $0x1A, v4;
	v13 =	vld.idx.msk [tilespmem:v13+s9+$0x0], $0xffff  }
0x32c: {  	v6 =	vadd.f32 v7, v6;
	v7 =	vmul.f32 v11, v12;
	v12 =	vor.u32 $0x1B, v5;
	v11 =	vld.idx.msk [tilespmem:v18+s11+$0x0], $0xffff  }
0x32d: {  	v18 =	vor.u32 $0x1B, v4;
	v15 =	vld.idx.msk [tilespmem:v15+s9+$0x0], $0xffff  }
0x32e: {  	v6 =	vadd.f32 v7, v6;
	v7 =	vmul.f32 v8, v14;
	v14 =	vor.u32 $0x1C, v5;
	v8 =	vld.idx.msk [tilespmem:v19+s11+$0x0], $0xffff  }
0x32f: {  	v19 =	vor.u32 $0x1C, v4;
	v10 =	vld.idx.msk [tilespmem:v10+s9+$0x0], $0xffff  }
0x330: {  	v6 =	vadd.f32 v7, v6;
	v7 =	vmul.f32 v9, v16;
	v16 =	vor.u32 $0x1D, v5;
	v9 =	vld.idx.msk [tilespmem:v17+s11+$0x0], $0xffff  }
0x331: {  	v17 =	vor.u32 $0x1D, v4;
	v12 =	vld.idx.msk [tilespmem:v12+s9+$0x0], $0xffff  }
0x332: {  	v6 =	vadd.f32 v7, v6;
	v7 =	vmul.f32 v11, v13;
	v13 =	vor.u32 $0x1E, v5;
	v11 =	vld.idx.msk [tilespmem:v18+s11+$0x0], $0xffff  }
0x333: {  	v18 =	vor.u32 $0x1E, v4;
	v14 =	vld.idx.msk [tilespmem:v14+s9+$0x0], $0xffff  }
0x334: {  	v5 =	vor.u32 $0x1F, v5;
	v6 =	vadd.f32 v7, v6;
	v7 =	vmul.f32 v8, v15;
	v8 =	vld.idx.msk [tilespmem:v19+s11+$0x0], $0xffff  }
0x335: {  	v4 =	vor.u32 $0x1F, v4;
	v15 =	vld.idx.msk [tilespmem:v16+s9+$0x0], $0xffff  }
0x336: {  	v6 =	vadd.f32 v7, v6;
	v7 =	vmul.f32 v9, v10;
	v9 =	vld.idx.msk [tilespmem:v17+s11+$0x0], $0xffff  }
0x337: {  	v10 =	vld.idx.msk [tilespmem:v13+s9+$0x0], $0xffff  }
0x338: {  	v6 =	vadd.f32 v7, v6;
	v7 =	vmul.f32 v11, v12;
	v11 =	vld.idx.msk [tilespmem:v18+s11+$0x0], $0xffff  }
0x339: {  	v5 =	vld.idx.msk [tilespmem:v5+s9+$0x0], $0xffff  }
0x33a: {  	v7 =	vadd.f32 v7, v6;
	v8 =	vmul.f32 v8, v14;
	v6 =	vld.idx.msk [tilespmem:v4+s11+$0x0], $0xffff  }
.Ltmp2:
0x33b: {  	(pc) =	sbr.rel @p0 .LBB2_6-.Ltmp2, $3  }
0x33c: {  	v4 =	vadd.f32 v8, v7;
	v7 =	vmul.f32 v9, v15;
	_ =	sdelay $0x1  }
0x33d: {  	v12 =	vmov s20;
	v8 =	vadd.f32 v7, v4;
	v9 =	vmul.f32 v11, v10  }
0x33e: {  	s20 =	sadd.s32 $0x10, s20;
	v7 =	vshll.u32 v12, $0x5  }
0x33f: {  	v4 =	vadd.s32 v2, v7;
	v8 =	vadd.f32 v9, v8;
	v6 =	vmul.f32 v6, v5  }
0x340: {  	v5 =	vor.u32 v0, v7  }
0x341: {  	v7 =	vor.u32 $0x1, v5;
	v6 =	vadd.f32 v6, v8  }
0x342: {  	s19 =	sadd.s32 $0x10, s19;
	v8 =	vor.u32 $0x1, v4  }
0x343: {  	v9 =	vor.u32 $0x2, v5;
	[tilespmem:s19+$0x0] =	vst v6  }
0x344: {  	v10 =	vor.u32 $0x2, v4;
	v6 =	vld.idx.msk [tilespmem:v4+s11+$0x0], $0xffff  }
0x345: {  	v12 =	vor.u32 $0x3, v5;
	v11 =	vld.idx.msk [tilespmem:v5+s9+$0x0], $0xffff  }
0x346: {  	v13 =	vor.u32 $0x3, v4;
	v7 =	vld.idx.msk [tilespmem:v7+s9+$0x0], $0xffff  }
0x347: {  	v14 =	vor.u32 $0x4, v5;
	v8 =	vld.idx.msk [tilespmem:v8+s11+$0x0], $0xffff  }
0x348: {  	v15 =	vor.u32 $0x4, v4;
	v9 =	vld.idx.msk [tilespmem:v9+s9+$0x0], $0xffff  }
0x349: {  	v16 =	vor.u32 $0x5, v5;
	v10 =	vld.idx.msk [tilespmem:v10+s11+$0x0], $0xffff  }
0x34a: {  	v17 =	vor.u32 $0x5, v4;
	v12 =	vld.idx.msk [tilespmem:v12+s9+$0x0], $0xffff;
	v6 =	vmul.f32 v6, v11  }
0x34b: {  	v41 =	vor.u32 $0x6, v5;
	v11 =	vld.idx.msk [tilespmem:v13+s11+$0x0], $0xffff  }
0x34c: {  	v18 =	vor.u32 $0x6, v4;
	v14 =	vld.idx.msk [tilespmem:v14+s9+$0x0], $0xffff;
	v6 =	vadd.f32 $0.0e+00, v6;
	v7 =	vmul.f32 v8, v7  }
0x34d: {  	v42 =	vor.u32 $0x7, v5;
	v8 =	vld.idx.msk [tilespmem:v15+s11+$0x0], $0xffff  }
0x34e: {  	v19 =	vor.u32 $0x7, v4;
	v16 =	vld.idx.msk [tilespmem:v16+s9+$0x0], $0xffff;
	v6 =	vadd.f32 v7, v6;
	v7 =	vmul.f32 v10, v9  }
0x34f: {  	v9 =	vld.idx.msk [tilespmem:v17+s11+$0x0], $0xffff;
	v10 =	vor.u32 $0x8, v5  }
0x350: {  	v43 =	vor.u32 $0x8, v4;
	v13 =	vld.idx.msk [tilespmem:v41+s9+$0x0], $0xffff;
	v6 =	vadd.f32 v7, v6;
	v7 =	vmul.f32 v11, v12  }
0x351: {  	v44 =	vor.u32 $0x9, v5;
	v11 =	vld.idx.msk [tilespmem:v18+s11+$0x0], $0xffff  }
0x352: {  	v45 =	vor.u32 $0x9, v4;
	v15 =	vld.idx.msk [tilespmem:v42+s9+$0x0], $0xffff;
	v6 =	vadd.f32 v7, v6;
	v7 =	vmul.f32 v8, v14  }
0x353: {  	v46 =	vor.u32 $0xA, v5;
	v8 =	vld.idx.msk [tilespmem:v19+s11+$0x0], $0xffff  }
0x354: {  	v47 =	vor.u32 $0xA, v4;
	v10 =	vld.idx.msk [tilespmem:v10+s9+$0x0], $0xffff;
	v6 =	vadd.f32 v7, v6;
	v7 =	vmul.f32 v9, v16  }
0x355: {  	v48 =	vor.u32 $0xB, v5;
	v9 =	vld.idx.msk [tilespmem:v43+s11+$0x0], $0xffff  }
0x356: {  	v49 =	vor.u32 $0xB, v4;
	v12 =	vld.idx.msk [tilespmem:v44+s9+$0x0], $0xffff;
	v6 =	vadd.f32 v7, v6;
	v7 =	vmul.f32 v11, v13  }
0x357: {  	v50 =	vor.u32 $0xC, v5;
	v11 =	vld.idx.msk [tilespmem:v45+s11+$0x0], $0xffff  }
0x358: {  	v51 =	vor.u32 $0xC, v4;
	v14 =	vld.idx.msk [tilespmem:v46+s9+$0x0], $0xffff;
	v6 =	vadd.f32 v7, v6;
	v7 =	vmul.f32 v8, v15  }
0x359: {  	v52 =	vor.u32 $0xD, v5;
	v8 =	vld.idx.msk [tilespmem:v47+s11+$0x0], $0xffff  }
0x35a: {  	v53 =	vor.u32 $0xD, v4;
	v16 =	vld.idx.msk [tilespmem:v48+s9+$0x0], $0xffff;
	v6 =	vadd.f32 v7, v6;
	v7 =	vmul.f32 v9, v10  }
0x35b: {  	v9 =	vld.idx.msk [tilespmem:v49+s11+$0x0], $0xffff;
	v10 =	vor.u32 $0xE, v5  }
0x35c: {  	v54 =	vor.u32 $0xE, v4;
	v13 =	vld.idx.msk [tilespmem:v50+s9+$0x0], $0xffff;
	v6 =	vadd.f32 v7, v6;
	v7 =	vmul.f32 v11, v12  }
0x35d: {  	v55 =	vor.u32 $0xF, v5;
	v11 =	vld.idx.msk [tilespmem:v51+s11+$0x0], $0xffff  }
0x35e: {  	v56 =	vor.u32 $0xF, v4;
	v15 =	vld.idx.msk [tilespmem:v52+s9+$0x0], $0xffff;
	v6 =	vadd.f32 v7, v6;
	v7 =	vmul.f32 v8, v14  }
0x35f: {  	v57 =	vor.u32 $0x10, v5;
	v8 =	vld.idx.msk [tilespmem:v53+s11+$0x0], $0xffff  }
0x360: {  	v58 =	vor.u32 $0x10, v4;
	v10 =	vld.idx.msk [tilespmem:v10+s9+$0x0], $0xffff;
	v6 =	vadd.f32 v7, v6;
	v7 =	vmul.f32 v9, v16  }
0x361: {  	v59 =	vor.u32 $0x11, v5;
	v9 =	vld.idx.msk [tilespmem:v54+s11+$0x0], $0xffff  }
0x362: {  	v60 =	vor.u32 $0x11, v4;
	v12 =	vld.idx.msk [tilespmem:v55+s9+$0x0], $0xffff;
	v6 =	vadd.f32 v7, v6;
	v7 =	vmul.f32 v11, v13  }
0x363: {  	v61 =	vor.u32 $0x12, v5;
	v11 =	vld.idx.msk [tilespmem:v56+s11+$0x0], $0xffff  }
0x364: {  	v62 =	vor.u32 $0x12, v4;
	v14 =	vld.idx.msk [tilespmem:v57+s9+$0x0], $0xffff;
	v6 =	vadd.f32 v7, v6;
	v7 =	vmul.f32 v8, v15  }
0x365: {  	v63 =	vor.u32 $0x13, v5;
	v8 =	vld.idx.msk [tilespmem:v58+s11+$0x0], $0xffff  }
0x366: {  	v21 =	vor.u32 $0x13, v4;
	v16 =	vld.idx.msk [tilespmem:v59+s9+$0x0], $0xffff;
	v6 =	vadd.f32 v7, v6;
	v7 =	vmul.f32 v9, v10  }
0x367: {  	v9 =	vld.idx.msk [tilespmem:v60+s11+$0x0], $0xffff;
	v10 =	vor.u32 $0x14, v5  }
0x368: {  	v22 =	vor.u32 $0x14, v4;
	v13 =	vld.idx.msk [tilespmem:v61+s9+$0x0], $0xffff;
	v6 =	vadd.f32 v7, v6;
	v7 =	vmul.f32 v11, v12  }
0x369: {  	v23 =	vor.u32 $0x15, v5;
	v11 =	vld.idx.msk [tilespmem:v62+s11+$0x0], $0xffff  }
0x36a: {  	v24 =	vor.u32 $0x15, v4;
	v15 =	vld.idx.msk [tilespmem:v63+s9+$0x0], $0xffff;
	v6 =	vadd.f32 v7, v6;
	v7 =	vmul.f32 v8, v14  }
0x36b: {  	v25 =	vor.u32 $0x16, v5;
	v8 =	vld.idx.msk [tilespmem:v21+s11+$0x0], $0xffff  }
0x36c: {  	v26 =	vor.u32 $0x16, v4;
	v10 =	vld.idx.msk [tilespmem:v10+s9+$0x0], $0xffff;
	v6 =	vadd.f32 v7, v6;
	v7 =	vmul.f32 v9, v16  }
0x36d: {  	v27 =	vor.u32 $0x17, v5;
	v9 =	vld.idx.msk [tilespmem:v22+s11+$0x0], $0xffff  }
0x36e: {  	v28 =	vor.u32 $0x17, v4;
	v12 =	vld.idx.msk [tilespmem:v23+s9+$0x0], $0xffff;
	v6 =	vadd.f32 v7, v6;
	v7 =	vmul.f32 v11, v13  }
0x36f: {  	v29 =	vor.u32 $0x18, v5;
	v11 =	vld.idx.msk [tilespmem:v24+s11+$0x0], $0xffff  }
0x370: {  	v30 =	vor.u32 $0x18, v4;
	v14 =	vld.idx.msk [tilespmem:v25+s9+$0x0], $0xffff;
	v6 =	vadd.f32 v7, v6;
	v7 =	vmul.f32 v8, v15  }
0x371: {  	v31 =	vor.u32 $0x19, v5;
	v8 =	vld.idx.msk [tilespmem:v26+s11+$0x0], $0xffff  }
0x372: {  	v32 =	vor.u32 $0x19, v4;
	v16 =	vld.idx.msk [tilespmem:v27+s9+$0x0], $0xffff;
	v6 =	vadd.f32 v7, v6;
	v7 =	vmul.f32 v9, v10  }
0x373: {  	v9 =	vld.idx.msk [tilespmem:v28+s11+$0x0], $0xffff;
	v10 =	vor.u32 $0x1A, v5  }
0x374: {  	v33 =	vor.u32 $0x1A, v4;
	v13 =	vld.idx.msk [tilespmem:v29+s9+$0x0], $0xffff;
	v6 =	vadd.f32 v7, v6;
	v7 =	vmul.f32 v11, v12  }
0x375: {  	v34 =	vor.u32 $0x1B, v5;
	v11 =	vld.idx.msk [tilespmem:v30+s11+$0x0], $0xffff  }
0x376: {  	v35 =	vor.u32 $0x1B, v4;
	v15 =	vld.idx.msk [tilespmem:v31+s9+$0x0], $0xffff;
	v6 =	vadd.f32 v7, v6;
	v7 =	vmul.f32 v8, v14  }
0x377: {  	v36 =	vor.u32 $0x1C, v5;
	v8 =	vld.idx.msk [tilespmem:v32+s11+$0x0], $0xffff  }
0x378: {  	v37 =	vor.u32 $0x1C, v4;
	v10 =	vld.idx.msk [tilespmem:v10+s9+$0x0], $0xffff;
	v6 =	vadd.f32 v7, v6;
	v7 =	vmul.f32 v9, v16  }
0x379: {  	v38 =	vor.u32 $0x1D, v5;
	v9 =	vld.idx.msk [tilespmem:v33+s11+$0x0], $0xffff  }
0x37a: {  	v39 =	vor.u32 $0x1D, v4;
	v12 =	vld.idx.msk [tilespmem:v34+s9+$0x0], $0xffff;
	v6 =	vadd.f32 v7, v6;
	v7 =	vmul.f32 v11, v13  }
0x37b: {  	v40 =	vor.u32 $0x1E, v5;
	v11 =	vld.idx.msk [tilespmem:v35+s11+$0x0], $0xffff  }
0x37c: {  	v41 =	vor.u32 $0x1E, v4;
	v14 =	vld.idx.msk [tilespmem:v36+s9+$0x0], $0xffff;
	v6 =	vadd.f32 v7, v6;
	v7 =	vmul.f32 v8, v15  }
0x37d: {  	v4 =	vor.u32 $0x1F, v4;
	v8 =	vld.idx.msk [tilespmem:v37+s11+$0x0], $0xffff  }
0x37e: {  	v42 =	vld.idx.msk [tilespmem:v38+s9+$0x0], $0xffff;
	v5 =	vor.u32 $0x1F, v5;
	v6 =	vadd.f32 v7, v6;
	v7 =	vmul.f32 v9, v10  }
0x37f: {  	v9 =	vld.idx.msk [tilespmem:v39+s11+$0x0], $0xffff  }
0x380: {  	v10 =	vld.idx.msk [tilespmem:v40+s9+$0x0], $0xffff;
	v6 =	vadd.f32 v7, v6;
	v7 =	vmul.f32 v11, v12  }
0x381: {  	v11 =	vld.idx.msk [tilespmem:v41+s11+$0x0], $0xffff  }
0x382: {  	v4 =	vld.idx.msk [tilespmem:v4+s11+$0x0], $0xffff;
	v6 =	vadd.f32 v7, v6;
	v7 =	vmul.f32 v8, v14  }
0x383: {  	v5 =	vld.idx.msk [tilespmem:v5+s9+$0x0], $0xffff  }
0x384: {  	v6 =	vadd.f32 v7, v6;
	v7 =	vmul.f32 v9, v42;
	_ =	sdelay $0x1  }
0x385: {  	v6 =	vadd.f32 v7, v6;
	v7 =	vmul.f32 v11, v10;
	_ =	sdelay $0x1  }
0x386: {  	s20 =	simm.s32 $0x180;
	v4 =	vmul.f32 v4, v5;
	v6 =	vadd.f32 v7, v6  }
0x387: {  	v5 =	vmov s20  }
0x388: {  	v5 =	vshll.u32 v5, $0x5;
	v6 =	vadd.f32 v4, v6  }
0x389: {  	s19 =	sadd.s32 $0x10, s19;
	v4 =	vadd.s32 v3, v5  }
0x38a: {  	v5 =	vor.u32 v0, v5;
	[tilespmem:s19+$0x0] =	vst v6  }
0x38b: {  	v7 =	vor.u32 $0x1, v4;
	_ =	swait.ge [sflag:s15], $0x1000  }
0x38c: {  	v6 =	vor.u32 $0x1, v5;
	[sflag:s15] =	ssyncset.done $0x0  }
0x38d: {  	v8 =	vor.u32 $0x2, v5;
	[sflag:s15] =	ssyncadd.s32 $0xFFFFF000  }
0x38e: {  	v10 =	vor.u32 $0x2, v4;
	v9 =	vld.idx.msk [tilespmem:v4+s12+$0x0], $0xffff  }
0x38f: {  	v43 =	vor.u32 $0x3, v5;
	v11 =	vld.idx.msk [tilespmem:v5+s9+$0x0], $0xffff  }
0x390: {  	v44 =	vor.u32 $0x3, v4;
	v7 =	vld.idx.msk [tilespmem:v7+s12+$0x0], $0xffff  }
0x391: {  	v45 =	vor.u32 $0x4, v5;
	v6 =	vld.idx.msk [tilespmem:v6+s9+$0x0], $0xffff  }
0x392: {  	v46 =	vor.u32 $0x4, v4;
	v8 =	vld.idx.msk [tilespmem:v8+s9+$0x0], $0xffff  }
0x393: {  	v47 =	vor.u32 $0x5, v5;
	v10 =	vld.idx.msk [tilespmem:v10+s12+$0x0], $0xffff  }
0x394: {  	v48 =	vor.u32 $0x5, v4;
	v12 =	vld.idx.msk [tilespmem:v43+s9+$0x0], $0xffff;
	v9 =	vmul.f32 v9, v11  }
0x395: {  	v49 =	vor.u32 $0x6, v5;
	v11 =	vld.idx.msk [tilespmem:v44+s12+$0x0], $0xffff  }
0x396: {  	v50 =	vor.u32 $0x6, v4;
	v14 =	vld.idx.msk [tilespmem:v45+s9+$0x0], $0xffff;
	v6 =	vmul.f32 v7, v6;
	v9 =	vadd.f32 $0.0e+00, v9  }
0x397: {  	v51 =	vor.u32 $0x7, v5;
	v7 =	vld.idx.msk [tilespmem:v46+s12+$0x0], $0xffff  }
0x398: {  	v52 =	vor.u32 $0x7, v4;
	v16 =	vld.idx.msk [tilespmem:v47+s9+$0x0], $0xffff;
	v8 =	vmul.f32 v10, v8;
	v6 =	vadd.f32 v6, v9  }
0x399: {  	v10 =	vor.u32 $0x8, v5;
	v9 =	vld.idx.msk [tilespmem:v48+s12+$0x0], $0xffff  }
0x39a: {  	v53 =	vor.u32 $0x8, v4;
	v13 =	vld.idx.msk [tilespmem:v49+s9+$0x0], $0xffff;
	v6 =	vadd.f32 v8, v6;
	v8 =	vmul.f32 v11, v12  }
0x39b: {  	v54 =	vor.u32 $0x9, v5;
	v11 =	vld.idx.msk [tilespmem:v50+s12+$0x0], $0xffff  }
0x39c: {  	v55 =	vor.u32 $0x9, v4;
	v15 =	vld.idx.msk [tilespmem:v51+s9+$0x0], $0xffff;
	v7 =	vmul.f32 v7, v14;
	v6 =	vadd.f32 v8, v6  }
0x39d: {  	v56 =	vor.u32 $0xA, v5;
	v8 =	vld.idx.msk [tilespmem:v52+s12+$0x0], $0xffff  }
0x39e: {  	v57 =	vor.u32 $0xA, v4;
	v10 =	vld.idx.msk [tilespmem:v10+s9+$0x0], $0xffff;
	v6 =	vadd.f32 v7, v6;
	v7 =	vmul.f32 v9, v16  }
0x39f: {  	v58 =	vor.u32 $0xB, v5;
	v9 =	vld.idx.msk [tilespmem:v53+s12+$0x0], $0xffff  }
0x3a0: {  	v59 =	vor.u32 $0xB, v4;
	v12 =	vld.idx.msk [tilespmem:v54+s9+$0x0], $0xffff;
	v6 =	vadd.f32 v7, v6;
	v7 =	vmul.f32 v11, v13  }
0x3a1: {  	v60 =	vor.u32 $0xC, v5;
	v11 =	vld.idx.msk [tilespmem:v55+s12+$0x0], $0xffff  }
0x3a2: {  	v61 =	vor.u32 $0xC, v4;
	v14 =	vld.idx.msk [tilespmem:v56+s9+$0x0], $0xffff;
	v6 =	vadd.f32 v7, v6;
	v7 =	vmul.f32 v8, v15  }
0x3a3: {  	v62 =	vor.u32 $0xD, v5;
	v8 =	vld.idx.msk [tilespmem:v57+s12+$0x0], $0xffff  }
0x3a4: {  	v63 =	vor.u32 $0xD, v4;
	v16 =	vld.idx.msk [tilespmem:v58+s9+$0x0], $0xffff;
	v6 =	vadd.f32 v7, v6;
	v7 =	vmul.f32 v9, v10  }
0x3a5: {  	v9 =	vld.idx.msk [tilespmem:v59+s12+$0x0], $0xffff;
	v10 =	vor.u32 $0xE, v5  }
0x3a6: {  	v21 =	vor.u32 $0xE, v4;
	v13 =	vld.idx.msk [tilespmem:v60+s9+$0x0], $0xffff;
	v6 =	vadd.f32 v7, v6;
	v7 =	vmul.f32 v11, v12  }
0x3a7: {  	v22 =	vor.u32 $0xF, v5;
	v11 =	vld.idx.msk [tilespmem:v61+s12+$0x0], $0xffff  }
0x3a8: {  	v23 =	vor.u32 $0xF, v4;
	v15 =	vld.idx.msk [tilespmem:v62+s9+$0x0], $0xffff;
	v6 =	vadd.f32 v7, v6;
	v7 =	vmul.f32 v8, v14  }
0x3a9: {  	v24 =	vor.u32 $0x10, v5;
	v8 =	vld.idx.msk [tilespmem:v63+s12+$0x0], $0xffff  }
0x3aa: {  	v25 =	vor.u32 $0x10, v4;
	v10 =	vld.idx.msk [tilespmem:v10+s9+$0x0], $0xffff;
	v6 =	vadd.f32 v7, v6;
	v7 =	vmul.f32 v9, v16  }
0x3ab: {  	v26 =	vor.u32 $0x11, v5;
	v9 =	vld.idx.msk [tilespmem:v21+s12+$0x0], $0xffff  }
0x3ac: {  	v27 =	vor.u32 $0x11, v4;
	v12 =	vld.idx.msk [tilespmem:v22+s9+$0x0], $0xffff;
	v6 =	vadd.f32 v7, v6;
	v7 =	vmul.f32 v11, v13  }
0x3ad: {  	v28 =	vor.u32 $0x12, v5;
	v11 =	vld.idx.msk [tilespmem:v23+s12+$0x0], $0xffff  }
0x3ae: {  	v29 =	vor.u32 $0x12, v4;
	v14 =	vld.idx.msk [tilespmem:v24+s9+$0x0], $0xffff;
	v6 =	vadd.f32 v7, v6;
	v7 =	vmul.f32 v8, v15  }
0x3af: {  	v30 =	vor.u32 $0x13, v5;
	v8 =	vld.idx.msk [tilespmem:v25+s12+$0x0], $0xffff  }
0x3b0: {  	v31 =	vor.u32 $0x13, v4;
	v16 =	vld.idx.msk [tilespmem:v26+s9+$0x0], $0xffff;
	v6 =	vadd.f32 v7, v6;
	v7 =	vmul.f32 v9, v10  }
0x3b1: {  	v9 =	vld.idx.msk [tilespmem:v27+s12+$0x0], $0xffff;
	v10 =	vor.u32 $0x14, v5  }
0x3b2: {  	v32 =	vor.u32 $0x14, v4;
	v13 =	vld.idx.msk [tilespmem:v28+s9+$0x0], $0xffff;
	v6 =	vadd.f32 v7, v6;
	v7 =	vmul.f32 v11, v12  }
0x3b3: {  	v33 =	vor.u32 $0x15, v5;
	v11 =	vld.idx.msk [tilespmem:v29+s12+$0x0], $0xffff  }
0x3b4: {  	v34 =	vor.u32 $0x15, v4;
	v15 =	vld.idx.msk [tilespmem:v30+s9+$0x0], $0xffff;
	v6 =	vadd.f32 v7, v6;
	v7 =	vmul.f32 v8, v14  }
0x3b5: {  	v35 =	vor.u32 $0x16, v5;
	v8 =	vld.idx.msk [tilespmem:v31+s12+$0x0], $0xffff  }
0x3b6: {  	v36 =	vor.u32 $0x16, v4;
	v10 =	vld.idx.msk [tilespmem:v10+s9+$0x0], $0xffff;
	v6 =	vadd.f32 v7, v6;
	v7 =	vmul.f32 v9, v16  }
0x3b7: {  	v37 =	vor.u32 $0x17, v5;
	v9 =	vld.idx.msk [tilespmem:v32+s12+$0x0], $0xffff  }
0x3b8: {  	v38 =	vor.u32 $0x17, v4;
	v12 =	vld.idx.msk [tilespmem:v33+s9+$0x0], $0xffff;
	v6 =	vadd.f32 v7, v6;
	v7 =	vmul.f32 v11, v13  }
0x3b9: {  	v39 =	vor.u32 $0x18, v5;
	v11 =	vld.idx.msk [tilespmem:v34+s12+$0x0], $0xffff  }
0x3ba: {  	v40 =	vor.u32 $0x18, v4;
	v14 =	vld.idx.msk [tilespmem:v35+s9+$0x0], $0xffff;
	v6 =	vadd.f32 v7, v6;
	v7 =	vmul.f32 v8, v15  }
0x3bb: {  	v41 =	vor.u32 $0x19, v5;
	v8 =	vld.idx.msk [tilespmem:v36+s12+$0x0], $0xffff  }
0x3bc: {  	v42 =	vor.u32 $0x19, v4;
	v16 =	vld.idx.msk [tilespmem:v37+s9+$0x0], $0xffff;
	v6 =	vadd.f32 v7, v6;
	v7 =	vmul.f32 v9, v10  }
0x3bd: {  	v9 =	vld.idx.msk [tilespmem:v38+s12+$0x0], $0xffff;
	v10 =	vor.u32 $0x1A, v5  }
0x3be: {  	v43 =	vor.u32 $0x1A, v4;
	v13 =	vld.idx.msk [tilespmem:v39+s9+$0x0], $0xffff;
	v6 =	vadd.f32 v7, v6;
	v7 =	vmul.f32 v11, v12  }
0x3bf: {  	v44 =	vor.u32 $0x1B, v5;
	v11 =	vld.idx.msk [tilespmem:v40+s12+$0x0], $0xffff  }
0x3c0: {  	v45 =	vor.u32 $0x1B, v4;
	v15 =	vld.idx.msk [tilespmem:v41+s9+$0x0], $0xffff;
	v6 =	vadd.f32 v7, v6;
	v7 =	vmul.f32 v8, v14  }
0x3c1: {  	v46 =	vor.u32 $0x1C, v5;
	v8 =	vld.idx.msk [tilespmem:v42+s12+$0x0], $0xffff  }
0x3c2: {  	v47 =	vor.u32 $0x1C, v4;
	v10 =	vld.idx.msk [tilespmem:v10+s9+$0x0], $0xffff;
	v6 =	vadd.f32 v7, v6;
	v7 =	vmul.f32 v9, v16  }
0x3c3: {  	v48 =	vor.u32 $0x1D, v5;
	v9 =	vld.idx.msk [tilespmem:v43+s12+$0x0], $0xffff  }
0x3c4: {  	v49 =	vor.u32 $0x1D, v4;
	v12 =	vld.idx.msk [tilespmem:v44+s9+$0x0], $0xffff;
	v6 =	vadd.f32 v7, v6;
	v7 =	vmul.f32 v11, v13  }
0x3c5: {  	v50 =	vor.u32 $0x1E, v5;
	v11 =	vld.idx.msk [tilespmem:v45+s12+$0x0], $0xffff  }
0x3c6: {  	v51 =	vor.u32 $0x1E, v4;
	v14 =	vld.idx.msk [tilespmem:v46+s9+$0x0], $0xffff;
	v6 =	vadd.f32 v7, v6;
	v7 =	vmul.f32 v8, v15  }
0x3c7: {  	v5 =	vor.u32 $0x1F, v5;
	v8 =	vld.idx.msk [tilespmem:v47+s12+$0x0], $0xffff  }
0x3c8: {  	v4 =	vor.u32 $0x1F, v4;
	v52 =	vld.idx.msk [tilespmem:v48+s9+$0x0], $0xffff;
	v6 =	vadd.f32 v7, v6;
	v7 =	vmul.f32 v9, v10  }
0x3c9: {  	v9 =	vld.idx.msk [tilespmem:v49+s12+$0x0], $0xffff  }
0x3ca: {  	v10 =	vld.idx.msk [tilespmem:v50+s9+$0x0], $0xffff;
	v6 =	vadd.f32 v7, v6;
	v7 =	vmul.f32 v11, v12  }
0x3cb: {  	v11 =	vld.idx.msk [tilespmem:v51+s12+$0x0], $0xffff  }
0x3cc: {  	v5 =	vld.idx.msk [tilespmem:v5+s9+$0x0], $0xffff;
	v6 =	vadd.f32 v7, v6;
	v7 =	vmul.f32 v8, v14  }
0x3cd: {  	v8 =	vld.idx.msk [tilespmem:v4+s12+$0x0], $0xffff  }
0x3ce: {  	v4 =	vadd.f32 v7, v6;
	v6 =	vmul.f32 v9, v52  }
0x3cf: {  	s30 =	simm.s32 $0x190  }
0x3d0: {  	v7 =	vmov s30;
	v9 =	vmul.f32 v11, v10;
	v6 =	vadd.f32 v6, v4  }
0x3d1: {  	v7 =	vshll.u32 v7, $0x5  }
0x3d2: {  	v4 =	vadd.s32 v3, v7;
	v8 =	vmul.f32 v8, v5;
	v6 =	vadd.f32 v9, v6  }
0x3d3: {  	v5 =	vor.u32 v0, v7  }
0x3d4: {  	v7 =	vor.u32 $0x1, v5;
	v6 =	vadd.f32 v8, v6  }
0x3d5: {  	s19 =	simm.s32 $0x6380;
	v8 =	vor.u32 $0x1, v4  }
0x3d6: {  	v9 =	vor.u32 $0x2, v5;
	[tilespmem:s19+$0x0] =	vst v6  }
0x3d7: {  	v10 =	vor.u32 $0x2, v4;
	v6 =	vld.idx.msk [tilespmem:v4+s12+$0x0], $0xffff  }
0x3d8: {  	v53 =	vor.u32 $0x3, v5;
	v11 =	vld.idx.msk [tilespmem:v5+s9+$0x0], $0xffff  }
0x3d9: {  	v54 =	vor.u32 $0x3, v4;
	v7 =	vld.idx.msk [tilespmem:v7+s9+$0x0], $0xffff  }
0x3da: {  	v55 =	vor.u32 $0x4, v5;
	v8 =	vld.idx.msk [tilespmem:v8+s12+$0x0], $0xffff  }
0x3db: {  	v56 =	vor.u32 $0x4, v4;
	v9 =	vld.idx.msk [tilespmem:v9+s9+$0x0], $0xffff  }
0x3dc: {  	v57 =	vor.u32 $0x5, v5;
	v10 =	vld.idx.msk [tilespmem:v10+s12+$0x0], $0xffff  }
0x3dd: {  	v58 =	vor.u32 $0x5, v4;
	v12 =	vld.idx.msk [tilespmem:v53+s9+$0x0], $0xffff;
	v6 =	vmul.f32 v6, v11  }
0x3de: {  	v59 =	vor.u32 $0x6, v5;
	v11 =	vld.idx.msk [tilespmem:v54+s12+$0x0], $0xffff  }
0x3df: {  	v60 =	vor.u32 $0x6, v4;
	v14 =	vld.idx.msk [tilespmem:v55+s9+$0x0], $0xffff;
	v6 =	vadd.f32 $0.0e+00, v6;
	v7 =	vmul.f32 v8, v7  }
0x3e0: {  	v61 =	vor.u32 $0x7, v5;
	v8 =	vld.idx.msk [tilespmem:v56+s12+$0x0], $0xffff  }
0x3e1: {  	v62 =	vor.u32 $0x7, v4;
	v16 =	vld.idx.msk [tilespmem:v57+s9+$0x0], $0xffff;
	v6 =	vadd.f32 v7, v6;
	v7 =	vmul.f32 v10, v9  }
0x3e2: {  	v9 =	vld.idx.msk [tilespmem:v58+s12+$0x0], $0xffff;
	v10 =	vor.u32 $0x8, v5  }
0x3e3: {  	v63 =	vor.u32 $0x8, v4;
	v13 =	vld.idx.msk [tilespmem:v59+s9+$0x0], $0xffff;
	v6 =	vadd.f32 v7, v6;
	v7 =	vmul.f32 v11, v12  }
0x3e4: {  	v21 =	vor.u32 $0x9, v5;
	v11 =	vld.idx.msk [tilespmem:v60+s12+$0x0], $0xffff  }
0x3e5: {  	v22 =	vor.u32 $0x9, v4;
	v15 =	vld.idx.msk [tilespmem:v61+s9+$0x0], $0xffff;
	v6 =	vadd.f32 v7, v6;
	v7 =	vmul.f32 v8, v14  }
0x3e6: {  	v23 =	vor.u32 $0xA, v5;
	v8 =	vld.idx.msk [tilespmem:v62+s12+$0x0], $0xffff  }
0x3e7: {  	v24 =	vor.u32 $0xA, v4;
	v10 =	vld.idx.msk [tilespmem:v10+s9+$0x0], $0xffff;
	v6 =	vadd.f32 v7, v6;
	v7 =	vmul.f32 v9, v16  }
0x3e8: {  	v25 =	vor.u32 $0xB, v5;
	v9 =	vld.idx.msk [tilespmem:v63+s12+$0x0], $0xffff  }
0x3e9: {  	v26 =	vor.u32 $0xB, v4;
	v12 =	vld.idx.msk [tilespmem:v21+s9+$0x0], $0xffff;
	v6 =	vadd.f32 v7, v6;
	v7 =	vmul.f32 v11, v13  }
0x3ea: {  	v27 =	vor.u32 $0xC, v5;
	v11 =	vld.idx.msk [tilespmem:v22+s12+$0x0], $0xffff  }
0x3eb: {  	v28 =	vor.u32 $0xC, v4;
	v14 =	vld.idx.msk [tilespmem:v23+s9+$0x0], $0xffff;
	v6 =	vadd.f32 v7, v6;
	v7 =	vmul.f32 v8, v15  }
0x3ec: {  	v29 =	vor.u32 $0xD, v5;
	v8 =	vld.idx.msk [tilespmem:v24+s12+$0x0], $0xffff  }
0x3ed: {  	v30 =	vor.u32 $0xD, v4;
	v16 =	vld.idx.msk [tilespmem:v25+s9+$0x0], $0xffff;
	v6 =	vadd.f32 v7, v6;
	v7 =	vmul.f32 v9, v10  }
0x3ee: {  	v9 =	vld.idx.msk [tilespmem:v26+s12+$0x0], $0xffff;
	v10 =	vor.u32 $0xE, v5  }
0x3ef: {  	v31 =	vor.u32 $0xE, v4;
	v13 =	vld.idx.msk [tilespmem:v27+s9+$0x0], $0xffff;
	v6 =	vadd.f32 v7, v6;
	v7 =	vmul.f32 v11, v12  }
0x3f0: {  	v32 =	vor.u32 $0xF, v5;
	v11 =	vld.idx.msk [tilespmem:v28+s12+$0x0], $0xffff  }
0x3f1: {  	v33 =	vor.u32 $0xF, v4;
	v15 =	vld.idx.msk [tilespmem:v29+s9+$0x0], $0xffff;
	v6 =	vadd.f32 v7, v6;
	v7 =	vmul.f32 v8, v14  }
0x3f2: {  	v34 =	vor.u32 $0x10, v5;
	v8 =	vld.idx.msk [tilespmem:v30+s12+$0x0], $0xffff  }
0x3f3: {  	v35 =	vor.u32 $0x10, v4;
	v10 =	vld.idx.msk [tilespmem:v10+s9+$0x0], $0xffff;
	v6 =	vadd.f32 v7, v6;
	v7 =	vmul.f32 v9, v16  }
0x3f4: {  	v36 =	vor.u32 $0x11, v5;
	v9 =	vld.idx.msk [tilespmem:v31+s12+$0x0], $0xffff  }
0x3f5: {  	v37 =	vor.u32 $0x11, v4;
	v12 =	vld.idx.msk [tilespmem:v32+s9+$0x0], $0xffff;
	v6 =	vadd.f32 v7, v6;
	v7 =	vmul.f32 v11, v13  }
0x3f6: {  	v38 =	vor.u32 $0x12, v5;
	v11 =	vld.idx.msk [tilespmem:v33+s12+$0x0], $0xffff  }
0x3f7: {  	v39 =	vor.u32 $0x12, v4;
	v14 =	vld.idx.msk [tilespmem:v34+s9+$0x0], $0xffff;
	v6 =	vadd.f32 v7, v6;
	v7 =	vmul.f32 v8, v15  }
0x3f8: {  	v40 =	vor.u32 $0x13, v5;
	v8 =	vld.idx.msk [tilespmem:v35+s12+$0x0], $0xffff  }
0x3f9: {  	v41 =	vor.u32 $0x13, v4;
	v16 =	vld.idx.msk [tilespmem:v36+s9+$0x0], $0xffff;
	v6 =	vadd.f32 v7, v6;
	v7 =	vmul.f32 v9, v10  }
0x3fa: {  	v9 =	vld.idx.msk [tilespmem:v37+s12+$0x0], $0xffff;
	v10 =	vor.u32 $0x14, v5  }
0x3fb: {  	v42 =	vor.u32 $0x14, v4;
	v13 =	vld.idx.msk [tilespmem:v38+s9+$0x0], $0xffff;
	v6 =	vadd.f32 v7, v6;
	v7 =	vmul.f32 v11, v12  }
0x3fc: {  	v43 =	vor.u32 $0x15, v5;
	v11 =	vld.idx.msk [tilespmem:v39+s12+$0x0], $0xffff  }
0x3fd: {  	v44 =	vor.u32 $0x15, v4;
	v15 =	vld.idx.msk [tilespmem:v40+s9+$0x0], $0xffff;
	v6 =	vadd.f32 v7, v6;
	v7 =	vmul.f32 v8, v14  }
0x3fe: {  	v45 =	vor.u32 $0x16, v5;
	v8 =	vld.idx.msk [tilespmem:v41+s12+$0x0], $0xffff  }
0x3ff: {  	v46 =	vor.u32 $0x16, v4;
	v10 =	vld.idx.msk [tilespmem:v10+s9+$0x0], $0xffff;
	v6 =	vadd.f32 v7, v6;
	v7 =	vmul.f32 v9, v16  }
0x400: {  	v47 =	vor.u32 $0x17, v5;
	v9 =	vld.idx.msk [tilespmem:v42+s12+$0x0], $0xffff  }
0x401: {  	v48 =	vor.u32 $0x17, v4;
	v12 =	vld.idx.msk [tilespmem:v43+s9+$0x0], $0xffff;
	v6 =	vadd.f32 v7, v6;
	v7 =	vmul.f32 v11, v13  }
0x402: {  	v49 =	vor.u32 $0x18, v5;
	v11 =	vld.idx.msk [tilespmem:v44+s12+$0x0], $0xffff  }
0x403: {  	v50 =	vor.u32 $0x18, v4;
	v14 =	vld.idx.msk [tilespmem:v45+s9+$0x0], $0xffff;
	v6 =	vadd.f32 v7, v6;
	v7 =	vmul.f32 v8, v15  }
0x404: {  	v51 =	vor.u32 $0x19, v5;
	v8 =	vld.idx.msk [tilespmem:v46+s12+$0x0], $0xffff  }
0x405: {  	v52 =	vor.u32 $0x19, v4;
	v16 =	vld.idx.msk [tilespmem:v47+s9+$0x0], $0xffff;
	v6 =	vadd.f32 v7, v6;
	v7 =	vmul.f32 v9, v10  }
0x406: {  	v9 =	vld.idx.msk [tilespmem:v48+s12+$0x0], $0xffff;
	v10 =	vor.u32 $0x1A, v5  }
0x407: {  	v53 =	vor.u32 $0x1A, v4;
	v13 =	vld.idx.msk [tilespmem:v49+s9+$0x0], $0xffff;
	v6 =	vadd.f32 v7, v6;
	v7 =	vmul.f32 v11, v12  }
0x408: {  	v54 =	vor.u32 $0x1B, v5;
	v11 =	vld.idx.msk [tilespmem:v50+s12+$0x0], $0xffff  }
0x409: {  	v55 =	vor.u32 $0x1B, v4;
	v15 =	vld.idx.msk [tilespmem:v51+s9+$0x0], $0xffff;
	v6 =	vadd.f32 v7, v6;
	v7 =	vmul.f32 v8, v14  }
0x40a: {  	v56 =	vor.u32 $0x1C, v5;
	v8 =	vld.idx.msk [tilespmem:v52+s12+$0x0], $0xffff  }
0x40b: {  	v57 =	vor.u32 $0x1C, v4;
	v10 =	vld.idx.msk [tilespmem:v10+s9+$0x0], $0xffff;
	v6 =	vadd.f32 v7, v6;
	v7 =	vmul.f32 v9, v16  }
0x40c: {  	v9 =	vld.idx.msk [tilespmem:v53+s12+$0x0], $0xffff  }
0x40d: {  	v58 =	vor.u32 $0x1D, v5;
	v12 =	vld.idx.msk [tilespmem:v54+s9+$0x0], $0xffff;
	v6 =	vadd.f32 v7, v6;
	v7 =	vmul.f32 v11, v13  }
0x40e: {  	v59 =	vor.u32 $0x1D, v4;
	v11 =	vld.idx.msk [tilespmem:v55+s12+$0x0], $0xffff  }
0x40f: {  	v60 =	vor.u32 $0x1E, v5;
	v14 =	vld.idx.msk [tilespmem:v56+s9+$0x0], $0xffff;
	v6 =	vadd.f32 v7, v6;
	v7 =	vmul.f32 v8, v15  }
0x410: {  	v61 =	vor.u32 $0x1E, v4;
	v8 =	vld.idx.msk [tilespmem:v57+s12+$0x0], $0xffff  }
0x411: {  	v5 =	vor.u32 $0x1F, v5;
	v6 =	vadd.f32 v7, v6;
	v7 =	vmul.f32 v9, v10  }
0x412: {  	v4 =	vor.u32 $0x1F, v4;
	v62 =	vld.idx.msk [tilespmem:v58+s9+$0x0], $0xffff  }
0x413: {  	v9 =	vld.idx.msk [tilespmem:v59+s12+$0x0], $0xffff;
	v6 =	vadd.f32 v7, v6;
	v7 =	vmul.f32 v11, v12  }
0x414: {  	v10 =	vld.idx.msk [tilespmem:v60+s9+$0x0], $0xffff  }
0x415: {  	v11 =	vld.idx.msk [tilespmem:v61+s12+$0x0], $0xffff;
	v6 =	vadd.f32 v7, v6;
	v7 =	vmul.f32 v8, v14  }
0x416: {  	v5 =	vld.idx.msk [tilespmem:v5+s9+$0x0], $0xffff  }
0x417: {  	v7 =	vadd.f32 v7, v6;
	v6 =	vld.idx.msk [tilespmem:v4+s12+$0x0], $0xffff  }
0x418: {  	v8 =	vmul.f32 v9, v62  }
0x419: {  	s31 =	simm.s32 $0x1A0  }
0x41a: {  	v63 =	vmov s31;
	v9 =	vmul.f32 v11, v10;
	v8 =	vadd.f32 v8, v7  }
0x41b: {  	s20 =	simm.s32 $0x1B0;
	v7 =	vshll.u32 v63, $0x5  }
.LBB2_8:
0x41c: {  	p0 =	sne.s32 s20, $0x1F0;
	v4 =	vadd.s32 v3, v7;
	v8 =	vadd.f32 v9, v8;
	v6 =	vmul.f32 v6, v5  }
0x41d: {  	v5 =	vor.u32 v0, v7  }
0x41e: {  	v7 =	vor.u32 $0x1, v5;
	v6 =	vadd.f32 v6, v8  }
0x41f: {  	s19 =	sadd.s32 $0x10, s19;
	v8 =	vor.u32 $0x1, v4  }
0x420: {  	v9 =	vor.u32 $0x2, v5;
	[tilespmem:s19+$0x0] =	vst v6  }
0x421: {  	v10 =	vor.u32 $0x2, v4;
	v6 =	vld.idx.msk [tilespmem:v4+s12+$0x0], $0xffff  }
0x422: {  	v12 =	vor.u32 $0x3, v5;
	v11 =	vld.idx.msk [tilespmem:v5+s9+$0x0], $0xffff  }
0x423: {  	v13 =	vor.u32 $0x3, v4;
	v7 =	vld.idx.msk [tilespmem:v7+s9+$0x0], $0xffff  }
0x424: {  	v14 =	vor.u32 $0x4, v5;
	v8 =	vld.idx.msk [tilespmem:v8+s12+$0x0], $0xffff  }
0x425: {  	v15 =	vor.u32 $0x4, v4;
	v9 =	vld.idx.msk [tilespmem:v9+s9+$0x0], $0xffff  }
0x426: {  	v16 =	vor.u32 $0x5, v5;
	v10 =	vld.idx.msk [tilespmem:v10+s12+$0x0], $0xffff  }
0x427: {  	v17 =	vor.u32 $0x5, v4;
	v12 =	vld.idx.msk [tilespmem:v12+s9+$0x0], $0xffff  }
0x428: {  	v6 =	vmul.f32 v6, v11;
	v11 =	vld.idx.msk [tilespmem:v13+s12+$0x0], $0xffff;
	v13 =	vor.u32 $0x6, v5  }
0x429: {  	v18 =	vor.u32 $0x6, v4;
	v14 =	vld.idx.msk [tilespmem:v14+s9+$0x0], $0xffff  }
0x42a: {  	v6 =	vadd.f32 $0.0e+00, v6;
	v7 =	vmul.f32 v8, v7;
	v8 =	vld.idx.msk [tilespmem:v15+s12+$0x0], $0xffff;
	v15 =	vor.u32 $0x7, v5  }
0x42b: {  	v19 =	vor.u32 $0x7, v4;
	v16 =	vld.idx.msk [tilespmem:v16+s9+$0x0], $0xffff  }
0x42c: {  	v6 =	vadd.f32 v7, v6;
	v7 =	vmul.f32 v10, v9;
	v10 =	vor.u32 $0x8, v5;
	v9 =	vld.idx.msk [tilespmem:v17+s12+$0x0], $0xffff  }
0x42d: {  	v17 =	vor.u32 $0x8, v4;
	v13 =	vld.idx.msk [tilespmem:v13+s9+$0x0], $0xffff  }
0x42e: {  	v6 =	vadd.f32 v7, v6;
	v7 =	vmul.f32 v11, v12;
	v12 =	vor.u32 $0x9, v5;
	v11 =	vld.idx.msk [tilespmem:v18+s12+$0x0], $0xffff  }
0x42f: {  	v18 =	vor.u32 $0x9, v4;
	v15 =	vld.idx.msk [tilespmem:v15+s9+$0x0], $0xffff  }
0x430: {  	v6 =	vadd.f32 v7, v6;
	v7 =	vmul.f32 v8, v14;
	v14 =	vor.u32 $0xA, v5;
	v8 =	vld.idx.msk [tilespmem:v19+s12+$0x0], $0xffff  }
0x431: {  	v19 =	vor.u32 $0xA, v4;
	v10 =	vld.idx.msk [tilespmem:v10+s9+$0x0], $0xffff  }
0x432: {  	v6 =	vadd.f32 v7, v6;
	v7 =	vmul.f32 v9, v16;
	v16 =	vor.u32 $0xB, v5;
	v9 =	vld.idx.msk [tilespmem:v17+s12+$0x0], $0xffff  }
0x433: {  	v17 =	vor.u32 $0xB, v4;
	v12 =	vld.idx.msk [tilespmem:v12+s9+$0x0], $0xffff  }
0x434: {  	v6 =	vadd.f32 v7, v6;
	v7 =	vmul.f32 v11, v13;
	v13 =	vor.u32 $0xC, v5;
	v11 =	vld.idx.msk [tilespmem:v18+s12+$0x0], $0xffff  }
0x435: {  	v18 =	vor.u32 $0xC, v4;
	v14 =	vld.idx.msk [tilespmem:v14+s9+$0x0], $0xffff  }
0x436: {  	v6 =	vadd.f32 v7, v6;
	v7 =	vmul.f32 v8, v15;
	v15 =	vor.u32 $0xD, v5;
	v8 =	vld.idx.msk [tilespmem:v19+s12+$0x0], $0xffff  }
0x437: {  	v19 =	vor.u32 $0xD, v4;
	v16 =	vld.idx.msk [tilespmem:v16+s9+$0x0], $0xffff  }
0x438: {  	v6 =	vadd.f32 v7, v6;
	v7 =	vmul.f32 v9, v10;
	v10 =	vor.u32 $0xE, v5;
	v9 =	vld.idx.msk [tilespmem:v17+s12+$0x0], $0xffff  }
0x439: {  	v17 =	vor.u32 $0xE, v4;
	v13 =	vld.idx.msk [tilespmem:v13+s9+$0x0], $0xffff  }
0x43a: {  	v6 =	vadd.f32 v7, v6;
	v7 =	vmul.f32 v11, v12;
	v12 =	vor.u32 $0xF, v5;
	v11 =	vld.idx.msk [tilespmem:v18+s12+$0x0], $0xffff  }
0x43b: {  	v18 =	vor.u32 $0xF, v4;
	v15 =	vld.idx.msk [tilespmem:v15+s9+$0x0], $0xffff  }
0x43c: {  	v6 =	vadd.f32 v7, v6;
	v7 =	vmul.f32 v8, v14;
	v14 =	vor.u32 $0x10, v5;
	v8 =	vld.idx.msk [tilespmem:v19+s12+$0x0], $0xffff  }
0x43d: {  	v19 =	vor.u32 $0x10, v4;
	v10 =	vld.idx.msk [tilespmem:v10+s9+$0x0], $0xffff  }
0x43e: {  	v6 =	vadd.f32 v7, v6;
	v7 =	vmul.f32 v9, v16;
	v16 =	vor.u32 $0x11, v5;
	v9 =	vld.idx.msk [tilespmem:v17+s12+$0x0], $0xffff  }
0x43f: {  	v17 =	vor.u32 $0x11, v4;
	v12 =	vld.idx.msk [tilespmem:v12+s9+$0x0], $0xffff  }
0x440: {  	v6 =	vadd.f32 v7, v6;
	v7 =	vmul.f32 v11, v13;
	v13 =	vor.u32 $0x12, v5;
	v11 =	vld.idx.msk [tilespmem:v18+s12+$0x0], $0xffff  }
0x441: {  	v18 =	vor.u32 $0x12, v4;
	v14 =	vld.idx.msk [tilespmem:v14+s9+$0x0], $0xffff  }
0x442: {  	v6 =	vadd.f32 v7, v6;
	v7 =	vmul.f32 v8, v15;
	v15 =	vor.u32 $0x13, v5;
	v8 =	vld.idx.msk [tilespmem:v19+s12+$0x0], $0xffff  }
0x443: {  	v19 =	vor.u32 $0x13, v4;
	v16 =	vld.idx.msk [tilespmem:v16+s9+$0x0], $0xffff  }
0x444: {  	v6 =	vadd.f32 v7, v6;
	v7 =	vmul.f32 v9, v10;
	v10 =	vor.u32 $0x14, v5;
	v9 =	vld.idx.msk [tilespmem:v17+s12+$0x0], $0xffff  }
0x445: {  	v17 =	vor.u32 $0x14, v4;
	v13 =	vld.idx.msk [tilespmem:v13+s9+$0x0], $0xffff  }
0x446: {  	v6 =	vadd.f32 v7, v6;
	v7 =	vmul.f32 v11, v12;
	v12 =	vor.u32 $0x15, v5;
	v11 =	vld.idx.msk [tilespmem:v18+s12+$0x0], $0xffff  }
0x447: {  	v18 =	vor.u32 $0x15, v4;
	v15 =	vld.idx.msk [tilespmem:v15+s9+$0x0], $0xffff  }
0x448: {  	v6 =	vadd.f32 v7, v6;
	v7 =	vmul.f32 v8, v14;
	v14 =	vor.u32 $0x16, v5;
	v8 =	vld.idx.msk [tilespmem:v19+s12+$0x0], $0xffff  }
0x449: {  	v19 =	vor.u32 $0x16, v4;
	v10 =	vld.idx.msk [tilespmem:v10+s9+$0x0], $0xffff  }
0x44a: {  	v6 =	vadd.f32 v7, v6;
	v7 =	vmul.f32 v9, v16;
	v16 =	vor.u32 $0x17, v5;
	v9 =	vld.idx.msk [tilespmem:v17+s12+$0x0], $0xffff  }
0x44b: {  	v17 =	vor.u32 $0x17, v4;
	v12 =	vld.idx.msk [tilespmem:v12+s9+$0x0], $0xffff  }
0x44c: {  	v6 =	vadd.f32 v7, v6;
	v7 =	vmul.f32 v11, v13;
	v13 =	vor.u32 $0x18, v5;
	v11 =	vld.idx.msk [tilespmem:v18+s12+$0x0], $0xffff  }
0x44d: {  	v18 =	vor.u32 $0x18, v4;
	v14 =	vld.idx.msk [tilespmem:v14+s9+$0x0], $0xffff  }
0x44e: {  	v6 =	vadd.f32 v7, v6;
	v7 =	vmul.f32 v8, v15;
	v15 =	vor.u32 $0x19, v5;
	v8 =	vld.idx.msk [tilespmem:v19+s12+$0x0], $0xffff  }
0x44f: {  	v19 =	vor.u32 $0x19, v4;
	v16 =	vld.idx.msk [tilespmem:v16+s9+$0x0], $0xffff  }
0x450: {  	v6 =	vadd.f32 v7, v6;
	v7 =	vmul.f32 v9, v10;
	v10 =	vor.u32 $0x1A, v5;
	v9 =	vld.idx.msk [tilespmem:v17+s12+$0x0], $0xffff  }
0x451: {  	v17 =	vor.u32 $0x1A, v4;
	v13 =	vld.idx.msk [tilespmem:v13+s9+$0x0], $0xffff  }
0x452: {  	v6 =	vadd.f32 v7, v6;
	v7 =	vmul.f32 v11, v12;
	v12 =	vor.u32 $0x1B, v5;
	v11 =	vld.idx.msk [tilespmem:v18+s12+$0x0], $0xffff  }
0x453: {  	v18 =	vor.u32 $0x1B, v4;
	v15 =	vld.idx.msk [tilespmem:v15+s9+$0x0], $0xffff  }
0x454: {  	v6 =	vadd.f32 v7, v6;
	v7 =	vmul.f32 v8, v14;
	v14 =	vor.u32 $0x1C, v5;
	v8 =	vld.idx.msk [tilespmem:v19+s12+$0x0], $0xffff  }
0x455: {  	v19 =	vor.u32 $0x1C, v4;
	v10 =	vld.idx.msk [tilespmem:v10+s9+$0x0], $0xffff  }
0x456: {  	v6 =	vadd.f32 v7, v6;
	v7 =	vmul.f32 v9, v16;
	v16 =	vor.u32 $0x1D, v5;
	v9 =	vld.idx.msk [tilespmem:v17+s12+$0x0], $0xffff  }
0x457: {  	v17 =	vor.u32 $0x1D, v4;
	v12 =	vld.idx.msk [tilespmem:v12+s9+$0x0], $0xffff  }
0x458: {  	v6 =	vadd.f32 v7, v6;
	v7 =	vmul.f32 v11, v13;
	v13 =	vor.u32 $0x1E, v5;
	v11 =	vld.idx.msk [tilespmem:v18+s12+$0x0], $0xffff  }
0x459: {  	v18 =	vor.u32 $0x1E, v4;
	v14 =	vld.idx.msk [tilespmem:v14+s9+$0x0], $0xffff  }
0x45a: {  	v5 =	vor.u32 $0x1F, v5;
	v6 =	vadd.f32 v7, v6;
	v7 =	vmul.f32 v8, v15;
	v8 =	vld.idx.msk [tilespmem:v19+s12+$0x0], $0xffff  }
0x45b: {  	v4 =	vor.u32 $0x1F, v4;
	v15 =	vld.idx.msk [tilespmem:v16+s9+$0x0], $0xffff  }
0x45c: {  	v6 =	vadd.f32 v7, v6;
	v7 =	vmul.f32 v9, v10;
	v9 =	vld.idx.msk [tilespmem:v17+s12+$0x0], $0xffff  }
0x45d: {  	v10 =	vld.idx.msk [tilespmem:v13+s9+$0x0], $0xffff  }
0x45e: {  	v6 =	vadd.f32 v7, v6;
	v7 =	vmul.f32 v11, v12;
	v11 =	vld.idx.msk [tilespmem:v18+s12+$0x0], $0xffff  }
0x45f: {  	v5 =	vld.idx.msk [tilespmem:v5+s9+$0x0], $0xffff  }
0x460: {  	v7 =	vadd.f32 v7, v6;
	v8 =	vmul.f32 v8, v14;
	v6 =	vld.idx.msk [tilespmem:v4+s12+$0x0], $0xffff  }
.Ltmp3:
0x461: {  	(pc) =	sbr.rel @p0 .LBB2_8-.Ltmp3, $3  }
0x462: {  	v4 =	vadd.f32 v8, v7;
	v7 =	vmul.f32 v9, v15;
	_ =	sdelay $0x1  }
0x463: {  	v12 =	vmov s20;
	v8 =	vadd.f32 v7, v4;
	v9 =	vmul.f32 v11, v10  }
0x464: {  	s20 =	sadd.s32 $0x10, s20;
	v7 =	vshll.u32 v12, $0x5  }
0x465: {  	v4 =	vadd.s32 v3, v7;
	v8 =	vadd.f32 v9, v8;
	v6 =	vmul.f32 v6, v5  }
0x466: {  	v5 =	vor.u32 v0, v7  }
0x467: {  	v7 =	vor.u32 $0x1, v5;
	v6 =	vadd.f32 v6, v8  }
0x468: {  	s19 =	sadd.s32 $0x10, s19;
	v41 =	vor.u32 $0x1, v4  }
0x469: {  	v42 =	vor.u32 $0x2, v5;
	[tilespmem:s19+$0x0] =	vst v6  }
0x46a: {  	v10 =	vor.u32 $0x2, v4;
	v6 =	vld.idx.msk [tilespmem:v4+s12+$0x0], $0xffff  }
0x46b: {  	v12 =	vor.u32 $0x3, v5;
	v11 =	vld.idx.msk [tilespmem:v5+s9+$0x0], $0xffff  }
0x46c: {  	v13 =	vor.u32 $0x3, v4;
	v7 =	vld.idx.msk [tilespmem:v7+s9+$0x0], $0xffff  }
0x46d: {  	v14 =	vor.u32 $0x4, v5;
	v8 =	vld.idx.msk [tilespmem:v41+s12+$0x0], $0xffff  }
0x46e: {  	v15 =	vor.u32 $0x4, v4;
	v9 =	vld.idx.msk [tilespmem:v42+s9+$0x0], $0xffff  }
0x46f: {  	v16 =	vor.u32 $0x5, v5;
	v10 =	vld.idx.msk [tilespmem:v10+s12+$0x0], $0xffff  }
0x470: {  	v17 =	vor.u32 $0x5, v4;
	v12 =	vld.idx.msk [tilespmem:v12+s9+$0x0], $0xffff;
	v6 =	vmul.f32 v6, v11  }
0x471: {  	v44 =	vor.u32 $0x6, v5;
	v43 =	vld.idx.msk [tilespmem:v13+s12+$0x0], $0xffff  }
0x472: {  	v18 =	vor.u32 $0x6, v4;
	v14 =	vld.idx.msk [tilespmem:v14+s9+$0x0], $0xffff;
	v7 =	vmul.f32 v8, v7;
	v6 =	vadd.f32 $0.0e+00, v6  }
0x473: {  	v46 =	vor.u32 $0x7, v5;
	v45 =	vld.idx.msk [tilespmem:v15+s12+$0x0], $0xffff  }
0x474: {  	v19 =	vor.u32 $0x7, v4;
	v16 =	vld.idx.msk [tilespmem:v16+s9+$0x0], $0xffff;
	v47 =	vmul.f32 v10, v9;
	v6 =	vadd.f32 v7, v6  }
0x475: {  	v50 =	vor.u32 $0x8, v4;
	v48 =	vld.idx.msk [tilespmem:v17+s12+$0x0], $0xffff  }
0x476: {  	v49 =	vor.u32 $0x8, v5;
	v13 =	vld.idx.msk [tilespmem:v44+s9+$0x0], $0xffff;
	v51 =	vmul.f32 v43, v12;
	v6 =	vadd.f32 v47, v6  }
0x477: {  	v54 =	vor.u32 $0x9, v4;
	v52 =	vld.idx.msk [tilespmem:v18+s12+$0x0], $0xffff  }
0x478: {  	v53 =	vor.u32 $0x9, v5;
	v15 =	vld.idx.msk [tilespmem:v46+s9+$0x0], $0xffff;
	v55 =	vmul.f32 v45, v14;
	v6 =	vadd.f32 v51, v6  }
0x479: {  	v58 =	vor.u32 $0xA, v4;
	v56 =	vld.idx.msk [tilespmem:v19+s12+$0x0], $0xffff  }
0x47a: {  	v57 =	vor.u32 $0xA, v5;
	v60 =	vld.idx.msk [tilespmem:v50+s12+$0x0], $0xffff;
	v59 =	vmul.f32 v48, v16;
	v6 =	vadd.f32 v55, v6  }
0x47b: {  	v62 =	vor.u32 $0xB, v4;
	v10 =	vld.idx.msk [tilespmem:v49+s9+$0x0], $0xffff  }
0x47c: {  	v61 =	vor.u32 $0xB, v5;
	v21 =	vld.idx.msk [tilespmem:v54+s12+$0x0], $0xffff;
	v63 =	vmul.f32 v52, v13;
	v6 =	vadd.f32 v59, v6  }
0x47d: {  	v23 =	vor.u32 $0xC, v4;
	v12 =	vld.idx.msk [tilespmem:v53+s9+$0x0], $0xffff  }
0x47e: {  	v22 =	vor.u32 $0xC, v5;
	v25 =	vld.idx.msk [tilespmem:v58+s12+$0x0], $0xffff;
	v24 =	vmul.f32 v56, v15;
	v6 =	vadd.f32 v63, v6  }
0x47f: {  	v27 =	vor.u32 $0xD, v4;
	v14 =	vld.idx.msk [tilespmem:v57+s9+$0x0], $0xffff  }
0x480: {  	v26 =	vor.u32 $0xD, v5;
	v29 =	vld.idx.msk [tilespmem:v62+s12+$0x0], $0xffff;
	v28 =	vmul.f32 v60, v10;
	v6 =	vadd.f32 v24, v6  }
0x481: {  	v31 =	vor.u32 $0xE, v4;
	v16 =	vld.idx.msk [tilespmem:v61+s9+$0x0], $0xffff  }
0x482: {  	v30 =	vor.u32 $0xE, v5;
	v33 =	vld.idx.msk [tilespmem:v23+s12+$0x0], $0xffff;
	v32 =	vmul.f32 v21, v12;
	v6 =	vadd.f32 v28, v6  }
0x483: {  	v35 =	vor.u32 $0xF, v4;
	v13 =	vld.idx.msk [tilespmem:v22+s9+$0x0], $0xffff  }
0x484: {  	v34 =	vor.u32 $0xF, v5;
	v37 =	vld.idx.msk [tilespmem:v27+s12+$0x0], $0xffff;
	v36 =	vmul.f32 v25, v14;
	v6 =	vadd.f32 v32, v6  }
0x485: {  	v39 =	vor.u32 $0x10, v4;
	v15 =	vld.idx.msk [tilespmem:v26+s9+$0x0], $0xffff  }
0x486: {  	v38 =	vor.u32 $0x10, v5;
	v41 =	vld.idx.msk [tilespmem:v31+s12+$0x0], $0xffff;
	v40 =	vmul.f32 v29, v16;
	v6 =	vadd.f32 v36, v6  }
0x487: {  	v42 =	vor.u32 $0x11, v5;
	v10 =	vld.idx.msk [tilespmem:v30+s9+$0x0], $0xffff  }
0x488: {  	v43 =	vor.u32 $0x11, v4;
	v45 =	vld.idx.msk [tilespmem:v35+s12+$0x0], $0xffff;
	v44 =	vmul.f32 v33, v13;
	v6 =	vadd.f32 v40, v6  }
0x489: {  	v46 =	vor.u32 $0x12, v5;
	v12 =	vld.idx.msk [tilespmem:v34+s9+$0x0], $0xffff  }
0x48a: {  	v49 =	vld.idx.msk [tilespmem:v39+s12+$0x0], $0xffff;
	v47 =	vor.u32 $0x12, v4;
	v48 =	vmul.f32 v37, v15;
	v6 =	vadd.f32 v44, v6  }
0x48b: {  	v50 =	vor.u32 $0x13, v5;
	v14 =	vld.idx.msk [tilespmem:v38+s9+$0x0], $0xffff  }
0x48c: {  	v16 =	vld.idx.msk [tilespmem:v42+s9+$0x0], $0xffff;
	v51 =	vor.u32 $0x13, v4;
	v52 =	vmul.f32 v41, v10;
	v6 =	vadd.f32 v48, v6  }
0x48d: {  	v54 =	vor.u32 $0x14, v5;
	v53 =	vld.idx.msk [tilespmem:v43+s12+$0x0], $0xffff  }
0x48e: {  	v13 =	vld.idx.msk [tilespmem:v46+s9+$0x0], $0xffff;
	v55 =	vor.u32 $0x14, v4;
	v56 =	vmul.f32 v45, v12;
	v6 =	vadd.f32 v52, v6  }
0x48f: {  	v58 =	vor.u32 $0x15, v5;
	v57 =	vld.idx.msk [tilespmem:v47+s12+$0x0], $0xffff  }
0x490: {  	v15 =	vld.idx.msk [tilespmem:v50+s9+$0x0], $0xffff;
	v60 =	vmul.f32 v49, v14;
	v59 =	vor.u32 $0x15, v4;
	v6 =	vadd.f32 v56, v6  }
0x491: {  	v62 =	vor.u32 $0x16, v5;
	v61 =	vld.idx.msk [tilespmem:v51+s12+$0x0], $0xffff  }
0x492: {  	v10 =	vld.idx.msk [tilespmem:v54+s9+$0x0], $0xffff;
	v21 =	vmul.f32 v53, v16;
	v63 =	vor.u32 $0x16, v4;
	v6 =	vadd.f32 v60, v6  }
0x493: {  	v23 =	vor.u32 $0x17, v5;
	v22 =	vld.idx.msk [tilespmem:v55+s12+$0x0], $0xffff  }
0x494: {  	v12 =	vld.idx.msk [tilespmem:v58+s9+$0x0], $0xffff;
	v24 =	vor.u32 $0x17, v4;
	v25 =	vmul.f32 v57, v13;
	v6 =	vadd.f32 v21, v6  }
0x495: {  	v27 =	vor.u32 $0x18, v5;
	v26 =	vld.idx.msk [tilespmem:v59+s12+$0x0], $0xffff  }
0x496: {  	v14 =	vld.idx.msk [tilespmem:v62+s9+$0x0], $0xffff;
	v28 =	vor.u32 $0x18, v4;
	v29 =	vmul.f32 v61, v15;
	v6 =	vadd.f32 v25, v6  }
0x497: {  	v31 =	vor.u32 $0x19, v5;
	v30 =	vld.idx.msk [tilespmem:v63+s12+$0x0], $0xffff  }
0x498: {  	v16 =	vld.idx.msk [tilespmem:v23+s9+$0x0], $0xffff;
	v32 =	vor.u32 $0x19, v4;
	v33 =	vmul.f32 v22, v10;
	v6 =	vadd.f32 v29, v6  }
0x499: {  	v35 =	vor.u32 $0x1A, v5;
	v34 =	vld.idx.msk [tilespmem:v24+s12+$0x0], $0xffff  }
0x49a: {  	v13 =	vld.idx.msk [tilespmem:v27+s9+$0x0], $0xffff;
	v36 =	vor.u32 $0x1A, v4;
	v37 =	vmul.f32 v26, v12;
	v6 =	vadd.f32 v33, v6  }
0x49b: {  	v39 =	vor.u32 $0x1B, v5;
	v38 =	vld.idx.msk [tilespmem:v28+s12+$0x0], $0xffff  }
0x49c: {  	v15 =	vld.idx.msk [tilespmem:v31+s9+$0x0], $0xffff;
	v40 =	vor.u32 $0x1B, v4;
	v41 =	vmul.f32 v30, v14;
	v6 =	vadd.f32 v37, v6  }
0x49d: {  	v43 =	vor.u32 $0x1C, v5;
	v42 =	vld.idx.msk [tilespmem:v32+s12+$0x0], $0xffff  }
0x49e: {  	v10 =	vld.idx.msk [tilespmem:v35+s9+$0x0], $0xffff;
	v44 =	vor.u32 $0x1C, v4;
	v45 =	vmul.f32 v34, v16;
	v6 =	vadd.f32 v41, v6  }
0x49f: {  	v47 =	vor.u32 $0x1D, v5;
	v46 =	vld.idx.msk [tilespmem:v36+s12+$0x0], $0xffff  }
0x4a0: {  	v12 =	vld.idx.msk [tilespmem:v39+s9+$0x0], $0xffff;
	v48 =	vor.u32 $0x1D, v4;
	v49 =	vmul.f32 v38, v13;
	v6 =	vadd.f32 v45, v6  }
0x4a1: {  	v51 =	vor.u32 $0x1E, v5;
	v50 =	vld.idx.msk [tilespmem:v40+s12+$0x0], $0xffff  }
0x4a2: {  	v14 =	vld.idx.msk [tilespmem:v43+s9+$0x0], $0xffff;
	v52 =	vor.u32 $0x1E, v4;
	v53 =	vmul.f32 v42, v15;
	v6 =	vadd.f32 v49, v6  }
0x4a3: {  	v5 =	vor.u32 $0x1F, v5;
	v54 =	vld.idx.msk [tilespmem:v44+s12+$0x0], $0xffff  }
0x4a4: {  	v55 =	vld.idx.msk [tilespmem:v47+s9+$0x0], $0xffff;
	v4 =	vor.u32 $0x1F, v4;
	v56 =	vmul.f32 v46, v10;
	v6 =	vadd.f32 v53, v6  }
0x4a5: {  	v57 =	vld.idx.msk [tilespmem:v48+s12+$0x0], $0xffff  }
0x4a6: {  	v58 =	vld.idx.msk [tilespmem:v51+s9+$0x0], $0xffff;
	v59 =	vmul.f32 v50, v12;
	v6 =	vadd.f32 v56, v6  }
0x4a7: {  	v60 =	vld.idx.msk [tilespmem:v52+s12+$0x0], $0xffff  }
0x4a8: {  	v5 =	vld.idx.msk [tilespmem:v5+s9+$0x0], $0xffff;
	v61 =	vmul.f32 v54, v14;
	v6 =	vadd.f32 v59, v6  }
0x4a9: {  	v4 =	vld.idx.msk [tilespmem:v4+s12+$0x0], $0xffff  }
0x4aa: {  	v62 =	vmul.f32 v57, v55;
	v6 =	vadd.f32 v61, v6;
	_ =	sdelay $0x1  }
0x4ab: {  	v63 =	vmul.f32 v60, v58;
	v6 =	vadd.f32 v62, v6;
	_ =	sdelay $0x1  }
0x4ac: {  	v4 =	vmul.f32 v4, v5;
	v6 =	vadd.f32 v63, v6;
	_ =	sdelay $0x1  }
0x4ad: {  	s18 =	sadd.s32 $0x1, s18;
	v4 =	vadd.f32 v4, v6  }
0x4ae: {  	p0 =	sne.s32 s18, s7;
	s19 =	sadd.s32 $0x10, s19  }
.Ltmp4:
0x4af: {  	[tilespmem:s19+$0x0] =	vst v4;
	(pc) =	sbr.rel @p0 .LBB2_1-.Ltmp4, $4  }
0x4b0: {  	[hbm4b:s6+s2] =	stream.linear.scatter [tilespmem:s17], [sflag:$0x3], $0x200, $0x38;
	[tilespmem:$0x6400] =	vst v63  }
0x4b1: {  	_ =	swait.ge [sflag:s8], $0x200  }
0x4b2: {  	[sflag:s8] =	ssyncset.done $0x0  }
0x4b3: {  	[sflag:s8] =	ssyncadd.s32 $0xFFFFFE00  }
0x4b4: {  	_ =	sfence.sel $0x180000  }
0x4b5: {  	[bflag:$0x0] =	sbarrier.arrive $0xFFFF  }
0x4b6: {  	p0 =	sne.s32 s1, $0x0;
	_ =	strace $0x9000004A  }
0x4b7: {  	s0 =	sadd.s32 @!p0 $0x100000, s0;
	[bflag:$0x2] =	sbarrier.arrive $0xFFFF  }
0x4b8: {  	[sflag:s0] =	ssyncadd.tile.s32 @!p0 $0x1;
	_ =	shalt  }
.Lfunc_end2:
_tile_overlayer_lowered:
.L_overlay_start_2:
0x4b9: {  	(tag) =	ssettag $0x2  }
0x4ba: {  	s0 =	rddreg [dreg:$0x0];
	s2 =	stileid.u32  }
0x4bb: {  	s1 =	rddreg [dreg:$0x1];
	p0 =	sne.s32 s2, $0x0  }
0x4bc: {  	s3 =	rddreg [dreg:$0x2];
	[bflag:$0x3] =	sbarrier.arrive $0xFFFF;
	s2 =	simm.s32 @!p0 $0x1C03  }
0x4bd: {  	[timem:s3], [sflag:s2] =	dma.local @!p0 [hbm:s0], s1  }
0x4be: {  	s0 =	simm.s32 @!p0 $0x3  }
0x4bf: {  	_ =	swait.ge @!p0 [sflag:s0], s1  }
0x4c0: {  	s1 =	ssub.s32 @!p0 $0x0, s1;
	[sflag:s0] =	ssyncset.done @!p0 $0x0  }
0x4c1: {  	[sflag:s0] =	ssyncadd.s32 @!p0 s1  }
0x4c2: {  	[bflag:$0x3] =	sbarrier.arrive $0xFFFF  }
0x4c3: {  	_ =	shalt  }

</sc_bundles>
